<compile_context>
chip_gen: v7x
topology: tpu7x:2x2x1
jax: 0.10.2.dev20260603
libtpu: 0.0.44.dev20260713+nightly
codegen_flags: <defaults>
</compile_context>

<pallas_src>
import functools

import jax
import jax.numpy as jnp
from jax import lax
from jax.experimental import pallas as pl
from jax.experimental.pallas import tpu as pltpu, tpu_sc as plsc

N = 10000
E = 320000
D = 128

NC = 2
NS = 16
NW = NC * NS
ROWS_PER_TILE = 640
N_PAD = NS * ROWS_PER_TILE
CHUNK = 80
CHUNKS = 125
E_TILE = CHUNKS * CHUNK
_SHIFT = 14
_MASK = (1 << _SHIFT) - 1

_f32 = jnp.float32
_i32 = jnp.int32


def _mesh():
    return plsc.VectorSubcoreMesh(core_axis_name="c", subcore_axis_name="s",
                                  num_cores=NC, num_subcores=NS)


def _unpack_both(pk, j, sbuf, dbuf):
    for c in range(CHUNK // 16):
        sl = pl.ds(c * 16, 16)
        v = pk[j, sl]
        sbuf[0, sl] = v & _MASK
        dbuf[0, sl] = lax.shift_right_logical(v, _SHIFT)


def _mean_body(with_deg, p_hbm, pkI, agg_out, degp_out, pk_v, r0, r1, r2,
               s0, d0, s1, d1, s2, d2, ones_v, zd, acc_sp, deg_sp,
               g0, g1, g2, t0, t1, t2, dsem):
    rows = (r0, r1, r2)
    sv = (s0, s1, s2)
    dv = (d0, d1, d2)
    gsem = (g0, g1, g2)
    ssem = (t0, t1, t2)

    cid = lax.axis_index("c")
    sid = lax.axis_index("s")
    row0 = sid * ROWS_PER_TILE
    wid = sid * NC + cid

    zero16 = jnp.zeros((16,), _f32)

    def _zr(i, _):
        r0[i // (D // 16), pl.ds((i % (D // 16)) * 16, 16)] = zero16
        return 0
    lax.fori_loop(0, (CHUNK * D) // 16, _zr, 0)

    for k in range(ROWS_PER_TILE // CHUNK):
        pltpu.sync_copy(r0, acc_sp.at[pl.ds(row0 + k * CHUNK, CHUNK)])

    if with_deg:
        one16 = jnp.ones((16,), _f32)

        def _zo(i, _):
            zd[pl.ds(i * 16, 16)] = zero16
            ones_v[0, pl.ds(i * 16, 16)] = one16
            return 0
        lax.fori_loop(0, CHUNK // 16, _zo, 0)
        for k in range(ROWS_PER_TILE // CHUNK):
            pltpu.sync_copy(zd, deg_sp.at[pl.ds(row0 + k * CHUNK, CHUNK)])

    pltpu.sync_copy(pkI.at[wid], pk_v)
    for u in range(3):
        _unpack_both(pk_v, u, sv[u], dv[u])

    plsc.subcore_barrier()

    pltpu.async_copy(p_hbm.at[s0.at[0]], r0, g0)
    pltpu.async_copy(p_hbm.at[s1.at[0]], r1, g1)

    def _wrap(j):
        return jnp.where(j >= CHUNKS - 2, j - (CHUNKS - 2), j + 2)

    def _chunk_step(j, b, n):
        pltpu.make_async_copy(p_hbm.at[sv[b].at[0]], rows[b], gsem[b]).wait()
        pltpu.async_copy(rows[b], acc_sp.at[dv[b].at[0]], ssem[b], add=True)
        if with_deg:
            pltpu.async_copy(ones_v.at[0], deg_sp.at[dv[b].at[0]], dsem,
                             add=True)

        @pl.when(j > 0)
        def _():
            pltpu.make_async_copy(
                rows[n], acc_sp.at[dv[n].at[0]], ssem[n]).wait()
            if with_deg:
                pltpu.make_async_copy(
                    ones_v.at[0], deg_sp.at[dv[n].at[0]], dsem).wait()
        _unpack_both(pk_v, _wrap(j), sv[n], dv[n])
        pltpu.async_copy(p_hbm.at[sv[n].at[0]], rows[n], gsem[n])

    def _step(g, _):
        for u in range(3):
            _chunk_step(3 * g + u, u, (u + 2) % 3)
        return 0
    lax.fori_loop(0, CHUNKS // 3, _step, 0)
    for j in range(3 * (CHUNKS // 3), CHUNKS):
        _chunk_step(jnp.int32(j), j % 3, (j + 2) % 3)

    lastb = (CHUNKS - 1) % 3
    pltpu.make_async_copy(rows[lastb], acc_sp.at[dv[lastb].at[0]],
                          ssem[lastb]).wait()
    if with_deg:
        pltpu.make_async_copy(ones_v.at[0], deg_sp.at[dv[lastb].at[0]],
                              dsem).wait()
    taila = CHUNKS % 3
    tailb = (CHUNKS + 1) % 3
    pltpu.make_async_copy(p_hbm.at[sv[taila].at[0]], rows[taila],
                          gsem[taila]).wait()
    pltpu.make_async_copy(p_hbm.at[sv[tailb].at[0]], rows[tailb],
                          gsem[tailb]).wait()

    plsc.subcore_barrier()

    pltpu.sync_copy(acc_sp.at[pl.ds(row0, ROWS_PER_TILE)],
                    agg_out.at[cid, pl.ds(row0, ROWS_PER_TILE)])
    if with_deg:
        pltpu.sync_copy(deg_sp.at[pl.ds(row0, ROWS_PER_TILE)],
                        degp_out.at[cid, pl.ds(row0, ROWS_PER_TILE)])


@functools.lru_cache(maxsize=None)
def _make_mean(with_deg):
    out_type = [jax.ShapeDtypeStruct((NC, N_PAD, D), _f32)]
    if with_deg:
        out_type.append(jax.ShapeDtypeStruct((NC, N_PAD), _f32))

    if with_deg:
        def body(p_hbm, pkI, agg_out, degp_out, *s):
            _mean_body(True, p_hbm, pkI, agg_out, degp_out, *s)
    else:
        def body(p_hbm, pkI, agg_out, *s):
            _mean_body(False, p_hbm, pkI, agg_out, None, *s)

    return pl.kernel(
        body,
        out_type=out_type,
        mesh=_mesh(),
        compiler_params=pltpu.CompilerParams(use_tc_tiling_on_sc=False),
        scratch_types=[
            pltpu.VMEM((CHUNKS, CHUNK), _i32),
            pltpu.VMEM((CHUNK, D), _f32),
            pltpu.VMEM((CHUNK, D), _f32),
            pltpu.VMEM((CHUNK, D), _f32),
            pltpu.VMEM((1, CHUNK), _i32),
            pltpu.VMEM((1, CHUNK), _i32),
            pltpu.VMEM((1, CHUNK), _i32),
            pltpu.VMEM((1, CHUNK), _i32),
            pltpu.VMEM((1, CHUNK), _i32),
            pltpu.VMEM((1, CHUNK), _i32),
            pltpu.VMEM((1, CHUNK), _f32),
            pltpu.VMEM((CHUNK,), _f32),
            pltpu.VMEM_SHARED((N_PAD, D), _f32),
            pltpu.VMEM_SHARED((N_PAD,), _f32),
            pltpu.SemaphoreType.DMA,
            pltpu.SemaphoreType.DMA,
            pltpu.SemaphoreType.DMA,
            pltpu.SemaphoreType.DMA,
            pltpu.SemaphoreType.DMA,
            pltpu.SemaphoreType.DMA,
            pltpu.SemaphoreType.DMA,
        ],
    )


_BLK = 1000
_GRID = N // _BLK


_ER = E // D


def _mma_body(x_ref, wnt_ref, ei_ref, p_ref, pk_ref):
    p_ref[...] = jnp.dot(x_ref[...], wnt_ref[...], preferred_element_type=_f32)

    @pl.when(pl.program_id(0) == 0)
    def _():
        pk_ref[...] = ei_ref[0] | (ei_ref[1] << _SHIFT)


_mma = pl.pallas_call(
    _mma_body,
    grid=(_GRID,),
    in_specs=[
        pl.BlockSpec((_BLK, D), lambda i: (i, 0)),
        pl.BlockSpec((D, D), lambda i: (0, 0)),
        pl.BlockSpec((2, E), lambda i: (0, 0)),
    ],
    out_specs=[pl.BlockSpec((_BLK, D), lambda i: (i, 0)),
               pl.BlockSpec((E,), lambda i: (0,))],
    out_shape=[jax.ShapeDtypeStruct((N, D), _f32),
               jax.ShapeDtypeStruct((E,), _i32)],
)


_bf16 = jnp.bfloat16


def _mmb_body(x_ref, wst_ref, b_ref, s_ref):
    s_ref[...] = (jnp.dot(x_ref[...], wst_ref[...],
                          preferred_element_type=_f32)
                  + b_ref[...]).astype(_bf16)


@functools.lru_cache(maxsize=None)
def _make_mmb(in_dtype):
    return pl.pallas_call(
        _mmb_body,
        grid=(_GRID,),
        in_specs=[
            pl.BlockSpec((_BLK, D), lambda i: (i, 0)),
            pl.BlockSpec((D, D), lambda i: (0, 0)),
            pl.BlockSpec((1, D), lambda i: (0, 0)),
        ],
        out_specs=pl.BlockSpec((_BLK, D), lambda i: (i, 0)),
        out_shape=jax.ShapeDtypeStruct((N, D), _bf16),
    )


def _inv_deg(da_ref, db_ref):
    return 1.0 / jnp.maximum(da_ref[0].astype(_f32) + db_ref[0].astype(_f32),
                             1.0)


def _midp_body(s1_ref, ma_ref, mb_ref, da_ref, db_ref, wnt_ref,
               h_ref, p_ref):
    h = (s1_ref[...].astype(_f32)
         + (ma_ref[0] + mb_ref[0]) * _inv_deg(da_ref, db_ref))
    h = jnp.maximum(h, 0.0)
    h_ref[...] = h.astype(_bf16)
    p_ref[...] = jnp.dot(h, wnt_ref[...], preferred_element_type=_f32)


_midp = pl.pallas_call(
    _midp_body,
    grid=(_GRID,),
    in_specs=[
        pl.BlockSpec((_BLK, D), lambda i: (i, 0)),
        pl.BlockSpec((1, _BLK, D), lambda i: (0, i, 0)),
        pl.BlockSpec((1, _BLK, D), lambda i: (1, i, 0)),
        pl.BlockSpec((1, _BLK, 1), lambda i: (0, i, 0)),
        pl.BlockSpec((1, _BLK, 1), lambda i: (1, i, 0)),
        pl.BlockSpec((D, D), lambda i: (0, 0)),
    ],
    out_specs=[pl.BlockSpec((_BLK, D), lambda i: (i, 0)),
               pl.BlockSpec((_BLK, D), lambda i: (i, 0))],
    out_shape=[jax.ShapeDtypeStruct((N, D), _bf16),
               jax.ShapeDtypeStruct((N, D), _f32)],
)


def _fin_body(s2_ref, ma_ref, mb_ref, da_ref, db_ref, o_ref):
    o_ref[...] = (s2_ref[...].astype(_f32)
                  + (ma_ref[0] + mb_ref[0]) * _inv_deg(da_ref, db_ref))


_fin = pl.pallas_call(
    _fin_body,
    grid=(_GRID,),
    in_specs=[
        pl.BlockSpec((_BLK, D), lambda i: (i, 0)),
        pl.BlockSpec((1, _BLK, D), lambda i: (0, i, 0)),
        pl.BlockSpec((1, _BLK, D), lambda i: (1, i, 0)),
        pl.BlockSpec((1, _BLK, 1), lambda i: (0, i, 0)),
        pl.BlockSpec((1, _BLK, 1), lambda i: (1, i, 0)),
    ],
    out_specs=pl.BlockSpec((_BLK, D), lambda i: (i, 0)),
    out_shape=jax.ShapeDtypeStruct((N, D), _f32),
)


def kernel(x, edge_index, W1_self, W1_neigh, b1, W2_self, W2_neigh, b2):
    ei = edge_index.astype(_i32)

    p1, pkc = _mma(x, W1_neigh.T, ei)
    pkI = pkc.reshape(NW, CHUNKS, CHUNK)
    agg1, degp = _make_mean(True)(p1, pkI)
    s1 = _make_mmb(_f32)(x, W1_self.T, b1.reshape(1, D))
    dg = degp.astype(_bf16).reshape(NC, N_PAD, 1)
    h1, p2 = _midp(s1, agg1, agg1, dg, dg, W2_neigh.T)
    (agg2,) = _make_mean(False)(p2, pkI)
    s2 = _make_mmb(_bf16)(h1, W2_self.T, b2.reshape(1, D))
    return _fin(s2, agg2, agg2, dg, dg)

# --- scband reference (transcript-rebuilt; emitter-appended) ---
"""Pipeline reference for scband-graph-sage-full-17016660426789 (READ-ONLY COPY).

The authoritative reference and input builder live on the scoring server;
editing this copy changes nothing except your own understanding.
"""

import jax, jax.numpy as jnp
import numpy as np

N_NODES = 10000
N_EDGES = 320000
D_IN = 128
D_HID = 128
D_OUT = 128


def setup_inputs(seed: int = 0) -> dict:
    key = jax.random.key(seed)
    k_x, k_e, k1, k2, k3, k4 = jax.random.split(key, 6)
    x = jax.random.normal(k_x, (N_NODES, D_IN), dtype=jnp.float32)
    edge_index = jax.random.randint(k_e, (2, N_EDGES), 0, N_NODES, dtype=jnp.int64)
    s1 = 1.0 / np.sqrt(D_IN)
    s2 = 1.0 / np.sqrt(D_HID)
    W1_self = jax.random.uniform(k1, (D_HID, D_IN), jnp.float32, -s1, s1)
    W1_neigh = jax.random.uniform(k2, (D_HID, D_IN), jnp.float32, -s1, s1)
    b1 = jnp.zeros((D_HID,), jnp.float32)
    W2_self = jax.random.uniform(k3, (D_OUT, D_HID), jnp.float32, -s2, s2)
    W2_neigh = jax.random.uniform(k4, (D_OUT, D_HID), jnp.float32, -s2, s2)
    b2 = jnp.zeros((D_OUT,), jnp.float32)
    return {"x": x, "edge_index": edge_index, "W1_self": W1_self, "W1_neigh": W1_neigh, "b1": b1, "W2_self": W2_self, "W2_neigh": W2_neigh, "b2": b2}


def _sage_conv(h, src, dst, W_self, W_neigh, b, apply_act):
    # DGL SAGEConv, aggregator='mean':
    #   h_neigh[i] = mean_{j in N_in(i)} h[j]   (0 for isolated nodes)
    #   out = fc_self(h) + fc_neigh(h_neigh) + bias
    n = h.shape[0]
    msg = jnp.take(h, src, axis=0)
    agg = jax.ops.segment_sum(msg, dst, num_segments=n)
    deg = jax.ops.segment_sum(jnp.ones((src.shape[0],), h.dtype), dst, num_segments=n)
    mean = agg / jnp.clip(deg, 1.0, None)[:, None]
    out = h @ W_self.T + mean @ W_neigh.T + b
    if apply_act:
        out = jax.nn.relu(out)
    return out


def reference(x, edge_index, W1_self, W1_neigh, b1, W2_self, W2_neigh, b2):
    src = edge_index[0]
    dst = edge_index[1]
    h = x  # dropout p=0.0 -> identity
    # layer 0: SAGEConv with internal relu activation
    h = _sage_conv(h, src, dst, W1_self, W1_neigh, b1, True)
    # forward loop applies F.relu again (idempotent) and dropout(0)
    h = jax.nn.relu(h)
    # final layer: no activation
    h = _sage_conv(h, src, dst, W2_self, W2_neigh, b2, False)
    return h

if __name__ == "__main__":
    import jax
    _d = setup_inputs()
    print(jax.jit(kernel)(*tuple(_d.values())))

</pallas_src>

<mosaic_0001>
#map = affine_map<(d0, d1) -> (0, 0)>
#map1 = affine_map<(d0, d1) -> (0, 0, 0)>
module attributes {stable_mosaic.version = 14 : i64} {
  func.func @body(%arg0: i32, %arg1: i32, %arg2: memref<10000x128xf32, #tpu.memory_space<hbm>>, %arg3: memref<32x125x80xi32, #tpu.memory_space<hbm>>, %arg4: memref<2x10240x128xf32, #tpu.memory_space<hbm>>, %arg5: memref<125x80xi32, #tpu.memory_space<vmem>>, %arg6: memref<80x128xf32, #tpu.memory_space<vmem>>, %arg7: memref<80x128xf32, #tpu.memory_space<vmem>>, %arg8: memref<80x128xf32, #tpu.memory_space<vmem>>, %arg9: memref<1x80xi32, #tpu.memory_space<vmem>>, %arg10: memref<1x80xi32, #tpu.memory_space<vmem>>, %arg11: memref<1x80xi32, #tpu.memory_space<vmem>>, %arg12: memref<1x80xi32, #tpu.memory_space<vmem>>, %arg13: memref<1x80xi32, #tpu.memory_space<vmem>>, %arg14: memref<1x80xi32, #tpu.memory_space<vmem>>, %arg15: memref<1x80xf32, #tpu.memory_space<vmem>>, %arg16: memref<80xf32, #tpu.memory_space<vmem>>, %arg17: memref<10240x128xf32, #tpu.memory_space<vmem_shared>>, %arg18: memref<10240xf32, #tpu.memory_space<vmem_shared>>, %arg19: memref<!tpu.dma_semaphore, #tpu.memory_space<semaphore_mem>>, %arg20: memref<!tpu.dma_semaphore, #tpu.memory_space<semaphore_mem>>, %arg21: memref<!tpu.dma_semaphore, #tpu.memory_space<semaphore_mem>>, %arg22: memref<!tpu.dma_semaphore, #tpu.memory_space<semaphore_mem>>, %arg23: memref<!tpu.dma_semaphore, #tpu.memory_space<semaphore_mem>>, %arg24: memref<!tpu.dma_semaphore, #tpu.memory_space<semaphore_mem>>, %arg25: memref<!tpu.dma_semaphore, #tpu.memory_space<semaphore_mem>>) attributes {dimension_semantics = [#tpu.dimension_semantics<core_parallel>, #tpu.dimension_semantics<subcore_parallel>], iteration_bounds = array<i64: 2, 16>, scalar_prefetch = 0 : i64, scratch_operands = 21 : i64, tpu.core_type = #tpu.core_type<sc_vector_subcore>, window_params = [{transform_indices = #map}, {transform_indices = #map1}, {transform_indices = #map1}]} {
    %mul3A = arith.constant 640 : i32
    %mul3A_0 = arith.muli %arg1, %mul3A : i32
    %mul3A_1 = arith.constant 2 : i32
    %mul3A_2 = arith.muli %arg1, %mul3A_1 : i32
    %add3A = arith.addi %mul3A_2, %arg0 : i32
    %broadcast_in_dim3A = arith.constant 0.000000e+00 : f32
    %broadcast_in_dim3A_3 = vector.broadcast %broadcast_in_dim3A : f32 to vector<16xf32>
    %scan3A = arith.constant 0 : i32
    %scan3A_4 = arith.constant 0 : i32
    %scan3A_5 = arith.constant 640 : i32
    %scan3A_6 = arith.addi %scan3A_4, %scan3A_5 : i32
    %scan3A_7 = arith.constant 1 : i32
    %scan3A_8 = scf.for %scan3A_696 = %scan3A_4 to %scan3A_6 step %scan3A_7 iter_args(%scan3A_697 = %scan3A) -> (i32)  : i32 {
      %jit3A = arith.constant 8 : i32
      %div3A = arith.divsi %scan3A_696, %jit3A : i32
      %sign3A = arith.constant 0 : i32
      %sign3A_698 = arith.cmpi sgt, %scan3A_696, %sign3A : i32
      %sign3A_699 = arith.extui %sign3A_698 : i1 to i32
      %sign3A_700 = arith.constant 0 : i32
      %sign3A_701 = arith.cmpi slt, %scan3A_696, %sign3A_700 : i32
      %sign3A_702 = arith.extui %sign3A_701 : i1 to i32
      %sign3A_703 = arith.subi %sign3A_699, %sign3A_702 : i32
      %sign3A_704 = arith.constant 0 : i32
      %sign3A_705 = arith.cmpi sgt, %jit3A, %sign3A_704 : i32
      %sign3A_706 = arith.extui %sign3A_705 : i1 to i32
      %sign3A_707 = arith.constant 0 : i32
      %sign3A_708 = arith.cmpi slt, %jit3A, %sign3A_707 : i32
      %sign3A_709 = arith.extui %sign3A_708 : i1 to i32
      %sign3A_710 = arith.subi %sign3A_706, %sign3A_709 : i32
      %ne3A = arith.cmpi ne, %sign3A_703, %sign3A_710 : i32
      %rem3A = arith.remsi %scan3A_696, %jit3A : i32
      %ne3A_711 = arith.constant 0 : i32
      %ne3A_712 = arith.cmpi ne, %rem3A, %ne3A_711 : i32
      %and3A_713 = arith.andi %ne3A, %ne3A_712 : i1
      %sub3A_714 = arith.constant 1 : i32
      %sub3A_715 = arith.subi %div3A, %sub3A_714 : i32
      %select_n3A_716 = arith.select %and3A_713, %sub3A_715, %div3A : i32
      %jit3A_717 = arith.constant 8 : i32
      %eq3A = arith.constant 0 : i32
      %eq3A_718 = arith.cmpi eq, %jit3A_717, %eq3A : i32
      %jit3A_719 = arith.constant 1 : i32
      %select_n3A_720 = arith.select %eq3A_718, %jit3A_719, %jit3A_717 : i32
      %rem3A_721 = arith.remsi %scan3A_696, %select_n3A_720 : i32
      %ne3A_722 = arith.constant 0 : i32
      %ne3A_723 = arith.cmpi ne, %rem3A_721, %ne3A_722 : i32
      %lt3A = arith.constant 0 : i32
      %lt3A_724 = arith.cmpi slt, %rem3A_721, %lt3A : i32
      %lt3A_725 = arith.constant 0 : i32
      %lt3A_726 = arith.cmpi slt, %select_n3A_720, %lt3A_725 : i32
      %ne3A_727 = arith.xori %lt3A_724, %lt3A_726 : i1
      %and3A_728 = arith.andi %ne3A_727, %ne3A_723 : i1
      %add3A_729 = arith.addi %rem3A_721, %select_n3A_720 : i32
      %select_n3A_730 = arith.select %and3A_728, %add3A_729, %rem3A_721 : i32
      %mul3A_731 = arith.constant 16 : i32
      %mul3A_732 = arith.muli %select_n3A_730, %mul3A_731 : i32
      %swap3A_733 = arith.index_cast %select_n3A_716 : i32 to index
      %swap3A_734 = arith.index_cast %mul3A_732 : i32 to index
      %swap3A_735 = tpu.vector_load %arg6[%swap3A_733, %swap3A_734] {strides = array<i32>} : memref<80x128xf32, #tpu.memory_space<vmem>>, vector<1x16xf32>,
      %swap3A_736 = vector.shape_cast %swap3A_735 : vector<1x16xf32> to vector<16xf32>
      %swap3A_737 = vector.shape_cast %broadcast_in_dim3A_3 : vector<16xf32> to vector<1x16xf32>
      tpu.vector_store %arg6[%swap3A_733, %swap3A_734], %swap3A_737 {strides = array<i32>} : memref<80x128xf32, #tpu.memory_space<vmem>>, vector<1x16xf32>,
      %scan3A_738 = arith.constant 0 : i32
      scf.yield %scan3A_738 : i32
    }
    %scan3A_9 = arith.constant 640 : i32
    %add3A_10 = arith.constant 0 : i32
    %add3A_11 = arith.addi %mul3A_0, %add3A_10 : i32
    "tpu.region"() ({
      %run_scoped3A = tpu.sem_alloc : memref<!tpu.dma_semaphore, #tpu.memory_space<semaphore_mem>>
      %dma_start3A_696 = arith.constant 0 : i32
      %dma_start3A_697 = tpu.memref_slice %arg17[%add3A_11, %dma_start3A_696] : memref<10240x128xf32, #tpu.memory_space<vmem_shared>> -> memref<80x128xf32, #tpu.memory_space<vmem_shared>>
      %dma_start3A_698 = arith.constant 0 : i32
      %dma_start3A_699 = tpu.memref_slice %arg17[%add3A_11, %dma_start3A_698] : memref<10240x128xf32, #tpu.memory_space<vmem_shared>> -> memref<80x128xf32, #tpu.memory_space<vmem_shared>>
      tpu.enqueue_dma source(%arg6 : memref<80x128xf32, #tpu.memory_space<vmem>>) target(%dma_start3A_699 : memref<80x128xf32, #tpu.memory_space<vmem_shared>>) target_semaphore(%run_scoped3A : memref<!tpu.dma_semaphore, #tpu.memory_space<semaphore_mem>>)
      %dma_wait3A_700 = arith.constant 0 : i32
      %dma_wait3A_701 = tpu.memref_slice %arg17[%add3A_11, %dma_wait3A_700] : memref<10240x128xf32, #tpu.memory_space<vmem_shared>> -> memref<80x128xf32, #tpu.memory_space<vmem_shared>>
      %dma_wait3A_702 = arith.constant 0 : i32
      %dma_wait3A_703 = tpu.memref_slice %arg17[%add3A_11, %dma_wait3A_702] : memref<10240x128xf32, #tpu.memory_space<vmem_shared>> -> memref<80x128xf32, #tpu.memory_space<vmem_shared>>
      tpu.wait_dma2 semaphore(%run_scoped3A : memref<!tpu.dma_semaphore, #tpu.memory_space<semaphore_mem>>) src(%arg6 : memref<80x128xf32, #tpu.memory_space<vmem>>) dst(%dma_wait3A_703 : memref<80x128xf32, #tpu.memory_space<vmem_shared>>)
      tpu.yield
    }) : () -> ()
    %add3A_12 = arith.constant 80 : i32
    %add3A_13 = arith.addi %mul3A_0, %add3A_12 : i32
    "tpu.region"() ({
      %run_scoped3A = tpu.sem_alloc : memref<!tpu.dma_semaphore, #tpu.memory_space<semaphore_mem>>
      %dma_start3A_696 = arith.constant 0 : i32
      %dma_start3A_697 = tpu.memref_slice %arg17[%add3A_13, %dma_start3A_696] : memref<10240x128xf32, #tpu.memory_space<vmem_shared>> -> memref<80x128xf32, #tpu.memory_space<vmem_shared>>
      %dma_start3A_698 = arith.constant 0 : i32
      %dma_start3A_699 = tpu.memref_slice %arg17[%add3A_13, %dma_start3A_698] : memref<10240x128xf32, #tpu.memory_space<vmem_shared>> -> memref<80x128xf32, #tpu.memory_space<vmem_shared>>
      tpu.enqueue_dma source(%arg6 : memref<80x128xf32, #tpu.memory_space<vmem>>) target(%dma_start3A_699 : memref<80x128xf32, #tpu.memory_space<vmem_shared>>) target_semaphore(%run_scoped3A : memref<!tpu.dma_semaphore, #tpu.memory_space<semaphore_mem>>)
      %dma_wait3A_700 = arith.constant 0 : i32
      %dma_wait3A_701 = tpu.memref_slice %arg17[%add3A_13, %dma_wait3A_700] : memref<10240x128xf32, #tpu.memory_space<vmem_shared>> -> memref<80x128xf32, #tpu.memory_space<vmem_shared>>
      %dma_wait3A_702 = arith.constant 0 : i32
      %dma_wait3A_703 = tpu.memref_slice %arg17[%add3A_13, %dma_wait3A_702] : memref<10240x128xf32, #tpu.memory_space<vmem_shared>> -> memref<80x128xf32, #tpu.memory_space<vmem_shared>>
      tpu.wait_dma2 semaphore(%run_scoped3A : memref<!tpu.dma_semaphore, #tpu.memory_space<semaphore_mem>>) src(%arg6 : memref<80x128xf32, #tpu.memory_space<vmem>>) dst(%dma_wait3A_703 : memref<80x128xf32, #tpu.memory_space<vmem_shared>>)
      tpu.yield
    }) : () -> ()
    %add3A_14 = arith.constant 160 : i32
    %add3A_15 = arith.addi %mul3A_0, %add3A_14 : i32
    "tpu.region"() ({
      %run_scoped3A = tpu.sem_alloc : memref<!tpu.dma_semaphore, #tpu.memory_space<semaphore_mem>>
      %dma_start3A_696 = arith.constant 0 : i32
      %dma_start3A_697 = tpu.memref_slice %arg17[%add3A_15, %dma_start3A_696] : memref<10240x128xf32, #tpu.memory_space<vmem_shared>> -> memref<80x128xf32, #tpu.memory_space<vmem_shared>>
      %dma_start3A_698 = arith.constant 0 : i32
      %dma_start3A_699 = tpu.memref_slice %arg17[%add3A_15, %dma_start3A_698] : memref<10240x128xf32, #tpu.memory_space<vmem_shared>> -> memref<80x128xf32, #tpu.memory_space<vmem_shared>>
      tpu.enqueue_dma source(%arg6 : memref<80x128xf32, #tpu.memory_space<vmem>>) target(%dma_start3A_699 : memref<80x128xf32, #tpu.memory_space<vmem_shared>>) target_semaphore(%run_scoped3A : memref<!tpu.dma_semaphore, #tpu.memory_space<semaphore_mem>>)
      %dma_wait3A_700 = arith.constant 0 : i32
      %dma_wait3A_701 = tpu.memref_slice %arg17[%add3A_15, %dma_wait3A_700] : memref<10240x128xf32, #tpu.memory_space<vmem_shared>> -> memref<80x128xf32, #tpu.memory_space<vmem_shared>>
      %dma_wait3A_702 = arith.constant 0 : i32
      %dma_wait3A_703 = tpu.memref_slice %arg17[%add3A_15, %dma_wait3A_702] : memref<10240x128xf32, #tpu.memory_space<vmem_shared>> -> memref<80x128xf32, #tpu.memory_space<vmem_shared>>
      tpu.wait_dma2 semaphore(%run_scoped3A : memref<!tpu.dma_semaphore, #tpu.memory_space<semaphore_mem>>) src(%arg6 : memref<80x128xf32, #tpu.memory_space<vmem>>) dst(%dma_wait3A_703 : memref<80x128xf32, #tpu.memory_space<vmem_shared>>)
      tpu.yield
    }) : () -> ()
    %add3A_16 = arith.constant 240 : i32
    %add3A_17 = arith.addi %mul3A_0, %add3A_16 : i32
    "tpu.region"() ({
      %run_scoped3A = tpu.sem_alloc : memref<!tpu.dma_semaphore, #tpu.memory_space<semaphore_mem>>
      %dma_start3A_696 = arith.constant 0 : i32
      %dma_start3A_697 = tpu.memref_slice %arg17[%add3A_17, %dma_start3A_696] : memref<10240x128xf32, #tpu.memory_space<vmem_shared>> -> memref<80x128xf32, #tpu.memory_space<vmem_shared>>
      %dma_start3A_698 = arith.constant 0 : i32
      %dma_start3A_699 = tpu.memref_slice %arg17[%add3A_17, %dma_start3A_698] : memref<10240x128xf32, #tpu.memory_space<vmem_shared>> -> memref<80x128xf32, #tpu.memory_space<vmem_shared>>
      tpu.enqueue_dma source(%arg6 : memref<80x128xf32, #tpu.memory_space<vmem>>) target(%dma_start3A_699 : memref<80x128xf32, #tpu.memory_space<vmem_shared>>) target_semaphore(%run_scoped3A : memref<!tpu.dma_semaphore, #tpu.memory_space<semaphore_mem>>)
      %dma_wait3A_700 = arith.constant 0 : i32
      %dma_wait3A_701 = tpu.memref_slice %arg17[%add3A_17, %dma_wait3A_700] : memref<10240x128xf32, #tpu.memory_space<vmem_shared>> -> memref<80x128xf32, #tpu.memory_space<vmem_shared>>
      %dma_wait3A_702 = arith.constant 0 : i32
      %dma_wait3A_703 = tpu.memref_slice %arg17[%add3A_17, %dma_wait3A_702] : memref<10240x128xf32, #tpu.memory_space<vmem_shared>> -> memref<80x128xf32, #tpu.memory_space<vmem_shared>>
      tpu.wait_dma2 semaphore(%run_scoped3A : memref<!tpu.dma_semaphore, #tpu.memory_space<semaphore_mem>>) src(%arg6 : memref<80x128xf32, #tpu.memory_space<vmem>>) dst(%dma_wait3A_703 : memref<80x128xf32, #tpu.memory_space<vmem_shared>>)
      tpu.yield
    }) : () -> ()
    %add3A_18 = arith.constant 320 : i32
    %add3A_19 = arith.addi %mul3A_0, %add3A_18 : i32
    "tpu.region"() ({
      %run_scoped3A = tpu.sem_alloc : memref<!tpu.dma_semaphore, #tpu.memory_space<semaphore_mem>>
      %dma_start3A_696 = arith.constant 0 : i32
      %dma_start3A_697 = tpu.memref_slice %arg17[%add3A_19, %dma_start3A_696] : memref<10240x128xf32, #tpu.memory_space<vmem_shared>> -> memref<80x128xf32, #tpu.memory_space<vmem_shared>>
      %dma_start3A_698 = arith.constant 0 : i32
      %dma_start3A_699 = tpu.memref_slice %arg17[%add3A_19, %dma_start3A_698] : memref<10240x128xf32, #tpu.memory_space<vmem_shared>> -> memref<80x128xf32, #tpu.memory_space<vmem_shared>>
      tpu.enqueue_dma source(%arg6 : memref<80x128xf32, #tpu.memory_space<vmem>>) target(%dma_start3A_699 : memref<80x128xf32, #tpu.memory_space<vmem_shared>>) target_semaphore(%run_scoped3A : memref<!tpu.dma_semaphore, #tpu.memory_space<semaphore_mem>>)
      %dma_wait3A_700 = arith.constant 0 : i32
      %dma_wait3A_701 = tpu.memref_slice %arg17[%add3A_19, %dma_wait3A_700] : memref<10240x128xf32, #tpu.memory_space<vmem_shared>> -> memref<80x128xf32, #tpu.memory_space<vmem_shared>>
      %dma_wait3A_702 = arith.constant 0 : i32
      %dma_wait3A_703 = tpu.memref_slice %arg17[%add3A_19, %dma_wait3A_702] : memref<10240x128xf32, #tpu.memory_space<vmem_shared>> -> memref<80x128xf32, #tpu.memory_space<vmem_shared>>
      tpu.wait_dma2 semaphore(%run_scoped3A : memref<!tpu.dma_semaphore, #tpu.memory_space<semaphore_mem>>) src(%arg6 : memref<80x128xf32, #tpu.memory_space<vmem>>) dst(%dma_wait3A_703 : memref<80x128xf32, #tpu.memory_space<vmem_shared>>)
      tpu.yield
    }) : () -> ()
    %add3A_20 = arith.constant 400 : i32
    %add3A_21 = arith.addi %mul3A_0, %add3A_20 : i32
    "tpu.region"() ({
      %run_scoped3A = tpu.sem_alloc : memref<!tpu.dma_semaphore, #tpu.memory_space<semaphore_mem>>
      %dma_start3A_696 = arith.constant 0 : i32
      %dma_start3A_697 = tpu.memref_slice %arg17[%add3A_21, %dma_start3A_696] : memref<10240x128xf32, #tpu.memory_space<vmem_shared>> -> memref<80x128xf32, #tpu.memory_space<vmem_shared>>
      %dma_start3A_698 = arith.constant 0 : i32
      %dma_start3A_699 = tpu.memref_slice %arg17[%add3A_21, %dma_start3A_698] : memref<10240x128xf32, #tpu.memory_space<vmem_shared>> -> memref<80x128xf32, #tpu.memory_space<vmem_shared>>
      tpu.enqueue_dma source(%arg6 : memref<80x128xf32, #tpu.memory_space<vmem>>) target(%dma_start3A_699 : memref<80x128xf32, #tpu.memory_space<vmem_shared>>) target_semaphore(%run_scoped3A : memref<!tpu.dma_semaphore, #tpu.memory_space<semaphore_mem>>)
      %dma_wait3A_700 = arith.constant 0 : i32
      %dma_wait3A_701 = tpu.memref_slice %arg17[%add3A_21, %dma_wait3A_700] : memref<10240x128xf32, #tpu.memory_space<vmem_shared>> -> memref<80x128xf32, #tpu.memory_space<vmem_shared>>
      %dma_wait3A_702 = arith.constant 0 : i32
      %dma_wait3A_703 = tpu.memref_slice %arg17[%add3A_21, %dma_wait3A_702] : memref<10240x128xf32, #tpu.memory_space<vmem_shared>> -> memref<80x128xf32, #tpu.memory_space<vmem_shared>>
      tpu.wait_dma2 semaphore(%run_scoped3A : memref<!tpu.dma_semaphore, #tpu.memory_space<semaphore_mem>>) src(%arg6 : memref<80x128xf32, #tpu.memory_space<vmem>>) dst(%dma_wait3A_703 : memref<80x128xf32, #tpu.memory_space<vmem_shared>>)
      tpu.yield
    }) : () -> ()
    %add3A_22 = arith.constant 480 : i32
    %add3A_23 = arith.addi %mul3A_0, %add3A_22 : i32
    "tpu.region"() ({
      %run_scoped3A = tpu.sem_alloc : memref<!tpu.dma_semaphore, #tpu.memory_space<semaphore_mem>>
      %dma_start3A_696 = arith.constant 0 : i32
      %dma_start3A_697 = tpu.memref_slice %arg17[%add3A_23, %dma_start3A_696] : memref<10240x128xf32, #tpu.memory_space<vmem_shared>> -> memref<80x128xf32, #tpu.memory_space<vmem_shared>>
      %dma_start3A_698 = arith.constant 0 : i32
      %dma_start3A_699 = tpu.memref_slice %arg17[%add3A_23, %dma_start3A_698] : memref<10240x128xf32, #tpu.memory_space<vmem_shared>> -> memref<80x128xf32, #tpu.memory_space<vmem_shared>>
      tpu.enqueue_dma source(%arg6 : memref<80x128xf32, #tpu.memory_space<vmem>>) target(%dma_start3A_699 : memref<80x128xf32, #tpu.memory_space<vmem_shared>>) target_semaphore(%run_scoped3A : memref<!tpu.dma_semaphore, #tpu.memory_space<semaphore_mem>>)
      %dma_wait3A_700 = arith.constant 0 : i32
      %dma_wait3A_701 = tpu.memref_slice %arg17[%add3A_23, %dma_wait3A_700] : memref<10240x128xf32, #tpu.memory_space<vmem_shared>> -> memref<80x128xf32, #tpu.memory_space<vmem_shared>>
      %dma_wait3A_702 = arith.constant 0 : i32
      %dma_wait3A_703 = tpu.memref_slice %arg17[%add3A_23, %dma_wait3A_702] : memref<10240x128xf32, #tpu.memory_space<vmem_shared>> -> memref<80x128xf32, #tpu.memory_space<vmem_shared>>
      tpu.wait_dma2 semaphore(%run_scoped3A : memref<!tpu.dma_semaphore, #tpu.memory_space<semaphore_mem>>) src(%arg6 : memref<80x128xf32, #tpu.memory_space<vmem>>) dst(%dma_wait3A_703 : memref<80x128xf32, #tpu.memory_space<vmem_shared>>)
      tpu.yield
    }) : () -> ()
    %add3A_24 = arith.constant 560 : i32
    %add3A_25 = arith.addi %mul3A_0, %add3A_24 : i32
    "tpu.region"() ({
      %run_scoped3A = tpu.sem_alloc : memref<!tpu.dma_semaphore, #tpu.memory_space<semaphore_mem>>
      %dma_start3A_696 = arith.constant 0 : i32
      %dma_start3A_697 = tpu.memref_slice %arg17[%add3A_25, %dma_start3A_696] : memref<10240x128xf32, #tpu.memory_space<vmem_shared>> -> memref<80x128xf32, #tpu.memory_space<vmem_shared>>
      %dma_start3A_698 = arith.constant 0 : i32
      %dma_start3A_699 = tpu.memref_slice %arg17[%add3A_25, %dma_start3A_698] : memref<10240x128xf32, #tpu.memory_space<vmem_shared>> -> memref<80x128xf32, #tpu.memory_space<vmem_shared>>
      tpu.enqueue_dma source(%arg6 : memref<80x128xf32, #tpu.memory_space<vmem>>) target(%dma_start3A_699 : memref<80x128xf32, #tpu.memory_space<vmem_shared>>) target_semaphore(%run_scoped3A : memref<!tpu.dma_semaphore, #tpu.memory_space<semaphore_mem>>)
      %dma_wait3A_700 = arith.constant 0 : i32
      %dma_wait3A_701 = tpu.memref_slice %arg17[%add3A_25, %dma_wait3A_700] : memref<10240x128xf32, #tpu.memory_space<vmem_shared>> -> memref<80x128xf32, #tpu.memory_space<vmem_shared>>
      %dma_wait3A_702 = arith.constant 0 : i32
      %dma_wait3A_703 = tpu.memref_slice %arg17[%add3A_25, %dma_wait3A_702] : memref<10240x128xf32, #tpu.memory_space<vmem_shared>> -> memref<80x128xf32, #tpu.memory_space<vmem_shared>>
      tpu.wait_dma2 semaphore(%run_scoped3A : memref<!tpu.dma_semaphore, #tpu.memory_space<semaphore_mem>>) src(%arg6 : memref<80x128xf32, #tpu.memory_space<vmem>>) dst(%dma_wait3A_703 : memref<80x128xf32, #tpu.memory_space<vmem_shared>>)
      tpu.yield
    }) : () -> ()
    "tpu.region"() ({
      %run_scoped3A = tpu.sem_alloc : memref<!tpu.dma_semaphore, #tpu.memory_space<semaphore_mem>>
      %dma_start3A_696 = arith.constant 0 : i32
      %dma_start3A_697 = arith.constant 0 : i32
      %dma_start3A_698 = tpu.memref_slice %arg3[%add3A, %dma_start3A_696, %dma_start3A_697] : memref<32x125x80xi32, #tpu.memory_space<hbm>> -> memref<1x125x80xi32, #tpu.memory_space<hbm>>
      %dma_start3A_699 = tpu.memref_squeeze %dma_start3A_698 : memref<1x125x80xi32, #tpu.memory_space<hbm>> -> memref<125x80xi32, #tpu.memory_space<hbm>>
      %dma_start3A_700 = arith.constant 0 : i32
      %dma_start3A_701 = arith.constant 0 : i32
      %dma_start3A_702 = tpu.memref_slice %arg3[%add3A, %dma_start3A_700, %dma_start3A_701] : memref<32x125x80xi32, #tpu.memory_space<hbm>> -> memref<1x125x80xi32, #tpu.memory_space<hbm>>
      %dma_start3A_703 = tpu.memref_squeeze %dma_start3A_702 : memref<1x125x80xi32, #tpu.memory_space<hbm>> -> memref<125x80xi32, #tpu.memory_space<hbm>>
      tpu.enqueue_dma source(%dma_start3A_703 : memref<125x80xi32, #tpu.memory_space<hbm>>) target(%arg5 : memref<125x80xi32, #tpu.memory_space<vmem>>) target_semaphore(%run_scoped3A : memref<!tpu.dma_semaphore, #tpu.memory_space<semaphore_mem>>)
      %dma_wait3A_704 = arith.constant 0 : i32
      %dma_wait3A_705 = arith.constant 0 : i32
      %dma_wait3A_706 = tpu.memref_slice %arg3[%add3A, %dma_wait3A_704, %dma_wait3A_705] : memref<32x125x80xi32, #tpu.memory_space<hbm>> -> memref<1x125x80xi32, #tpu.memory_space<hbm>>
      %dma_wait3A_707 = tpu.memref_squeeze %dma_wait3A_706 : memref<1x125x80xi32, #tpu.memory_space<hbm>> -> memref<125x80xi32, #tpu.memory_space<hbm>>
      %dma_wait3A_708 = arith.constant 0 : i32
      %dma_wait3A_709 = arith.constant 0 : i32
      %dma_wait3A_710 = tpu.memref_slice %arg3[%add3A, %dma_wait3A_708, %dma_wait3A_709] : memref<32x125x80xi32, #tpu.memory_space<hbm>> -> memref<1x125x80xi32, #tpu.memory_space<hbm>>
      %dma_wait3A_711 = tpu.memref_squeeze %dma_wait3A_710 : memref<1x125x80xi32, #tpu.memory_space<hbm>> -> memref<125x80xi32, #tpu.memory_space<hbm>>
      tpu.wait_dma2 semaphore(%run_scoped3A : memref<!tpu.dma_semaphore, #tpu.memory_space<semaphore_mem>>) src(%dma_wait3A_711 : memref<125x80xi32, #tpu.memory_space<hbm>>) dst(%arg5 : memref<125x80xi32, #tpu.memory_space<vmem>>)
      tpu.yield
    }) : () -> ()
    %get3A = arith.constant 0 : i32
    %get3A_26 = arith.index_cast %get3A : i32 to index
    %get3A_27 = arith.constant 0 : index
    %get3A_28 = tpu.vector_load %arg5[%get3A_26, %get3A_27] {strides = array<i32>} : memref<125x80xi32, #tpu.memory_space<vmem>>, vector<1x16xi32>,
    %get3A_29 = vector.shape_cast %get3A_28 : vector<1x16xi32> to vector<16xi32>
    %and3A = arith.constant 16383 : i32
    %and3A_30 = vector.broadcast %and3A : i32 to vector<16xi32>
    %and3A_31 = arith.andi %get3A_29, %and3A_30 : vector<16xi32>
    %swap3A = arith.constant 0 : i32
    %swap3A_32 = arith.index_cast %swap3A : i32 to index
    %swap3A_33 = arith.constant 0 : index
    %swap3A_34 = tpu.vector_load %arg9[%swap3A_32, %swap3A_33] {strides = array<i32>} : memref<1x80xi32, #tpu.memory_space<vmem>>, vector<1x16xi32>,
    %swap3A_35 = vector.shape_cast %swap3A_34 : vector<1x16xi32> to vector<16xi32>
    %swap3A_36 = vector.shape_cast %and3A_31 : vector<16xi32> to vector<1x16xi32>
    tpu.vector_store %arg9[%swap3A_32, %swap3A_33], %swap3A_36 {strides = array<i32>} : memref<1x80xi32, #tpu.memory_space<vmem>>, vector<1x16xi32>,
    %shift_right_logical3A = arith.constant 14 : i32
    %shift_right_logical3A_37 = vector.broadcast %shift_right_logical3A : i32 to vector<16xi32>
    %shift_right_logical3A_38 = arith.shrui %get3A_29, %shift_right_logical3A_37 : vector<16xi32>
    %swap3A_39 = arith.constant 0 : i32
    %swap3A_40 = arith.index_cast %swap3A_39 : i32 to index
    %swap3A_41 = arith.constant 0 : index
    %swap3A_42 = tpu.vector_load %arg10[%swap3A_40, %swap3A_41] {strides = array<i32>} : memref<1x80xi32, #tpu.memory_space<vmem>>, vector<1x16xi32>,
    %swap3A_43 = vector.shape_cast %swap3A_42 : vector<1x16xi32> to vector<16xi32>
    %swap3A_44 = vector.shape_cast %shift_right_logical3A_38 : vector<16xi32> to vector<1x16xi32>
    tpu.vector_store %arg10[%swap3A_40, %swap3A_41], %swap3A_44 {strides = array<i32>} : memref<1x80xi32, #tpu.memory_space<vmem>>, vector<1x16xi32>,
    %get3A_45 = arith.constant 0 : i32
    %get3A_46 = arith.index_cast %get3A_45 : i32 to index
    %get3A_47 = arith.constant 16 : index
    %get3A_48 = tpu.vector_load %arg5[%get3A_46, %get3A_47] {strides = array<i32>} : memref<125x80xi32, #tpu.memory_space<vmem>>, vector<1x16xi32>,
    %get3A_49 = vector.shape_cast %get3A_48 : vector<1x16xi32> to vector<16xi32>
    %and3A_50 = arith.constant 16383 : i32
    %and3A_51 = vector.broadcast %and3A_50 : i32 to vector<16xi32>
    %and3A_52 = arith.andi %get3A_49, %and3A_51 : vector<16xi32>
    %swap3A_53 = arith.constant 0 : i32
    %swap3A_54 = arith.index_cast %swap3A_53 : i32 to index
    %swap3A_55 = arith.constant 16 : index
    %swap3A_56 = tpu.vector_load %arg9[%swap3A_54, %swap3A_55] {strides = array<i32>} : memref<1x80xi32, #tpu.memory_space<vmem>>, vector<1x16xi32>,
    %swap3A_57 = vector.shape_cast %swap3A_56 : vector<1x16xi32> to vector<16xi32>
    %swap3A_58 = vector.shape_cast %and3A_52 : vector<16xi32> to vector<1x16xi32>
    tpu.vector_store %arg9[%swap3A_54, %swap3A_55], %swap3A_58 {strides = array<i32>} : memref<1x80xi32, #tpu.memory_space<vmem>>, vector<1x16xi32>,
    %shift_right_logical3A_59 = arith.constant 14 : i32
    %shift_right_logical3A_60 = vector.broadcast %shift_right_logical3A_59 : i32 to vector<16xi32>
    %shift_right_logical3A_61 = arith.shrui %get3A_49, %shift_right_logical3A_60 : vector<16xi32>
    %swap3A_62 = arith.constant 0 : i32
    %swap3A_63 = arith.index_cast %swap3A_62 : i32 to index
    %swap3A_64 = arith.constant 16 : index
    %swap3A_65 = tpu.vector_load %arg10[%swap3A_63, %swap3A_64] {strides = array<i32>} : memref<1x80xi32, #tpu.memory_space<vmem>>, vector<1x16xi32>,
    %swap3A_66 = vector.shape_cast %swap3A_65 : vector<1x16xi32> to vector<16xi32>
    %swap3A_67 = vector.shape_cast %shift_right_logical3A_61 : vector<16xi32> to vector<1x16xi32>
    tpu.vector_store %arg10[%swap3A_63, %swap3A_64], %swap3A_67 {strides = array<i32>} : memref<1x80xi32, #tpu.memory_space<vmem>>, vector<1x16xi32>,
    %get3A_68 = arith.constant 0 : i32
    %get3A_69 = arith.index_cast %get3A_68 : i32 to index
    %get3A_70 = arith.constant 32 : index
    %get3A_71 = tpu.vector_load %arg5[%get3A_69, %get3A_70] {strides = array<i32>} : memref<125x80xi32, #tpu.memory_space<vmem>>, vector<1x16xi32>,
    %get3A_72 = vector.shape_cast %get3A_71 : vector<1x16xi32> to vector<16xi32>
    %and3A_73 = arith.constant 16383 : i32
    %and3A_74 = vector.broadcast %and3A_73 : i32 to vector<16xi32>
    %and3A_75 = arith.andi %get3A_72, %and3A_74 : vector<16xi32>
    %swap3A_76 = arith.constant 0 : i32
    %swap3A_77 = arith.index_cast %swap3A_76 : i32 to index
    %swap3A_78 = arith.constant 32 : index
    %swap3A_79 = tpu.vector_load %arg9[%swap3A_77, %swap3A_78] {strides = array<i32>} : memref<1x80xi32, #tpu.memory_space<vmem>>, vector<1x16xi32>,
    %swap3A_80 = vector.shape_cast %swap3A_79 : vector<1x16xi32> to vector<16xi32>
    %swap3A_81 = vector.shape_cast %and3A_75 : vector<16xi32> to vector<1x16xi32>
    tpu.vector_store %arg9[%swap3A_77, %swap3A_78], %swap3A_81 {strides = array<i32>} : memref<1x80xi32, #tpu.memory_space<vmem>>, vector<1x16xi32>,
    %shift_right_logical3A_82 = arith.constant 14 : i32
    %shift_right_logical3A_83 = vector.broadcast %shift_right_logical3A_82 : i32 to vector<16xi32>
    %shift_right_logical3A_84 = arith.shrui %get3A_72, %shift_right_logical3A_83 : vector<16xi32>
    %swap3A_85 = arith.constant 0 : i32
    %swap3A_86 = arith.index_cast %swap3A_85 : i32 to index
    %swap3A_87 = arith.constant 32 : index
    %swap3A_88 = tpu.vector_load %arg10[%swap3A_86, %swap3A_87] {strides = array<i32>} : memref<1x80xi32, #tpu.memory_space<vmem>>, vector<1x16xi32>,
    %swap3A_89 = vector.shape_cast %swap3A_88 : vector<1x16xi32> to vector<16xi32>
    %swap3A_90 = vector.shape_cast %shift_right_logical3A_84 : vector<16xi32> to vector<1x16xi32>
    tpu.vector_store %arg10[%swap3A_86, %swap3A_87], %swap3A_90 {strides = array<i32>} : memref<1x80xi32, #tpu.memory_space<vmem>>, vector<1x16xi32>,
    %get3A_91 = arith.constant 0 : i32
    %get3A_92 = arith.index_cast %get3A_91 : i32 to index
    %get3A_93 = arith.constant 48 : index
    %get3A_94 = tpu.vector_load %arg5[%get3A_92, %get3A_93] {strides = array<i32>} : memref<125x80xi32, #tpu.memory_space<vmem>>, vector<1x16xi32>,
    %get3A_95 = vector.shape_cast %get3A_94 : vector<1x16xi32> to vector<16xi32>
    %and3A_96 = arith.constant 16383 : i32
    %and3A_97 = vector.broadcast %and3A_96 : i32 to vector<16xi32>
    %and3A_98 = arith.andi %get3A_95, %and3A_97 : vector<16xi32>
    %swap3A_99 = arith.constant 0 : i32
    %swap3A_100 = arith.index_cast %swap3A_99 : i32 to index
    %swap3A_101 = arith.constant 48 : index
    %swap3A_102 = tpu.vector_load %arg9[%swap3A_100, %swap3A_101] {strides = array<i32>} : memref<1x80xi32, #tpu.memory_space<vmem>>, vector<1x16xi32>,
    %swap3A_103 = vector.shape_cast %swap3A_102 : vector<1x16xi32> to vector<16xi32>
    %swap3A_104 = vector.shape_cast %and3A_98 : vector<16xi32> to vector<1x16xi32>
    tpu.vector_store %arg9[%swap3A_100, %swap3A_101], %swap3A_104 {strides = array<i32>} : memref<1x80xi32, #tpu.memory_space<vmem>>, vector<1x16xi32>,
    %shift_right_logical3A_105 = arith.constant 14 : i32
    %shift_right_logical3A_106 = vector.broadcast %shift_right_logical3A_105 : i32 to vector<16xi32>
    %shift_right_logical3A_107 = arith.shrui %get3A_95, %shift_right_logical3A_106 : vector<16xi32>
    %swap3A_108 = arith.constant 0 : i32
    %swap3A_109 = arith.index_cast %swap3A_108 : i32 to index
    %swap3A_110 = arith.constant 48 : index
    %swap3A_111 = tpu.vector_load %arg10[%swap3A_109, %swap3A_110] {strides = array<i32>} : memref<1x80xi32, #tpu.memory_space<vmem>>, vector<1x16xi32>,
    %swap3A_112 = vector.shape_cast %swap3A_111 : vector<1x16xi32> to vector<16xi32>
    %swap3A_113 = vector.shape_cast %shift_right_logical3A_107 : vector<16xi32> to vector<1x16xi32>
    tpu.vector_store %arg10[%swap3A_109, %swap3A_110], %swap3A_113 {strides = array<i32>} : memref<1x80xi32, #tpu.memory_space<vmem>>, vector<1x16xi32>,
    %get3A_114 = arith.constant 0 : i32
    %get3A_115 = arith.index_cast %get3A_114 : i32 to index
    %get3A_116 = arith.constant 64 : index
    %get3A_117 = tpu.vector_load %arg5[%get3A_115, %get3A_116] {strides = array<i32>} : memref<125x80xi32, #tpu.memory_space<vmem>>, vector<1x16xi32>,
    %get3A_118 = vector.shape_cast %get3A_117 : vector<1x16xi32> to vector<16xi32>
    %and3A_119 = arith.constant 16383 : i32
    %and3A_120 = vector.broadcast %and3A_119 : i32 to vector<16xi32>
    %and3A_121 = arith.andi %get3A_118, %and3A_120 : vector<16xi32>
    %swap3A_122 = arith.constant 0 : i32
    %swap3A_123 = arith.index_cast %swap3A_122 : i32 to index
    %swap3A_124 = arith.constant 64 : index
    %swap3A_125 = tpu.vector_load %arg9[%swap3A_123, %swap3A_124] {strides = array<i32>} : memref<1x80xi32, #tpu.memory_space<vmem>>, vector<1x16xi32>,
    %swap3A_126 = vector.shape_cast %swap3A_125 : vector<1x16xi32> to vector<16xi32>
    %swap3A_127 = vector.shape_cast %and3A_121 : vector<16xi32> to vector<1x16xi32>
    tpu.vector_store %arg9[%swap3A_123, %swap3A_124], %swap3A_127 {strides = array<i32>} : memref<1x80xi32, #tpu.memory_space<vmem>>, vector<1x16xi32>,
    %shift_right_logical3A_128 = arith.constant 14 : i32
    %shift_right_logical3A_129 = vector.broadcast %shift_right_logical3A_128 : i32 to vector<16xi32>
    %shift_right_logical3A_130 = arith.shrui %get3A_118, %shift_right_logical3A_129 : vector<16xi32>
    %swap3A_131 = arith.constant 0 : i32
    %swap3A_132 = arith.index_cast %swap3A_131 : i32 to index
    %swap3A_133 = arith.constant 64 : index
    %swap3A_134 = tpu.vector_load %arg10[%swap3A_132, %swap3A_133] {strides = array<i32>} : memref<1x80xi32, #tpu.memory_space<vmem>>, vector<1x16xi32>,
    %swap3A_135 = vector.shape_cast %swap3A_134 : vector<1x16xi32> to vector<16xi32>
    %swap3A_136 = vector.shape_cast %shift_right_logical3A_130 : vector<16xi32> to vector<1x16xi32>
    tpu.vector_store %arg10[%swap3A_132, %swap3A_133], %swap3A_136 {strides = array<i32>} : memref<1x80xi32, #tpu.memory_space<vmem>>, vector<1x16xi32>,
    %get3A_137 = arith.constant 1 : i32
    %get3A_138 = arith.index_cast %get3A_137 : i32 to index
    %get3A_139 = arith.constant 0 : index
    %get3A_140 = tpu.vector_load %arg5[%get3A_138, %get3A_139] {strides = array<i32>} : memref<125x80xi32, #tpu.memory_space<vmem>>, vector<1x16xi32>,
    %get3A_141 = vector.shape_cast %get3A_140 : vector<1x16xi32> to vector<16xi32>
    %and3A_142 = arith.constant 16383 : i32
    %and3A_143 = vector.broadcast %and3A_142 : i32 to vector<16xi32>
    %and3A_144 = arith.andi %get3A_141, %and3A_143 : vector<16xi32>
    %swap3A_145 = arith.constant 0 : i32
    %swap3A_146 = arith.index_cast %swap3A_145 : i32 to index
    %swap3A_147 = arith.constant 0 : index
    %swap3A_148 = tpu.vector_load %arg11[%swap3A_146, %swap3A_147] {strides = array<i32>} : memref<1x80xi32, #tpu.memory_space<vmem>>, vector<1x16xi32>,
    %swap3A_149 = vector.shape_cast %swap3A_148 : vector<1x16xi32> to vector<16xi32>
    %swap3A_150 = vector.shape_cast %and3A_144 : vector<16xi32> to vector<1x16xi32>
    tpu.vector_store %arg11[%swap3A_146, %swap3A_147], %swap3A_150 {strides = array<i32>} : memref<1x80xi32, #tpu.memory_space<vmem>>, vector<1x16xi32>,
    %shift_right_logical3A_151 = arith.constant 14 : i32
    %shift_right_logical3A_152 = vector.broadcast %shift_right_logical3A_151 : i32 to vector<16xi32>
    %shift_right_logical3A_153 = arith.shrui %get3A_141, %shift_right_logical3A_152 : vector<16xi32>
    %swap3A_154 = arith.constant 0 : i32
    %swap3A_155 = arith.index_cast %swap3A_154 : i32 to index
    %swap3A_156 = arith.constant 0 : index
    %swap3A_157 = tpu.vector_load %arg12[%swap3A_155, %swap3A_156] {strides = array<i32>} : memref<1x80xi32, #tpu.memory_space<vmem>>, vector<1x16xi32>,
    %swap3A_158 = vector.shape_cast %swap3A_157 : vector<1x16xi32> to vector<16xi32>
    %swap3A_159 = vector.shape_cast %shift_right_logical3A_153 : vector<16xi32> to vector<1x16xi32>
    tpu.vector_store %arg12[%swap3A_155, %swap3A_156], %swap3A_159 {strides = array<i32>} : memref<1x80xi32, #tpu.memory_space<vmem>>, vector<1x16xi32>,
    %get3A_160 = arith.constant 1 : i32
    %get3A_161 = arith.index_cast %get3A_160 : i32 to index
    %get3A_162 = arith.constant 16 : index
    %get3A_163 = tpu.vector_load %arg5[%get3A_161, %get3A_162] {strides = array<i32>} : memref<125x80xi32, #tpu.memory_space<vmem>>, vector<1x16xi32>,
    %get3A_164 = vector.shape_cast %get3A_163 : vector<1x16xi32> to vector<16xi32>
    %and3A_165 = arith.constant 16383 : i32
    %and3A_166 = vector.broadcast %and3A_165 : i32 to vector<16xi32>
    %and3A_167 = arith.andi %get3A_164, %and3A_166 : vector<16xi32>
    %swap3A_168 = arith.constant 0 : i32
    %swap3A_169 = arith.index_cast %swap3A_168 : i32 to index
    %swap3A_170 = arith.constant 16 : index
    %swap3A_171 = tpu.vector_load %arg11[%swap3A_169, %swap3A_170] {strides = array<i32>} : memref<1x80xi32, #tpu.memory_space<vmem>>, vector<1x16xi32>,
    %swap3A_172 = vector.shape_cast %swap3A_171 : vector<1x16xi32> to vector<16xi32>
    %swap3A_173 = vector.shape_cast %and3A_167 : vector<16xi32> to vector<1x16xi32>
    tpu.vector_store %arg11[%swap3A_169, %swap3A_170], %swap3A_173 {strides = array<i32>} : memref<1x80xi32, #tpu.memory_space<vmem>>, vector<1x16xi32>,
    %shift_right_logical3A_174 = arith.constant 14 : i32
    %shift_right_logical3A_175 = vector.broadcast %shift_right_logical3A_174 : i32 to vector<16xi32>
    %shift_right_logical3A_176 = arith.shrui %get3A_164, %shift_right_logical3A_175 : vector<16xi32>
    %swap3A_177 = arith.constant 0 : i32
    %swap3A_178 = arith.index_cast %swap3A_177 : i32 to index
    %swap3A_179 = arith.constant 16 : index
    %swap3A_180 = tpu.vector_load %arg12[%swap3A_178, %swap3A_179] {strides = array<i32>} : memref<1x80xi32, #tpu.memory_space<vmem>>, vector<1x16xi32>,
    %swap3A_181 = vector.shape_cast %swap3A_180 : vector<1x16xi32> to vector<16xi32>
    %swap3A_182 = vector.shape_cast %shift_right_logical3A_176 : vector<16xi32> to vector<1x16xi32>
    tpu.vector_store %arg12[%swap3A_178, %swap3A_179], %swap3A_182 {strides = array<i32>} : memref<1x80xi32, #tpu.memory_space<vmem>>, vector<1x16xi32>,
    %get3A_183 = arith.constant 1 : i32
    %get3A_184 = arith.index_cast %get3A_183 : i32 to index
    %get3A_185 = arith.constant 32 : index
    %get3A_186 = tpu.vector_load %arg5[%get3A_184, %get3A_185] {strides = array<i32>} : memref<125x80xi32, #tpu.memory_space<vmem>>, vector<1x16xi32>,
    %get3A_187 = vector.shape_cast %get3A_186 : vector<1x16xi32> to vector<16xi32>
    %and3A_188 = arith.constant 16383 : i32
    %and3A_189 = vector.broadcast %and3A_188 : i32 to vector<16xi32>
    %and3A_190 = arith.andi %get3A_187, %and3A_189 : vector<16xi32>
    %swap3A_191 = arith.constant 0 : i32
    %swap3A_192 = arith.index_cast %swap3A_191 : i32 to index
    %swap3A_193 = arith.constant 32 : index
    %swap3A_194 = tpu.vector_load %arg11[%swap3A_192, %swap3A_193] {strides = array<i32>} : memref<1x80xi32, #tpu.memory_space<vmem>>, vector<1x16xi32>,
    %swap3A_195 = vector.shape_cast %swap3A_194 : vector<1x16xi32> to vector<16xi32>
    %swap3A_196 = vector.shape_cast %and3A_190 : vector<16xi32> to vector<1x16xi32>
    tpu.vector_store %arg11[%swap3A_192, %swap3A_193], %swap3A_196 {strides = array<i32>} : memref<1x80xi32, #tpu.memory_space<vmem>>, vector<1x16xi32>,
    %shift_right_logical3A_197 = arith.constant 14 : i32
    %shift_right_logical3A_198 = vector.broadcast %shift_right_logical3A_197 : i32 to vector<16xi32>
    %shift_right_logical3A_199 = arith.shrui %get3A_187, %shift_right_logical3A_198 : vector<16xi32>
    %swap3A_200 = arith.constant 0 : i32
    %swap3A_201 = arith.index_cast %swap3A_200 : i32 to index
    %swap3A_202 = arith.constant 32 : index
    %swap3A_203 = tpu.vector_load %arg12[%swap3A_201, %swap3A_202] {strides = array<i32>} : memref<1x80xi32, #tpu.memory_space<vmem>>, vector<1x16xi32>,
    %swap3A_204 = vector.shape_cast %swap3A_203 : vector<1x16xi32> to vector<16xi32>
    %swap3A_205 = vector.shape_cast %shift_right_logical3A_199 : vector<16xi32> to vector<1x16xi32>
    tpu.vector_store %arg12[%swap3A_201, %swap3A_202], %swap3A_205 {strides = array<i32>} : memref<1x80xi32, #tpu.memory_space<vmem>>, vector<1x16xi32>,
    %get3A_206 = arith.constant 1 : i32
    %get3A_207 = arith.index_cast %get3A_206 : i32 to index
    %get3A_208 = arith.constant 48 : index
    %get3A_209 = tpu.vector_load %arg5[%get3A_207, %get3A_208] {strides = array<i32>} : memref<125x80xi32, #tpu.memory_space<vmem>>, vector<1x16xi32>,
    %get3A_210 = vector.shape_cast %get3A_209 : vector<1x16xi32> to vector<16xi32>
    %and3A_211 = arith.constant 16383 : i32
    %and3A_212 = vector.broadcast %and3A_211 : i32 to vector<16xi32>
    %and3A_213 = arith.andi %get3A_210, %and3A_212 : vector<16xi32>
    %swap3A_214 = arith.constant 0 : i32
    %swap3A_215 = arith.index_cast %swap3A_214 : i32 to index
    %swap3A_216 = arith.constant 48 : index
    %swap3A_217 = tpu.vector_load %arg11[%swap3A_215, %swap3A_216] {strides = array<i32>} : memref<1x80xi32, #tpu.memory_space<vmem>>, vector<1x16xi32>,
    %swap3A_218 = vector.shape_cast %swap3A_217 : vector<1x16xi32> to vector<16xi32>
    %swap3A_219 = vector.shape_cast %and3A_213 : vector<16xi32> to vector<1x16xi32>
    tpu.vector_store %arg11[%swap3A_215, %swap3A_216], %swap3A_219 {strides = array<i32>} : memref<1x80xi32, #tpu.memory_space<vmem>>, vector<1x16xi32>,
    %shift_right_logical3A_220 = arith.constant 14 : i32
    %shift_right_logical3A_221 = vector.broadcast %shift_right_logical3A_220 : i32 to vector<16xi32>
    %shift_right_logical3A_222 = arith.shrui %get3A_210, %shift_right_logical3A_221 : vector<16xi32>
    %swap3A_223 = arith.constant 0 : i32
    %swap3A_224 = arith.index_cast %swap3A_223 : i32 to index
    %swap3A_225 = arith.constant 48 : index
    %swap3A_226 = tpu.vector_load %arg12[%swap3A_224, %swap3A_225] {strides = array<i32>} : memref<1x80xi32, #tpu.memory_space<vmem>>, vector<1x16xi32>,
    %swap3A_227 = vector.shape_cast %swap3A_226 : vector<1x16xi32> to vector<16xi32>
    %swap3A_228 = vector.shape_cast %shift_right_logical3A_222 : vector<16xi32> to vector<1x16xi32>
    tpu.vector_store %arg12[%swap3A_224, %swap3A_225], %swap3A_228 {strides = array<i32>} : memref<1x80xi32, #tpu.memory_space<vmem>>, vector<1x16xi32>,
    %get3A_229 = arith.constant 1 : i32
    %get3A_230 = arith.index_cast %get3A_229 : i32 to index
    %get3A_231 = arith.constant 64 : index
    %get3A_232 = tpu.vector_load %arg5[%get3A_230, %get3A_231] {strides = array<i32>} : memref<125x80xi32, #tpu.memory_space<vmem>>, vector<1x16xi32>,
    %get3A_233 = vector.shape_cast %get3A_232 : vector<1x16xi32> to vector<16xi32>
    %and3A_234 = arith.constant 16383 : i32
    %and3A_235 = vector.broadcast %and3A_234 : i32 to vector<16xi32>
    %and3A_236 = arith.andi %get3A_233, %and3A_235 : vector<16xi32>
    %swap3A_237 = arith.constant 0 : i32
    %swap3A_238 = arith.index_cast %swap3A_237 : i32 to index
    %swap3A_239 = arith.constant 64 : index
    %swap3A_240 = tpu.vector_load %arg11[%swap3A_238, %swap3A_239] {strides = array<i32>} : memref<1x80xi32, #tpu.memory_space<vmem>>, vector<1x16xi32>,
    %swap3A_241 = vector.shape_cast %swap3A_240 : vector<1x16xi32> to vector<16xi32>
    %swap3A_242 = vector.shape_cast %and3A_236 : vector<16xi32> to vector<1x16xi32>
    tpu.vector_store %arg11[%swap3A_238, %swap3A_239], %swap3A_242 {strides = array<i32>} : memref<1x80xi32, #tpu.memory_space<vmem>>, vector<1x16xi32>,
    %shift_right_logical3A_243 = arith.constant 14 : i32
    %shift_right_logical3A_244 = vector.broadcast %shift_right_logical3A_243 : i32 to vector<16xi32>
    %shift_right_logical3A_245 = arith.shrui %get3A_233, %shift_right_logical3A_244 : vector<16xi32>
    %swap3A_246 = arith.constant 0 : i32
    %swap3A_247 = arith.index_cast %swap3A_246 : i32 to index
    %swap3A_248 = arith.constant 64 : index
    %swap3A_249 = tpu.vector_load %arg12[%swap3A_247, %swap3A_248] {strides = array<i32>} : memref<1x80xi32, #tpu.memory_space<vmem>>, vector<1x16xi32>,
    %swap3A_250 = vector.shape_cast %swap3A_249 : vector<1x16xi32> to vector<16xi32>
    %swap3A_251 = vector.shape_cast %shift_right_logical3A_245 : vector<16xi32> to vector<1x16xi32>
    tpu.vector_store %arg12[%swap3A_247, %swap3A_248], %swap3A_251 {strides = array<i32>} : memref<1x80xi32, #tpu.memory_space<vmem>>, vector<1x16xi32>,
    %get3A_252 = arith.constant 2 : i32
    %get3A_253 = arith.index_cast %get3A_252 : i32 to index
    %get3A_254 = arith.constant 0 : index
    %get3A_255 = tpu.vector_load %arg5[%get3A_253, %get3A_254] {strides = array<i32>} : memref<125x80xi32, #tpu.memory_space<vmem>>, vector<1x16xi32>,
    %get3A_256 = vector.shape_cast %get3A_255 : vector<1x16xi32> to vector<16xi32>
    %and3A_257 = arith.constant 16383 : i32
    %and3A_258 = vector.broadcast %and3A_257 : i32 to vector<16xi32>
    %and3A_259 = arith.andi %get3A_256, %and3A_258 : vector<16xi32>
    %swap3A_260 = arith.constant 0 : i32
    %swap3A_261 = arith.index_cast %swap3A_260 : i32 to index
    %swap3A_262 = arith.constant 0 : index
    %swap3A_263 = tpu.vector_load %arg13[%swap3A_261, %swap3A_262] {strides = array<i32>} : memref<1x80xi32, #tpu.memory_space<vmem>>, vector<1x16xi32>,
    %swap3A_264 = vector.shape_cast %swap3A_263 : vector<1x16xi32> to vector<16xi32>
    %swap3A_265 = vector.shape_cast %and3A_259 : vector<16xi32> to vector<1x16xi32>
    tpu.vector_store %arg13[%swap3A_261, %swap3A_262], %swap3A_265 {strides = array<i32>} : memref<1x80xi32, #tpu.memory_space<vmem>>, vector<1x16xi32>,
    %shift_right_logical3A_266 = arith.constant 14 : i32
    %shift_right_logical3A_267 = vector.broadcast %shift_right_logical3A_266 : i32 to vector<16xi32>
    %shift_right_logical3A_268 = arith.shrui %get3A_256, %shift_right_logical3A_267 : vector<16xi32>
    %swap3A_269 = arith.constant 0 : i32
    %swap3A_270 = arith.index_cast %swap3A_269 : i32 to index
    %swap3A_271 = arith.constant 0 : index
    %swap3A_272 = tpu.vector_load %arg14[%swap3A_270, %swap3A_271] {strides = array<i32>} : memref<1x80xi32, #tpu.memory_space<vmem>>, vector<1x16xi32>,
    %swap3A_273 = vector.shape_cast %swap3A_272 : vector<1x16xi32> to vector<16xi32>
    %swap3A_274 = vector.shape_cast %shift_right_logical3A_268 : vector<16xi32> to vector<1x16xi32>
    tpu.vector_store %arg14[%swap3A_270, %swap3A_271], %swap3A_274 {strides = array<i32>} : memref<1x80xi32, #tpu.memory_space<vmem>>, vector<1x16xi32>,
    %get3A_275 = arith.constant 2 : i32
    %get3A_276 = arith.index_cast %get3A_275 : i32 to index
    %get3A_277 = arith.constant 16 : index
    %get3A_278 = tpu.vector_load %arg5[%get3A_276, %get3A_277] {strides = array<i32>} : memref<125x80xi32, #tpu.memory_space<vmem>>, vector<1x16xi32>,
    %get3A_279 = vector.shape_cast %get3A_278 : vector<1x16xi32> to vector<16xi32>
    %and3A_280 = arith.constant 16383 : i32
    %and3A_281 = vector.broadcast %and3A_280 : i32 to vector<16xi32>
    %and3A_282 = arith.andi %get3A_279, %and3A_281 : vector<16xi32>
    %swap3A_283 = arith.constant 0 : i32
    %swap3A_284 = arith.index_cast %swap3A_283 : i32 to index
    %swap3A_285 = arith.constant 16 : index
    %swap3A_286 = tpu.vector_load %arg13[%swap3A_284, %swap3A_285] {strides = array<i32>} : memref<1x80xi32, #tpu.memory_space<vmem>>, vector<1x16xi32>,
    %swap3A_287 = vector.shape_cast %swap3A_286 : vector<1x16xi32> to vector<16xi32>
    %swap3A_288 = vector.shape_cast %and3A_282 : vector<16xi32> to vector<1x16xi32>
    tpu.vector_store %arg13[%swap3A_284, %swap3A_285], %swap3A_288 {strides = array<i32>} : memref<1x80xi32, #tpu.memory_space<vmem>>, vector<1x16xi32>,
    %shift_right_logical3A_289 = arith.constant 14 : i32
    %shift_right_logical3A_290 = vector.broadcast %shift_right_logical3A_289 : i32 to vector<16xi32>
    %shift_right_logical3A_291 = arith.shrui %get3A_279, %shift_right_logical3A_290 : vector<16xi32>
    %swap3A_292 = arith.constant 0 : i32
    %swap3A_293 = arith.index_cast %swap3A_292 : i32 to index
    %swap3A_294 = arith.constant 16 : index
    %swap3A_295 = tpu.vector_load %arg14[%swap3A_293, %swap3A_294] {strides = array<i32>} : memref<1x80xi32, #tpu.memory_space<vmem>>, vector<1x16xi32>,
    %swap3A_296 = vector.shape_cast %swap3A_295 : vector<1x16xi32> to vector<16xi32>
    %swap3A_297 = vector.shape_cast %shift_right_logical3A_291 : vector<16xi32> to vector<1x16xi32>
    tpu.vector_store %arg14[%swap3A_293, %swap3A_294], %swap3A_297 {strides = array<i32>} : memref<1x80xi32, #tpu.memory_space<vmem>>, vector<1x16xi32>,
    %get3A_298 = arith.constant 2 : i32
    %get3A_299 = arith.index_cast %get3A_298 : i32 to index
    %get3A_300 = arith.constant 32 : index
    %get3A_301 = tpu.vector_load %arg5[%get3A_299, %get3A_300] {strides = array<i32>} : memref<125x80xi32, #tpu.memory_space<vmem>>, vector<1x16xi32>,
    %get3A_302 = vector.shape_cast %get3A_301 : vector<1x16xi32> to vector<16xi32>
    %and3A_303 = arith.constant 16383 : i32
    %and3A_304 = vector.broadcast %and3A_303 : i32 to vector<16xi32>
    %and3A_305 = arith.andi %get3A_302, %and3A_304 : vector<16xi32>
    %swap3A_306 = arith.constant 0 : i32
    %swap3A_307 = arith.index_cast %swap3A_306 : i32 to index
    %swap3A_308 = arith.constant 32 : index
    %swap3A_309 = tpu.vector_load %arg13[%swap3A_307, %swap3A_308] {strides = array<i32>} : memref<1x80xi32, #tpu.memory_space<vmem>>, vector<1x16xi32>,
    %swap3A_310 = vector.shape_cast %swap3A_309 : vector<1x16xi32> to vector<16xi32>
    %swap3A_311 = vector.shape_cast %and3A_305 : vector<16xi32> to vector<1x16xi32>
    tpu.vector_store %arg13[%swap3A_307, %swap3A_308], %swap3A_311 {strides = array<i32>} : memref<1x80xi32, #tpu.memory_space<vmem>>, vector<1x16xi32>,
    %shift_right_logical3A_312 = arith.constant 14 : i32
    %shift_right_logical3A_313 = vector.broadcast %shift_right_logical3A_312 : i32 to vector<16xi32>
    %shift_right_logical3A_314 = arith.shrui %get3A_302, %shift_right_logical3A_313 : vector<16xi32>
    %swap3A_315 = arith.constant 0 : i32
    %swap3A_316 = arith.index_cast %swap3A_315 : i32 to index
    %swap3A_317 = arith.constant 32 : index
    %swap3A_318 = tpu.vector_load %arg14[%swap3A_316, %swap3A_317] {strides = array<i32>} : memref<1x80xi32, #tpu.memory_space<vmem>>, vector<1x16xi32>,
    %swap3A_319 = vector.shape_cast %swap3A_318 : vector<1x16xi32> to vector<16xi32>
    %swap3A_320 = vector.shape_cast %shift_right_logical3A_314 : vector<16xi32> to vector<1x16xi32>
    tpu.vector_store %arg14[%swap3A_316, %swap3A_317], %swap3A_320 {strides = array<i32>} : memref<1x80xi32, #tpu.memory_space<vmem>>, vector<1x16xi32>,
    %get3A_321 = arith.constant 2 : i32
    %get3A_322 = arith.index_cast %get3A_321 : i32 to index
    %get3A_323 = arith.constant 48 : index
    %get3A_324 = tpu.vector_load %arg5[%get3A_322, %get3A_323] {strides = array<i32>} : memref<125x80xi32, #tpu.memory_space<vmem>>, vector<1x16xi32>,
    %get3A_325 = vector.shape_cast %get3A_324 : vector<1x16xi32> to vector<16xi32>
    %and3A_326 = arith.constant 16383 : i32
    %and3A_327 = vector.broadcast %and3A_326 : i32 to vector<16xi32>
    %and3A_328 = arith.andi %get3A_325, %and3A_327 : vector<16xi32>
    %swap3A_329 = arith.constant 0 : i32
    %swap3A_330 = arith.index_cast %swap3A_329 : i32 to index
    %swap3A_331 = arith.constant 48 : index
    %swap3A_332 = tpu.vector_load %arg13[%swap3A_330, %swap3A_331] {strides = array<i32>} : memref<1x80xi32, #tpu.memory_space<vmem>>, vector<1x16xi32>,
    %swap3A_333 = vector.shape_cast %swap3A_332 : vector<1x16xi32> to vector<16xi32>
    %swap3A_334 = vector.shape_cast %and3A_328 : vector<16xi32> to vector<1x16xi32>
    tpu.vector_store %arg13[%swap3A_330, %swap3A_331], %swap3A_334 {strides = array<i32>} : memref<1x80xi32, #tpu.memory_space<vmem>>, vector<1x16xi32>,
    %shift_right_logical3A_335 = arith.constant 14 : i32
    %shift_right_logical3A_336 = vector.broadcast %shift_right_logical3A_335 : i32 to vector<16xi32>
    %shift_right_logical3A_337 = arith.shrui %get3A_325, %shift_right_logical3A_336 : vector<16xi32>
    %swap3A_338 = arith.constant 0 : i32
    %swap3A_339 = arith.index_cast %swap3A_338 : i32 to index
    %swap3A_340 = arith.constant 48 : index
    %swap3A_341 = tpu.vector_load %arg14[%swap3A_339, %swap3A_340] {strides = array<i32>} : memref<1x80xi32, #tpu.memory_space<vmem>>, vector<1x16xi32>,
    %swap3A_342 = vector.shape_cast %swap3A_341 : vector<1x16xi32> to vector<16xi32>
    %swap3A_343 = vector.shape_cast %shift_right_logical3A_337 : vector<16xi32> to vector<1x16xi32>
    tpu.vector_store %arg14[%swap3A_339, %swap3A_340], %swap3A_343 {strides = array<i32>} : memref<1x80xi32, #tpu.memory_space<vmem>>, vector<1x16xi32>,
    %get3A_344 = arith.constant 2 : i32
    %get3A_345 = arith.index_cast %get3A_344 : i32 to index
    %get3A_346 = arith.constant 64 : index
    %get3A_347 = tpu.vector_load %arg5[%get3A_345, %get3A_346] {strides = array<i32>} : memref<125x80xi32, #tpu.memory_space<vmem>>, vector<1x16xi32>,
    %get3A_348 = vector.shape_cast %get3A_347 : vector<1x16xi32> to vector<16xi32>
    %and3A_349 = arith.constant 16383 : i32
    %and3A_350 = vector.broadcast %and3A_349 : i32 to vector<16xi32>
    %and3A_351 = arith.andi %get3A_348, %and3A_350 : vector<16xi32>
    %swap3A_352 = arith.constant 0 : i32
    %swap3A_353 = arith.index_cast %swap3A_352 : i32 to index
    %swap3A_354 = arith.constant 64 : index
    %swap3A_355 = tpu.vector_load %arg13[%swap3A_353, %swap3A_354] {strides = array<i32>} : memref<1x80xi32, #tpu.memory_space<vmem>>, vector<1x16xi32>,
    %swap3A_356 = vector.shape_cast %swap3A_355 : vector<1x16xi32> to vector<16xi32>
    %swap3A_357 = vector.shape_cast %and3A_351 : vector<16xi32> to vector<1x16xi32>
    tpu.vector_store %arg13[%swap3A_353, %swap3A_354], %swap3A_357 {strides = array<i32>} : memref<1x80xi32, #tpu.memory_space<vmem>>, vector<1x16xi32>,
    %shift_right_logical3A_358 = arith.constant 14 : i32
    %shift_right_logical3A_359 = vector.broadcast %shift_right_logical3A_358 : i32 to vector<16xi32>
    %shift_right_logical3A_360 = arith.shrui %get3A_348, %shift_right_logical3A_359 : vector<16xi32>
    %swap3A_361 = arith.constant 0 : i32
    %swap3A_362 = arith.index_cast %swap3A_361 : i32 to index
    %swap3A_363 = arith.constant 64 : index
    %swap3A_364 = tpu.vector_load %arg14[%swap3A_362, %swap3A_363] {strides = array<i32>} : memref<1x80xi32, #tpu.memory_space<vmem>>, vector<1x16xi32>,
    %swap3A_365 = vector.shape_cast %swap3A_364 : vector<1x16xi32> to vector<16xi32>
    %swap3A_366 = vector.shape_cast %shift_right_logical3A_360 : vector<16xi32> to vector<1x16xi32>
    tpu.vector_store %arg14[%swap3A_362, %swap3A_363], %swap3A_366 {strides = array<i32>} : memref<1x80xi32, #tpu.memory_space<vmem>>, vector<1x16xi32>,
    %barrier3A = arith.constant 0 : index
    tpu.barrier barrier_id(%barrier3A)
    %dma_start3A = arith.constant 0 : i32
    %dma_start3A_367 = arith.constant 0 : i32
    %dma_start3A_368 = tpu.memref_slice %arg9[%dma_start3A, %dma_start3A_367] : memref<1x80xi32, #tpu.memory_space<vmem>> -> memref<1x80xi32, #tpu.memory_space<vmem>>
    %dma_start3A_369 = tpu.memref_squeeze %dma_start3A_368 : memref<1x80xi32, #tpu.memory_space<vmem>> -> memref<80xi32, #tpu.memory_space<vmem>>
    %dma_start3A_370 = arith.constant 0 : i32
    %dma_start3A_371 = arith.constant 0 : i32
    %dma_start3A_372 = tpu.memref_slice %arg2[%dma_start3A_370, %dma_start3A_371] : memref<10000x128xf32, #tpu.memory_space<hbm>> -> memref<10000x128xf32, #tpu.memory_space<hbm>>
    tpu.enqueue_indirect_dma source(%dma_start3A_372 : memref<10000x128xf32, #tpu.memory_space<hbm>>) target(%arg6 : memref<80x128xf32, #tpu.memory_space<vmem>>) offsets(%dma_start3A_369 : memref<80xi32, #tpu.memory_space<vmem>>) semaphore(%arg19 : memref<!tpu.dma_semaphore, #tpu.memory_space<semaphore_mem>>)
    %dma_start3A_373 = arith.constant 0 : i32
    %dma_start3A_374 = arith.constant 0 : i32
    %dma_start3A_375 = tpu.memref_slice %arg11[%dma_start3A_373, %dma_start3A_374] : memref<1x80xi32, #tpu.memory_space<vmem>> -> memref<1x80xi32, #tpu.memory_space<vmem>>
    %dma_start3A_376 = tpu.memref_squeeze %dma_start3A_375 : memref<1x80xi32, #tpu.memory_space<vmem>> -> memref<80xi32, #tpu.memory_space<vmem>>
    %dma_start3A_377 = arith.constant 0 : i32
    %dma_start3A_378 = arith.constant 0 : i32
    %dma_start3A_379 = tpu.memref_slice %arg2[%dma_start3A_377, %dma_start3A_378] : memref<10000x128xf32, #tpu.memory_space<hbm>> -> memref<10000x128xf32, #tpu.memory_space<hbm>>
    tpu.enqueue_indirect_dma source(%dma_start3A_379 : memref<10000x128xf32, #tpu.memory_space<hbm>>) target(%arg7 : memref<80x128xf32, #tpu.memory_space<vmem>>) offsets(%dma_start3A_376 : memref<80xi32, #tpu.memory_space<vmem>>) semaphore(%arg20 : memref<!tpu.dma_semaphore, #tpu.memory_space<semaphore_mem>>)
    %scan3A_380 = arith.constant 0 : i32
    %scan3A_381 = arith.constant 0 : i32
    %scan3A_382 = arith.constant 41 : i32
    %scan3A_383 = arith.addi %scan3A_381, %scan3A_382 : i32
    %scan3A_384 = arith.constant 1 : i32
    %scan3A_385 = scf.for %scan3A_696 = %scan3A_381 to %scan3A_383 step %scan3A_384 iter_args(%scan3A_697 = %scan3A_380) -> (i32)  : i32 {
      %mul3A_698 = arith.constant 3 : i32
      %mul3A_699 = arith.muli %mul3A_698, %scan3A_696 : i32
      %add3A_700 = arith.constant 0 : i32
      %add3A_701 = arith.addi %mul3A_699, %add3A_700 : i32
      %dma_wait3A_702 = arith.constant 0 : i32
      %dma_wait3A_703 = arith.constant 0 : i32
      %dma_wait3A_704 = tpu.memref_slice %arg9[%dma_wait3A_702, %dma_wait3A_703] : memref<1x80xi32, #tpu.memory_space<vmem>> -> memref<1x80xi32, #tpu.memory_space<vmem>>
      %dma_wait3A_705 = tpu.memref_squeeze %dma_wait3A_704 : memref<1x80xi32, #tpu.memory_space<vmem>> -> memref<80xi32, #tpu.memory_space<vmem>>
      %dma_wait3A_706 = arith.constant 0 : i32
      %dma_wait3A_707 = arith.constant 0 : i32
      %dma_wait3A_708 = tpu.memref_slice %arg2[%dma_wait3A_706, %dma_wait3A_707] : memref<10000x128xf32, #tpu.memory_space<hbm>> -> memref<10000x128xf32, #tpu.memory_space<hbm>>
      tpu.wait_indirect_dma semaphore(%arg19 : memref<!tpu.dma_semaphore, #tpu.memory_space<semaphore_mem>>) src(%dma_wait3A_708 : memref<10000x128xf32, #tpu.memory_space<hbm>>) dst(%arg6 : memref<80x128xf32, #tpu.memory_space<vmem>>)
      %dma_start3A_709 = arith.constant 0 : i32
      %dma_start3A_710 = arith.constant 0 : i32
      %dma_start3A_711 = tpu.memref_slice %arg10[%dma_start3A_709, %dma_start3A_710] : memref<1x80xi32, #tpu.memory_space<vmem>> -> memref<1x80xi32, #tpu.memory_space<vmem>>
      %dma_start3A_712 = tpu.memref_squeeze %dma_start3A_711 : memref<1x80xi32, #tpu.memory_space<vmem>> -> memref<80xi32, #tpu.memory_space<vmem>>
      %dma_start3A_713 = arith.constant 0 : i32
      %dma_start3A_714 = arith.constant 0 : i32
      %dma_start3A_715 = tpu.memref_slice %arg17[%dma_start3A_713, %dma_start3A_714] : memref<10240x128xf32, #tpu.memory_space<vmem_shared>> -> memref<10240x128xf32, #tpu.memory_space<vmem_shared>>
      tpu.enqueue_indirect_dma source(%arg6 : memref<80x128xf32, #tpu.memory_space<vmem>>) target(%dma_start3A_715 : memref<10240x128xf32, #tpu.memory_space<vmem_shared>>) offsets(%dma_start3A_712 : memref<80xi32, #tpu.memory_space<vmem>>) semaphore(%arg22 : memref<!tpu.dma_semaphore, #tpu.memory_space<semaphore_mem>>) {add = true}
      %gt3A_716 = arith.constant 0 : i32
      %gt3A_717 = arith.cmpi sgt, %add3A_701, %gt3A_716 : i32
      %convert_element_type3A_718 = arith.extui %gt3A_717 : i1 to i32
      %cond3A_719 = arith.constant 0 : i32
      %cond3A_720 = arith.cmpi ne, %convert_element_type3A_718, %cond3A_719 : i32
      scf.if %cond3A_720 {
        %dma_wait3A_1140 = arith.constant 0 : i32
        %dma_wait3A_1141 = arith.constant 0 : i32
        %dma_wait3A_1142 = tpu.memref_slice %arg14[%dma_wait3A_1140, %dma_wait3A_1141] : memref<1x80xi32, #tpu.memory_space<vmem>> -> memref<1x80xi32, #tpu.memory_space<vmem>>
        %dma_wait3A_1143 = tpu.memref_squeeze %dma_wait3A_1142 : memref<1x80xi32, #tpu.memory_space<vmem>> -> memref<80xi32, #tpu.memory_space<vmem>>
        %dma_wait3A_1144 = arith.constant 0 : i32
        %dma_wait3A_1145 = arith.constant 0 : i32
        %dma_wait3A_1146 = tpu.memref_slice %arg17[%dma_wait3A_1144, %dma_wait3A_1145] : memref<10240x128xf32, #tpu.memory_space<vmem_shared>> -> memref<10240x128xf32, #tpu.memory_space<vmem_shared>>
        tpu.wait_indirect_dma semaphore(%arg24 : memref<!tpu.dma_semaphore, #tpu.memory_space<semaphore_mem>>) src(%arg8 : memref<80x128xf32, #tpu.memory_space<vmem>>) dst(%dma_wait3A_1146 : memref<10240x128xf32, #tpu.memory_space<vmem_shared>>)
      } else {
      }
      %ge3A_721 = arith.constant 123 : i32
      %ge3A_722 = arith.cmpi sge, %add3A_701, %ge3A_721 : i32
      %sub3A_723 = arith.constant 123 : i32
      %sub3A_724 = arith.subi %add3A_701, %sub3A_723 : i32
      %add3A_725 = arith.constant 2 : i32
      %add3A_726 = arith.addi %add3A_701, %add3A_725 : i32
      %select_n3A_727 = arith.select %ge3A_722, %sub3A_724, %add3A_726 : i32
      %get3A_728 = arith.index_cast %select_n3A_727 : i32 to index
      %get3A_729 = arith.constant 0 : index
      %get3A_730 = tpu.vector_load %arg5[%get3A_728, %get3A_729] {strides = array<i32>} : memref<125x80xi32, #tpu.memory_space<vmem>>, vector<1x16xi32>,
      %get3A_731 = vector.shape_cast %get3A_730 : vector<1x16xi32> to vector<16xi32>
      %and3A_732 = arith.constant 16383 : i32
      %and3A_733 = vector.broadcast %and3A_732 : i32 to vector<16xi32>
      %and3A_734 = arith.andi %get3A_731, %and3A_733 : vector<16xi32>
      %swap3A_735 = arith.constant 0 : i32
      %swap3A_736 = arith.index_cast %swap3A_735 : i32 to index
      %swap3A_737 = arith.constant 0 : index
      %swap3A_738 = tpu.vector_load %arg13[%swap3A_736, %swap3A_737] {strides = array<i32>} : memref<1x80xi32, #tpu.memory_space<vmem>>, vector<1x16xi32>,
      %swap3A_739 = vector.shape_cast %swap3A_738 : vector<1x16xi32> to vector<16xi32>
      %swap3A_740 = vector.shape_cast %and3A_734 : vector<16xi32> to vector<1x16xi32>
      tpu.vector_store %arg13[%swap3A_736, %swap3A_737], %swap3A_740 {strides = array<i32>} : memref<1x80xi32, #tpu.memory_space<vmem>>, vector<1x16xi32>,
      %shift_right_logical3A_741 = arith.constant 14 : i32
      %shift_right_logical3A_742 = vector.broadcast %shift_right_logical3A_741 : i32 to vector<16xi32>
      %shift_right_logical3A_743 = arith.shrui %get3A_731, %shift_right_logical3A_742 : vector<16xi32>
      %swap3A_744 = arith.constant 0 : i32
      %swap3A_745 = arith.index_cast %swap3A_744 : i32 to index
      %swap3A_746 = arith.constant 0 : index
      %swap3A_747 = tpu.vector_load %arg14[%swap3A_745, %swap3A_746] {strides = array<i32>} : memref<1x80xi32, #tpu.memory_space<vmem>>, vector<1x16xi32>,
      %swap3A_748 = vector.shape_cast %swap3A_747 : vector<1x16xi32> to vector<16xi32>
      %swap3A_749 = vector.shape_cast %shift_right_logical3A_743 : vector<16xi32> to vector<1x16xi32>
      tpu.vector_store %arg14[%swap3A_745, %swap3A_746], %swap3A_749 {strides = array<i32>} : memref<1x80xi32, #tpu.memory_space<vmem>>, vector<1x16xi32>,
      %get3A_750 = arith.index_cast %select_n3A_727 : i32 to index
      %get3A_751 = arith.constant 16 : index
      %get3A_752 = tpu.vector_load %arg5[%get3A_750, %get3A_751] {strides = array<i32>} : memref<125x80xi32, #tpu.memory_space<vmem>>, vector<1x16xi32>,
      %get3A_753 = vector.shape_cast %get3A_752 : vector<1x16xi32> to vector<16xi32>
      %and3A_754 = arith.constant 16383 : i32
      %and3A_755 = vector.broadcast %and3A_754 : i32 to vector<16xi32>
      %and3A_756 = arith.andi %get3A_753, %and3A_755 : vector<16xi32>
      %swap3A_757 = arith.constant 0 : i32
      %swap3A_758 = arith.index_cast %swap3A_757 : i32 to index
      %swap3A_759 = arith.constant 16 : index
      %swap3A_760 = tpu.vector_load %arg13[%swap3A_758, %swap3A_759] {strides = array<i32>} : memref<1x80xi32, #tpu.memory_space<vmem>>, vector<1x16xi32>,
      %swap3A_761 = vector.shape_cast %swap3A_760 : vector<1x16xi32> to vector<16xi32>
      %swap3A_762 = vector.shape_cast %and3A_756 : vector<16xi32> to vector<1x16xi32>
      tpu.vector_store %arg13[%swap3A_758, %swap3A_759], %swap3A_762 {strides = array<i32>} : memref<1x80xi32, #tpu.memory_space<vmem>>, vector<1x16xi32>,
      %shift_right_logical3A_763 = arith.constant 14 : i32
      %shift_right_logical3A_764 = vector.broadcast %shift_right_logical3A_763 : i32 to vector<16xi32>
      %shift_right_logical3A_765 = arith.shrui %get3A_753, %shift_right_logical3A_764 : vector<16xi32>
      %swap3A_766 = arith.constant 0 : i32
      %swap3A_767 = arith.index_cast %swap3A_766 : i32 to index
      %swap3A_768 = arith.constant 16 : index
      %swap3A_769 = tpu.vector_load %arg14[%swap3A_767, %swap3A_768] {strides = array<i32>} : memref<1x80xi32, #tpu.memory_space<vmem>>, vector<1x16xi32>,
      %swap3A_770 = vector.shape_cast %swap3A_769 : vector<1x16xi32> to vector<16xi32>
      %swap3A_771 = vector.shape_cast %shift_right_logical3A_765 : vector<16xi32> to vector<1x16xi32>
      tpu.vector_store %arg14[%swap3A_767, %swap3A_768], %swap3A_771 {strides = array<i32>} : memref<1x80xi32, #tpu.memory_space<vmem>>, vector<1x16xi32>,
      %get3A_772 = arith.index_cast %select_n3A_727 : i32 to index
      %get3A_773 = arith.constant 32 : index
      %get3A_774 = tpu.vector_load %arg5[%get3A_772, %get3A_773] {strides = array<i32>} : memref<125x80xi32, #tpu.memory_space<vmem>>, vector<1x16xi32>,
      %get3A_775 = vector.shape_cast %get3A_774 : vector<1x16xi32> to vector<16xi32>
      %and3A_776 = arith.constant 16383 : i32
      %and3A_777 = vector.broadcast %and3A_776 : i32 to vector<16xi32>
      %and3A_778 = arith.andi %get3A_775, %and3A_777 : vector<16xi32>
      %swap3A_779 = arith.constant 0 : i32
      %swap3A_780 = arith.index_cast %swap3A_779 : i32 to index
      %swap3A_781 = arith.constant 32 : index
      %swap3A_782 = tpu.vector_load %arg13[%swap3A_780, %swap3A_781] {strides = array<i32>} : memref<1x80xi32, #tpu.memory_space<vmem>>, vector<1x16xi32>,
      %swap3A_783 = vector.shape_cast %swap3A_782 : vector<1x16xi32> to vector<16xi32>
      %swap3A_784 = vector.shape_cast %and3A_778 : vector<16xi32> to vector<1x16xi32>
      tpu.vector_store %arg13[%swap3A_780, %swap3A_781], %swap3A_784 {strides = array<i32>} : memref<1x80xi32, #tpu.memory_space<vmem>>, vector<1x16xi32>,
      %shift_right_logical3A_785 = arith.constant 14 : i32
      %shift_right_logical3A_786 = vector.broadcast %shift_right_logical3A_785 : i32 to vector<16xi32>
      %shift_right_logical3A_787 = arith.shrui %get3A_775, %shift_right_logical3A_786 : vector<16xi32>
      %swap3A_788 = arith.constant 0 : i32
      %swap3A_789 = arith.index_cast %swap3A_788 : i32 to index
      %swap3A_790 = arith.constant 32 : index
      %swap3A_791 = tpu.vector_load %arg14[%swap3A_789, %swap3A_790] {strides = array<i32>} : memref<1x80xi32, #tpu.memory_space<vmem>>, vector<1x16xi32>,
      %swap3A_792 = vector.shape_cast %swap3A_791 : vector<1x16xi32> to vector<16xi32>
      %swap3A_793 = vector.shape_cast %shift_right_logical3A_787 : vector<16xi32> to vector<1x16xi32>
      tpu.vector_store %arg14[%swap3A_789, %swap3A_790], %swap3A_793 {strides = array<i32>} : memref<1x80xi32, #tpu.memory_space<vmem>>, vector<1x16xi32>,
      %get3A_794 = arith.index_cast %select_n3A_727 : i32 to index
      %get3A_795 = arith.constant 48 : index
      %get3A_796 = tpu.vector_load %arg5[%get3A_794, %get3A_795] {strides = array<i32>} : memref<125x80xi32, #tpu.memory_space<vmem>>, vector<1x16xi32>,
      %get3A_797 = vector.shape_cast %get3A_796 : vector<1x16xi32> to vector<16xi32>
      %and3A_798 = arith.constant 16383 : i32
      %and3A_799 = vector.broadcast %and3A_798 : i32 to vector<16xi32>
      %and3A_800 = arith.andi %get3A_797, %and3A_799 : vector<16xi32>
      %swap3A_801 = arith.constant 0 : i32
      %swap3A_802 = arith.index_cast %swap3A_801 : i32 to index
      %swap3A_803 = arith.constant 48 : index
      %swap3A_804 = tpu.vector_load %arg13[%swap3A_802, %swap3A_803] {strides = array<i32>} : memref<1x80xi32, #tpu.memory_space<vmem>>, vector<1x16xi32>,
      %swap3A_805 = vector.shape_cast %swap3A_804 : vector<1x16xi32> to vector<16xi32>
      %swap3A_806 = vector.shape_cast %and3A_800 : vector<16xi32> to vector<1x16xi32>
      tpu.vector_store %arg13[%swap3A_802, %swap3A_803], %swap3A_806 {strides = array<i32>} : memref<1x80xi32, #tpu.memory_space<vmem>>, vector<1x16xi32>,
      %shift_right_logical3A_807 = arith.constant 14 : i32
      %shift_right_logical3A_808 = vector.broadcast %shift_right_logical3A_807 : i32 to vector<16xi32>
      %shift_right_logical3A_809 = arith.shrui %get3A_797, %shift_right_logical3A_808 : vector<16xi32>
      %swap3A_810 = arith.constant 0 : i32
      %swap3A_811 = arith.index_cast %swap3A_810 : i32 to index
      %swap3A_812 = arith.constant 48 : index
      %swap3A_813 = tpu.vector_load %arg14[%swap3A_811, %swap3A_812] {strides = array<i32>} : memref<1x80xi32, #tpu.memory_space<vmem>>, vector<1x16xi32>,
      %swap3A_814 = vector.shape_cast %swap3A_813 : vector<1x16xi32> to vector<16xi32>
      %swap3A_815 = vector.shape_cast %shift_right_logical3A_809 : vector<16xi32> to vector<1x16xi32>
      tpu.vector_store %arg14[%swap3A_811, %swap3A_812], %swap3A_815 {strides = array<i32>} : memref<1x80xi32, #tpu.memory_space<vmem>>, vector<1x16xi32>,
      %get3A_816 = arith.index_cast %select_n3A_727 : i32 to index
      %get3A_817 = arith.constant 64 : index
      %get3A_818 = tpu.vector_load %arg5[%get3A_816, %get3A_817] {strides = array<i32>} : memref<125x80xi32, #tpu.memory_space<vmem>>, vector<1x16xi32>,
      %get3A_819 = vector.shape_cast %get3A_818 : vector<1x16xi32> to vector<16xi32>
      %and3A_820 = arith.constant 16383 : i32
      %and3A_821 = vector.broadcast %and3A_820 : i32 to vector<16xi32>
      %and3A_822 = arith.andi %get3A_819, %and3A_821 : vector<16xi32>
      %swap3A_823 = arith.constant 0 : i32
      %swap3A_824 = arith.index_cast %swap3A_823 : i32 to index
      %swap3A_825 = arith.constant 64 : index
      %swap3A_826 = tpu.vector_load %arg13[%swap3A_824, %swap3A_825] {strides = array<i32>} : memref<1x80xi32, #tpu.memory_space<vmem>>, vector<1x16xi32>,
      %swap3A_827 = vector.shape_cast %swap3A_826 : vector<1x16xi32> to vector<16xi32>
      %swap3A_828 = vector.shape_cast %and3A_822 : vector<16xi32> to vector<1x16xi32>
      tpu.vector_store %arg13[%swap3A_824, %swap3A_825], %swap3A_828 {strides = array<i32>} : memref<1x80xi32, #tpu.memory_space<vmem>>, vector<1x16xi32>,
      %shift_right_logical3A_829 = arith.constant 14 : i32
      %shift_right_logical3A_830 = vector.broadcast %shift_right_logical3A_829 : i32 to vector<16xi32>
      %shift_right_logical3A_831 = arith.shrui %get3A_819, %shift_right_logical3A_830 : vector<16xi32>
      %swap3A_832 = arith.constant 0 : i32
      %swap3A_833 = arith.index_cast %swap3A_832 : i32 to index
      %swap3A_834 = arith.constant 64 : index
      %swap3A_835 = tpu.vector_load %arg14[%swap3A_833, %swap3A_834] {strides = array<i32>} : memref<1x80xi32, #tpu.memory_space<vmem>>, vector<1x16xi32>,
      %swap3A_836 = vector.shape_cast %swap3A_835 : vector<1x16xi32> to vector<16xi32>
      %swap3A_837 = vector.shape_cast %shift_right_logical3A_831 : vector<16xi32> to vector<1x16xi32>
      tpu.vector_store %arg14[%swap3A_833, %swap3A_834], %swap3A_837 {strides = array<i32>} : memref<1x80xi32, #tpu.memory_space<vmem>>, vector<1x16xi32>,
      %dma_start3A_838 = arith.constant 0 : i32
      %dma_start3A_839 = arith.constant 0 : i32
      %dma_start3A_840 = tpu.memref_slice %arg13[%dma_start3A_838, %dma_start3A_839] : memref<1x80xi32, #tpu.memory_space<vmem>> -> memref<1x80xi32, #tpu.memory_space<vmem>>
      %dma_start3A_841 = tpu.memref_squeeze %dma_start3A_840 : memref<1x80xi32, #tpu.memory_space<vmem>> -> memref<80xi32, #tpu.memory_space<vmem>>
      %dma_start3A_842 = arith.constant 0 : i32
      %dma_start3A_843 = arith.constant 0 : i32
      %dma_start3A_844 = tpu.memref_slice %arg2[%dma_start3A_842, %dma_start3A_843] : memref<10000x128xf32, #tpu.memory_space<hbm>> -> memref<10000x128xf32, #tpu.memory_space<hbm>>
      tpu.enqueue_indirect_dma source(%dma_start3A_844 : memref<10000x128xf32, #tpu.memory_space<hbm>>) target(%arg8 : memref<80x128xf32, #tpu.memory_space<vmem>>) offsets(%dma_start3A_841 : memref<80xi32, #tpu.memory_space<vmem>>) semaphore(%arg21 : memref<!tpu.dma_semaphore, #tpu.memory_space<semaphore_mem>>)
      %mul3A_845 = arith.constant 3 : i32
      %mul3A_846 = arith.muli %mul3A_845, %scan3A_696 : i32
      %add3A_847 = arith.constant 1 : i32
      %add3A_848 = arith.addi %mul3A_846, %add3A_847 : i32
      %dma_wait3A_849 = arith.constant 0 : i32
      %dma_wait3A_850 = arith.constant 0 : i32
      %dma_wait3A_851 = tpu.memref_slice %arg11[%dma_wait3A_849, %dma_wait3A_850] : memref<1x80xi32, #tpu.memory_space<vmem>> -> memref<1x80xi32, #tpu.memory_space<vmem>>
      %dma_wait3A_852 = tpu.memref_squeeze %dma_wait3A_851 : memref<1x80xi32, #tpu.memory_space<vmem>> -> memref<80xi32, #tpu.memory_space<vmem>>
      %dma_wait3A_853 = arith.constant 0 : i32
      %dma_wait3A_854 = arith.constant 0 : i32
      %dma_wait3A_855 = tpu.memref_slice %arg2[%dma_wait3A_853, %dma_wait3A_854] : memref<10000x128xf32, #tpu.memory_space<hbm>> -> memref<10000x128xf32, #tpu.memory_space<hbm>>
      tpu.wait_indirect_dma semaphore(%arg20 : memref<!tpu.dma_semaphore, #tpu.memory_space<semaphore_mem>>) src(%dma_wait3A_855 : memref<10000x128xf32, #tpu.memory_space<hbm>>) dst(%arg7 : memref<80x128xf32, #tpu.memory_space<vmem>>)
      %dma_start3A_856 = arith.constant 0 : i32
      %dma_start3A_857 = arith.constant 0 : i32
      %dma_start3A_858 = tpu.memref_slice %arg12[%dma_start3A_856, %dma_start3A_857] : memref<1x80xi32, #tpu.memory_space<vmem>> -> memref<1x80xi32, #tpu.memory_space<vmem>>
      %dma_start3A_859 = tpu.memref_squeeze %dma_start3A_858 : memref<1x80xi32, #tpu.memory_space<vmem>> -> memref<80xi32, #tpu.memory_space<vmem>>
      %dma_start3A_860 = arith.constant 0 : i32
      %dma_start3A_861 = arith.constant 0 : i32
      %dma_start3A_862 = tpu.memref_slice %arg17[%dma_start3A_860, %dma_start3A_861] : memref<10240x128xf32, #tpu.memory_space<vmem_shared>> -> memref<10240x128xf32, #tpu.memory_space<vmem_shared>>
      tpu.enqueue_indirect_dma source(%arg7 : memref<80x128xf32, #tpu.memory_space<vmem>>) target(%dma_start3A_862 : memref<10240x128xf32, #tpu.memory_space<vmem_shared>>) offsets(%dma_start3A_859 : memref<80xi32, #tpu.memory_space<vmem>>) semaphore(%arg23 : memref<!tpu.dma_semaphore, #tpu.memory_space<semaphore_mem>>) {add = true}
      %gt3A_863 = arith.constant 0 : i32
      %gt3A_864 = arith.cmpi sgt, %add3A_848, %gt3A_863 : i32
      %convert_element_type3A_865 = arith.extui %gt3A_864 : i1 to i32
      %cond3A_866 = arith.constant 0 : i32
      %cond3A_867 = arith.cmpi ne, %convert_element_type3A_865, %cond3A_866 : i32
      scf.if %cond3A_867 {
        %dma_wait3A_1140 = arith.constant 0 : i32
        %dma_wait3A_1141 = arith.constant 0 : i32
        %dma_wait3A_1142 = tpu.memref_slice %arg10[%dma_wait3A_1140, %dma_wait3A_1141] : memref<1x80xi32, #tpu.memory_space<vmem>> -> memref<1x80xi32, #tpu.memory_space<vmem>>
        %dma_wait3A_1143 = tpu.memref_squeeze %dma_wait3A_1142 : memref<1x80xi32, #tpu.memory_space<vmem>> -> memref<80xi32, #tpu.memory_space<vmem>>
        %dma_wait3A_1144 = arith.constant 0 : i32
        %dma_wait3A_1145 = arith.constant 0 : i32
        %dma_wait3A_1146 = tpu.memref_slice %arg17[%dma_wait3A_1144, %dma_wait3A_1145] : memref<10240x128xf32, #tpu.memory_space<vmem_shared>> -> memref<10240x128xf32, #tpu.memory_space<vmem_shared>>
        tpu.wait_indirect_dma semaphore(%arg22 : memref<!tpu.dma_semaphore, #tpu.memory_space<semaphore_mem>>) src(%arg6 : memref<80x128xf32, #tpu.memory_space<vmem>>) dst(%dma_wait3A_1146 : memref<10240x128xf32, #tpu.memory_space<vmem_shared>>)
      } else {
      }
      %ge3A_868 = arith.constant 123 : i32
      %ge3A_869 = arith.cmpi sge, %add3A_848, %ge3A_868 : i32
      %sub3A_870 = arith.constant 123 : i32
      %sub3A_871 = arith.subi %add3A_848, %sub3A_870 : i32
      %add3A_872 = arith.constant 2 : i32
      %add3A_873 = arith.addi %add3A_848, %add3A_872 : i32
      %select_n3A_874 = arith.select %ge3A_869, %sub3A_871, %add3A_873 : i32
      %get3A_875 = arith.index_cast %select_n3A_874 : i32 to index
      %get3A_876 = arith.constant 0 : index
      %get3A_877 = tpu.vector_load %arg5[%get3A_875, %get3A_876] {strides = array<i32>} : memref<125x80xi32, #tpu.memory_space<vmem>>, vector<1x16xi32>,
      %get3A_878 = vector.shape_cast %get3A_877 : vector<1x16xi32> to vector<16xi32>
      %and3A_879 = arith.constant 16383 : i32
      %and3A_880 = vector.broadcast %and3A_879 : i32 to vector<16xi32>
      %and3A_881 = arith.andi %get3A_878, %and3A_880 : vector<16xi32>
      %swap3A_882 = arith.constant 0 : i32
      %swap3A_883 = arith.index_cast %swap3A_882 : i32 to index
      %swap3A_884 = arith.constant 0 : index
      %swap3A_885 = tpu.vector_load %arg9[%swap3A_883, %swap3A_884] {strides = array<i32>} : memref<1x80xi32, #tpu.memory_space<vmem>>, vector<1x16xi32>,
      %swap3A_886 = vector.shape_cast %swap3A_885 : vector<1x16xi32> to vector<16xi32>
      %swap3A_887 = vector.shape_cast %and3A_881 : vector<16xi32> to vector<1x16xi32>
      tpu.vector_store %arg9[%swap3A_883, %swap3A_884], %swap3A_887 {strides = array<i32>} : memref<1x80xi32, #tpu.memory_space<vmem>>, vector<1x16xi32>,
      %shift_right_logical3A_888 = arith.constant 14 : i32
      %shift_right_logical3A_889 = vector.broadcast %shift_right_logical3A_888 : i32 to vector<16xi32>
      %shift_right_logical3A_890 = arith.shrui %get3A_878, %shift_right_logical3A_889 : vector<16xi32>
      %swap3A_891 = arith.constant 0 : i32
      %swap3A_892 = arith.index_cast %swap3A_891 : i32 to index
      %swap3A_893 = arith.constant 0 : index
      %swap3A_894 = tpu.vector_load %arg10[%swap3A_892, %swap3A_893] {strides = array<i32>} : memref<1x80xi32, #tpu.memory_space<vmem>>, vector<1x16xi32>,
      %swap3A_895 = vector.shape_cast %swap3A_894 : vector<1x16xi32> to vector<16xi32>
      %swap3A_896 = vector.shape_cast %shift_right_logical3A_890 : vector<16xi32> to vector<1x16xi32>
      tpu.vector_store %arg10[%swap3A_892, %swap3A_893], %swap3A_896 {strides = array<i32>} : memref<1x80xi32, #tpu.memory_space<vmem>>, vector<1x16xi32>,
      %get3A_897 = arith.index_cast %select_n3A_874 : i32 to index
      %get3A_898 = arith.constant 16 : index
      %get3A_899 = tpu.vector_load %arg5[%get3A_897, %get3A_898] {strides = array<i32>} : memref<125x80xi32, #tpu.memory_space<vmem>>, vector<1x16xi32>,
      %get3A_900 = vector.shape_cast %get3A_899 : vector<1x16xi32> to vector<16xi32>
      %and3A_901 = arith.constant 16383 : i32
      %and3A_902 = vector.broadcast %and3A_901 : i32 to vector<16xi32>
      %and3A_903 = arith.andi %get3A_900, %and3A_902 : vector<16xi32>
      %swap3A_904 = arith.constant 0 : i32
      %swap3A_905 = arith.index_cast %swap3A_904 : i32 to index
      %swap3A_906 = arith.constant 16 : index
      %swap3A_907 = tpu.vector_load %arg9[%swap3A_905, %swap3A_906] {strides = array<i32>} : memref<1x80xi32, #tpu.memory_space<vmem>>, vector<1x16xi32>,
      %swap3A_908 = vector.shape_cast %swap3A_907 : vector<1x16xi32> to vector<16xi32>
      %swap3A_909 = vector.shape_cast %and3A_903 : vector<16xi32> to vector<1x16xi32>
      tpu.vector_store %arg9[%swap3A_905, %swap3A_906], %swap3A_909 {strides = array<i32>} : memref<1x80xi32, #tpu.memory_space<vmem>>, vector<1x16xi32>,
      %shift_right_logical3A_910 = arith.constant 14 : i32
      %shift_right_logical3A_911 = vector.broadcast %shift_right_logical3A_910 : i32 to vector<16xi32>
      %shift_right_logical3A_912 = arith.shrui %get3A_900, %shift_right_logical3A_911 : vector<16xi32>
      %swap3A_913 = arith.constant 0 : i32
      %swap3A_914 = arith.index_cast %swap3A_913 : i32 to index
      %swap3A_915 = arith.constant 16 : index
      %swap3A_916 = tpu.vector_load %arg10[%swap3A_914, %swap3A_915] {strides = array<i32>} : memref<1x80xi32, #tpu.memory_space<vmem>>, vector<1x16xi32>,
      %swap3A_917 = vector.shape_cast %swap3A_916 : vector<1x16xi32> to vector<16xi32>
      %swap3A_918 = vector.shape_cast %shift_right_logical3A_912 : vector<16xi32> to vector<1x16xi32>
      tpu.vector_store %arg10[%swap3A_914, %swap3A_915], %swap3A_918 {strides = array<i32>} : memref<1x80xi32, #tpu.memory_space<vmem>>, vector<1x16xi32>,
      %get3A_919 = arith.index_cast %select_n3A_874 : i32 to index
      %get3A_920 = arith.constant 32 : index
      %get3A_921 = tpu.vector_load %arg5[%get3A_919, %get3A_920] {strides = array<i32>} : memref<125x80xi32, #tpu.memory_space<vmem>>, vector<1x16xi32>,
      %get3A_922 = vector.shape_cast %get3A_921 : vector<1x16xi32> to vector<16xi32>
      %and3A_923 = arith.constant 16383 : i32
      %and3A_924 = vector.broadcast %and3A_923 : i32 to vector<16xi32>
      %and3A_925 = arith.andi %get3A_922, %and3A_924 : vector<16xi32>
      %swap3A_926 = arith.constant 0 : i32
      %swap3A_927 = arith.index_cast %swap3A_926 : i32 to index
      %swap3A_928 = arith.constant 32 : index
      %swap3A_929 = tpu.vector_load %arg9[%swap3A_927, %swap3A_928] {strides = array<i32>} : memref<1x80xi32, #tpu.memory_space<vmem>>, vector<1x16xi32>,
      %swap3A_930 = vector.shape_cast %swap3A_929 : vector<1x16xi32> to vector<16xi32>
      %swap3A_931 = vector.shape_cast %and3A_925 : vector<16xi32> to vector<1x16xi32>
      tpu.vector_store %arg9[%swap3A_927, %swap3A_928], %swap3A_931 {strides = array<i32>} : memref<1x80xi32, #tpu.memory_space<vmem>>, vector<1x16xi32>,
      %shift_right_logical3A_932 = arith.constant 14 : i32
      %shift_right_logical3A_933 = vector.broadcast %shift_right_logical3A_932 : i32 to vector<16xi32>
      %shift_right_logical3A_934 = arith.shrui %get3A_922, %shift_right_logical3A_933 : vector<16xi32>
      %swap3A_935 = arith.constant 0 : i32
      %swap3A_936 = arith.index_cast %swap3A_935 : i32 to index
      %swap3A_937 = arith.constant 32 : index
      %swap3A_938 = tpu.vector_load %arg10[%swap3A_936, %swap3A_937] {strides = array<i32>} : memref<1x80xi32, #tpu.memory_space<vmem>>, vector<1x16xi32>,
      %swap3A_939 = vector.shape_cast %swap3A_938 : vector<1x16xi32> to vector<16xi32>
      %swap3A_940 = vector.shape_cast %shift_right_logical3A_934 : vector<16xi32> to vector<1x16xi32>
      tpu.vector_store %arg10[%swap3A_936, %swap3A_937], %swap3A_940 {strides = array<i32>} : memref<1x80xi32, #tpu.memory_space<vmem>>, vector<1x16xi32>,
      %get3A_941 = arith.index_cast %select_n3A_874 : i32 to index
      %get3A_942 = arith.constant 48 : index
      %get3A_943 = tpu.vector_load %arg5[%get3A_941, %get3A_942] {strides = array<i32>} : memref<125x80xi32, #tpu.memory_space<vmem>>, vector<1x16xi32>,
      %get3A_944 = vector.shape_cast %get3A_943 : vector<1x16xi32> to vector<16xi32>
      %and3A_945 = arith.constant 16383 : i32
      %and3A_946 = vector.broadcast %and3A_945 : i32 to vector<16xi32>
      %and3A_947 = arith.andi %get3A_944, %and3A_946 : vector<16xi32>
      %swap3A_948 = arith.constant 0 : i32
      %swap3A_949 = arith.index_cast %swap3A_948 : i32 to index
      %swap3A_950 = arith.constant 48 : index
      %swap3A_951 = tpu.vector_load %arg9[%swap3A_949, %swap3A_950] {strides = array<i32>} : memref<1x80xi32, #tpu.memory_space<vmem>>, vector<1x16xi32>,
      %swap3A_952 = vector.shape_cast %swap3A_951 : vector<1x16xi32> to vector<16xi32>
      %swap3A_953 = vector.shape_cast %and3A_947 : vector<16xi32> to vector<1x16xi32>
      tpu.vector_store %arg9[%swap3A_949, %swap3A_950], %swap3A_953 {strides = array<i32>} : memref<1x80xi32, #tpu.memory_space<vmem>>, vector<1x16xi32>,
      %shift_right_logical3A_954 = arith.constant 14 : i32
      %shift_right_logical3A_955 = vector.broadcast %shift_right_logical3A_954 : i32 to vector<16xi32>
      %shift_right_logical3A_956 = arith.shrui %get3A_944, %shift_right_logical3A_955 : vector<16xi32>
      %swap3A_957 = arith.constant 0 : i32
      %swap3A_958 = arith.index_cast %swap3A_957 : i32 to index
      %swap3A_959 = arith.constant 48 : index
      %swap3A_960 = tpu.vector_load %arg10[%swap3A_958, %swap3A_959] {strides = array<i32>} : memref<1x80xi32, #tpu.memory_space<vmem>>, vector<1x16xi32>,
      %swap3A_961 = vector.shape_cast %swap3A_960 : vector<1x16xi32> to vector<16xi32>
      %swap3A_962 = vector.shape_cast %shift_right_logical3A_956 : vector<16xi32> to vector<1x16xi32>
      tpu.vector_store %arg10[%swap3A_958, %swap3A_959], %swap3A_962 {strides = array<i32>} : memref<1x80xi32, #tpu.memory_space<vmem>>, vector<1x16xi32>,
      %get3A_963 = arith.index_cast %select_n3A_874 : i32 to index
      %get3A_964 = arith.constant 64 : index
      %get3A_965 = tpu.vector_load %arg5[%get3A_963, %get3A_964] {strides = array<i32>} : memref<125x80xi32, #tpu.memory_space<vmem>>, vector<1x16xi32>,
      %get3A_966 = vector.shape_cast %get3A_965 : vector<1x16xi32> to vector<16xi32>
      %and3A_967 = arith.constant 16383 : i32
      %and3A_968 = vector.broadcast %and3A_967 : i32 to vector<16xi32>
      %and3A_969 = arith.andi %get3A_966, %and3A_968 : vector<16xi32>
      %swap3A_970 = arith.constant 0 : i32
      %swap3A_971 = arith.index_cast %swap3A_970 : i32 to index
      %swap3A_972 = arith.constant 64 : index
      %swap3A_973 = tpu.vector_load %arg9[%swap3A_971, %swap3A_972] {strides = array<i32>} : memref<1x80xi32, #tpu.memory_space<vmem>>, vector<1x16xi32>,
      %swap3A_974 = vector.shape_cast %swap3A_973 : vector<1x16xi32> to vector<16xi32>
      %swap3A_975 = vector.shape_cast %and3A_969 : vector<16xi32> to vector<1x16xi32>
      tpu.vector_store %arg9[%swap3A_971, %swap3A_972], %swap3A_975 {strides = array<i32>} : memref<1x80xi32, #tpu.memory_space<vmem>>, vector<1x16xi32>,
      %shift_right_logical3A_976 = arith.constant 14 : i32
      %shift_right_logical3A_977 = vector.broadcast %shift_right_logical3A_976 : i32 to vector<16xi32>
      %shift_right_logical3A_978 = arith.shrui %get3A_966, %shift_right_logical3A_977 : vector<16xi32>
      %swap3A_979 = arith.constant 0 : i32
      %swap3A_980 = arith.index_cast %swap3A_979 : i32 to index
      %swap3A_981 = arith.constant 64 : index
      %swap3A_982 = tpu.vector_load %arg10[%swap3A_980, %swap3A_981] {strides = array<i32>} : memref<1x80xi32, #tpu.memory_space<vmem>>, vector<1x16xi32>,
      %swap3A_983 = vector.shape_cast %swap3A_982 : vector<1x16xi32> to vector<16xi32>
      %swap3A_984 = vector.shape_cast %shift_right_logical3A_978 : vector<16xi32> to vector<1x16xi32>
      tpu.vector_store %arg10[%swap3A_980, %swap3A_981], %swap3A_984 {strides = array<i32>} : memref<1x80xi32, #tpu.memory_space<vmem>>, vector<1x16xi32>,
      %dma_start3A_985 = arith.constant 0 : i32
      %dma_start3A_986 = arith.constant 0 : i32
      %dma_start3A_987 = tpu.memref_slice %arg9[%dma_start3A_985, %dma_start3A_986] : memref<1x80xi32, #tpu.memory_space<vmem>> -> memref<1x80xi32, #tpu.memory_space<vmem>>
      %dma_start3A_988 = tpu.memref_squeeze %dma_start3A_987 : memref<1x80xi32, #tpu.memory_space<vmem>> -> memref<80xi32, #tpu.memory_space<vmem>>
      %dma_start3A_989 = arith.constant 0 : i32
      %dma_start3A_990 = arith.constant 0 : i32
      %dma_start3A_991 = tpu.memref_slice %arg2[%dma_start3A_989, %dma_start3A_990] : memref<10000x128xf32, #tpu.memory_space<hbm>> -> memref<10000x128xf32, #tpu.memory_space<hbm>>
      tpu.enqueue_indirect_dma source(%dma_start3A_991 : memref<10000x128xf32, #tpu.memory_space<hbm>>) target(%arg6 : memref<80x128xf32, #tpu.memory_space<vmem>>) offsets(%dma_start3A_988 : memref<80xi32, #tpu.memory_space<vmem>>) semaphore(%arg19 : memref<!tpu.dma_semaphore, #tpu.memory_space<semaphore_mem>>)
      %mul3A_992 = arith.constant 3 : i32
      %mul3A_993 = arith.muli %mul3A_992, %scan3A_696 : i32
      %add3A_994 = arith.constant 2 : i32
      %add3A_995 = arith.addi %mul3A_993, %add3A_994 : i32
      %dma_wait3A_996 = arith.constant 0 : i32
      %dma_wait3A_997 = arith.constant 0 : i32
      %dma_wait3A_998 = tpu.memref_slice %arg13[%dma_wait3A_996, %dma_wait3A_997] : memref<1x80xi32, #tpu.memory_space<vmem>> -> memref<1x80xi32, #tpu.memory_space<vmem>>
      %dma_wait3A_999 = tpu.memref_squeeze %dma_wait3A_998 : memref<1x80xi32, #tpu.memory_space<vmem>> -> memref<80xi32, #tpu.memory_space<vmem>>
      %dma_wait3A_1000 = arith.constant 0 : i32
      %dma_wait3A_1001 = arith.constant 0 : i32
      %dma_wait3A_1002 = tpu.memref_slice %arg2[%dma_wait3A_1000, %dma_wait3A_1001] : memref<10000x128xf32, #tpu.memory_space<hbm>> -> memref<10000x128xf32, #tpu.memory_space<hbm>>
      tpu.wait_indirect_dma semaphore(%arg21 : memref<!tpu.dma_semaphore, #tpu.memory_space<semaphore_mem>>) src(%dma_wait3A_1002 : memref<10000x128xf32, #tpu.memory_space<hbm>>) dst(%arg8 : memref<80x128xf32, #tpu.memory_space<vmem>>)
      %dma_start3A_1003 = arith.constant 0 : i32
      %dma_start3A_1004 = arith.constant 0 : i32
      %dma_start3A_1005 = tpu.memref_slice %arg14[%dma_start3A_1003, %dma_start3A_1004] : memref<1x80xi32, #tpu.memory_space<vmem>> -> memref<1x80xi32, #tpu.memory_space<vmem>>
      %dma_start3A_1006 = tpu.memref_squeeze %dma_start3A_1005 : memref<1x80xi32, #tpu.memory_space<vmem>> -> memref<80xi32, #tpu.memory_space<vmem>>
      %dma_start3A_1007 = arith.constant 0 : i32
      %dma_start3A_1008 = arith.constant 0 : i32
      %dma_start3A_1009 = tpu.memref_slice %arg17[%dma_start3A_1007, %dma_start3A_1008] : memref<10240x128xf32, #tpu.memory_space<vmem_shared>> -> memref<10240x128xf32, #tpu.memory_space<vmem_shared>>
      tpu.enqueue_indirect_dma source(%arg8 : memref<80x128xf32, #tpu.memory_space<vmem>>) target(%dma_start3A_1009 : memref<10240x128xf32, #tpu.memory_space<vmem_shared>>) offsets(%dma_start3A_1006 : memref<80xi32, #tpu.memory_space<vmem>>) semaphore(%arg24 : memref<!tpu.dma_semaphore, #tpu.memory_space<semaphore_mem>>) {add = true}
      %gt3A_1010 = arith.constant 0 : i32
      %gt3A_1011 = arith.cmpi sgt, %add3A_995, %gt3A_1010 : i32
      %convert_element_type3A_1012 = arith.extui %gt3A_1011 : i1 to i32
      %cond3A_1013 = arith.constant 0 : i32
      %cond3A_1014 = arith.cmpi ne, %convert_element_type3A_1012, %cond3A_1013 : i32
      scf.if %cond3A_1014 {
        %dma_wait3A_1140 = arith.constant 0 : i32
        %dma_wait3A_1141 = arith.constant 0 : i32
        %dma_wait3A_1142 = tpu.memref_slice %arg12[%dma_wait3A_1140, %dma_wait3A_1141] : memref<1x80xi32, #tpu.memory_space<vmem>> -> memref<1x80xi32, #tpu.memory_space<vmem>>
        %dma_wait3A_1143 = tpu.memref_squeeze %dma_wait3A_1142 : memref<1x80xi32, #tpu.memory_space<vmem>> -> memref<80xi32, #tpu.memory_space<vmem>>
        %dma_wait3A_1144 = arith.constant 0 : i32
        %dma_wait3A_1145 = arith.constant 0 : i32
        %dma_wait3A_1146 = tpu.memref_slice %arg17[%dma_wait3A_1144, %dma_wait3A_1145] : memref<10240x128xf32, #tpu.memory_space<vmem_shared>> -> memref<10240x128xf32, #tpu.memory_space<vmem_shared>>
        tpu.wait_indirect_dma semaphore(%arg23 : memref<!tpu.dma_semaphore, #tpu.memory_space<semaphore_mem>>) src(%arg7 : memref<80x128xf32, #tpu.memory_space<vmem>>) dst(%dma_wait3A_1146 : memref<10240x128xf32, #tpu.memory_space<vmem_shared>>)
      } else {
      }
      %ge3A_1015 = arith.constant 123 : i32
      %ge3A_1016 = arith.cmpi sge, %add3A_995, %ge3A_1015 : i32
      %sub3A_1017 = arith.constant 123 : i32
      %sub3A_1018 = arith.subi %add3A_995, %sub3A_1017 : i32
      %add3A_1019 = arith.constant 2 : i32
      %add3A_1020 = arith.addi %add3A_995, %add3A_1019 : i32
      %select_n3A_1021 = arith.select %ge3A_1016, %sub3A_1018, %add3A_1020 : i32
      %get3A_1022 = arith.index_cast %select_n3A_1021 : i32 to index
      %get3A_1023 = arith.constant 0 : index
      %get3A_1024 = tpu.vector_load %arg5[%get3A_1022, %get3A_1023] {strides = array<i32>} : memref<125x80xi32, #tpu.memory_space<vmem>>, vector<1x16xi32>,
      %get3A_1025 = vector.shape_cast %get3A_1024 : vector<1x16xi32> to vector<16xi32>
      %and3A_1026 = arith.constant 16383 : i32
      %and3A_1027 = vector.broadcast %and3A_1026 : i32 to vector<16xi32>
      %and3A_1028 = arith.andi %get3A_1025, %and3A_1027 : vector<16xi32>
      %swap3A_1029 = arith.constant 0 : i32
      %swap3A_1030 = arith.index_cast %swap3A_1029 : i32 to index
      %swap3A_1031 = arith.constant 0 : index
      %swap3A_1032 = tpu.vector_load %arg11[%swap3A_1030, %swap3A_1031] {strides = array<i32>} : memref<1x80xi32, #tpu.memory_space<vmem>>, vector<1x16xi32>,
      %swap3A_1033 = vector.shape_cast %swap3A_1032 : vector<1x16xi32> to vector<16xi32>
      %swap3A_1034 = vector.shape_cast %and3A_1028 : vector<16xi32> to vector<1x16xi32>
      tpu.vector_store %arg11[%swap3A_1030, %swap3A_1031], %swap3A_1034 {strides = array<i32>} : memref<1x80xi32, #tpu.memory_space<vmem>>, vector<1x16xi32>,
      %shift_right_logical3A_1035 = arith.constant 14 : i32
      %shift_right_logical3A_1036 = vector.broadcast %shift_right_logical3A_1035 : i32 to vector<16xi32>
      %shift_right_logical3A_1037 = arith.shrui %get3A_1025, %shift_right_logical3A_1036 : vector<16xi32>
      %swap3A_1038 = arith.constant 0 : i32
      %swap3A_1039 = arith.index_cast %swap3A_1038 : i32 to index
      %swap3A_1040 = arith.constant 0 : index
      %swap3A_1041 = tpu.vector_load %arg12[%swap3A_1039, %swap3A_1040] {strides = array<i32>} : memref<1x80xi32, #tpu.memory_space<vmem>>, vector<1x16xi32>,
      %swap3A_1042 = vector.shape_cast %swap3A_1041 : vector<1x16xi32> to vector<16xi32>
      %swap3A_1043 = vector.shape_cast %shift_right_logical3A_1037 : vector<16xi32> to vector<1x16xi32>
      tpu.vector_store %arg12[%swap3A_1039, %swap3A_1040], %swap3A_1043 {strides = array<i32>} : memref<1x80xi32, #tpu.memory_space<vmem>>, vector<1x16xi32>,
      %get3A_1044 = arith.index_cast %select_n3A_1021 : i32 to index
      %get3A_1045 = arith.constant 16 : index
      %get3A_1046 = tpu.vector_load %arg5[%get3A_1044, %get3A_1045] {strides = array<i32>} : memref<125x80xi32, #tpu.memory_space<vmem>>, vector<1x16xi32>,
      %get3A_1047 = vector.shape_cast %get3A_1046 : vector<1x16xi32> to vector<16xi32>
      %and3A_1048 = arith.constant 16383 : i32
      %and3A_1049 = vector.broadcast %and3A_1048 : i32 to vector<16xi32>
      %and3A_1050 = arith.andi %get3A_1047, %and3A_1049 : vector<16xi32>
      %swap3A_1051 = arith.constant 0 : i32
      %swap3A_1052 = arith.index_cast %swap3A_1051 : i32 to index
      %swap3A_1053 = arith.constant 16 : index
      %swap3A_1054 = tpu.vector_load %arg11[%swap3A_1052, %swap3A_1053] {strides = array<i32>} : memref<1x80xi32, #tpu.memory_space<vmem>>, vector<1x16xi32>,
      %swap3A_1055 = vector.shape_cast %swap3A_1054 : vector<1x16xi32> to vector<16xi32>
      %swap3A_1056 = vector.shape_cast %and3A_1050 : vector<16xi32> to vector<1x16xi32>
      tpu.vector_store %arg11[%swap3A_1052, %swap3A_1053], %swap3A_1056 {strides = array<i32>} : memref<1x80xi32, #tpu.memory_space<vmem>>, vector<1x16xi32>,
      %shift_right_logical3A_1057 = arith.constant 14 : i32
      %shift_right_logical3A_1058 = vector.broadcast %shift_right_logical3A_1057 : i32 to vector<16xi32>
      %shift_right_logical3A_1059 = arith.shrui %get3A_1047, %shift_right_logical3A_1058 : vector<16xi32>
      %swap3A_1060 = arith.constant 0 : i32
      %swap3A_1061 = arith.index_cast %swap3A_1060 : i32 to index
      %swap3A_1062 = arith.constant 16 : index
      %swap3A_1063 = tpu.vector_load %arg12[%swap3A_1061, %swap3A_1062] {strides = array<i32>} : memref<1x80xi32, #tpu.memory_space<vmem>>, vector<1x16xi32>,
      %swap3A_1064 = vector.shape_cast %swap3A_1063 : vector<1x16xi32> to vector<16xi32>
      %swap3A_1065 = vector.shape_cast %shift_right_logical3A_1059 : vector<16xi32> to vector<1x16xi32>
      tpu.vector_store %arg12[%swap3A_1061, %swap3A_1062], %swap3A_1065 {strides = array<i32>} : memref<1x80xi32, #tpu.memory_space<vmem>>, vector<1x16xi32>,
      %get3A_1066 = arith.index_cast %select_n3A_1021 : i32 to index
      %get3A_1067 = arith.constant 32 : index
      %get3A_1068 = tpu.vector_load %arg5[%get3A_1066, %get3A_1067] {strides = array<i32>} : memref<125x80xi32, #tpu.memory_space<vmem>>, vector<1x16xi32>,
      %get3A_1069 = vector.shape_cast %get3A_1068 : vector<1x16xi32> to vector<16xi32>
      %and3A_1070 = arith.constant 16383 : i32
      %and3A_1071 = vector.broadcast %and3A_1070 : i32 to vector<16xi32>
      %and3A_1072 = arith.andi %get3A_1069, %and3A_1071 : vector<16xi32>
      %swap3A_1073 = arith.constant 0 : i32
      %swap3A_1074 = arith.index_cast %swap3A_1073 : i32 to index
      %swap3A_1075 = arith.constant 32 : index
      %swap3A_1076 = tpu.vector_load %arg11[%swap3A_1074, %swap3A_1075] {strides = array<i32>} : memref<1x80xi32, #tpu.memory_space<vmem>>, vector<1x16xi32>,
      %swap3A_1077 = vector.shape_cast %swap3A_1076 : vector<1x16xi32> to vector<16xi32>
      %swap3A_1078 = vector.shape_cast %and3A_1072 : vector<16xi32> to vector<1x16xi32>
      tpu.vector_store %arg11[%swap3A_1074, %swap3A_1075], %swap3A_1078 {strides = array<i32>} : memref<1x80xi32, #tpu.memory_space<vmem>>, vector<1x16xi32>,
      %shift_right_logical3A_1079 = arith.constant 14 : i32
      %shift_right_logical3A_1080 = vector.broadcast %shift_right_logical3A_1079 : i32 to vector<16xi32>
      %shift_right_logical3A_1081 = arith.shrui %get3A_1069, %shift_right_logical3A_1080 : vector<16xi32>
      %swap3A_1082 = arith.constant 0 : i32
      %swap3A_1083 = arith.index_cast %swap3A_1082 : i32 to index
      %swap3A_1084 = arith.constant 32 : index
      %swap3A_1085 = tpu.vector_load %arg12[%swap3A_1083, %swap3A_1084] {strides = array<i32>} : memref<1x80xi32, #tpu.memory_space<vmem>>, vector<1x16xi32>,
      %swap3A_1086 = vector.shape_cast %swap3A_1085 : vector<1x16xi32> to vector<16xi32>
      %swap3A_1087 = vector.shape_cast %shift_right_logical3A_1081 : vector<16xi32> to vector<1x16xi32>
      tpu.vector_store %arg12[%swap3A_1083, %swap3A_1084], %swap3A_1087 {strides = array<i32>} : memref<1x80xi32, #tpu.memory_space<vmem>>, vector<1x16xi32>,
      %get3A_1088 = arith.index_cast %select_n3A_1021 : i32 to index
      %get3A_1089 = arith.constant 48 : index
      %get3A_1090 = tpu.vector_load %arg5[%get3A_1088, %get3A_1089] {strides = array<i32>} : memref<125x80xi32, #tpu.memory_space<vmem>>, vector<1x16xi32>,
      %get3A_1091 = vector.shape_cast %get3A_1090 : vector<1x16xi32> to vector<16xi32>
      %and3A_1092 = arith.constant 16383 : i32
      %and3A_1093 = vector.broadcast %and3A_1092 : i32 to vector<16xi32>
      %and3A_1094 = arith.andi %get3A_1091, %and3A_1093 : vector<16xi32>
      %swap3A_1095 = arith.constant 0 : i32
      %swap3A_1096 = arith.index_cast %swap3A_1095 : i32 to index
      %swap3A_1097 = arith.constant 48 : index
      %swap3A_1098 = tpu.vector_load %arg11[%swap3A_1096, %swap3A_1097] {strides = array<i32>} : memref<1x80xi32, #tpu.memory_space<vmem>>, vector<1x16xi32>,
      %swap3A_1099 = vector.shape_cast %swap3A_1098 : vector<1x16xi32> to vector<16xi32>
      %swap3A_1100 = vector.shape_cast %and3A_1094 : vector<16xi32> to vector<1x16xi32>
      tpu.vector_store %arg11[%swap3A_1096, %swap3A_1097], %swap3A_1100 {strides = array<i32>} : memref<1x80xi32, #tpu.memory_space<vmem>>, vector<1x16xi32>,
      %shift_right_logical3A_1101 = arith.constant 14 : i32
      %shift_right_logical3A_1102 = vector.broadcast %shift_right_logical3A_1101 : i32 to vector<16xi32>
      %shift_right_logical3A_1103 = arith.shrui %get3A_1091, %shift_right_logical3A_1102 : vector<16xi32>
      %swap3A_1104 = arith.constant 0 : i32
      %swap3A_1105 = arith.index_cast %swap3A_1104 : i32 to index
      %swap3A_1106 = arith.constant 48 : index
      %swap3A_1107 = tpu.vector_load %arg12[%swap3A_1105, %swap3A_1106] {strides = array<i32>} : memref<1x80xi32, #tpu.memory_space<vmem>>, vector<1x16xi32>,
      %swap3A_1108 = vector.shape_cast %swap3A_1107 : vector<1x16xi32> to vector<16xi32>
      %swap3A_1109 = vector.shape_cast %shift_right_logical3A_1103 : vector<16xi32> to vector<1x16xi32>
      tpu.vector_store %arg12[%swap3A_1105, %swap3A_1106], %swap3A_1109 {strides = array<i32>} : memref<1x80xi32, #tpu.memory_space<vmem>>, vector<1x16xi32>,
      %get3A_1110 = arith.index_cast %select_n3A_1021 : i32 to index
      %get3A_1111 = arith.constant 64 : index
      %get3A_1112 = tpu.vector_load %arg5[%get3A_1110, %get3A_1111] {strides = array<i32>} : memref<125x80xi32, #tpu.memory_space<vmem>>, vector<1x16xi32>,
      %get3A_1113 = vector.shape_cast %get3A_1112 : vector<1x16xi32> to vector<16xi32>
      %and3A_1114 = arith.constant 16383 : i32
      %and3A_1115 = vector.broadcast %and3A_1114 : i32 to vector<16xi32>
      %and3A_1116 = arith.andi %get3A_1113, %and3A_1115 : vector<16xi32>
      %swap3A_1117 = arith.constant 0 : i32
      %swap3A_1118 = arith.index_cast %swap3A_1117 : i32 to index
      %swap3A_1119 = arith.constant 64 : index
      %swap3A_1120 = tpu.vector_load %arg11[%swap3A_1118, %swap3A_1119] {strides = array<i32>} : memref<1x80xi32, #tpu.memory_space<vmem>>, vector<1x16xi32>,
      %swap3A_1121 = vector.shape_cast %swap3A_1120 : vector<1x16xi32> to vector<16xi32>
      %swap3A_1122 = vector.shape_cast %and3A_1116 : vector<16xi32> to vector<1x16xi32>
      tpu.vector_store %arg11[%swap3A_1118, %swap3A_1119], %swap3A_1122 {strides = array<i32>} : memref<1x80xi32, #tpu.memory_space<vmem>>, vector<1x16xi32>,
      %shift_right_logical3A_1123 = arith.constant 14 : i32
      %shift_right_logical3A_1124 = vector.broadcast %shift_right_logical3A_1123 : i32 to vector<16xi32>
      %shift_right_logical3A_1125 = arith.shrui %get3A_1113, %shift_right_logical3A_1124 : vector<16xi32>
      %swap3A_1126 = arith.constant 0 : i32
      %swap3A_1127 = arith.index_cast %swap3A_1126 : i32 to index
      %swap3A_1128 = arith.constant 64 : index
      %swap3A_1129 = tpu.vector_load %arg12[%swap3A_1127, %swap3A_1128] {strides = array<i32>} : memref<1x80xi32, #tpu.memory_space<vmem>>, vector<1x16xi32>,
      %swap3A_1130 = vector.shape_cast %swap3A_1129 : vector<1x16xi32> to vector<16xi32>
      %swap3A_1131 = vector.shape_cast %shift_right_logical3A_1125 : vector<16xi32> to vector<1x16xi32>
      tpu.vector_store %arg12[%swap3A_1127, %swap3A_1128], %swap3A_1131 {strides = array<i32>} : memref<1x80xi32, #tpu.memory_space<vmem>>, vector<1x16xi32>,
      %dma_start3A_1132 = arith.constant 0 : i32
      %dma_start3A_1133 = arith.constant 0 : i32
      %dma_start3A_1134 = tpu.memref_slice %arg11[%dma_start3A_1132, %dma_start3A_1133] : memref<1x80xi32, #tpu.memory_space<vmem>> -> memref<1x80xi32, #tpu.memory_space<vmem>>
      %dma_start3A_1135 = tpu.memref_squeeze %dma_start3A_1134 : memref<1x80xi32, #tpu.memory_space<vmem>> -> memref<80xi32, #tpu.memory_space<vmem>>
      %dma_start3A_1136 = arith.constant 0 : i32
      %dma_start3A_1137 = arith.constant 0 : i32
      %dma_start3A_1138 = tpu.memref_slice %arg2[%dma_start3A_1136, %dma_start3A_1137] : memref<10000x128xf32, #tpu.memory_space<hbm>> -> memref<10000x128xf32, #tpu.memory_space<hbm>>
      tpu.enqueue_indirect_dma source(%dma_start3A_1138 : memref<10000x128xf32, #tpu.memory_space<hbm>>) target(%arg7 : memref<80x128xf32, #tpu.memory_space<vmem>>) offsets(%dma_start3A_1135 : memref<80xi32, #tpu.memory_space<vmem>>) semaphore(%arg20 : memref<!tpu.dma_semaphore, #tpu.memory_space<semaphore_mem>>)
      %scan3A_1139 = arith.constant 0 : i32
      scf.yield %scan3A_1139 : i32
    }
    %scan3A_386 = arith.constant 41 : i32
    %dma_wait3A = arith.constant 0 : i32
    %dma_wait3A_387 = arith.constant 0 : i32
    %dma_wait3A_388 = tpu.memref_slice %arg9[%dma_wait3A, %dma_wait3A_387] : memref<1x80xi32, #tpu.memory_space<vmem>> -> memref<1x80xi32, #tpu.memory_space<vmem>>
    %dma_wait3A_389 = tpu.memref_squeeze %dma_wait3A_388 : memref<1x80xi32, #tpu.memory_space<vmem>> -> memref<80xi32, #tpu.memory_space<vmem>>
    %dma_wait3A_390 = arith.constant 0 : i32
    %dma_wait3A_391 = arith.constant 0 : i32
    %dma_wait3A_392 = tpu.memref_slice %arg2[%dma_wait3A_390, %dma_wait3A_391] : memref<10000x128xf32, #tpu.memory_space<hbm>> -> memref<10000x128xf32, #tpu.memory_space<hbm>>
    tpu.wait_indirect_dma semaphore(%arg19 : memref<!tpu.dma_semaphore, #tpu.memory_space<semaphore_mem>>) src(%dma_wait3A_392 : memref<10000x128xf32, #tpu.memory_space<hbm>>) dst(%arg6 : memref<80x128xf32, #tpu.memory_space<vmem>>)
    %dma_start3A_393 = arith.constant 0 : i32
    %dma_start3A_394 = arith.constant 0 : i32
    %dma_start3A_395 = tpu.memref_slice %arg10[%dma_start3A_393, %dma_start3A_394] : memref<1x80xi32, #tpu.memory_space<vmem>> -> memref<1x80xi32, #tpu.memory_space<vmem>>
    %dma_start3A_396 = tpu.memref_squeeze %dma_start3A_395 : memref<1x80xi32, #tpu.memory_space<vmem>> -> memref<80xi32, #tpu.memory_space<vmem>>
    %dma_start3A_397 = arith.constant 0 : i32
    %dma_start3A_398 = arith.constant 0 : i32
    %dma_start3A_399 = tpu.memref_slice %arg17[%dma_start3A_397, %dma_start3A_398] : memref<10240x128xf32, #tpu.memory_space<vmem_shared>> -> memref<10240x128xf32, #tpu.memory_space<vmem_shared>>
    tpu.enqueue_indirect_dma source(%arg6 : memref<80x128xf32, #tpu.memory_space<vmem>>) target(%dma_start3A_399 : memref<10240x128xf32, #tpu.memory_space<vmem_shared>>) offsets(%dma_start3A_396 : memref<80xi32, #tpu.memory_space<vmem>>) semaphore(%arg22 : memref<!tpu.dma_semaphore, #tpu.memory_space<semaphore_mem>>) {add = true}
    %gt3A = arith.constant 123 : i32
    %gt3A_400 = arith.constant 0 : i32
    %gt3A_401 = arith.cmpi sgt, %gt3A, %gt3A_400 : i32
    %convert_element_type3A = arith.extui %gt3A_401 : i1 to i32
    %cond3A = arith.constant 0 : i32
    %cond3A_402 = arith.cmpi ne, %convert_element_type3A, %cond3A : i32
    scf.if %cond3A_402 {
      %dma_wait3A_696 = arith.constant 0 : i32
      %dma_wait3A_697 = arith.constant 0 : i32
      %dma_wait3A_698 = tpu.memref_slice %arg14[%dma_wait3A_696, %dma_wait3A_697] : memref<1x80xi32, #tpu.memory_space<vmem>> -> memref<1x80xi32, #tpu.memory_space<vmem>>
      %dma_wait3A_699 = tpu.memref_squeeze %dma_wait3A_698 : memref<1x80xi32, #tpu.memory_space<vmem>> -> memref<80xi32, #tpu.memory_space<vmem>>
      %dma_wait3A_700 = arith.constant 0 : i32
      %dma_wait3A_701 = arith.constant 0 : i32
      %dma_wait3A_702 = tpu.memref_slice %arg17[%dma_wait3A_700, %dma_wait3A_701] : memref<10240x128xf32, #tpu.memory_space<vmem_shared>> -> memref<10240x128xf32, #tpu.memory_space<vmem_shared>>
      tpu.wait_indirect_dma semaphore(%arg24 : memref<!tpu.dma_semaphore, #tpu.memory_space<semaphore_mem>>) src(%arg8 : memref<80x128xf32, #tpu.memory_space<vmem>>) dst(%dma_wait3A_702 : memref<10240x128xf32, #tpu.memory_space<vmem_shared>>)
    } else {
    }
    %ge3A = arith.constant 123 : i32
    %ge3A_403 = arith.constant 123 : i32
    %ge3A_404 = arith.cmpi sge, %ge3A, %ge3A_403 : i32
    %sub3A = arith.constant 123 : i32
    %sub3A_405 = arith.constant 123 : i32
    %sub3A_406 = arith.subi %sub3A, %sub3A_405 : i32
    %add3A_407 = arith.constant 123 : i32
    %add3A_408 = arith.constant 2 : i32
    %add3A_409 = arith.addi %add3A_407, %add3A_408 : i32
    %select_n3A = arith.select %ge3A_404, %sub3A_406, %add3A_409 : i32
    %get3A_410 = arith.index_cast %select_n3A : i32 to index
    %get3A_411 = arith.constant 0 : index
    %get3A_412 = tpu.vector_load %arg5[%get3A_410, %get3A_411] {strides = array<i32>} : memref<125x80xi32, #tpu.memory_space<vmem>>, vector<1x16xi32>,
    %get3A_413 = vector.shape_cast %get3A_412 : vector<1x16xi32> to vector<16xi32>
    %and3A_414 = arith.constant 16383 : i32
    %and3A_415 = vector.broadcast %and3A_414 : i32 to vector<16xi32>
    %and3A_416 = arith.andi %get3A_413, %and3A_415 : vector<16xi32>
    %swap3A_417 = arith.constant 0 : i32
    %swap3A_418 = arith.index_cast %swap3A_417 : i32 to index
    %swap3A_419 = arith.constant 0 : index
    %swap3A_420 = tpu.vector_load %arg13[%swap3A_418, %swap3A_419] {strides = array<i32>} : memref<1x80xi32, #tpu.memory_space<vmem>>, vector<1x16xi32>,
    %swap3A_421 = vector.shape_cast %swap3A_420 : vector<1x16xi32> to vector<16xi32>
    %swap3A_422 = vector.shape_cast %and3A_416 : vector<16xi32> to vector<1x16xi32>
    tpu.vector_store %arg13[%swap3A_418, %swap3A_419], %swap3A_422 {strides = array<i32>} : memref<1x80xi32, #tpu.memory_space<vmem>>, vector<1x16xi32>,
    %shift_right_logical3A_423 = arith.constant 14 : i32
    %shift_right_logical3A_424 = vector.broadcast %shift_right_logical3A_423 : i32 to vector<16xi32>
    %shift_right_logical3A_425 = arith.shrui %get3A_413, %shift_right_logical3A_424 : vector<16xi32>
    %swap3A_426 = arith.constant 0 : i32
    %swap3A_427 = arith.index_cast %swap3A_426 : i32 to index
    %swap3A_428 = arith.constant 0 : index
    %swap3A_429 = tpu.vector_load %arg14[%swap3A_427, %swap3A_428] {strides = array<i32>} : memref<1x80xi32, #tpu.memory_space<vmem>>, vector<1x16xi32>,
    %swap3A_430 = vector.shape_cast %swap3A_429 : vector<1x16xi32> to vector<16xi32>
    %swap3A_431 = vector.shape_cast %shift_right_logical3A_425 : vector<16xi32> to vector<1x16xi32>
    tpu.vector_store %arg14[%swap3A_427, %swap3A_428], %swap3A_431 {strides = array<i32>} : memref<1x80xi32, #tpu.memory_space<vmem>>, vector<1x16xi32>,
    %get3A_432 = arith.index_cast %select_n3A : i32 to index
    %get3A_433 = arith.constant 16 : index
    %get3A_434 = tpu.vector_load %arg5[%get3A_432, %get3A_433] {strides = array<i32>} : memref<125x80xi32, #tpu.memory_space<vmem>>, vector<1x16xi32>,
    %get3A_435 = vector.shape_cast %get3A_434 : vector<1x16xi32> to vector<16xi32>
    %and3A_436 = arith.constant 16383 : i32
    %and3A_437 = vector.broadcast %and3A_436 : i32 to vector<16xi32>
    %and3A_438 = arith.andi %get3A_435, %and3A_437 : vector<16xi32>
    %swap3A_439 = arith.constant 0 : i32
    %swap3A_440 = arith.index_cast %swap3A_439 : i32 to index
    %swap3A_441 = arith.constant 16 : index
    %swap3A_442 = tpu.vector_load %arg13[%swap3A_440, %swap3A_441] {strides = array<i32>} : memref<1x80xi32, #tpu.memory_space<vmem>>, vector<1x16xi32>,
    %swap3A_443 = vector.shape_cast %swap3A_442 : vector<1x16xi32> to vector<16xi32>
    %swap3A_444 = vector.shape_cast %and3A_438 : vector<16xi32> to vector<1x16xi32>
    tpu.vector_store %arg13[%swap3A_440, %swap3A_441], %swap3A_444 {strides = array<i32>} : memref<1x80xi32, #tpu.memory_space<vmem>>, vector<1x16xi32>,
    %shift_right_logical3A_445 = arith.constant 14 : i32
    %shift_right_logical3A_446 = vector.broadcast %shift_right_logical3A_445 : i32 to vector<16xi32>
    %shift_right_logical3A_447 = arith.shrui %get3A_435, %shift_right_logical3A_446 : vector<16xi32>
    %swap3A_448 = arith.constant 0 : i32
    %swap3A_449 = arith.index_cast %swap3A_448 : i32 to index
    %swap3A_450 = arith.constant 16 : index
    %swap3A_451 = tpu.vector_load %arg14[%swap3A_449, %swap3A_450] {strides = array<i32>} : memref<1x80xi32, #tpu.memory_space<vmem>>, vector<1x16xi32>,
    %swap3A_452 = vector.shape_cast %swap3A_451 : vector<1x16xi32> to vector<16xi32>
    %swap3A_453 = vector.shape_cast %shift_right_logical3A_447 : vector<16xi32> to vector<1x16xi32>
    tpu.vector_store %arg14[%swap3A_449, %swap3A_450], %swap3A_453 {strides = array<i32>} : memref<1x80xi32, #tpu.memory_space<vmem>>, vector<1x16xi32>,
    %get3A_454 = arith.index_cast %select_n3A : i32 to index
    %get3A_455 = arith.constant 32 : index
    %get3A_456 = tpu.vector_load %arg5[%get3A_454, %get3A_455] {strides = array<i32>} : memref<125x80xi32, #tpu.memory_space<vmem>>, vector<1x16xi32>,
    %get3A_457 = vector.shape_cast %get3A_456 : vector<1x16xi32> to vector<16xi32>
    %and3A_458 = arith.constant 16383 : i32
    %and3A_459 = vector.broadcast %and3A_458 : i32 to vector<16xi32>
    %and3A_460 = arith.andi %get3A_457, %and3A_459 : vector<16xi32>
    %swap3A_461 = arith.constant 0 : i32
    %swap3A_462 = arith.index_cast %swap3A_461 : i32 to index
    %swap3A_463 = arith.constant 32 : index
    %swap3A_464 = tpu.vector_load %arg13[%swap3A_462, %swap3A_463] {strides = array<i32>} : memref<1x80xi32, #tpu.memory_space<vmem>>, vector<1x16xi32>,
    %swap3A_465 = vector.shape_cast %swap3A_464 : vector<1x16xi32> to vector<16xi32>
    %swap3A_466 = vector.shape_cast %and3A_460 : vector<16xi32> to vector<1x16xi32>
    tpu.vector_store %arg13[%swap3A_462, %swap3A_463], %swap3A_466 {strides = array<i32>} : memref<1x80xi32, #tpu.memory_space<vmem>>, vector<1x16xi32>,
    %shift_right_logical3A_467 = arith.constant 14 : i32
    %shift_right_logical3A_468 = vector.broadcast %shift_right_logical3A_467 : i32 to vector<16xi32>
    %shift_right_logical3A_469 = arith.shrui %get3A_457, %shift_right_logical3A_468 : vector<16xi32>
    %swap3A_470 = arith.constant 0 : i32
    %swap3A_471 = arith.index_cast %swap3A_470 : i32 to index
    %swap3A_472 = arith.constant 32 : index
    %swap3A_473 = tpu.vector_load %arg14[%swap3A_471, %swap3A_472] {strides = array<i32>} : memref<1x80xi32, #tpu.memory_space<vmem>>, vector<1x16xi32>,
    %swap3A_474 = vector.shape_cast %swap3A_473 : vector<1x16xi32> to vector<16xi32>
    %swap3A_475 = vector.shape_cast %shift_right_logical3A_469 : vector<16xi32> to vector<1x16xi32>
    tpu.vector_store %arg14[%swap3A_471, %swap3A_472], %swap3A_475 {strides = array<i32>} : memref<1x80xi32, #tpu.memory_space<vmem>>, vector<1x16xi32>,
    %get3A_476 = arith.index_cast %select_n3A : i32 to index
    %get3A_477 = arith.constant 48 : index
    %get3A_478 = tpu.vector_load %arg5[%get3A_476, %get3A_477] {strides = array<i32>} : memref<125x80xi32, #tpu.memory_space<vmem>>, vector<1x16xi32>,
    %get3A_479 = vector.shape_cast %get3A_478 : vector<1x16xi32> to vector<16xi32>
    %and3A_480 = arith.constant 16383 : i32
    %and3A_481 = vector.broadcast %and3A_480 : i32 to vector<16xi32>
    %and3A_482 = arith.andi %get3A_479, %and3A_481 : vector<16xi32>
    %swap3A_483 = arith.constant 0 : i32
    %swap3A_484 = arith.index_cast %swap3A_483 : i32 to index
    %swap3A_485 = arith.constant 48 : index
    %swap3A_486 = tpu.vector_load %arg13[%swap3A_484, %swap3A_485] {strides = array<i32>} : memref<1x80xi32, #tpu.memory_space<vmem>>, vector<1x16xi32>,
    %swap3A_487 = vector.shape_cast %swap3A_486 : vector<1x16xi32> to vector<16xi32>
    %swap3A_488 = vector.shape_cast %and3A_482 : vector<16xi32> to vector<1x16xi32>
    tpu.vector_store %arg13[%swap3A_484, %swap3A_485], %swap3A_488 {strides = array<i32>} : memref<1x80xi32, #tpu.memory_space<vmem>>, vector<1x16xi32>,
    %shift_right_logical3A_489 = arith.constant 14 : i32
    %shift_right_logical3A_490 = vector.broadcast %shift_right_logical3A_489 : i32 to vector<16xi32>
    %shift_right_logical3A_491 = arith.shrui %get3A_479, %shift_right_logical3A_490 : vector<16xi32>
    %swap3A_492 = arith.constant 0 : i32
    %swap3A_493 = arith.index_cast %swap3A_492 : i32 to index
    %swap3A_494 = arith.constant 48 : index
    %swap3A_495 = tpu.vector_load %arg14[%swap3A_493, %swap3A_494] {strides = array<i32>} : memref<1x80xi32, #tpu.memory_space<vmem>>, vector<1x16xi32>,
    %swap3A_496 = vector.shape_cast %swap3A_495 : vector<1x16xi32> to vector<16xi32>
    %swap3A_497 = vector.shape_cast %shift_right_logical3A_491 : vector<16xi32> to vector<1x16xi32>
    tpu.vector_store %arg14[%swap3A_493, %swap3A_494], %swap3A_497 {strides = array<i32>} : memref<1x80xi32, #tpu.memory_space<vmem>>, vector<1x16xi32>,
    %get3A_498 = arith.index_cast %select_n3A : i32 to index
    %get3A_499 = arith.constant 64 : index
    %get3A_500 = tpu.vector_load %arg5[%get3A_498, %get3A_499] {strides = array<i32>} : memref<125x80xi32, #tpu.memory_space<vmem>>, vector<1x16xi32>,
    %get3A_501 = vector.shape_cast %get3A_500 : vector<1x16xi32> to vector<16xi32>
    %and3A_502 = arith.constant 16383 : i32
    %and3A_503 = vector.broadcast %and3A_502 : i32 to vector<16xi32>
    %and3A_504 = arith.andi %get3A_501, %and3A_503 : vector<16xi32>
    %swap3A_505 = arith.constant 0 : i32
    %swap3A_506 = arith.index_cast %swap3A_505 : i32 to index
    %swap3A_507 = arith.constant 64 : index
    %swap3A_508 = tpu.vector_load %arg13[%swap3A_506, %swap3A_507] {strides = array<i32>} : memref<1x80xi32, #tpu.memory_space<vmem>>, vector<1x16xi32>,
    %swap3A_509 = vector.shape_cast %swap3A_508 : vector<1x16xi32> to vector<16xi32>
    %swap3A_510 = vector.shape_cast %and3A_504 : vector<16xi32> to vector<1x16xi32>
    tpu.vector_store %arg13[%swap3A_506, %swap3A_507], %swap3A_510 {strides = array<i32>} : memref<1x80xi32, #tpu.memory_space<vmem>>, vector<1x16xi32>,
    %shift_right_logical3A_511 = arith.constant 14 : i32
    %shift_right_logical3A_512 = vector.broadcast %shift_right_logical3A_511 : i32 to vector<16xi32>
    %shift_right_logical3A_513 = arith.shrui %get3A_501, %shift_right_logical3A_512 : vector<16xi32>
    %swap3A_514 = arith.constant 0 : i32
    %swap3A_515 = arith.index_cast %swap3A_514 : i32 to index
    %swap3A_516 = arith.constant 64 : index
    %swap3A_517 = tpu.vector_load %arg14[%swap3A_515, %swap3A_516] {strides = array<i32>} : memref<1x80xi32, #tpu.memory_space<vmem>>, vector<1x16xi32>,
    %swap3A_518 = vector.shape_cast %swap3A_517 : vector<1x16xi32> to vector<16xi32>
    %swap3A_519 = vector.shape_cast %shift_right_logical3A_513 : vector<16xi32> to vector<1x16xi32>
    tpu.vector_store %arg14[%swap3A_515, %swap3A_516], %swap3A_519 {strides = array<i32>} : memref<1x80xi32, #tpu.memory_space<vmem>>, vector<1x16xi32>,
    %dma_start3A_520 = arith.constant 0 : i32
    %dma_start3A_521 = arith.constant 0 : i32
    %dma_start3A_522 = tpu.memref_slice %arg13[%dma_start3A_520, %dma_start3A_521] : memref<1x80xi32, #tpu.memory_space<vmem>> -> memref<1x80xi32, #tpu.memory_space<vmem>>
    %dma_start3A_523 = tpu.memref_squeeze %dma_start3A_522 : memref<1x80xi32, #tpu.memory_space<vmem>> -> memref<80xi32, #tpu.memory_space<vmem>>
    %dma_start3A_524 = arith.constant 0 : i32
    %dma_start3A_525 = arith.constant 0 : i32
    %dma_start3A_526 = tpu.memref_slice %arg2[%dma_start3A_524, %dma_start3A_525] : memref<10000x128xf32, #tpu.memory_space<hbm>> -> memref<10000x128xf32, #tpu.memory_space<hbm>>
    tpu.enqueue_indirect_dma source(%dma_start3A_526 : memref<10000x128xf32, #tpu.memory_space<hbm>>) target(%arg8 : memref<80x128xf32, #tpu.memory_space<vmem>>) offsets(%dma_start3A_523 : memref<80xi32, #tpu.memory_space<vmem>>) semaphore(%arg21 : memref<!tpu.dma_semaphore, #tpu.memory_space<semaphore_mem>>)
    %dma_wait3A_527 = arith.constant 0 : i32
    %dma_wait3A_528 = arith.constant 0 : i32
    %dma_wait3A_529 = tpu.memref_slice %arg11[%dma_wait3A_527, %dma_wait3A_528] : memref<1x80xi32, #tpu.memory_space<vmem>> -> memref<1x80xi32, #tpu.memory_space<vmem>>
    %dma_wait3A_530 = tpu.memref_squeeze %dma_wait3A_529 : memref<1x80xi32, #tpu.memory_space<vmem>> -> memref<80xi32, #tpu.memory_space<vmem>>
    %dma_wait3A_531 = arith.constant 0 : i32
    %dma_wait3A_532 = arith.constant 0 : i32
    %dma_wait3A_533 = tpu.memref_slice %arg2[%dma_wait3A_531, %dma_wait3A_532] : memref<10000x128xf32, #tpu.memory_space<hbm>> -> memref<10000x128xf32, #tpu.memory_space<hbm>>
    tpu.wait_indirect_dma semaphore(%arg20 : memref<!tpu.dma_semaphore, #tpu.memory_space<semaphore_mem>>) src(%dma_wait3A_533 : memref<10000x128xf32, #tpu.memory_space<hbm>>) dst(%arg7 : memref<80x128xf32, #tpu.memory_space<vmem>>)
    %dma_start3A_534 = arith.constant 0 : i32
    %dma_start3A_535 = arith.constant 0 : i32
    %dma_start3A_536 = tpu.memref_slice %arg12[%dma_start3A_534, %dma_start3A_535] : memref<1x80xi32, #tpu.memory_space<vmem>> -> memref<1x80xi32, #tpu.memory_space<vmem>>
    %dma_start3A_537 = tpu.memref_squeeze %dma_start3A_536 : memref<1x80xi32, #tpu.memory_space<vmem>> -> memref<80xi32, #tpu.memory_space<vmem>>
    %dma_start3A_538 = arith.constant 0 : i32
    %dma_start3A_539 = arith.constant 0 : i32
    %dma_start3A_540 = tpu.memref_slice %arg17[%dma_start3A_538, %dma_start3A_539] : memref<10240x128xf32, #tpu.memory_space<vmem_shared>> -> memref<10240x128xf32, #tpu.memory_space<vmem_shared>>
    tpu.enqueue_indirect_dma source(%arg7 : memref<80x128xf32, #tpu.memory_space<vmem>>) target(%dma_start3A_540 : memref<10240x128xf32, #tpu.memory_space<vmem_shared>>) offsets(%dma_start3A_537 : memref<80xi32, #tpu.memory_space<vmem>>) semaphore(%arg23 : memref<!tpu.dma_semaphore, #tpu.memory_space<semaphore_mem>>) {add = true}
    %gt3A_541 = arith.constant 124 : i32
    %gt3A_542 = arith.constant 0 : i32
    %gt3A_543 = arith.cmpi sgt, %gt3A_541, %gt3A_542 : i32
    %convert_element_type3A_544 = arith.extui %gt3A_543 : i1 to i32
    %cond3A_545 = arith.constant 0 : i32
    %cond3A_546 = arith.cmpi ne, %convert_element_type3A_544, %cond3A_545 : i32
    scf.if %cond3A_546 {
      %dma_wait3A_696 = arith.constant 0 : i32
      %dma_wait3A_697 = arith.constant 0 : i32
      %dma_wait3A_698 = tpu.memref_slice %arg10[%dma_wait3A_696, %dma_wait3A_697] : memref<1x80xi32, #tpu.memory_space<vmem>> -> memref<1x80xi32, #tpu.memory_space<vmem>>
      %dma_wait3A_699 = tpu.memref_squeeze %dma_wait3A_698 : memref<1x80xi32, #tpu.memory_space<vmem>> -> memref<80xi32, #tpu.memory_space<vmem>>
      %dma_wait3A_700 = arith.constant 0 : i32
      %dma_wait3A_701 = arith.constant 0 : i32
      %dma_wait3A_702 = tpu.memref_slice %arg17[%dma_wait3A_700, %dma_wait3A_701] : memref<10240x128xf32, #tpu.memory_space<vmem_shared>> -> memref<10240x128xf32, #tpu.memory_space<vmem_shared>>
      tpu.wait_indirect_dma semaphore(%arg22 : memref<!tpu.dma_semaphore, #tpu.memory_space<semaphore_mem>>) src(%arg6 : memref<80x128xf32, #tpu.memory_space<vmem>>) dst(%dma_wait3A_702 : memref<10240x128xf32, #tpu.memory_space<vmem_shared>>)
    } else {
    }
    %ge3A_547 = arith.constant 124 : i32
    %ge3A_548 = arith.constant 123 : i32
    %ge3A_549 = arith.cmpi sge, %ge3A_547, %ge3A_548 : i32
    %sub3A_550 = arith.constant 124 : i32
    %sub3A_551 = arith.constant 123 : i32
    %sub3A_552 = arith.subi %sub3A_550, %sub3A_551 : i32
    %add3A_553 = arith.constant 124 : i32
    %add3A_554 = arith.constant 2 : i32
    %add3A_555 = arith.addi %add3A_553, %add3A_554 : i32
    %select_n3A_556 = arith.select %ge3A_549, %sub3A_552, %add3A_555 : i32
    %get3A_557 = arith.index_cast %select_n3A_556 : i32 to index
    %get3A_558 = arith.constant 0 : index
    %get3A_559 = tpu.vector_load %arg5[%get3A_557, %get3A_558] {strides = array<i32>} : memref<125x80xi32, #tpu.memory_space<vmem>>, vector<1x16xi32>,
    %get3A_560 = vector.shape_cast %get3A_559 : vector<1x16xi32> to vector<16xi32>
    %and3A_561 = arith.constant 16383 : i32
    %and3A_562 = vector.broadcast %and3A_561 : i32 to vector<16xi32>
    %and3A_563 = arith.andi %get3A_560, %and3A_562 : vector<16xi32>
    %swap3A_564 = arith.constant 0 : i32
    %swap3A_565 = arith.index_cast %swap3A_564 : i32 to index
    %swap3A_566 = arith.constant 0 : index
    %swap3A_567 = tpu.vector_load %arg9[%swap3A_565, %swap3A_566] {strides = array<i32>} : memref<1x80xi32, #tpu.memory_space<vmem>>, vector<1x16xi32>,
    %swap3A_568 = vector.shape_cast %swap3A_567 : vector<1x16xi32> to vector<16xi32>
    %swap3A_569 = vector.shape_cast %and3A_563 : vector<16xi32> to vector<1x16xi32>
    tpu.vector_store %arg9[%swap3A_565, %swap3A_566], %swap3A_569 {strides = array<i32>} : memref<1x80xi32, #tpu.memory_space<vmem>>, vector<1x16xi32>,
    %shift_right_logical3A_570 = arith.constant 14 : i32
    %shift_right_logical3A_571 = vector.broadcast %shift_right_logical3A_570 : i32 to vector<16xi32>
    %shift_right_logical3A_572 = arith.shrui %get3A_560, %shift_right_logical3A_571 : vector<16xi32>
    %swap3A_573 = arith.constant 0 : i32
    %swap3A_574 = arith.index_cast %swap3A_573 : i32 to index
    %swap3A_575 = arith.constant 0 : index
    %swap3A_576 = tpu.vector_load %arg10[%swap3A_574, %swap3A_575] {strides = array<i32>} : memref<1x80xi32, #tpu.memory_space<vmem>>, vector<1x16xi32>,
    %swap3A_577 = vector.shape_cast %swap3A_576 : vector<1x16xi32> to vector<16xi32>
    %swap3A_578 = vector.shape_cast %shift_right_logical3A_572 : vector<16xi32> to vector<1x16xi32>
    tpu.vector_store %arg10[%swap3A_574, %swap3A_575], %swap3A_578 {strides = array<i32>} : memref<1x80xi32, #tpu.memory_space<vmem>>, vector<1x16xi32>,
    %get3A_579 = arith.index_cast %select_n3A_556 : i32 to index
    %get3A_580 = arith.constant 16 : index
    %get3A_581 = tpu.vector_load %arg5[%get3A_579, %get3A_580] {strides = array<i32>} : memref<125x80xi32, #tpu.memory_space<vmem>>, vector<1x16xi32>,
    %get3A_582 = vector.shape_cast %get3A_581 : vector<1x16xi32> to vector<16xi32>
    %and3A_583 = arith.constant 16383 : i32
    %and3A_584 = vector.broadcast %and3A_583 : i32 to vector<16xi32>
    %and3A_585 = arith.andi %get3A_582, %and3A_584 : vector<16xi32>
    %swap3A_586 = arith.constant 0 : i32
    %swap3A_587 = arith.index_cast %swap3A_586 : i32 to index
    %swap3A_588 = arith.constant 16 : index
    %swap3A_589 = tpu.vector_load %arg9[%swap3A_587, %swap3A_588] {strides = array<i32>} : memref<1x80xi32, #tpu.memory_space<vmem>>, vector<1x16xi32>,
    %swap3A_590 = vector.shape_cast %swap3A_589 : vector<1x16xi32> to vector<16xi32>
    %swap3A_591 = vector.shape_cast %and3A_585 : vector<16xi32> to vector<1x16xi32>
    tpu.vector_store %arg9[%swap3A_587, %swap3A_588], %swap3A_591 {strides = array<i32>} : memref<1x80xi32, #tpu.memory_space<vmem>>, vector<1x16xi32>,
    %shift_right_logical3A_592 = arith.constant 14 : i32
    %shift_right_logical3A_593 = vector.broadcast %shift_right_logical3A_592 : i32 to vector<16xi32>
    %shift_right_logical3A_594 = arith.shrui %get3A_582, %shift_right_logical3A_593 : vector<16xi32>
    %swap3A_595 = arith.constant 0 : i32
    %swap3A_596 = arith.index_cast %swap3A_595 : i32 to index
    %swap3A_597 = arith.constant 16 : index
    %swap3A_598 = tpu.vector_load %arg10[%swap3A_596, %swap3A_597] {strides = array<i32>} : memref<1x80xi32, #tpu.memory_space<vmem>>, vector<1x16xi32>,
    %swap3A_599 = vector.shape_cast %swap3A_598 : vector<1x16xi32> to vector<16xi32>
    %swap3A_600 = vector.shape_cast %shift_right_logical3A_594 : vector<16xi32> to vector<1x16xi32>
    tpu.vector_store %arg10[%swap3A_596, %swap3A_597], %swap3A_600 {strides = array<i32>} : memref<1x80xi32, #tpu.memory_space<vmem>>, vector<1x16xi32>,
    %get3A_601 = arith.index_cast %select_n3A_556 : i32 to index
    %get3A_602 = arith.constant 32 : index
    %get3A_603 = tpu.vector_load %arg5[%get3A_601, %get3A_602] {strides = array<i32>} : memref<125x80xi32, #tpu.memory_space<vmem>>, vector<1x16xi32>,
    %get3A_604 = vector.shape_cast %get3A_603 : vector<1x16xi32> to vector<16xi32>
    %and3A_605 = arith.constant 16383 : i32
    %and3A_606 = vector.broadcast %and3A_605 : i32 to vector<16xi32>
    %and3A_607 = arith.andi %get3A_604, %and3A_606 : vector<16xi32>
    %swap3A_608 = arith.constant 0 : i32
    %swap3A_609 = arith.index_cast %swap3A_608 : i32 to index
    %swap3A_610 = arith.constant 32 : index
    %swap3A_611 = tpu.vector_load %arg9[%swap3A_609, %swap3A_610] {strides = array<i32>} : memref<1x80xi32, #tpu.memory_space<vmem>>, vector<1x16xi32>,
    %swap3A_612 = vector.shape_cast %swap3A_611 : vector<1x16xi32> to vector<16xi32>
    %swap3A_613 = vector.shape_cast %and3A_607 : vector<16xi32> to vector<1x16xi32>
    tpu.vector_store %arg9[%swap3A_609, %swap3A_610], %swap3A_613 {strides = array<i32>} : memref<1x80xi32, #tpu.memory_space<vmem>>, vector<1x16xi32>,
    %shift_right_logical3A_614 = arith.constant 14 : i32
    %shift_right_logical3A_615 = vector.broadcast %shift_right_logical3A_614 : i32 to vector<16xi32>
    %shift_right_logical3A_616 = arith.shrui %get3A_604, %shift_right_logical3A_615 : vector<16xi32>
    %swap3A_617 = arith.constant 0 : i32
    %swap3A_618 = arith.index_cast %swap3A_617 : i32 to index
    %swap3A_619 = arith.constant 32 : index
    %swap3A_620 = tpu.vector_load %arg10[%swap3A_618, %swap3A_619] {strides = array<i32>} : memref<1x80xi32, #tpu.memory_space<vmem>>, vector<1x16xi32>,
    %swap3A_621 = vector.shape_cast %swap3A_620 : vector<1x16xi32> to vector<16xi32>
    %swap3A_622 = vector.shape_cast %shift_right_logical3A_616 : vector<16xi32> to vector<1x16xi32>
    tpu.vector_store %arg10[%swap3A_618, %swap3A_619], %swap3A_622 {strides = array<i32>} : memref<1x80xi32, #tpu.memory_space<vmem>>, vector<1x16xi32>,
    %get3A_623 = arith.index_cast %select_n3A_556 : i32 to index
    %get3A_624 = arith.constant 48 : index
    %get3A_625 = tpu.vector_load %arg5[%get3A_623, %get3A_624] {strides = array<i32>} : memref<125x80xi32, #tpu.memory_space<vmem>>, vector<1x16xi32>,
    %get3A_626 = vector.shape_cast %get3A_625 : vector<1x16xi32> to vector<16xi32>
    %and3A_627 = arith.constant 16383 : i32
    %and3A_628 = vector.broadcast %and3A_627 : i32 to vector<16xi32>
    %and3A_629 = arith.andi %get3A_626, %and3A_628 : vector<16xi32>
    %swap3A_630 = arith.constant 0 : i32
    %swap3A_631 = arith.index_cast %swap3A_630 : i32 to index
    %swap3A_632 = arith.constant 48 : index
    %swap3A_633 = tpu.vector_load %arg9[%swap3A_631, %swap3A_632] {strides = array<i32>} : memref<1x80xi32, #tpu.memory_space<vmem>>, vector<1x16xi32>,
    %swap3A_634 = vector.shape_cast %swap3A_633 : vector<1x16xi32> to vector<16xi32>
    %swap3A_635 = vector.shape_cast %and3A_629 : vector<16xi32> to vector<1x16xi32>
    tpu.vector_store %arg9[%swap3A_631, %swap3A_632], %swap3A_635 {strides = array<i32>} : memref<1x80xi32, #tpu.memory_space<vmem>>, vector<1x16xi32>,
    %shift_right_logical3A_636 = arith.constant 14 : i32
    %shift_right_logical3A_637 = vector.broadcast %shift_right_logical3A_636 : i32 to vector<16xi32>
    %shift_right_logical3A_638 = arith.shrui %get3A_626, %shift_right_logical3A_637 : vector<16xi32>
    %swap3A_639 = arith.constant 0 : i32
    %swap3A_640 = arith.index_cast %swap3A_639 : i32 to index
    %swap3A_641 = arith.constant 48 : index
    %swap3A_642 = tpu.vector_load %arg10[%swap3A_640, %swap3A_641] {strides = array<i32>} : memref<1x80xi32, #tpu.memory_space<vmem>>, vector<1x16xi32>,
    %swap3A_643 = vector.shape_cast %swap3A_642 : vector<1x16xi32> to vector<16xi32>
    %swap3A_644 = vector.shape_cast %shift_right_logical3A_638 : vector<16xi32> to vector<1x16xi32>
    tpu.vector_store %arg10[%swap3A_640, %swap3A_641], %swap3A_644 {strides = array<i32>} : memref<1x80xi32, #tpu.memory_space<vmem>>, vector<1x16xi32>,
    %get3A_645 = arith.index_cast %select_n3A_556 : i32 to index
    %get3A_646 = arith.constant 64 : index
    %get3A_647 = tpu.vector_load %arg5[%get3A_645, %get3A_646] {strides = array<i32>} : memref<125x80xi32, #tpu.memory_space<vmem>>, vector<1x16xi32>,
    %get3A_648 = vector.shape_cast %get3A_647 : vector<1x16xi32> to vector<16xi32>
    %and3A_649 = arith.constant 16383 : i32
    %and3A_650 = vector.broadcast %and3A_649 : i32 to vector<16xi32>
    %and3A_651 = arith.andi %get3A_648, %and3A_650 : vector<16xi32>
    %swap3A_652 = arith.constant 0 : i32
    %swap3A_653 = arith.index_cast %swap3A_652 : i32 to index
    %swap3A_654 = arith.constant 64 : index
    %swap3A_655 = tpu.vector_load %arg9[%swap3A_653, %swap3A_654] {strides = array<i32>} : memref<1x80xi32, #tpu.memory_space<vmem>>, vector<1x16xi32>,
    %swap3A_656 = vector.shape_cast %swap3A_655 : vector<1x16xi32> to vector<16xi32>
    %swap3A_657 = vector.shape_cast %and3A_651 : vector<16xi32> to vector<1x16xi32>
    tpu.vector_store %arg9[%swap3A_653, %swap3A_654], %swap3A_657 {strides = array<i32>} : memref<1x80xi32, #tpu.memory_space<vmem>>, vector<1x16xi32>,
    %shift_right_logical3A_658 = arith.constant 14 : i32
    %shift_right_logical3A_659 = vector.broadcast %shift_right_logical3A_658 : i32 to vector<16xi32>
    %shift_right_logical3A_660 = arith.shrui %get3A_648, %shift_right_logical3A_659 : vector<16xi32>
    %swap3A_661 = arith.constant 0 : i32
    %swap3A_662 = arith.index_cast %swap3A_661 : i32 to index
    %swap3A_663 = arith.constant 64 : index
    %swap3A_664 = tpu.vector_load %arg10[%swap3A_662, %swap3A_663] {strides = array<i32>} : memref<1x80xi32, #tpu.memory_space<vmem>>, vector<1x16xi32>,
    %swap3A_665 = vector.shape_cast %swap3A_664 : vector<1x16xi32> to vector<16xi32>
    %swap3A_666 = vector.shape_cast %shift_right_logical3A_660 : vector<16xi32> to vector<1x16xi32>
    tpu.vector_store %arg10[%swap3A_662, %swap3A_663], %swap3A_666 {strides = array<i32>} : memref<1x80xi32, #tpu.memory_space<vmem>>, vector<1x16xi32>,
    %dma_start3A_667 = arith.constant 0 : i32
    %dma_start3A_668 = arith.constant 0 : i32
    %dma_start3A_669 = tpu.memref_slice %arg9[%dma_start3A_667, %dma_start3A_668] : memref<1x80xi32, #tpu.memory_space<vmem>> -> memref<1x80xi32, #tpu.memory_space<vmem>>
    %dma_start3A_670 = tpu.memref_squeeze %dma_start3A_669 : memref<1x80xi32, #tpu.memory_space<vmem>> -> memref<80xi32, #tpu.memory_space<vmem>>
    %dma_start3A_671 = arith.constant 0 : i32
    %dma_start3A_672 = arith.constant 0 : i32
    %dma_start3A_673 = tpu.memref_slice %arg2[%dma_start3A_671, %dma_start3A_672] : memref<10000x128xf32, #tpu.memory_space<hbm>> -> memref<10000x128xf32, #tpu.memory_space<hbm>>
    tpu.enqueue_indirect_dma source(%dma_start3A_673 : memref<10000x128xf32, #tpu.memory_space<hbm>>) target(%arg6 : memref<80x128xf32, #tpu.memory_space<vmem>>) offsets(%dma_start3A_670 : memref<80xi32, #tpu.memory_space<vmem>>) semaphore(%arg19 : memref<!tpu.dma_semaphore, #tpu.memory_space<semaphore_mem>>)
    %dma_wait3A_674 = arith.constant 0 : i32
    %dma_wait3A_675 = arith.constant 0 : i32
    %dma_wait3A_676 = tpu.memref_slice %arg12[%dma_wait3A_674, %dma_wait3A_675] : memref<1x80xi32, #tpu.memory_space<vmem>> -> memref<1x80xi32, #tpu.memory_space<vmem>>
    %dma_wait3A_677 = tpu.memref_squeeze %dma_wait3A_676 : memref<1x80xi32, #tpu.memory_space<vmem>> -> memref<80xi32, #tpu.memory_space<vmem>>
    %dma_wait3A_678 = arith.constant 0 : i32
    %dma_wait3A_679 = arith.constant 0 : i32
    %dma_wait3A_680 = tpu.memref_slice %arg17[%dma_wait3A_678, %dma_wait3A_679] : memref<10240x128xf32, #tpu.memory_space<vmem_shared>> -> memref<10240x128xf32, #tpu.memory_space<vmem_shared>>
    tpu.wait_indirect_dma semaphore(%arg23 : memref<!tpu.dma_semaphore, #tpu.memory_space<semaphore_mem>>) src(%arg7 : memref<80x128xf32, #tpu.memory_space<vmem>>) dst(%dma_wait3A_680 : memref<10240x128xf32, #tpu.memory_space<vmem_shared>>)
    %dma_wait3A_681 = arith.constant 0 : i32
    %dma_wait3A_682 = arith.constant 0 : i32
    %dma_wait3A_683 = tpu.memref_slice %arg13[%dma_wait3A_681, %dma_wait3A_682] : memref<1x80xi32, #tpu.memory_space<vmem>> -> memref<1x80xi32, #tpu.memory_space<vmem>>
    %dma_wait3A_684 = tpu.memref_squeeze %dma_wait3A_683 : memref<1x80xi32, #tpu.memory_space<vmem>> -> memref<80xi32, #tpu.memory_space<vmem>>
    %dma_wait3A_685 = arith.constant 0 : i32
    %dma_wait3A_686 = arith.constant 0 : i32
    %dma_wait3A_687 = tpu.memref_slice %arg2[%dma_wait3A_685, %dma_wait3A_686] : memref<10000x128xf32, #tpu.memory_space<hbm>> -> memref<10000x128xf32, #tpu.memory_space<hbm>>
    tpu.wait_indirect_dma semaphore(%arg21 : memref<!tpu.dma_semaphore, #tpu.memory_space<semaphore_mem>>) src(%dma_wait3A_687 : memref<10000x128xf32, #tpu.memory_space<hbm>>) dst(%arg8 : memref<80x128xf32, #tpu.memory_space<vmem>>)
    %dma_wait3A_688 = arith.constant 0 : i32
    %dma_wait3A_689 = arith.constant 0 : i32
    %dma_wait3A_690 = tpu.memref_slice %arg9[%dma_wait3A_688, %dma_wait3A_689] : memref<1x80xi32, #tpu.memory_space<vmem>> -> memref<1x80xi32, #tpu.memory_space<vmem>>
    %dma_wait3A_691 = tpu.memref_squeeze %dma_wait3A_690 : memref<1x80xi32, #tpu.memory_space<vmem>> -> memref<80xi32, #tpu.memory_space<vmem>>
    %dma_wait3A_692 = arith.constant 0 : i32
    %dma_wait3A_693 = arith.constant 0 : i32
    %dma_wait3A_694 = tpu.memref_slice %arg2[%dma_wait3A_692, %dma_wait3A_693] : memref<10000x128xf32, #tpu.memory_space<hbm>> -> memref<10000x128xf32, #tpu.memory_space<hbm>>
    tpu.wait_indirect_dma semaphore(%arg19 : memref<!tpu.dma_semaphore, #tpu.memory_space<semaphore_mem>>) src(%dma_wait3A_694 : memref<10000x128xf32, #tpu.memory_space<hbm>>) dst(%arg6 : memref<80x128xf32, #tpu.memory_space<vmem>>)
    %barrier3A_695 = arith.constant 0 : index
    tpu.barrier barrier_id(%barrier3A_695)
    "tpu.region"() ({
      %run_scoped3A = tpu.sem_alloc : memref<!tpu.dma_semaphore, #tpu.memory_space<semaphore_mem>>
      %dma_start3A_696 = arith.constant 0 : i32
      %dma_start3A_697 = tpu.memref_slice %arg4[%arg0, %mul3A_0, %dma_start3A_696] : memref<2x10240x128xf32, #tpu.memory_space<hbm>> -> memref<1x640x128xf32, #tpu.memory_space<hbm>>
      %dma_start3A_698 = tpu.memref_squeeze %dma_start3A_697 : memref<1x640x128xf32, #tpu.memory_space<hbm>> -> memref<640x128xf32, #tpu.memory_space<hbm>>
      %dma_start3A_699 = arith.constant 0 : i32
      %dma_start3A_700 = tpu.memref_slice %arg17[%mul3A_0, %dma_start3A_699] : memref<10240x128xf32, #tpu.memory_space<vmem_shared>> -> memref<640x128xf32, #tpu.memory_space<vmem_shared>>
      tpu.enqueue_dma source(%dma_start3A_700 : memref<640x128xf32, #tpu.memory_space<vmem_shared>>) target(%dma_start3A_698 : memref<640x128xf32, #tpu.memory_space<hbm>>) target_semaphore(%run_scoped3A : memref<!tpu.dma_semaphore, #tpu.memory_space<semaphore_mem>>)
      %dma_wait3A_701 = arith.constant 0 : i32
      %dma_wait3A_702 = tpu.memref_slice %arg4[%arg0, %mul3A_0, %dma_wait3A_701] : memref<2x10240x128xf32, #tpu.memory_space<hbm>> -> memref<1x640x128xf32, #tpu.memory_space<hbm>>
      %dma_wait3A_703 = tpu.memref_squeeze %dma_wait3A_702 : memref<1x640x128xf32, #tpu.memory_space<hbm>> -> memref<640x128xf32, #tpu.memory_space<hbm>>
      %dma_wait3A_704 = arith.constant 0 : i32
      %dma_wait3A_705 = tpu.memref_slice %arg17[%mul3A_0, %dma_wait3A_704] : memref<10240x128xf32, #tpu.memory_space<vmem_shared>> -> memref<640x128xf32, #tpu.memory_space<vmem_shared>>
      tpu.wait_dma2 semaphore(%run_scoped3A : memref<!tpu.dma_semaphore, #tpu.memory_space<semaphore_mem>>) src(%dma_wait3A_705 : memref<640x128xf32, #tpu.memory_space<vmem_shared>>) dst(%dma_wait3A_703 : memref<640x128xf32, #tpu.memory_space<hbm>>)
      tpu.yield
    }) : () -> ()
    return
  }
}

#map = affine_map<(d0, d1) -> (0, 0)>
#map1 = affine_map<(d0, d1) -> (0, 0, 0)>
module attributes {stable_mosaic.version = 14 : i64} {
  func.func @body(%arg0: i32, %arg1: i32, %arg2: memref<10000x128xf32, #tpu.memory_space<hbm>>, %arg3: memref<32x125x80xi32, #tpu.memory_space<hbm>>, %arg4: memref<2x10240x128xf32, #tpu.memory_space<hbm>>, %arg5: memref<2x10240xf32, #tpu.memory_space<hbm>>, %arg6: memref<125x80xi32, #tpu.memory_space<vmem>>, %arg7: memref<80x128xf32, #tpu.memory_space<vmem>>, %arg8: memref<80x128xf32, #tpu.memory_space<vmem>>, %arg9: memref<80x128xf32, #tpu.memory_space<vmem>>, %arg10: memref<1x80xi32, #tpu.memory_space<vmem>>, %arg11: memref<1x80xi32, #tpu.memory_space<vmem>>, %arg12: memref<1x80xi32, #tpu.memory_space<vmem>>, %arg13: memref<1x80xi32, #tpu.memory_space<vmem>>, %arg14: memref<1x80xi32, #tpu.memory_space<vmem>>, %arg15: memref<1x80xi32, #tpu.memory_space<vmem>>, %arg16: memref<1x80xf32, #tpu.memory_space<vmem>>, %arg17: memref<80xf32, #tpu.memory_space<vmem>>, %arg18: memref<10240x128xf32, #tpu.memory_space<vmem_shared>>, %arg19: memref<10240xf32, #tpu.memory_space<vmem_shared>>, %arg20: memref<!tpu.dma_semaphore, #tpu.memory_space<semaphore_mem>>, %arg21: memref<!tpu.dma_semaphore, #tpu.memory_space<semaphore_mem>>, %arg22: memref<!tpu.dma_semaphore, #tpu.memory_space<semaphore_mem>>, %arg23: memref<!tpu.dma_semaphore, #tpu.memory_space<semaphore_mem>>, %arg24: memref<!tpu.dma_semaphore, #tpu.memory_space<semaphore_mem>>, %arg25: memref<!tpu.dma_semaphore, #tpu.memory_space<semaphore_mem>>, %arg26: memref<!tpu.dma_semaphore, #tpu.memory_space<semaphore_mem>>) attributes {dimension_semantics = [#tpu.dimension_semantics<core_parallel>, #tpu.dimension_semantics<subcore_parallel>], iteration_bounds = array<i64: 2, 16>, scalar_prefetch = 0 : i64, scratch_operands = 21 : i64, tpu.core_type = #tpu.core_type<sc_vector_subcore>, window_params = [{transform_indices = #map}, {transform_indices = #map1}, {transform_indices = #map1}, {transform_indices = #map}]} {
    %mul3A = arith.constant 640 : i32
    %mul3A_0 = arith.muli %arg1, %mul3A : i32
    %mul3A_1 = arith.constant 2 : i32
    %mul3A_2 = arith.muli %arg1, %mul3A_1 : i32
    %add3A = arith.addi %mul3A_2, %arg0 : i32
    %broadcast_in_dim3A = arith.constant 0.000000e+00 : f32
    %broadcast_in_dim3A_3 = vector.broadcast %broadcast_in_dim3A : f32 to vector<16xf32>
    %scan3A = arith.constant 0 : i32
    %scan3A_4 = arith.constant 0 : i32
    %scan3A_5 = arith.constant 640 : i32
    %scan3A_6 = arith.addi %scan3A_4, %scan3A_5 : i32
    %scan3A_7 = arith.constant 1 : i32
    %scan3A_8 = scf.for %scan3A_751 = %scan3A_4 to %scan3A_6 step %scan3A_7 iter_args(%scan3A_752 = %scan3A) -> (i32)  : i32 {
      %jit3A = arith.constant 8 : i32
      %div3A = arith.divsi %scan3A_751, %jit3A : i32
      %sign3A = arith.constant 0 : i32
      %sign3A_753 = arith.cmpi sgt, %scan3A_751, %sign3A : i32
      %sign3A_754 = arith.extui %sign3A_753 : i1 to i32
      %sign3A_755 = arith.constant 0 : i32
      %sign3A_756 = arith.cmpi slt, %scan3A_751, %sign3A_755 : i32
      %sign3A_757 = arith.extui %sign3A_756 : i1 to i32
      %sign3A_758 = arith.subi %sign3A_754, %sign3A_757 : i32
      %sign3A_759 = arith.constant 0 : i32
      %sign3A_760 = arith.cmpi sgt, %jit3A, %sign3A_759 : i32
      %sign3A_761 = arith.extui %sign3A_760 : i1 to i32
      %sign3A_762 = arith.constant 0 : i32
      %sign3A_763 = arith.cmpi slt, %jit3A, %sign3A_762 : i32
      %sign3A_764 = arith.extui %sign3A_763 : i1 to i32
      %sign3A_765 = arith.subi %sign3A_761, %sign3A_764 : i32
      %ne3A = arith.cmpi ne, %sign3A_758, %sign3A_765 : i32
      %rem3A = arith.remsi %scan3A_751, %jit3A : i32
      %ne3A_766 = arith.constant 0 : i32
      %ne3A_767 = arith.cmpi ne, %rem3A, %ne3A_766 : i32
      %and3A_768 = arith.andi %ne3A, %ne3A_767 : i1
      %sub3A_769 = arith.constant 1 : i32
      %sub3A_770 = arith.subi %div3A, %sub3A_769 : i32
      %select_n3A_771 = arith.select %and3A_768, %sub3A_770, %div3A : i32
      %jit3A_772 = arith.constant 8 : i32
      %eq3A = arith.constant 0 : i32
      %eq3A_773 = arith.cmpi eq, %jit3A_772, %eq3A : i32
      %jit3A_774 = arith.constant 1 : i32
      %select_n3A_775 = arith.select %eq3A_773, %jit3A_774, %jit3A_772 : i32
      %rem3A_776 = arith.remsi %scan3A_751, %select_n3A_775 : i32
      %ne3A_777 = arith.constant 0 : i32
      %ne3A_778 = arith.cmpi ne, %rem3A_776, %ne3A_777 : i32
      %lt3A = arith.constant 0 : i32
      %lt3A_779 = arith.cmpi slt, %rem3A_776, %lt3A : i32
      %lt3A_780 = arith.constant 0 : i32
      %lt3A_781 = arith.cmpi slt, %select_n3A_775, %lt3A_780 : i32
      %ne3A_782 = arith.xori %lt3A_779, %lt3A_781 : i1
      %and3A_783 = arith.andi %ne3A_782, %ne3A_778 : i1
      %add3A_784 = arith.addi %rem3A_776, %select_n3A_775 : i32
      %select_n3A_785 = arith.select %and3A_783, %add3A_784, %rem3A_776 : i32
      %mul3A_786 = arith.constant 16 : i32
      %mul3A_787 = arith.muli %select_n3A_785, %mul3A_786 : i32
      %swap3A_788 = arith.index_cast %select_n3A_771 : i32 to index
      %swap3A_789 = arith.index_cast %mul3A_787 : i32 to index
      %swap3A_790 = tpu.vector_load %arg7[%swap3A_788, %swap3A_789] {strides = array<i32>} : memref<80x128xf32, #tpu.memory_space<vmem>>, vector<1x16xf32>,
      %swap3A_791 = vector.shape_cast %swap3A_790 : vector<1x16xf32> to vector<16xf32>
      %swap3A_792 = vector.shape_cast %broadcast_in_dim3A_3 : vector<16xf32> to vector<1x16xf32>
      tpu.vector_store %arg7[%swap3A_788, %swap3A_789], %swap3A_792 {strides = array<i32>} : memref<80x128xf32, #tpu.memory_space<vmem>>, vector<1x16xf32>,
      %scan3A_793 = arith.constant 0 : i32
      scf.yield %scan3A_793 : i32
    }
    %scan3A_9 = arith.constant 640 : i32
    %add3A_10 = arith.constant 0 : i32
    %add3A_11 = arith.addi %mul3A_0, %add3A_10 : i32
    "tpu.region"() ({
      %run_scoped3A = tpu.sem_alloc : memref<!tpu.dma_semaphore, #tpu.memory_space<semaphore_mem>>
      %dma_start3A_751 = arith.constant 0 : i32
      %dma_start3A_752 = tpu.memref_slice %arg18[%add3A_11, %dma_start3A_751] : memref<10240x128xf32, #tpu.memory_space<vmem_shared>> -> memref<80x128xf32, #tpu.memory_space<vmem_shared>>
      %dma_start3A_753 = arith.constant 0 : i32
      %dma_start3A_754 = tpu.memref_slice %arg18[%add3A_11, %dma_start3A_753] : memref<10240x128xf32, #tpu.memory_space<vmem_shared>> -> memref<80x128xf32, #tpu.memory_space<vmem_shared>>
      tpu.enqueue_dma source(%arg7 : memref<80x128xf32, #tpu.memory_space<vmem>>) target(%dma_start3A_754 : memref<80x128xf32, #tpu.memory_space<vmem_shared>>) target_semaphore(%run_scoped3A : memref<!tpu.dma_semaphore, #tpu.memory_space<semaphore_mem>>)
      %dma_wait3A_755 = arith.constant 0 : i32
      %dma_wait3A_756 = tpu.memref_slice %arg18[%add3A_11, %dma_wait3A_755] : memref<10240x128xf32, #tpu.memory_space<vmem_shared>> -> memref<80x128xf32, #tpu.memory_space<vmem_shared>>
      %dma_wait3A_757 = arith.constant 0 : i32
      %dma_wait3A_758 = tpu.memref_slice %arg18[%add3A_11, %dma_wait3A_757] : memref<10240x128xf32, #tpu.memory_space<vmem_shared>> -> memref<80x128xf32, #tpu.memory_space<vmem_shared>>
      tpu.wait_dma2 semaphore(%run_scoped3A : memref<!tpu.dma_semaphore, #tpu.memory_space<semaphore_mem>>) src(%arg7 : memref<80x128xf32, #tpu.memory_space<vmem>>) dst(%dma_wait3A_758 : memref<80x128xf32, #tpu.memory_space<vmem_shared>>)
      tpu.yield
    }) : () -> ()
    %add3A_12 = arith.constant 80 : i32
    %add3A_13 = arith.addi %mul3A_0, %add3A_12 : i32
    "tpu.region"() ({
      %run_scoped3A = tpu.sem_alloc : memref<!tpu.dma_semaphore, #tpu.memory_space<semaphore_mem>>
      %dma_start3A_751 = arith.constant 0 : i32
      %dma_start3A_752 = tpu.memref_slice %arg18[%add3A_13, %dma_start3A_751] : memref<10240x128xf32, #tpu.memory_space<vmem_shared>> -> memref<80x128xf32, #tpu.memory_space<vmem_shared>>
      %dma_start3A_753 = arith.constant 0 : i32
      %dma_start3A_754 = tpu.memref_slice %arg18[%add3A_13, %dma_start3A_753] : memref<10240x128xf32, #tpu.memory_space<vmem_shared>> -> memref<80x128xf32, #tpu.memory_space<vmem_shared>>
      tpu.enqueue_dma source(%arg7 : memref<80x128xf32, #tpu.memory_space<vmem>>) target(%dma_start3A_754 : memref<80x128xf32, #tpu.memory_space<vmem_shared>>) target_semaphore(%run_scoped3A : memref<!tpu.dma_semaphore, #tpu.memory_space<semaphore_mem>>)
      %dma_wait3A_755 = arith.constant 0 : i32
      %dma_wait3A_756 = tpu.memref_slice %arg18[%add3A_13, %dma_wait3A_755] : memref<10240x128xf32, #tpu.memory_space<vmem_shared>> -> memref<80x128xf32, #tpu.memory_space<vmem_shared>>
      %dma_wait3A_757 = arith.constant 0 : i32
      %dma_wait3A_758 = tpu.memref_slice %arg18[%add3A_13, %dma_wait3A_757] : memref<10240x128xf32, #tpu.memory_space<vmem_shared>> -> memref<80x128xf32, #tpu.memory_space<vmem_shared>>
      tpu.wait_dma2 semaphore(%run_scoped3A : memref<!tpu.dma_semaphore, #tpu.memory_space<semaphore_mem>>) src(%arg7 : memref<80x128xf32, #tpu.memory_space<vmem>>) dst(%dma_wait3A_758 : memref<80x128xf32, #tpu.memory_space<vmem_shared>>)
      tpu.yield
    }) : () -> ()
    %add3A_14 = arith.constant 160 : i32
    %add3A_15 = arith.addi %mul3A_0, %add3A_14 : i32
    "tpu.region"() ({
      %run_scoped3A = tpu.sem_alloc : memref<!tpu.dma_semaphore, #tpu.memory_space<semaphore_mem>>
      %dma_start3A_751 = arith.constant 0 : i32
      %dma_start3A_752 = tpu.memref_slice %arg18[%add3A_15, %dma_start3A_751] : memref<10240x128xf32, #tpu.memory_space<vmem_shared>> -> memref<80x128xf32, #tpu.memory_space<vmem_shared>>
      %dma_start3A_753 = arith.constant 0 : i32
      %dma_start3A_754 = tpu.memref_slice %arg18[%add3A_15, %dma_start3A_753] : memref<10240x128xf32, #tpu.memory_space<vmem_shared>> -> memref<80x128xf32, #tpu.memory_space<vmem_shared>>
      tpu.enqueue_dma source(%arg7 : memref<80x128xf32, #tpu.memory_space<vmem>>) target(%dma_start3A_754 : memref<80x128xf32, #tpu.memory_space<vmem_shared>>) target_semaphore(%run_scoped3A : memref<!tpu.dma_semaphore, #tpu.memory_space<semaphore_mem>>)
      %dma_wait3A_755 = arith.constant 0 : i32
      %dma_wait3A_756 = tpu.memref_slice %arg18[%add3A_15, %dma_wait3A_755] : memref<10240x128xf32, #tpu.memory_space<vmem_shared>> -> memref<80x128xf32, #tpu.memory_space<vmem_shared>>
      %dma_wait3A_757 = arith.constant 0 : i32
      %dma_wait3A_758 = tpu.memref_slice %arg18[%add3A_15, %dma_wait3A_757] : memref<10240x128xf32, #tpu.memory_space<vmem_shared>> -> memref<80x128xf32, #tpu.memory_space<vmem_shared>>
      tpu.wait_dma2 semaphore(%run_scoped3A : memref<!tpu.dma_semaphore, #tpu.memory_space<semaphore_mem>>) src(%arg7 : memref<80x128xf32, #tpu.memory_space<vmem>>) dst(%dma_wait3A_758 : memref<80x128xf32, #tpu.memory_space<vmem_shared>>)
      tpu.yield
    }) : () -> ()
    %add3A_16 = arith.constant 240 : i32
    %add3A_17 = arith.addi %mul3A_0, %add3A_16 : i32
    "tpu.region"() ({
      %run_scoped3A = tpu.sem_alloc : memref<!tpu.dma_semaphore, #tpu.memory_space<semaphore_mem>>
      %dma_start3A_751 = arith.constant 0 : i32
      %dma_start3A_752 = tpu.memref_slice %arg18[%add3A_17, %dma_start3A_751] : memref<10240x128xf32, #tpu.memory_space<vmem_shared>> -> memref<80x128xf32, #tpu.memory_space<vmem_shared>>
      %dma_start3A_753 = arith.constant 0 : i32
      %dma_start3A_754 = tpu.memref_slice %arg18[%add3A_17, %dma_start3A_753] : memref<10240x128xf32, #tpu.memory_space<vmem_shared>> -> memref<80x128xf32, #tpu.memory_space<vmem_shared>>
      tpu.enqueue_dma source(%arg7 : memref<80x128xf32, #tpu.memory_space<vmem>>) target(%dma_start3A_754 : memref<80x128xf32, #tpu.memory_space<vmem_shared>>) target_semaphore(%run_scoped3A : memref<!tpu.dma_semaphore, #tpu.memory_space<semaphore_mem>>)
      %dma_wait3A_755 = arith.constant 0 : i32
      %dma_wait3A_756 = tpu.memref_slice %arg18[%add3A_17, %dma_wait3A_755] : memref<10240x128xf32, #tpu.memory_space<vmem_shared>> -> memref<80x128xf32, #tpu.memory_space<vmem_shared>>
      %dma_wait3A_757 = arith.constant 0 : i32
      %dma_wait3A_758 = tpu.memref_slice %arg18[%add3A_17, %dma_wait3A_757] : memref<10240x128xf32, #tpu.memory_space<vmem_shared>> -> memref<80x128xf32, #tpu.memory_space<vmem_shared>>
      tpu.wait_dma2 semaphore(%run_scoped3A : memref<!tpu.dma_semaphore, #tpu.memory_space<semaphore_mem>>) src(%arg7 : memref<80x128xf32, #tpu.memory_space<vmem>>) dst(%dma_wait3A_758 : memref<80x128xf32, #tpu.memory_space<vmem_shared>>)
      tpu.yield
    }) : () -> ()
    %add3A_18 = arith.constant 320 : i32
    %add3A_19 = arith.addi %mul3A_0, %add3A_18 : i32
    "tpu.region"() ({
      %run_scoped3A = tpu.sem_alloc : memref<!tpu.dma_semaphore, #tpu.memory_space<semaphore_mem>>
      %dma_start3A_751 = arith.constant 0 : i32
      %dma_start3A_752 = tpu.memref_slice %arg18[%add3A_19, %dma_start3A_751] : memref<10240x128xf32, #tpu.memory_space<vmem_shared>> -> memref<80x128xf32, #tpu.memory_space<vmem_shared>>
      %dma_start3A_753 = arith.constant 0 : i32
      %dma_start3A_754 = tpu.memref_slice %arg18[%add3A_19, %dma_start3A_753] : memref<10240x128xf32, #tpu.memory_space<vmem_shared>> -> memref<80x128xf32, #tpu.memory_space<vmem_shared>>
      tpu.enqueue_dma source(%arg7 : memref<80x128xf32, #tpu.memory_space<vmem>>) target(%dma_start3A_754 : memref<80x128xf32, #tpu.memory_space<vmem_shared>>) target_semaphore(%run_scoped3A : memref<!tpu.dma_semaphore, #tpu.memory_space<semaphore_mem>>)
      %dma_wait3A_755 = arith.constant 0 : i32
      %dma_wait3A_756 = tpu.memref_slice %arg18[%add3A_19, %dma_wait3A_755] : memref<10240x128xf32, #tpu.memory_space<vmem_shared>> -> memref<80x128xf32, #tpu.memory_space<vmem_shared>>
      %dma_wait3A_757 = arith.constant 0 : i32
      %dma_wait3A_758 = tpu.memref_slice %arg18[%add3A_19, %dma_wait3A_757] : memref<10240x128xf32, #tpu.memory_space<vmem_shared>> -> memref<80x128xf32, #tpu.memory_space<vmem_shared>>
      tpu.wait_dma2 semaphore(%run_scoped3A : memref<!tpu.dma_semaphore, #tpu.memory_space<semaphore_mem>>) src(%arg7 : memref<80x128xf32, #tpu.memory_space<vmem>>) dst(%dma_wait3A_758 : memref<80x128xf32, #tpu.memory_space<vmem_shared>>)
      tpu.yield
    }) : () -> ()
    %add3A_20 = arith.constant 400 : i32
    %add3A_21 = arith.addi %mul3A_0, %add3A_20 : i32
    "tpu.region"() ({
      %run_scoped3A = tpu.sem_alloc : memref<!tpu.dma_semaphore, #tpu.memory_space<semaphore_mem>>
      %dma_start3A_751 = arith.constant 0 : i32
      %dma_start3A_752 = tpu.memref_slice %arg18[%add3A_21, %dma_start3A_751] : memref<10240x128xf32, #tpu.memory_space<vmem_shared>> -> memref<80x128xf32, #tpu.memory_space<vmem_shared>>
      %dma_start3A_753 = arith.constant 0 : i32
      %dma_start3A_754 = tpu.memref_slice %arg18[%add3A_21, %dma_start3A_753] : memref<10240x128xf32, #tpu.memory_space<vmem_shared>> -> memref<80x128xf32, #tpu.memory_space<vmem_shared>>
      tpu.enqueue_dma source(%arg7 : memref<80x128xf32, #tpu.memory_space<vmem>>) target(%dma_start3A_754 : memref<80x128xf32, #tpu.memory_space<vmem_shared>>) target_semaphore(%run_scoped3A : memref<!tpu.dma_semaphore, #tpu.memory_space<semaphore_mem>>)
      %dma_wait3A_755 = arith.constant 0 : i32
      %dma_wait3A_756 = tpu.memref_slice %arg18[%add3A_21, %dma_wait3A_755] : memref<10240x128xf32, #tpu.memory_space<vmem_shared>> -> memref<80x128xf32, #tpu.memory_space<vmem_shared>>
      %dma_wait3A_757 = arith.constant 0 : i32
      %dma_wait3A_758 = tpu.memref_slice %arg18[%add3A_21, %dma_wait3A_757] : memref<10240x128xf32, #tpu.memory_space<vmem_shared>> -> memref<80x128xf32, #tpu.memory_space<vmem_shared>>
      tpu.wait_dma2 semaphore(%run_scoped3A : memref<!tpu.dma_semaphore, #tpu.memory_space<semaphore_mem>>) src(%arg7 : memref<80x128xf32, #tpu.memory_space<vmem>>) dst(%dma_wait3A_758 : memref<80x128xf32, #tpu.memory_space<vmem_shared>>)
      tpu.yield
    }) : () -> ()
    %add3A_22 = arith.constant 480 : i32
    %add3A_23 = arith.addi %mul3A_0, %add3A_22 : i32
    "tpu.region"() ({
      %run_scoped3A = tpu.sem_alloc : memref<!tpu.dma_semaphore, #tpu.memory_space<semaphore_mem>>
      %dma_start3A_751 = arith.constant 0 : i32
      %dma_start3A_752 = tpu.memref_slice %arg18[%add3A_23, %dma_start3A_751] : memref<10240x128xf32, #tpu.memory_space<vmem_shared>> -> memref<80x128xf32, #tpu.memory_space<vmem_shared>>
      %dma_start3A_753 = arith.constant 0 : i32
      %dma_start3A_754 = tpu.memref_slice %arg18[%add3A_23, %dma_start3A_753] : memref<10240x128xf32, #tpu.memory_space<vmem_shared>> -> memref<80x128xf32, #tpu.memory_space<vmem_shared>>
      tpu.enqueue_dma source(%arg7 : memref<80x128xf32, #tpu.memory_space<vmem>>) target(%dma_start3A_754 : memref<80x128xf32, #tpu.memory_space<vmem_shared>>) target_semaphore(%run_scoped3A : memref<!tpu.dma_semaphore, #tpu.memory_space<semaphore_mem>>)
      %dma_wait3A_755 = arith.constant 0 : i32
      %dma_wait3A_756 = tpu.memref_slice %arg18[%add3A_23, %dma_wait3A_755] : memref<10240x128xf32, #tpu.memory_space<vmem_shared>> -> memref<80x128xf32, #tpu.memory_space<vmem_shared>>
      %dma_wait3A_757 = arith.constant 0 : i32
      %dma_wait3A_758 = tpu.memref_slice %arg18[%add3A_23, %dma_wait3A_757] : memref<10240x128xf32, #tpu.memory_space<vmem_shared>> -> memref<80x128xf32, #tpu.memory_space<vmem_shared>>
      tpu.wait_dma2 semaphore(%run_scoped3A : memref<!tpu.dma_semaphore, #tpu.memory_space<semaphore_mem>>) src(%arg7 : memref<80x128xf32, #tpu.memory_space<vmem>>) dst(%dma_wait3A_758 : memref<80x128xf32, #tpu.memory_space<vmem_shared>>)
      tpu.yield
    }) : () -> ()
    %add3A_24 = arith.constant 560 : i32
    %add3A_25 = arith.addi %mul3A_0, %add3A_24 : i32
    "tpu.region"() ({
      %run_scoped3A = tpu.sem_alloc : memref<!tpu.dma_semaphore, #tpu.memory_space<semaphore_mem>>
      %dma_start3A_751 = arith.constant 0 : i32
      %dma_start3A_752 = tpu.memref_slice %arg18[%add3A_25, %dma_start3A_751] : memref<10240x128xf32, #tpu.memory_space<vmem_shared>> -> memref<80x128xf32, #tpu.memory_space<vmem_shared>>
      %dma_start3A_753 = arith.constant 0 : i32
      %dma_start3A_754 = tpu.memref_slice %arg18[%add3A_25, %dma_start3A_753] : memref<10240x128xf32, #tpu.memory_space<vmem_shared>> -> memref<80x128xf32, #tpu.memory_space<vmem_shared>>
      tpu.enqueue_dma source(%arg7 : memref<80x128xf32, #tpu.memory_space<vmem>>) target(%dma_start3A_754 : memref<80x128xf32, #tpu.memory_space<vmem_shared>>) target_semaphore(%run_scoped3A : memref<!tpu.dma_semaphore, #tpu.memory_space<semaphore_mem>>)
      %dma_wait3A_755 = arith.constant 0 : i32
      %dma_wait3A_756 = tpu.memref_slice %arg18[%add3A_25, %dma_wait3A_755] : memref<10240x128xf32, #tpu.memory_space<vmem_shared>> -> memref<80x128xf32, #tpu.memory_space<vmem_shared>>
      %dma_wait3A_757 = arith.constant 0 : i32
      %dma_wait3A_758 = tpu.memref_slice %arg18[%add3A_25, %dma_wait3A_757] : memref<10240x128xf32, #tpu.memory_space<vmem_shared>> -> memref<80x128xf32, #tpu.memory_space<vmem_shared>>
      tpu.wait_dma2 semaphore(%run_scoped3A : memref<!tpu.dma_semaphore, #tpu.memory_space<semaphore_mem>>) src(%arg7 : memref<80x128xf32, #tpu.memory_space<vmem>>) dst(%dma_wait3A_758 : memref<80x128xf32, #tpu.memory_space<vmem_shared>>)
      tpu.yield
    }) : () -> ()
    %broadcast_in_dim3A_26 = arith.constant 1.000000e+00 : f32
    %broadcast_in_dim3A_27 = vector.broadcast %broadcast_in_dim3A_26 : f32 to vector<16xf32>
    %scan3A_28 = arith.constant 0 : i32
    %scan3A_29 = arith.constant 0 : i32
    %scan3A_30 = arith.constant 5 : i32
    %scan3A_31 = arith.addi %scan3A_29, %scan3A_30 : i32
    %scan3A_32 = arith.constant 1 : i32
    %scan3A_33 = scf.for %scan3A_751 = %scan3A_29 to %scan3A_31 step %scan3A_32 iter_args(%scan3A_752 = %scan3A_28) -> (i32)  : i32 {
      %mul3A_753 = arith.constant 16 : i32
      %mul3A_754 = arith.muli %scan3A_751, %mul3A_753 : i32
      %swap3A_755 = arith.index_cast %mul3A_754 : i32 to index
      %swap3A_756 = tpu.vector_load %arg17[%swap3A_755] {strides = array<i32>} : memref<80xf32, #tpu.memory_space<vmem>>, vector<16xf32>,
      %swap3A_757 = vector.shape_cast %swap3A_756 : vector<16xf32> to vector<16xf32>
      %swap3A_758 = vector.shape_cast %broadcast_in_dim3A_3 : vector<16xf32> to vector<16xf32>
      tpu.vector_store %arg17[%swap3A_755], %swap3A_758 {strides = array<i32>} : memref<80xf32, #tpu.memory_space<vmem>>, vector<16xf32>,
      %mul3A_759 = arith.constant 16 : i32
      %mul3A_760 = arith.muli %scan3A_751, %mul3A_759 : i32
      %swap3A_761 = arith.constant 0 : i32
      %swap3A_762 = arith.index_cast %swap3A_761 : i32 to index
      %swap3A_763 = arith.index_cast %mul3A_760 : i32 to index
      %swap3A_764 = tpu.vector_load %arg16[%swap3A_762, %swap3A_763] {strides = array<i32>} : memref<1x80xf32, #tpu.memory_space<vmem>>, vector<1x16xf32>,
      %swap3A_765 = vector.shape_cast %swap3A_764 : vector<1x16xf32> to vector<16xf32>
      %swap3A_766 = vector.shape_cast %broadcast_in_dim3A_27 : vector<16xf32> to vector<1x16xf32>
      tpu.vector_store %arg16[%swap3A_762, %swap3A_763], %swap3A_766 {strides = array<i32>} : memref<1x80xf32, #tpu.memory_space<vmem>>, vector<1x16xf32>,
      %scan3A_767 = arith.constant 0 : i32
      scf.yield %scan3A_767 : i32
    }
    %scan3A_34 = arith.constant 5 : i32
    %add3A_35 = arith.constant 0 : i32
    %add3A_36 = arith.addi %mul3A_0, %add3A_35 : i32
    "tpu.region"() ({
      %run_scoped3A = tpu.sem_alloc : memref<!tpu.dma_semaphore, #tpu.memory_space<semaphore_mem>>
      %dma_start3A_751 = tpu.memref_slice %arg19[%add3A_36] : memref<10240xf32, #tpu.memory_space<vmem_shared>> -> memref<80xf32, #tpu.memory_space<vmem_shared>>
      %dma_start3A_752 = tpu.memref_slice %arg19[%add3A_36] : memref<10240xf32, #tpu.memory_space<vmem_shared>> -> memref<80xf32, #tpu.memory_space<vmem_shared>>
      tpu.enqueue_dma source(%arg17 : memref<80xf32, #tpu.memory_space<vmem>>) target(%dma_start3A_752 : memref<80xf32, #tpu.memory_space<vmem_shared>>) target_semaphore(%run_scoped3A : memref<!tpu.dma_semaphore, #tpu.memory_space<semaphore_mem>>)
      %dma_wait3A_753 = tpu.memref_slice %arg19[%add3A_36] : memref<10240xf32, #tpu.memory_space<vmem_shared>> -> memref<80xf32, #tpu.memory_space<vmem_shared>>
      %dma_wait3A_754 = tpu.memref_slice %arg19[%add3A_36] : memref<10240xf32, #tpu.memory_space<vmem_shared>> -> memref<80xf32, #tpu.memory_space<vmem_shared>>
      tpu.wait_dma2 semaphore(%run_scoped3A : memref<!tpu.dma_semaphore, #tpu.memory_space<semaphore_mem>>) src(%arg17 : memref<80xf32, #tpu.memory_space<vmem>>) dst(%dma_wait3A_754 : memref<80xf32, #tpu.memory_space<vmem_shared>>)
      tpu.yield
    }) : () -> ()
    %add3A_37 = arith.constant 80 : i32
    %add3A_38 = arith.addi %mul3A_0, %add3A_37 : i32
    "tpu.region"() ({
      %run_scoped3A = tpu.sem_alloc : memref<!tpu.dma_semaphore, #tpu.memory_space<semaphore_mem>>
      %dma_start3A_751 = tpu.memref_slice %arg19[%add3A_38] : memref<10240xf32, #tpu.memory_space<vmem_shared>> -> memref<80xf32, #tpu.memory_space<vmem_shared>>
      %dma_start3A_752 = tpu.memref_slice %arg19[%add3A_38] : memref<10240xf32, #tpu.memory_space<vmem_shared>> -> memref<80xf32, #tpu.memory_space<vmem_shared>>
      tpu.enqueue_dma source(%arg17 : memref<80xf32, #tpu.memory_space<vmem>>) target(%dma_start3A_752 : memref<80xf32, #tpu.memory_space<vmem_shared>>) target_semaphore(%run_scoped3A : memref<!tpu.dma_semaphore, #tpu.memory_space<semaphore_mem>>)
      %dma_wait3A_753 = tpu.memref_slice %arg19[%add3A_38] : memref<10240xf32, #tpu.memory_space<vmem_shared>> -> memref<80xf32, #tpu.memory_space<vmem_shared>>
      %dma_wait3A_754 = tpu.memref_slice %arg19[%add3A_38] : memref<10240xf32, #tpu.memory_space<vmem_shared>> -> memref<80xf32, #tpu.memory_space<vmem_shared>>
      tpu.wait_dma2 semaphore(%run_scoped3A : memref<!tpu.dma_semaphore, #tpu.memory_space<semaphore_mem>>) src(%arg17 : memref<80xf32, #tpu.memory_space<vmem>>) dst(%dma_wait3A_754 : memref<80xf32, #tpu.memory_space<vmem_shared>>)
      tpu.yield
    }) : () -> ()
    %add3A_39 = arith.constant 160 : i32
    %add3A_40 = arith.addi %mul3A_0, %add3A_39 : i32
    "tpu.region"() ({
      %run_scoped3A = tpu.sem_alloc : memref<!tpu.dma_semaphore, #tpu.memory_space<semaphore_mem>>
      %dma_start3A_751 = tpu.memref_slice %arg19[%add3A_40] : memref<10240xf32, #tpu.memory_space<vmem_shared>> -> memref<80xf32, #tpu.memory_space<vmem_shared>>
      %dma_start3A_752 = tpu.memref_slice %arg19[%add3A_40] : memref<10240xf32, #tpu.memory_space<vmem_shared>> -> memref<80xf32, #tpu.memory_space<vmem_shared>>
      tpu.enqueue_dma source(%arg17 : memref<80xf32, #tpu.memory_space<vmem>>) target(%dma_start3A_752 : memref<80xf32, #tpu.memory_space<vmem_shared>>) target_semaphore(%run_scoped3A : memref<!tpu.dma_semaphore, #tpu.memory_space<semaphore_mem>>)
      %dma_wait3A_753 = tpu.memref_slice %arg19[%add3A_40] : memref<10240xf32, #tpu.memory_space<vmem_shared>> -> memref<80xf32, #tpu.memory_space<vmem_shared>>
      %dma_wait3A_754 = tpu.memref_slice %arg19[%add3A_40] : memref<10240xf32, #tpu.memory_space<vmem_shared>> -> memref<80xf32, #tpu.memory_space<vmem_shared>>
      tpu.wait_dma2 semaphore(%run_scoped3A : memref<!tpu.dma_semaphore, #tpu.memory_space<semaphore_mem>>) src(%arg17 : memref<80xf32, #tpu.memory_space<vmem>>) dst(%dma_wait3A_754 : memref<80xf32, #tpu.memory_space<vmem_shared>>)
      tpu.yield
    }) : () -> ()
    %add3A_41 = arith.constant 240 : i32
    %add3A_42 = arith.addi %mul3A_0, %add3A_41 : i32
    "tpu.region"() ({
      %run_scoped3A = tpu.sem_alloc : memref<!tpu.dma_semaphore, #tpu.memory_space<semaphore_mem>>
      %dma_start3A_751 = tpu.memref_slice %arg19[%add3A_42] : memref<10240xf32, #tpu.memory_space<vmem_shared>> -> memref<80xf32, #tpu.memory_space<vmem_shared>>
      %dma_start3A_752 = tpu.memref_slice %arg19[%add3A_42] : memref<10240xf32, #tpu.memory_space<vmem_shared>> -> memref<80xf32, #tpu.memory_space<vmem_shared>>
      tpu.enqueue_dma source(%arg17 : memref<80xf32, #tpu.memory_space<vmem>>) target(%dma_start3A_752 : memref<80xf32, #tpu.memory_space<vmem_shared>>) target_semaphore(%run_scoped3A : memref<!tpu.dma_semaphore, #tpu.memory_space<semaphore_mem>>)
      %dma_wait3A_753 = tpu.memref_slice %arg19[%add3A_42] : memref<10240xf32, #tpu.memory_space<vmem_shared>> -> memref<80xf32, #tpu.memory_space<vmem_shared>>
      %dma_wait3A_754 = tpu.memref_slice %arg19[%add3A_42] : memref<10240xf32, #tpu.memory_space<vmem_shared>> -> memref<80xf32, #tpu.memory_space<vmem_shared>>
      tpu.wait_dma2 semaphore(%run_scoped3A : memref<!tpu.dma_semaphore, #tpu.memory_space<semaphore_mem>>) src(%arg17 : memref<80xf32, #tpu.memory_space<vmem>>) dst(%dma_wait3A_754 : memref<80xf32, #tpu.memory_space<vmem_shared>>)
      tpu.yield
    }) : () -> ()
    %add3A_43 = arith.constant 320 : i32
    %add3A_44 = arith.addi %mul3A_0, %add3A_43 : i32
    "tpu.region"() ({
      %run_scoped3A = tpu.sem_alloc : memref<!tpu.dma_semaphore, #tpu.memory_space<semaphore_mem>>
      %dma_start3A_751 = tpu.memref_slice %arg19[%add3A_44] : memref<10240xf32, #tpu.memory_space<vmem_shared>> -> memref<80xf32, #tpu.memory_space<vmem_shared>>
      %dma_start3A_752 = tpu.memref_slice %arg19[%add3A_44] : memref<10240xf32, #tpu.memory_space<vmem_shared>> -> memref<80xf32, #tpu.memory_space<vmem_shared>>
      tpu.enqueue_dma source(%arg17 : memref<80xf32, #tpu.memory_space<vmem>>) target(%dma_start3A_752 : memref<80xf32, #tpu.memory_space<vmem_shared>>) target_semaphore(%run_scoped3A : memref<!tpu.dma_semaphore, #tpu.memory_space<semaphore_mem>>)
      %dma_wait3A_753 = tpu.memref_slice %arg19[%add3A_44] : memref<10240xf32, #tpu.memory_space<vmem_shared>> -> memref<80xf32, #tpu.memory_space<vmem_shared>>
      %dma_wait3A_754 = tpu.memref_slice %arg19[%add3A_44] : memref<10240xf32, #tpu.memory_space<vmem_shared>> -> memref<80xf32, #tpu.memory_space<vmem_shared>>
      tpu.wait_dma2 semaphore(%run_scoped3A : memref<!tpu.dma_semaphore, #tpu.memory_space<semaphore_mem>>) src(%arg17 : memref<80xf32, #tpu.memory_space<vmem>>) dst(%dma_wait3A_754 : memref<80xf32, #tpu.memory_space<vmem_shared>>)
      tpu.yield
    }) : () -> ()
    %add3A_45 = arith.constant 400 : i32
    %add3A_46 = arith.addi %mul3A_0, %add3A_45 : i32
    "tpu.region"() ({
      %run_scoped3A = tpu.sem_alloc : memref<!tpu.dma_semaphore, #tpu.memory_space<semaphore_mem>>
      %dma_start3A_751 = tpu.memref_slice %arg19[%add3A_46] : memref<10240xf32, #tpu.memory_space<vmem_shared>> -> memref<80xf32, #tpu.memory_space<vmem_shared>>
      %dma_start3A_752 = tpu.memref_slice %arg19[%add3A_46] : memref<10240xf32, #tpu.memory_space<vmem_shared>> -> memref<80xf32, #tpu.memory_space<vmem_shared>>
      tpu.enqueue_dma source(%arg17 : memref<80xf32, #tpu.memory_space<vmem>>) target(%dma_start3A_752 : memref<80xf32, #tpu.memory_space<vmem_shared>>) target_semaphore(%run_scoped3A : memref<!tpu.dma_semaphore, #tpu.memory_space<semaphore_mem>>)
      %dma_wait3A_753 = tpu.memref_slice %arg19[%add3A_46] : memref<10240xf32, #tpu.memory_space<vmem_shared>> -> memref<80xf32, #tpu.memory_space<vmem_shared>>
      %dma_wait3A_754 = tpu.memref_slice %arg19[%add3A_46] : memref<10240xf32, #tpu.memory_space<vmem_shared>> -> memref<80xf32, #tpu.memory_space<vmem_shared>>
      tpu.wait_dma2 semaphore(%run_scoped3A : memref<!tpu.dma_semaphore, #tpu.memory_space<semaphore_mem>>) src(%arg17 : memref<80xf32, #tpu.memory_space<vmem>>) dst(%dma_wait3A_754 : memref<80xf32, #tpu.memory_space<vmem_shared>>)
      tpu.yield
    }) : () -> ()
    %add3A_47 = arith.constant 480 : i32
    %add3A_48 = arith.addi %mul3A_0, %add3A_47 : i32
    "tpu.region"() ({
      %run_scoped3A = tpu.sem_alloc : memref<!tpu.dma_semaphore, #tpu.memory_space<semaphore_mem>>
      %dma_start3A_751 = tpu.memref_slice %arg19[%add3A_48] : memref<10240xf32, #tpu.memory_space<vmem_shared>> -> memref<80xf32, #tpu.memory_space<vmem_shared>>
      %dma_start3A_752 = tpu.memref_slice %arg19[%add3A_48] : memref<10240xf32, #tpu.memory_space<vmem_shared>> -> memref<80xf32, #tpu.memory_space<vmem_shared>>
      tpu.enqueue_dma source(%arg17 : memref<80xf32, #tpu.memory_space<vmem>>) target(%dma_start3A_752 : memref<80xf32, #tpu.memory_space<vmem_shared>>) target_semaphore(%run_scoped3A : memref<!tpu.dma_semaphore, #tpu.memory_space<semaphore_mem>>)
      %dma_wait3A_753 = tpu.memref_slice %arg19[%add3A_48] : memref<10240xf32, #tpu.memory_space<vmem_shared>> -> memref<80xf32, #tpu.memory_space<vmem_shared>>
      %dma_wait3A_754 = tpu.memref_slice %arg19[%add3A_48] : memref<10240xf32, #tpu.memory_space<vmem_shared>> -> memref<80xf32, #tpu.memory_space<vmem_shared>>
      tpu.wait_dma2 semaphore(%run_scoped3A : memref<!tpu.dma_semaphore, #tpu.memory_space<semaphore_mem>>) src(%arg17 : memref<80xf32, #tpu.memory_space<vmem>>) dst(%dma_wait3A_754 : memref<80xf32, #tpu.memory_space<vmem_shared>>)
      tpu.yield
    }) : () -> ()
    %add3A_49 = arith.constant 560 : i32
    %add3A_50 = arith.addi %mul3A_0, %add3A_49 : i32
    "tpu.region"() ({
      %run_scoped3A = tpu.sem_alloc : memref<!tpu.dma_semaphore, #tpu.memory_space<semaphore_mem>>
      %dma_start3A_751 = tpu.memref_slice %arg19[%add3A_50] : memref<10240xf32, #tpu.memory_space<vmem_shared>> -> memref<80xf32, #tpu.memory_space<vmem_shared>>
      %dma_start3A_752 = tpu.memref_slice %arg19[%add3A_50] : memref<10240xf32, #tpu.memory_space<vmem_shared>> -> memref<80xf32, #tpu.memory_space<vmem_shared>>
      tpu.enqueue_dma source(%arg17 : memref<80xf32, #tpu.memory_space<vmem>>) target(%dma_start3A_752 : memref<80xf32, #tpu.memory_space<vmem_shared>>) target_semaphore(%run_scoped3A : memref<!tpu.dma_semaphore, #tpu.memory_space<semaphore_mem>>)
      %dma_wait3A_753 = tpu.memref_slice %arg19[%add3A_50] : memref<10240xf32, #tpu.memory_space<vmem_shared>> -> memref<80xf32, #tpu.memory_space<vmem_shared>>
      %dma_wait3A_754 = tpu.memref_slice %arg19[%add3A_50] : memref<10240xf32, #tpu.memory_space<vmem_shared>> -> memref<80xf32, #tpu.memory_space<vmem_shared>>
      tpu.wait_dma2 semaphore(%run_scoped3A : memref<!tpu.dma_semaphore, #tpu.memory_space<semaphore_mem>>) src(%arg17 : memref<80xf32, #tpu.memory_space<vmem>>) dst(%dma_wait3A_754 : memref<80xf32, #tpu.memory_space<vmem_shared>>)
      tpu.yield
    }) : () -> ()
    "tpu.region"() ({
      %run_scoped3A = tpu.sem_alloc : memref<!tpu.dma_semaphore, #tpu.memory_space<semaphore_mem>>
      %dma_start3A_751 = arith.constant 0 : i32
      %dma_start3A_752 = arith.constant 0 : i32
      %dma_start3A_753 = tpu.memref_slice %arg3[%add3A, %dma_start3A_751, %dma_start3A_752] : memref<32x125x80xi32, #tpu.memory_space<hbm>> -> memref<1x125x80xi32, #tpu.memory_space<hbm>>
      %dma_start3A_754 = tpu.memref_squeeze %dma_start3A_753 : memref<1x125x80xi32, #tpu.memory_space<hbm>> -> memref<125x80xi32, #tpu.memory_space<hbm>>
      %dma_start3A_755 = arith.constant 0 : i32
      %dma_start3A_756 = arith.constant 0 : i32
      %dma_start3A_757 = tpu.memref_slice %arg3[%add3A, %dma_start3A_755, %dma_start3A_756] : memref<32x125x80xi32, #tpu.memory_space<hbm>> -> memref<1x125x80xi32, #tpu.memory_space<hbm>>
      %dma_start3A_758 = tpu.memref_squeeze %dma_start3A_757 : memref<1x125x80xi32, #tpu.memory_space<hbm>> -> memref<125x80xi32, #tpu.memory_space<hbm>>
      tpu.enqueue_dma source(%dma_start3A_758 : memref<125x80xi32, #tpu.memory_space<hbm>>) target(%arg6 : memref<125x80xi32, #tpu.memory_space<vmem>>) target_semaphore(%run_scoped3A : memref<!tpu.dma_semaphore, #tpu.memory_space<semaphore_mem>>)
      %dma_wait3A_759 = arith.constant 0 : i32
      %dma_wait3A_760 = arith.constant 0 : i32
      %dma_wait3A_761 = tpu.memref_slice %arg3[%add3A, %dma_wait3A_759, %dma_wait3A_760] : memref<32x125x80xi32, #tpu.memory_space<hbm>> -> memref<1x125x80xi32, #tpu.memory_space<hbm>>
      %dma_wait3A_762 = tpu.memref_squeeze %dma_wait3A_761 : memref<1x125x80xi32, #tpu.memory_space<hbm>> -> memref<125x80xi32, #tpu.memory_space<hbm>>
      %dma_wait3A_763 = arith.constant 0 : i32
      %dma_wait3A_764 = arith.constant 0 : i32
      %dma_wait3A_765 = tpu.memref_slice %arg3[%add3A, %dma_wait3A_763, %dma_wait3A_764] : memref<32x125x80xi32, #tpu.memory_space<hbm>> -> memref<1x125x80xi32, #tpu.memory_space<hbm>>
      %dma_wait3A_766 = tpu.memref_squeeze %dma_wait3A_765 : memref<1x125x80xi32, #tpu.memory_space<hbm>> -> memref<125x80xi32, #tpu.memory_space<hbm>>
      tpu.wait_dma2 semaphore(%run_scoped3A : memref<!tpu.dma_semaphore, #tpu.memory_space<semaphore_mem>>) src(%dma_wait3A_766 : memref<125x80xi32, #tpu.memory_space<hbm>>) dst(%arg6 : memref<125x80xi32, #tpu.memory_space<vmem>>)
      tpu.yield
    }) : () -> ()
    %get3A = arith.constant 0 : i32
    %get3A_51 = arith.index_cast %get3A : i32 to index
    %get3A_52 = arith.constant 0 : index
    %get3A_53 = tpu.vector_load %arg6[%get3A_51, %get3A_52] {strides = array<i32>} : memref<125x80xi32, #tpu.memory_space<vmem>>, vector<1x16xi32>,
    %get3A_54 = vector.shape_cast %get3A_53 : vector<1x16xi32> to vector<16xi32>
    %and3A = arith.constant 16383 : i32
    %and3A_55 = vector.broadcast %and3A : i32 to vector<16xi32>
    %and3A_56 = arith.andi %get3A_54, %and3A_55 : vector<16xi32>
    %swap3A = arith.constant 0 : i32
    %swap3A_57 = arith.index_cast %swap3A : i32 to index
    %swap3A_58 = arith.constant 0 : index
    %swap3A_59 = tpu.vector_load %arg10[%swap3A_57, %swap3A_58] {strides = array<i32>} : memref<1x80xi32, #tpu.memory_space<vmem>>, vector<1x16xi32>,
    %swap3A_60 = vector.shape_cast %swap3A_59 : vector<1x16xi32> to vector<16xi32>
    %swap3A_61 = vector.shape_cast %and3A_56 : vector<16xi32> to vector<1x16xi32>
    tpu.vector_store %arg10[%swap3A_57, %swap3A_58], %swap3A_61 {strides = array<i32>} : memref<1x80xi32, #tpu.memory_space<vmem>>, vector<1x16xi32>,
    %shift_right_logical3A = arith.constant 14 : i32
    %shift_right_logical3A_62 = vector.broadcast %shift_right_logical3A : i32 to vector<16xi32>
    %shift_right_logical3A_63 = arith.shrui %get3A_54, %shift_right_logical3A_62 : vector<16xi32>
    %swap3A_64 = arith.constant 0 : i32
    %swap3A_65 = arith.index_cast %swap3A_64 : i32 to index
    %swap3A_66 = arith.constant 0 : index
    %swap3A_67 = tpu.vector_load %arg11[%swap3A_65, %swap3A_66] {strides = array<i32>} : memref<1x80xi32, #tpu.memory_space<vmem>>, vector<1x16xi32>,
    %swap3A_68 = vector.shape_cast %swap3A_67 : vector<1x16xi32> to vector<16xi32>
    %swap3A_69 = vector.shape_cast %shift_right_logical3A_63 : vector<16xi32> to vector<1x16xi32>
    tpu.vector_store %arg11[%swap3A_65, %swap3A_66], %swap3A_69 {strides = array<i32>} : memref<1x80xi32, #tpu.memory_space<vmem>>, vector<1x16xi32>,
    %get3A_70 = arith.constant 0 : i32
    %get3A_71 = arith.index_cast %get3A_70 : i32 to index
    %get3A_72 = arith.constant 16 : index
    %get3A_73 = tpu.vector_load %arg6[%get3A_71, %get3A_72] {strides = array<i32>} : memref<125x80xi32, #tpu.memory_space<vmem>>, vector<1x16xi32>,
    %get3A_74 = vector.shape_cast %get3A_73 : vector<1x16xi32> to vector<16xi32>
    %and3A_75 = arith.constant 16383 : i32
    %and3A_76 = vector.broadcast %and3A_75 : i32 to vector<16xi32>
    %and3A_77 = arith.andi %get3A_74, %and3A_76 : vector<16xi32>
    %swap3A_78 = arith.constant 0 : i32
    %swap3A_79 = arith.index_cast %swap3A_78 : i32 to index
    %swap3A_80 = arith.constant 16 : index
    %swap3A_81 = tpu.vector_load %arg10[%swap3A_79, %swap3A_80] {strides = array<i32>} : memref<1x80xi32, #tpu.memory_space<vmem>>, vector<1x16xi32>,
    %swap3A_82 = vector.shape_cast %swap3A_81 : vector<1x16xi32> to vector<16xi32>
    %swap3A_83 = vector.shape_cast %and3A_77 : vector<16xi32> to vector<1x16xi32>
    tpu.vector_store %arg10[%swap3A_79, %swap3A_80], %swap3A_83 {strides = array<i32>} : memref<1x80xi32, #tpu.memory_space<vmem>>, vector<1x16xi32>,
    %shift_right_logical3A_84 = arith.constant 14 : i32
    %shift_right_logical3A_85 = vector.broadcast %shift_right_logical3A_84 : i32 to vector<16xi32>
    %shift_right_logical3A_86 = arith.shrui %get3A_74, %shift_right_logical3A_85 : vector<16xi32>
    %swap3A_87 = arith.constant 0 : i32
    %swap3A_88 = arith.index_cast %swap3A_87 : i32 to index
    %swap3A_89 = arith.constant 16 : index
    %swap3A_90 = tpu.vector_load %arg11[%swap3A_88, %swap3A_89] {strides = array<i32>} : memref<1x80xi32, #tpu.memory_space<vmem>>, vector<1x16xi32>,
    %swap3A_91 = vector.shape_cast %swap3A_90 : vector<1x16xi32> to vector<16xi32>
    %swap3A_92 = vector.shape_cast %shift_right_logical3A_86 : vector<16xi32> to vector<1x16xi32>
    tpu.vector_store %arg11[%swap3A_88, %swap3A_89], %swap3A_92 {strides = array<i32>} : memref<1x80xi32, #tpu.memory_space<vmem>>, vector<1x16xi32>,
    %get3A_93 = arith.constant 0 : i32
    %get3A_94 = arith.index_cast %get3A_93 : i32 to index
    %get3A_95 = arith.constant 32 : index
    %get3A_96 = tpu.vector_load %arg6[%get3A_94, %get3A_95] {strides = array<i32>} : memref<125x80xi32, #tpu.memory_space<vmem>>, vector<1x16xi32>,
    %get3A_97 = vector.shape_cast %get3A_96 : vector<1x16xi32> to vector<16xi32>
    %and3A_98 = arith.constant 16383 : i32
    %and3A_99 = vector.broadcast %and3A_98 : i32 to vector<16xi32>
    %and3A_100 = arith.andi %get3A_97, %and3A_99 : vector<16xi32>
    %swap3A_101 = arith.constant 0 : i32
    %swap3A_102 = arith.index_cast %swap3A_101 : i32 to index
    %swap3A_103 = arith.constant 32 : index
    %swap3A_104 = tpu.vector_load %arg10[%swap3A_102, %swap3A_103] {strides = array<i32>} : memref<1x80xi32, #tpu.memory_space<vmem>>, vector<1x16xi32>,
    %swap3A_105 = vector.shape_cast %swap3A_104 : vector<1x16xi32> to vector<16xi32>
    %swap3A_106 = vector.shape_cast %and3A_100 : vector<16xi32> to vector<1x16xi32>
    tpu.vector_store %arg10[%swap3A_102, %swap3A_103], %swap3A_106 {strides = array<i32>} : memref<1x80xi32, #tpu.memory_space<vmem>>, vector<1x16xi32>,
    %shift_right_logical3A_107 = arith.constant 14 : i32
    %shift_right_logical3A_108 = vector.broadcast %shift_right_logical3A_107 : i32 to vector<16xi32>
    %shift_right_logical3A_109 = arith.shrui %get3A_97, %shift_right_logical3A_108 : vector<16xi32>
    %swap3A_110 = arith.constant 0 : i32
    %swap3A_111 = arith.index_cast %swap3A_110 : i32 to index
    %swap3A_112 = arith.constant 32 : index
    %swap3A_113 = tpu.vector_load %arg11[%swap3A_111, %swap3A_112] {strides = array<i32>} : memref<1x80xi32, #tpu.memory_space<vmem>>, vector<1x16xi32>,
    %swap3A_114 = vector.shape_cast %swap3A_113 : vector<1x16xi32> to vector<16xi32>
    %swap3A_115 = vector.shape_cast %shift_right_logical3A_109 : vector<16xi32> to vector<1x16xi32>
    tpu.vector_store %arg11[%swap3A_111, %swap3A_112], %swap3A_115 {strides = array<i32>} : memref<1x80xi32, #tpu.memory_space<vmem>>, vector<1x16xi32>,
    %get3A_116 = arith.constant 0 : i32
    %get3A_117 = arith.index_cast %get3A_116 : i32 to index
    %get3A_118 = arith.constant 48 : index
    %get3A_119 = tpu.vector_load %arg6[%get3A_117, %get3A_118] {strides = array<i32>} : memref<125x80xi32, #tpu.memory_space<vmem>>, vector<1x16xi32>,
    %get3A_120 = vector.shape_cast %get3A_119 : vector<1x16xi32> to vector<16xi32>
    %and3A_121 = arith.constant 16383 : i32
    %and3A_122 = vector.broadcast %and3A_121 : i32 to vector<16xi32>
    %and3A_123 = arith.andi %get3A_120, %and3A_122 : vector<16xi32>
    %swap3A_124 = arith.constant 0 : i32
    %swap3A_125 = arith.index_cast %swap3A_124 : i32 to index
    %swap3A_126 = arith.constant 48 : index
    %swap3A_127 = tpu.vector_load %arg10[%swap3A_125, %swap3A_126] {strides = array<i32>} : memref<1x80xi32, #tpu.memory_space<vmem>>, vector<1x16xi32>,
    %swap3A_128 = vector.shape_cast %swap3A_127 : vector<1x16xi32> to vector<16xi32>
    %swap3A_129 = vector.shape_cast %and3A_123 : vector<16xi32> to vector<1x16xi32>
    tpu.vector_store %arg10[%swap3A_125, %swap3A_126], %swap3A_129 {strides = array<i32>} : memref<1x80xi32, #tpu.memory_space<vmem>>, vector<1x16xi32>,
    %shift_right_logical3A_130 = arith.constant 14 : i32
    %shift_right_logical3A_131 = vector.broadcast %shift_right_logical3A_130 : i32 to vector<16xi32>
    %shift_right_logical3A_132 = arith.shrui %get3A_120, %shift_right_logical3A_131 : vector<16xi32>
    %swap3A_133 = arith.constant 0 : i32
    %swap3A_134 = arith.index_cast %swap3A_133 : i32 to index
    %swap3A_135 = arith.constant 48 : index
    %swap3A_136 = tpu.vector_load %arg11[%swap3A_134, %swap3A_135] {strides = array<i32>} : memref<1x80xi32, #tpu.memory_space<vmem>>, vector<1x16xi32>,
    %swap3A_137 = vector.shape_cast %swap3A_136 : vector<1x16xi32> to vector<16xi32>
    %swap3A_138 = vector.shape_cast %shift_right_logical3A_132 : vector<16xi32> to vector<1x16xi32>
    tpu.vector_store %arg11[%swap3A_134, %swap3A_135], %swap3A_138 {strides = array<i32>} : memref<1x80xi32, #tpu.memory_space<vmem>>, vector<1x16xi32>,
    %get3A_139 = arith.constant 0 : i32
    %get3A_140 = arith.index_cast %get3A_139 : i32 to index
    %get3A_141 = arith.constant 64 : index
    %get3A_142 = tpu.vector_load %arg6[%get3A_140, %get3A_141] {strides = array<i32>} : memref<125x80xi32, #tpu.memory_space<vmem>>, vector<1x16xi32>,
    %get3A_143 = vector.shape_cast %get3A_142 : vector<1x16xi32> to vector<16xi32>
    %and3A_144 = arith.constant 16383 : i32
    %and3A_145 = vector.broadcast %and3A_144 : i32 to vector<16xi32>
    %and3A_146 = arith.andi %get3A_143, %and3A_145 : vector<16xi32>
    %swap3A_147 = arith.constant 0 : i32
    %swap3A_148 = arith.index_cast %swap3A_147 : i32 to index
    %swap3A_149 = arith.constant 64 : index
    %swap3A_150 = tpu.vector_load %arg10[%swap3A_148, %swap3A_149] {strides = array<i32>} : memref<1x80xi32, #tpu.memory_space<vmem>>, vector<1x16xi32>,
    %swap3A_151 = vector.shape_cast %swap3A_150 : vector<1x16xi32> to vector<16xi32>
    %swap3A_152 = vector.shape_cast %and3A_146 : vector<16xi32> to vector<1x16xi32>
    tpu.vector_store %arg10[%swap3A_148, %swap3A_149], %swap3A_152 {strides = array<i32>} : memref<1x80xi32, #tpu.memory_space<vmem>>, vector<1x16xi32>,
    %shift_right_logical3A_153 = arith.constant 14 : i32
    %shift_right_logical3A_154 = vector.broadcast %shift_right_logical3A_153 : i32 to vector<16xi32>
    %shift_right_logical3A_155 = arith.shrui %get3A_143, %shift_right_logical3A_154 : vector<16xi32>
    %swap3A_156 = arith.constant 0 : i32
    %swap3A_157 = arith.index_cast %swap3A_156 : i32 to index
    %swap3A_158 = arith.constant 64 : index
    %swap3A_159 = tpu.vector_load %arg11[%swap3A_157, %swap3A_158] {strides = array<i32>} : memref<1x80xi32, #tpu.memory_space<vmem>>, vector<1x16xi32>,
    %swap3A_160 = vector.shape_cast %swap3A_159 : vector<1x16xi32> to vector<16xi32>
    %swap3A_161 = vector.shape_cast %shift_right_logical3A_155 : vector<16xi32> to vector<1x16xi32>
    tpu.vector_store %arg11[%swap3A_157, %swap3A_158], %swap3A_161 {strides = array<i32>} : memref<1x80xi32, #tpu.memory_space<vmem>>, vector<1x16xi32>,
    %get3A_162 = arith.constant 1 : i32
    %get3A_163 = arith.index_cast %get3A_162 : i32 to index
    %get3A_164 = arith.constant 0 : index
    %get3A_165 = tpu.vector_load %arg6[%get3A_163, %get3A_164] {strides = array<i32>} : memref<125x80xi32, #tpu.memory_space<vmem>>, vector<1x16xi32>,
    %get3A_166 = vector.shape_cast %get3A_165 : vector<1x16xi32> to vector<16xi32>
    %and3A_167 = arith.constant 16383 : i32
    %and3A_168 = vector.broadcast %and3A_167 : i32 to vector<16xi32>
    %and3A_169 = arith.andi %get3A_166, %and3A_168 : vector<16xi32>
    %swap3A_170 = arith.constant 0 : i32
    %swap3A_171 = arith.index_cast %swap3A_170 : i32 to index
    %swap3A_172 = arith.constant 0 : index
    %swap3A_173 = tpu.vector_load %arg12[%swap3A_171, %swap3A_172] {strides = array<i32>} : memref<1x80xi32, #tpu.memory_space<vmem>>, vector<1x16xi32>,
    %swap3A_174 = vector.shape_cast %swap3A_173 : vector<1x16xi32> to vector<16xi32>
    %swap3A_175 = vector.shape_cast %and3A_169 : vector<16xi32> to vector<1x16xi32>
    tpu.vector_store %arg12[%swap3A_171, %swap3A_172], %swap3A_175 {strides = array<i32>} : memref<1x80xi32, #tpu.memory_space<vmem>>, vector<1x16xi32>,
    %shift_right_logical3A_176 = arith.constant 14 : i32
    %shift_right_logical3A_177 = vector.broadcast %shift_right_logical3A_176 : i32 to vector<16xi32>
    %shift_right_logical3A_178 = arith.shrui %get3A_166, %shift_right_logical3A_177 : vector<16xi32>
    %swap3A_179 = arith.constant 0 : i32
    %swap3A_180 = arith.index_cast %swap3A_179 : i32 to index
    %swap3A_181 = arith.constant 0 : index
    %swap3A_182 = tpu.vector_load %arg13[%swap3A_180, %swap3A_181] {strides = array<i32>} : memref<1x80xi32, #tpu.memory_space<vmem>>, vector<1x16xi32>,
    %swap3A_183 = vector.shape_cast %swap3A_182 : vector<1x16xi32> to vector<16xi32>
    %swap3A_184 = vector.shape_cast %shift_right_logical3A_178 : vector<16xi32> to vector<1x16xi32>
    tpu.vector_store %arg13[%swap3A_180, %swap3A_181], %swap3A_184 {strides = array<i32>} : memref<1x80xi32, #tpu.memory_space<vmem>>, vector<1x16xi32>,
    %get3A_185 = arith.constant 1 : i32
    %get3A_186 = arith.index_cast %get3A_185 : i32 to index
    %get3A_187 = arith.constant 16 : index
    %get3A_188 = tpu.vector_load %arg6[%get3A_186, %get3A_187] {strides = array<i32>} : memref<125x80xi32, #tpu.memory_space<vmem>>, vector<1x16xi32>,
    %get3A_189 = vector.shape_cast %get3A_188 : vector<1x16xi32> to vector<16xi32>
    %and3A_190 = arith.constant 16383 : i32
    %and3A_191 = vector.broadcast %and3A_190 : i32 to vector<16xi32>
    %and3A_192 = arith.andi %get3A_189, %and3A_191 : vector<16xi32>
    %swap3A_193 = arith.constant 0 : i32
    %swap3A_194 = arith.index_cast %swap3A_193 : i32 to index
    %swap3A_195 = arith.constant 16 : index
    %swap3A_196 = tpu.vector_load %arg12[%swap3A_194, %swap3A_195] {strides = array<i32>} : memref<1x80xi32, #tpu.memory_space<vmem>>, vector<1x16xi32>,
    %swap3A_197 = vector.shape_cast %swap3A_196 : vector<1x16xi32> to vector<16xi32>
    %swap3A_198 = vector.shape_cast %and3A_192 : vector<16xi32> to vector<1x16xi32>
    tpu.vector_store %arg12[%swap3A_194, %swap3A_195], %swap3A_198 {strides = array<i32>} : memref<1x80xi32, #tpu.memory_space<vmem>>, vector<1x16xi32>,
    %shift_right_logical3A_199 = arith.constant 14 : i32
    %shift_right_logical3A_200 = vector.broadcast %shift_right_logical3A_199 : i32 to vector<16xi32>
    %shift_right_logical3A_201 = arith.shrui %get3A_189, %shift_right_logical3A_200 : vector<16xi32>
    %swap3A_202 = arith.constant 0 : i32
    %swap3A_203 = arith.index_cast %swap3A_202 : i32 to index
    %swap3A_204 = arith.constant 16 : index
    %swap3A_205 = tpu.vector_load %arg13[%swap3A_203, %swap3A_204] {strides = array<i32>} : memref<1x80xi32, #tpu.memory_space<vmem>>, vector<1x16xi32>,
    %swap3A_206 = vector.shape_cast %swap3A_205 : vector<1x16xi32> to vector<16xi32>
    %swap3A_207 = vector.shape_cast %shift_right_logical3A_201 : vector<16xi32> to vector<1x16xi32>
    tpu.vector_store %arg13[%swap3A_203, %swap3A_204], %swap3A_207 {strides = array<i32>} : memref<1x80xi32, #tpu.memory_space<vmem>>, vector<1x16xi32>,
    %get3A_208 = arith.constant 1 : i32
    %get3A_209 = arith.index_cast %get3A_208 : i32 to index
    %get3A_210 = arith.constant 32 : index
    %get3A_211 = tpu.vector_load %arg6[%get3A_209, %get3A_210] {strides = array<i32>} : memref<125x80xi32, #tpu.memory_space<vmem>>, vector<1x16xi32>,
    %get3A_212 = vector.shape_cast %get3A_211 : vector<1x16xi32> to vector<16xi32>
    %and3A_213 = arith.constant 16383 : i32
    %and3A_214 = vector.broadcast %and3A_213 : i32 to vector<16xi32>
    %and3A_215 = arith.andi %get3A_212, %and3A_214 : vector<16xi32>
    %swap3A_216 = arith.constant 0 : i32
    %swap3A_217 = arith.index_cast %swap3A_216 : i32 to index
    %swap3A_218 = arith.constant 32 : index
    %swap3A_219 = tpu.vector_load %arg12[%swap3A_217, %swap3A_218] {strides = array<i32>} : memref<1x80xi32, #tpu.memory_space<vmem>>, vector<1x16xi32>,
    %swap3A_220 = vector.shape_cast %swap3A_219 : vector<1x16xi32> to vector<16xi32>
    %swap3A_221 = vector.shape_cast %and3A_215 : vector<16xi32> to vector<1x16xi32>
    tpu.vector_store %arg12[%swap3A_217, %swap3A_218], %swap3A_221 {strides = array<i32>} : memref<1x80xi32, #tpu.memory_space<vmem>>, vector<1x16xi32>,
    %shift_right_logical3A_222 = arith.constant 14 : i32
    %shift_right_logical3A_223 = vector.broadcast %shift_right_logical3A_222 : i32 to vector<16xi32>
    %shift_right_logical3A_224 = arith.shrui %get3A_212, %shift_right_logical3A_223 : vector<16xi32>
    %swap3A_225 = arith.constant 0 : i32
    %swap3A_226 = arith.index_cast %swap3A_225 : i32 to index
    %swap3A_227 = arith.constant 32 : index
    %swap3A_228 = tpu.vector_load %arg13[%swap3A_226, %swap3A_227] {strides = array<i32>} : memref<1x80xi32, #tpu.memory_space<vmem>>, vector<1x16xi32>,
    %swap3A_229 = vector.shape_cast %swap3A_228 : vector<1x16xi32> to vector<16xi32>
    %swap3A_230 = vector.shape_cast %shift_right_logical3A_224 : vector<16xi32> to vector<1x16xi32>
    tpu.vector_store %arg13[%swap3A_226, %swap3A_227], %swap3A_230 {strides = array<i32>} : memref<1x80xi32, #tpu.memory_space<vmem>>, vector<1x16xi32>,
    %get3A_231 = arith.constant 1 : i32
    %get3A_232 = arith.index_cast %get3A_231 : i32 to index
    %get3A_233 = arith.constant 48 : index
    %get3A_234 = tpu.vector_load %arg6[%get3A_232, %get3A_233] {strides = array<i32>} : memref<125x80xi32, #tpu.memory_space<vmem>>, vector<1x16xi32>,
    %get3A_235 = vector.shape_cast %get3A_234 : vector<1x16xi32> to vector<16xi32>
    %and3A_236 = arith.constant 16383 : i32
    %and3A_237 = vector.broadcast %and3A_236 : i32 to vector<16xi32>
    %and3A_238 = arith.andi %get3A_235, %and3A_237 : vector<16xi32>
    %swap3A_239 = arith.constant 0 : i32
    %swap3A_240 = arith.index_cast %swap3A_239 : i32 to index
    %swap3A_241 = arith.constant 48 : index
    %swap3A_242 = tpu.vector_load %arg12[%swap3A_240, %swap3A_241] {strides = array<i32>} : memref<1x80xi32, #tpu.memory_space<vmem>>, vector<1x16xi32>,
    %swap3A_243 = vector.shape_cast %swap3A_242 : vector<1x16xi32> to vector<16xi32>
    %swap3A_244 = vector.shape_cast %and3A_238 : vector<16xi32> to vector<1x16xi32>
    tpu.vector_store %arg12[%swap3A_240, %swap3A_241], %swap3A_244 {strides = array<i32>} : memref<1x80xi32, #tpu.memory_space<vmem>>, vector<1x16xi32>,
    %shift_right_logical3A_245 = arith.constant 14 : i32
    %shift_right_logical3A_246 = vector.broadcast %shift_right_logical3A_245 : i32 to vector<16xi32>
    %shift_right_logical3A_247 = arith.shrui %get3A_235, %shift_right_logical3A_246 : vector<16xi32>
    %swap3A_248 = arith.constant 0 : i32
    %swap3A_249 = arith.index_cast %swap3A_248 : i32 to index
    %swap3A_250 = arith.constant 48 : index
    %swap3A_251 = tpu.vector_load %arg13[%swap3A_249, %swap3A_250] {strides = array<i32>} : memref<1x80xi32, #tpu.memory_space<vmem>>, vector<1x16xi32>,
    %swap3A_252 = vector.shape_cast %swap3A_251 : vector<1x16xi32> to vector<16xi32>
    %swap3A_253 = vector.shape_cast %shift_right_logical3A_247 : vector<16xi32> to vector<1x16xi32>
    tpu.vector_store %arg13[%swap3A_249, %swap3A_250], %swap3A_253 {strides = array<i32>} : memref<1x80xi32, #tpu.memory_space<vmem>>, vector<1x16xi32>,
    %get3A_254 = arith.constant 1 : i32
    %get3A_255 = arith.index_cast %get3A_254 : i32 to index
    %get3A_256 = arith.constant 64 : index
    %get3A_257 = tpu.vector_load %arg6[%get3A_255, %get3A_256] {strides = array<i32>} : memref<125x80xi32, #tpu.memory_space<vmem>>, vector<1x16xi32>,
    %get3A_258 = vector.shape_cast %get3A_257 : vector<1x16xi32> to vector<16xi32>
    %and3A_259 = arith.constant 16383 : i32
    %and3A_260 = vector.broadcast %and3A_259 : i32 to vector<16xi32>
    %and3A_261 = arith.andi %get3A_258, %and3A_260 : vector<16xi32>
    %swap3A_262 = arith.constant 0 : i32
    %swap3A_263 = arith.index_cast %swap3A_262 : i32 to index
    %swap3A_264 = arith.constant 64 : index
    %swap3A_265 = tpu.vector_load %arg12[%swap3A_263, %swap3A_264] {strides = array<i32>} : memref<1x80xi32, #tpu.memory_space<vmem>>, vector<1x16xi32>,
    %swap3A_266 = vector.shape_cast %swap3A_265 : vector<1x16xi32> to vector<16xi32>
    %swap3A_267 = vector.shape_cast %and3A_261 : vector<16xi32> to vector<1x16xi32>
    tpu.vector_store %arg12[%swap3A_263, %swap3A_264], %swap3A_267 {strides = array<i32>} : memref<1x80xi32, #tpu.memory_space<vmem>>, vector<1x16xi32>,
    %shift_right_logical3A_268 = arith.constant 14 : i32
    %shift_right_logical3A_269 = vector.broadcast %shift_right_logical3A_268 : i32 to vector<16xi32>
    %shift_right_logical3A_270 = arith.shrui %get3A_258, %shift_right_logical3A_269 : vector<16xi32>
    %swap3A_271 = arith.constant 0 : i32
    %swap3A_272 = arith.index_cast %swap3A_271 : i32 to index
    %swap3A_273 = arith.constant 64 : index
    %swap3A_274 = tpu.vector_load %arg13[%swap3A_272, %swap3A_273] {strides = array<i32>} : memref<1x80xi32, #tpu.memory_space<vmem>>, vector<1x16xi32>,
    %swap3A_275 = vector.shape_cast %swap3A_274 : vector<1x16xi32> to vector<16xi32>
    %swap3A_276 = vector.shape_cast %shift_right_logical3A_270 : vector<16xi32> to vector<1x16xi32>
    tpu.vector_store %arg13[%swap3A_272, %swap3A_273], %swap3A_276 {strides = array<i32>} : memref<1x80xi32, #tpu.memory_space<vmem>>, vector<1x16xi32>,
    %get3A_277 = arith.constant 2 : i32
    %get3A_278 = arith.index_cast %get3A_277 : i32 to index
    %get3A_279 = arith.constant 0 : index
    %get3A_280 = tpu.vector_load %arg6[%get3A_278, %get3A_279] {strides = array<i32>} : memref<125x80xi32, #tpu.memory_space<vmem>>, vector<1x16xi32>,
    %get3A_281 = vector.shape_cast %get3A_280 : vector<1x16xi32> to vector<16xi32>
    %and3A_282 = arith.constant 16383 : i32
    %and3A_283 = vector.broadcast %and3A_282 : i32 to vector<16xi32>
    %and3A_284 = arith.andi %get3A_281, %and3A_283 : vector<16xi32>
    %swap3A_285 = arith.constant 0 : i32
    %swap3A_286 = arith.index_cast %swap3A_285 : i32 to index
    %swap3A_287 = arith.constant 0 : index
    %swap3A_288 = tpu.vector_load %arg14[%swap3A_286, %swap3A_287] {strides = array<i32>} : memref<1x80xi32, #tpu.memory_space<vmem>>, vector<1x16xi32>,
    %swap3A_289 = vector.shape_cast %swap3A_288 : vector<1x16xi32> to vector<16xi32>
    %swap3A_290 = vector.shape_cast %and3A_284 : vector<16xi32> to vector<1x16xi32>
    tpu.vector_store %arg14[%swap3A_286, %swap3A_287], %swap3A_290 {strides = array<i32>} : memref<1x80xi32, #tpu.memory_space<vmem>>, vector<1x16xi32>,
    %shift_right_logical3A_291 = arith.constant 14 : i32
    %shift_right_logical3A_292 = vector.broadcast %shift_right_logical3A_291 : i32 to vector<16xi32>
    %shift_right_logical3A_293 = arith.shrui %get3A_281, %shift_right_logical3A_292 : vector<16xi32>
    %swap3A_294 = arith.constant 0 : i32
    %swap3A_295 = arith.index_cast %swap3A_294 : i32 to index
    %swap3A_296 = arith.constant 0 : index
    %swap3A_297 = tpu.vector_load %arg15[%swap3A_295, %swap3A_296] {strides = array<i32>} : memref<1x80xi32, #tpu.memory_space<vmem>>, vector<1x16xi32>,
    %swap3A_298 = vector.shape_cast %swap3A_297 : vector<1x16xi32> to vector<16xi32>
    %swap3A_299 = vector.shape_cast %shift_right_logical3A_293 : vector<16xi32> to vector<1x16xi32>
    tpu.vector_store %arg15[%swap3A_295, %swap3A_296], %swap3A_299 {strides = array<i32>} : memref<1x80xi32, #tpu.memory_space<vmem>>, vector<1x16xi32>,
    %get3A_300 = arith.constant 2 : i32
    %get3A_301 = arith.index_cast %get3A_300 : i32 to index
    %get3A_302 = arith.constant 16 : index
    %get3A_303 = tpu.vector_load %arg6[%get3A_301, %get3A_302] {strides = array<i32>} : memref<125x80xi32, #tpu.memory_space<vmem>>, vector<1x16xi32>,
    %get3A_304 = vector.shape_cast %get3A_303 : vector<1x16xi32> to vector<16xi32>
    %and3A_305 = arith.constant 16383 : i32
    %and3A_306 = vector.broadcast %and3A_305 : i32 to vector<16xi32>
    %and3A_307 = arith.andi %get3A_304, %and3A_306 : vector<16xi32>
    %swap3A_308 = arith.constant 0 : i32
    %swap3A_309 = arith.index_cast %swap3A_308 : i32 to index
    %swap3A_310 = arith.constant 16 : index
    %swap3A_311 = tpu.vector_load %arg14[%swap3A_309, %swap3A_310] {strides = array<i32>} : memref<1x80xi32, #tpu.memory_space<vmem>>, vector<1x16xi32>,
    %swap3A_312 = vector.shape_cast %swap3A_311 : vector<1x16xi32> to vector<16xi32>
    %swap3A_313 = vector.shape_cast %and3A_307 : vector<16xi32> to vector<1x16xi32>
    tpu.vector_store %arg14[%swap3A_309, %swap3A_310], %swap3A_313 {strides = array<i32>} : memref<1x80xi32, #tpu.memory_space<vmem>>, vector<1x16xi32>,
    %shift_right_logical3A_314 = arith.constant 14 : i32
    %shift_right_logical3A_315 = vector.broadcast %shift_right_logical3A_314 : i32 to vector<16xi32>
    %shift_right_logical3A_316 = arith.shrui %get3A_304, %shift_right_logical3A_315 : vector<16xi32>
    %swap3A_317 = arith.constant 0 : i32
    %swap3A_318 = arith.index_cast %swap3A_317 : i32 to index
    %swap3A_319 = arith.constant 16 : index
    %swap3A_320 = tpu.vector_load %arg15[%swap3A_318, %swap3A_319] {strides = array<i32>} : memref<1x80xi32, #tpu.memory_space<vmem>>, vector<1x16xi32>,
    %swap3A_321 = vector.shape_cast %swap3A_320 : vector<1x16xi32> to vector<16xi32>
    %swap3A_322 = vector.shape_cast %shift_right_logical3A_316 : vector<16xi32> to vector<1x16xi32>
    tpu.vector_store %arg15[%swap3A_318, %swap3A_319], %swap3A_322 {strides = array<i32>} : memref<1x80xi32, #tpu.memory_space<vmem>>, vector<1x16xi32>,
    %get3A_323 = arith.constant 2 : i32
    %get3A_324 = arith.index_cast %get3A_323 : i32 to index
    %get3A_325 = arith.constant 32 : index
    %get3A_326 = tpu.vector_load %arg6[%get3A_324, %get3A_325] {strides = array<i32>} : memref<125x80xi32, #tpu.memory_space<vmem>>, vector<1x16xi32>,
    %get3A_327 = vector.shape_cast %get3A_326 : vector<1x16xi32> to vector<16xi32>
    %and3A_328 = arith.constant 16383 : i32
    %and3A_329 = vector.broadcast %and3A_328 : i32 to vector<16xi32>
    %and3A_330 = arith.andi %get3A_327, %and3A_329 : vector<16xi32>
    %swap3A_331 = arith.constant 0 : i32
    %swap3A_332 = arith.index_cast %swap3A_331 : i32 to index
    %swap3A_333 = arith.constant 32 : index
    %swap3A_334 = tpu.vector_load %arg14[%swap3A_332, %swap3A_333] {strides = array<i32>} : memref<1x80xi32, #tpu.memory_space<vmem>>, vector<1x16xi32>,
    %swap3A_335 = vector.shape_cast %swap3A_334 : vector<1x16xi32> to vector<16xi32>
    %swap3A_336 = vector.shape_cast %and3A_330 : vector<16xi32> to vector<1x16xi32>
    tpu.vector_store %arg14[%swap3A_332, %swap3A_333], %swap3A_336 {strides = array<i32>} : memref<1x80xi32, #tpu.memory_space<vmem>>, vector<1x16xi32>,
    %shift_right_logical3A_337 = arith.constant 14 : i32
    %shift_right_logical3A_338 = vector.broadcast %shift_right_logical3A_337 : i32 to vector<16xi32>
    %shift_right_logical3A_339 = arith.shrui %get3A_327, %shift_right_logical3A_338 : vector<16xi32>
    %swap3A_340 = arith.constant 0 : i32
    %swap3A_341 = arith.index_cast %swap3A_340 : i32 to index
    %swap3A_342 = arith.constant 32 : index
    %swap3A_343 = tpu.vector_load %arg15[%swap3A_341, %swap3A_342] {strides = array<i32>} : memref<1x80xi32, #tpu.memory_space<vmem>>, vector<1x16xi32>,
    %swap3A_344 = vector.shape_cast %swap3A_343 : vector<1x16xi32> to vector<16xi32>
    %swap3A_345 = vector.shape_cast %shift_right_logical3A_339 : vector<16xi32> to vector<1x16xi32>
    tpu.vector_store %arg15[%swap3A_341, %swap3A_342], %swap3A_345 {strides = array<i32>} : memref<1x80xi32, #tpu.memory_space<vmem>>, vector<1x16xi32>,
    %get3A_346 = arith.constant 2 : i32
    %get3A_347 = arith.index_cast %get3A_346 : i32 to index
    %get3A_348 = arith.constant 48 : index
    %get3A_349 = tpu.vector_load %arg6[%get3A_347, %get3A_348] {strides = array<i32>} : memref<125x80xi32, #tpu.memory_space<vmem>>, vector<1x16xi32>,
    %get3A_350 = vector.shape_cast %get3A_349 : vector<1x16xi32> to vector<16xi32>
    %and3A_351 = arith.constant 16383 : i32
    %and3A_352 = vector.broadcast %and3A_351 : i32 to vector<16xi32>
    %and3A_353 = arith.andi %get3A_350, %and3A_352 : vector<16xi32>
    %swap3A_354 = arith.constant 0 : i32
    %swap3A_355 = arith.index_cast %swap3A_354 : i32 to index
    %swap3A_356 = arith.constant 48 : index
    %swap3A_357 = tpu.vector_load %arg14[%swap3A_355, %swap3A_356] {strides = array<i32>} : memref<1x80xi32, #tpu.memory_space<vmem>>, vector<1x16xi32>,
    %swap3A_358 = vector.shape_cast %swap3A_357 : vector<1x16xi32> to vector<16xi32>
    %swap3A_359 = vector.shape_cast %and3A_353 : vector<16xi32> to vector<1x16xi32>
    tpu.vector_store %arg14[%swap3A_355, %swap3A_356], %swap3A_359 {strides = array<i32>} : memref<1x80xi32, #tpu.memory_space<vmem>>, vector<1x16xi32>,
    %shift_right_logical3A_360 = arith.constant 14 : i32
    %shift_right_logical3A_361 = vector.broadcast %shift_right_logical3A_360 : i32 to vector<16xi32>
    %shift_right_logical3A_362 = arith.shrui %get3A_350, %shift_right_logical3A_361 : vector<16xi32>
    %swap3A_363 = arith.constant 0 : i32
    %swap3A_364 = arith.index_cast %swap3A_363 : i32 to index
    %swap3A_365 = arith.constant 48 : index
    %swap3A_366 = tpu.vector_load %arg15[%swap3A_364, %swap3A_365] {strides = array<i32>} : memref<1x80xi32, #tpu.memory_space<vmem>>, vector<1x16xi32>,
    %swap3A_367 = vector.shape_cast %swap3A_366 : vector<1x16xi32> to vector<16xi32>
    %swap3A_368 = vector.shape_cast %shift_right_logical3A_362 : vector<16xi32> to vector<1x16xi32>
    tpu.vector_store %arg15[%swap3A_364, %swap3A_365], %swap3A_368 {strides = array<i32>} : memref<1x80xi32, #tpu.memory_space<vmem>>, vector<1x16xi32>,
    %get3A_369 = arith.constant 2 : i32
    %get3A_370 = arith.index_cast %get3A_369 : i32 to index
    %get3A_371 = arith.constant 64 : index
    %get3A_372 = tpu.vector_load %arg6[%get3A_370, %get3A_371] {strides = array<i32>} : memref<125x80xi32, #tpu.memory_space<vmem>>, vector<1x16xi32>,
    %get3A_373 = vector.shape_cast %get3A_372 : vector<1x16xi32> to vector<16xi32>
    %and3A_374 = arith.constant 16383 : i32
    %and3A_375 = vector.broadcast %and3A_374 : i32 to vector<16xi32>
    %and3A_376 = arith.andi %get3A_373, %and3A_375 : vector<16xi32>
    %swap3A_377 = arith.constant 0 : i32
    %swap3A_378 = arith.index_cast %swap3A_377 : i32 to index
    %swap3A_379 = arith.constant 64 : index
    %swap3A_380 = tpu.vector_load %arg14[%swap3A_378, %swap3A_379] {strides = array<i32>} : memref<1x80xi32, #tpu.memory_space<vmem>>, vector<1x16xi32>,
    %swap3A_381 = vector.shape_cast %swap3A_380 : vector<1x16xi32> to vector<16xi32>
    %swap3A_382 = vector.shape_cast %and3A_376 : vector<16xi32> to vector<1x16xi32>
    tpu.vector_store %arg14[%swap3A_378, %swap3A_379], %swap3A_382 {strides = array<i32>} : memref<1x80xi32, #tpu.memory_space<vmem>>, vector<1x16xi32>,
    %shift_right_logical3A_383 = arith.constant 14 : i32
    %shift_right_logical3A_384 = vector.broadcast %shift_right_logical3A_383 : i32 to vector<16xi32>
    %shift_right_logical3A_385 = arith.shrui %get3A_373, %shift_right_logical3A_384 : vector<16xi32>
    %swap3A_386 = arith.constant 0 : i32
    %swap3A_387 = arith.index_cast %swap3A_386 : i32 to index
    %swap3A_388 = arith.constant 64 : index
    %swap3A_389 = tpu.vector_load %arg15[%swap3A_387, %swap3A_388] {strides = array<i32>} : memref<1x80xi32, #tpu.memory_space<vmem>>, vector<1x16xi32>,
    %swap3A_390 = vector.shape_cast %swap3A_389 : vector<1x16xi32> to vector<16xi32>
    %swap3A_391 = vector.shape_cast %shift_right_logical3A_385 : vector<16xi32> to vector<1x16xi32>
    tpu.vector_store %arg15[%swap3A_387, %swap3A_388], %swap3A_391 {strides = array<i32>} : memref<1x80xi32, #tpu.memory_space<vmem>>, vector<1x16xi32>,
    %barrier3A = arith.constant 0 : index
    tpu.barrier barrier_id(%barrier3A)
    %dma_start3A = arith.constant 0 : i32
    %dma_start3A_392 = arith.constant 0 : i32
    %dma_start3A_393 = tpu.memref_slice %arg10[%dma_start3A, %dma_start3A_392] : memref<1x80xi32, #tpu.memory_space<vmem>> -> memref<1x80xi32, #tpu.memory_space<vmem>>
    %dma_start3A_394 = tpu.memref_squeeze %dma_start3A_393 : memref<1x80xi32, #tpu.memory_space<vmem>> -> memref<80xi32, #tpu.memory_space<vmem>>
    %dma_start3A_395 = arith.constant 0 : i32
    %dma_start3A_396 = arith.constant 0 : i32
    %dma_start3A_397 = tpu.memref_slice %arg2[%dma_start3A_395, %dma_start3A_396] : memref<10000x128xf32, #tpu.memory_space<hbm>> -> memref<10000x128xf32, #tpu.memory_space<hbm>>
    tpu.enqueue_indirect_dma source(%dma_start3A_397 : memref<10000x128xf32, #tpu.memory_space<hbm>>) target(%arg7 : memref<80x128xf32, #tpu.memory_space<vmem>>) offsets(%dma_start3A_394 : memref<80xi32, #tpu.memory_space<vmem>>) semaphore(%arg20 : memref<!tpu.dma_semaphore, #tpu.memory_space<semaphore_mem>>)
    %dma_start3A_398 = arith.constant 0 : i32
    %dma_start3A_399 = arith.constant 0 : i32
    %dma_start3A_400 = tpu.memref_slice %arg12[%dma_start3A_398, %dma_start3A_399] : memref<1x80xi32, #tpu.memory_space<vmem>> -> memref<1x80xi32, #tpu.memory_space<vmem>>
    %dma_start3A_401 = tpu.memref_squeeze %dma_start3A_400 : memref<1x80xi32, #tpu.memory_space<vmem>> -> memref<80xi32, #tpu.memory_space<vmem>>
    %dma_start3A_402 = arith.constant 0 : i32
    %dma_start3A_403 = arith.constant 0 : i32
    %dma_start3A_404 = tpu.memref_slice %arg2[%dma_start3A_402, %dma_start3A_403] : memref<10000x128xf32, #tpu.memory_space<hbm>> -> memref<10000x128xf32, #tpu.memory_space<hbm>>
    tpu.enqueue_indirect_dma source(%dma_start3A_404 : memref<10000x128xf32, #tpu.memory_space<hbm>>) target(%arg8 : memref<80x128xf32, #tpu.memory_space<vmem>>) offsets(%dma_start3A_401 : memref<80xi32, #tpu.memory_space<vmem>>) semaphore(%arg21 : memref<!tpu.dma_semaphore, #tpu.memory_space<semaphore_mem>>)
    %scan3A_405 = arith.constant 0 : i32
    %scan3A_406 = arith.constant 0 : i32
    %scan3A_407 = arith.constant 41 : i32
    %scan3A_408 = arith.addi %scan3A_406, %scan3A_407 : i32
    %scan3A_409 = arith.constant 1 : i32
    %scan3A_410 = scf.for %scan3A_751 = %scan3A_406 to %scan3A_408 step %scan3A_409 iter_args(%scan3A_752 = %scan3A_405) -> (i32)  : i32 {
      %mul3A_753 = arith.constant 3 : i32
      %mul3A_754 = arith.muli %mul3A_753, %scan3A_751 : i32
      %add3A_755 = arith.constant 0 : i32
      %add3A_756 = arith.addi %mul3A_754, %add3A_755 : i32
      %dma_wait3A_757 = arith.constant 0 : i32
      %dma_wait3A_758 = arith.constant 0 : i32
      %dma_wait3A_759 = tpu.memref_slice %arg10[%dma_wait3A_757, %dma_wait3A_758] : memref<1x80xi32, #tpu.memory_space<vmem>> -> memref<1x80xi32, #tpu.memory_space<vmem>>
      %dma_wait3A_760 = tpu.memref_squeeze %dma_wait3A_759 : memref<1x80xi32, #tpu.memory_space<vmem>> -> memref<80xi32, #tpu.memory_space<vmem>>
      %dma_wait3A_761 = arith.constant 0 : i32
      %dma_wait3A_762 = arith.constant 0 : i32
      %dma_wait3A_763 = tpu.memref_slice %arg2[%dma_wait3A_761, %dma_wait3A_762] : memref<10000x128xf32, #tpu.memory_space<hbm>> -> memref<10000x128xf32, #tpu.memory_space<hbm>>
      tpu.wait_indirect_dma semaphore(%arg20 : memref<!tpu.dma_semaphore, #tpu.memory_space<semaphore_mem>>) src(%dma_wait3A_763 : memref<10000x128xf32, #tpu.memory_space<hbm>>) dst(%arg7 : memref<80x128xf32, #tpu.memory_space<vmem>>)
      %dma_start3A_764 = arith.constant 0 : i32
      %dma_start3A_765 = arith.constant 0 : i32
      %dma_start3A_766 = tpu.memref_slice %arg11[%dma_start3A_764, %dma_start3A_765] : memref<1x80xi32, #tpu.memory_space<vmem>> -> memref<1x80xi32, #tpu.memory_space<vmem>>
      %dma_start3A_767 = tpu.memref_squeeze %dma_start3A_766 : memref<1x80xi32, #tpu.memory_space<vmem>> -> memref<80xi32, #tpu.memory_space<vmem>>
      %dma_start3A_768 = arith.constant 0 : i32
      %dma_start3A_769 = arith.constant 0 : i32
      %dma_start3A_770 = tpu.memref_slice %arg18[%dma_start3A_768, %dma_start3A_769] : memref<10240x128xf32, #tpu.memory_space<vmem_shared>> -> memref<10240x128xf32, #tpu.memory_space<vmem_shared>>
      tpu.enqueue_indirect_dma source(%arg7 : memref<80x128xf32, #tpu.memory_space<vmem>>) target(%dma_start3A_770 : memref<10240x128xf32, #tpu.memory_space<vmem_shared>>) offsets(%dma_start3A_767 : memref<80xi32, #tpu.memory_space<vmem>>) semaphore(%arg23 : memref<!tpu.dma_semaphore, #tpu.memory_space<semaphore_mem>>) {add = true}
      %dma_start3A_771 = arith.constant 0 : i32
      %dma_start3A_772 = arith.constant 0 : i32
      %dma_start3A_773 = arith.constant 0 : i32
      %dma_start3A_774 = tpu.memref_slice %arg16[%dma_start3A_771, %dma_start3A_773] : memref<1x80xf32, #tpu.memory_space<vmem>> -> memref<1x80xf32, #tpu.memory_space<vmem>>
      %dma_start3A_775 = tpu.memref_squeeze %dma_start3A_774 : memref<1x80xf32, #tpu.memory_space<vmem>> -> memref<80xf32, #tpu.memory_space<vmem>>
      %dma_start3A_776 = arith.constant 0 : i32
      %dma_start3A_777 = tpu.memref_slice %arg11[%dma_start3A_772, %dma_start3A_776] : memref<1x80xi32, #tpu.memory_space<vmem>> -> memref<1x80xi32, #tpu.memory_space<vmem>>
      %dma_start3A_778 = tpu.memref_squeeze %dma_start3A_777 : memref<1x80xi32, #tpu.memory_space<vmem>> -> memref<80xi32, #tpu.memory_space<vmem>>
      %dma_start3A_779 = arith.constant 0 : i32
      %dma_start3A_780 = tpu.memref_slice %arg19[%dma_start3A_779] : memref<10240xf32, #tpu.memory_space<vmem_shared>> -> memref<10240xf32, #tpu.memory_space<vmem_shared>>
      tpu.enqueue_indirect_dma source(%dma_start3A_775 : memref<80xf32, #tpu.memory_space<vmem>>) target(%dma_start3A_780 : memref<10240xf32, #tpu.memory_space<vmem_shared>>) offsets(%dma_start3A_778 : memref<80xi32, #tpu.memory_space<vmem>>) semaphore(%arg26 : memref<!tpu.dma_semaphore, #tpu.memory_space<semaphore_mem>>) {add = true}
      %gt3A_781 = arith.constant 0 : i32
      %gt3A_782 = arith.cmpi sgt, %add3A_756, %gt3A_781 : i32
      %convert_element_type3A_783 = arith.extui %gt3A_782 : i1 to i32
      %cond3A_784 = arith.constant 0 : i32
      %cond3A_785 = arith.cmpi ne, %convert_element_type3A_783, %cond3A_784 : i32
      scf.if %cond3A_785 {
        %dma_wait3A_1225 = arith.constant 0 : i32
        %dma_wait3A_1226 = arith.constant 0 : i32
        %dma_wait3A_1227 = tpu.memref_slice %arg15[%dma_wait3A_1225, %dma_wait3A_1226] : memref<1x80xi32, #tpu.memory_space<vmem>> -> memref<1x80xi32, #tpu.memory_space<vmem>>
        %dma_wait3A_1228 = tpu.memref_squeeze %dma_wait3A_1227 : memref<1x80xi32, #tpu.memory_space<vmem>> -> memref<80xi32, #tpu.memory_space<vmem>>
        %dma_wait3A_1229 = arith.constant 0 : i32
        %dma_wait3A_1230 = arith.constant 0 : i32
        %dma_wait3A_1231 = tpu.memref_slice %arg18[%dma_wait3A_1229, %dma_wait3A_1230] : memref<10240x128xf32, #tpu.memory_space<vmem_shared>> -> memref<10240x128xf32, #tpu.memory_space<vmem_shared>>
        tpu.wait_indirect_dma semaphore(%arg25 : memref<!tpu.dma_semaphore, #tpu.memory_space<semaphore_mem>>) src(%arg9 : memref<80x128xf32, #tpu.memory_space<vmem>>) dst(%dma_wait3A_1231 : memref<10240x128xf32, #tpu.memory_space<vmem_shared>>)
        %dma_wait3A_1232 = arith.constant 0 : i32
        %dma_wait3A_1233 = arith.constant 0 : i32
        %dma_wait3A_1234 = arith.constant 0 : i32
        %dma_wait3A_1235 = tpu.memref_slice %arg16[%dma_wait3A_1232, %dma_wait3A_1234] : memref<1x80xf32, #tpu.memory_space<vmem>> -> memref<1x80xf32, #tpu.memory_space<vmem>>
        %dma_wait3A_1236 = tpu.memref_squeeze %dma_wait3A_1235 : memref<1x80xf32, #tpu.memory_space<vmem>> -> memref<80xf32, #tpu.memory_space<vmem>>
        %dma_wait3A_1237 = arith.constant 0 : i32
        %dma_wait3A_1238 = tpu.memref_slice %arg15[%dma_wait3A_1233, %dma_wait3A_1237] : memref<1x80xi32, #tpu.memory_space<vmem>> -> memref<1x80xi32, #tpu.memory_space<vmem>>
        %dma_wait3A_1239 = tpu.memref_squeeze %dma_wait3A_1238 : memref<1x80xi32, #tpu.memory_space<vmem>> -> memref<80xi32, #tpu.memory_space<vmem>>
        %dma_wait3A_1240 = arith.constant 0 : i32
        %dma_wait3A_1241 = tpu.memref_slice %arg19[%dma_wait3A_1240] : memref<10240xf32, #tpu.memory_space<vmem_shared>> -> memref<10240xf32, #tpu.memory_space<vmem_shared>>
        tpu.wait_indirect_dma semaphore(%arg26 : memref<!tpu.dma_semaphore, #tpu.memory_space<semaphore_mem>>) src(%dma_wait3A_1236 : memref<80xf32, #tpu.memory_space<vmem>>) dst(%dma_wait3A_1241 : memref<10240xf32, #tpu.memory_space<vmem_shared>>)
      } else {
      }
      %ge3A_786 = arith.constant 123 : i32
      %ge3A_787 = arith.cmpi sge, %add3A_756, %ge3A_786 : i32
      %sub3A_788 = arith.constant 123 : i32
      %sub3A_789 = arith.subi %add3A_756, %sub3A_788 : i32
      %add3A_790 = arith.constant 2 : i32
      %add3A_791 = arith.addi %add3A_756, %add3A_790 : i32
      %select_n3A_792 = arith.select %ge3A_787, %sub3A_789, %add3A_791 : i32
      %get3A_793 = arith.index_cast %select_n3A_792 : i32 to index
      %get3A_794 = arith.constant 0 : index
      %get3A_795 = tpu.vector_load %arg6[%get3A_793, %get3A_794] {strides = array<i32>} : memref<125x80xi32, #tpu.memory_space<vmem>>, vector<1x16xi32>,
      %get3A_796 = vector.shape_cast %get3A_795 : vector<1x16xi32> to vector<16xi32>
      %and3A_797 = arith.constant 16383 : i32
      %and3A_798 = vector.broadcast %and3A_797 : i32 to vector<16xi32>
      %and3A_799 = arith.andi %get3A_796, %and3A_798 : vector<16xi32>
      %swap3A_800 = arith.constant 0 : i32
      %swap3A_801 = arith.index_cast %swap3A_800 : i32 to index
      %swap3A_802 = arith.constant 0 : index
      %swap3A_803 = tpu.vector_load %arg14[%swap3A_801, %swap3A_802] {strides = array<i32>} : memref<1x80xi32, #tpu.memory_space<vmem>>, vector<1x16xi32>,
      %swap3A_804 = vector.shape_cast %swap3A_803 : vector<1x16xi32> to vector<16xi32>
      %swap3A_805 = vector.shape_cast %and3A_799 : vector<16xi32> to vector<1x16xi32>
      tpu.vector_store %arg14[%swap3A_801, %swap3A_802], %swap3A_805 {strides = array<i32>} : memref<1x80xi32, #tpu.memory_space<vmem>>, vector<1x16xi32>,
      %shift_right_logical3A_806 = arith.constant 14 : i32
      %shift_right_logical3A_807 = vector.broadcast %shift_right_logical3A_806 : i32 to vector<16xi32>
      %shift_right_logical3A_808 = arith.shrui %get3A_796, %shift_right_logical3A_807 : vector<16xi32>
      %swap3A_809 = arith.constant 0 : i32
      %swap3A_810 = arith.index_cast %swap3A_809 : i32 to index
      %swap3A_811 = arith.constant 0 : index
      %swap3A_812 = tpu.vector_load %arg15[%swap3A_810, %swap3A_811] {strides = array<i32>} : memref<1x80xi32, #tpu.memory_space<vmem>>, vector<1x16xi32>,
      %swap3A_813 = vector.shape_cast %swap3A_812 : vector<1x16xi32> to vector<16xi32>
      %swap3A_814 = vector.shape_cast %shift_right_logical3A_808 : vector<16xi32> to vector<1x16xi32>
      tpu.vector_store %arg15[%swap3A_810, %swap3A_811], %swap3A_814 {strides = array<i32>} : memref<1x80xi32, #tpu.memory_space<vmem>>, vector<1x16xi32>,
      %get3A_815 = arith.index_cast %select_n3A_792 : i32 to index
      %get3A_816 = arith.constant 16 : index
      %get3A_817 = tpu.vector_load %arg6[%get3A_815, %get3A_816] {strides = array<i32>} : memref<125x80xi32, #tpu.memory_space<vmem>>, vector<1x16xi32>,
      %get3A_818 = vector.shape_cast %get3A_817 : vector<1x16xi32> to vector<16xi32>
      %and3A_819 = arith.constant 16383 : i32
      %and3A_820 = vector.broadcast %and3A_819 : i32 to vector<16xi32>
      %and3A_821 = arith.andi %get3A_818, %and3A_820 : vector<16xi32>
      %swap3A_822 = arith.constant 0 : i32
      %swap3A_823 = arith.index_cast %swap3A_822 : i32 to index
      %swap3A_824 = arith.constant 16 : index
      %swap3A_825 = tpu.vector_load %arg14[%swap3A_823, %swap3A_824] {strides = array<i32>} : memref<1x80xi32, #tpu.memory_space<vmem>>, vector<1x16xi32>,
      %swap3A_826 = vector.shape_cast %swap3A_825 : vector<1x16xi32> to vector<16xi32>
      %swap3A_827 = vector.shape_cast %and3A_821 : vector<16xi32> to vector<1x16xi32>
      tpu.vector_store %arg14[%swap3A_823, %swap3A_824], %swap3A_827 {strides = array<i32>} : memref<1x80xi32, #tpu.memory_space<vmem>>, vector<1x16xi32>,
      %shift_right_logical3A_828 = arith.constant 14 : i32
      %shift_right_logical3A_829 = vector.broadcast %shift_right_logical3A_828 : i32 to vector<16xi32>
      %shift_right_logical3A_830 = arith.shrui %get3A_818, %shift_right_logical3A_829 : vector<16xi32>
      %swap3A_831 = arith.constant 0 : i32
      %swap3A_832 = arith.index_cast %swap3A_831 : i32 to index
      %swap3A_833 = arith.constant 16 : index
      %swap3A_834 = tpu.vector_load %arg15[%swap3A_832, %swap3A_833] {strides = array<i32>} : memref<1x80xi32, #tpu.memory_space<vmem>>, vector<1x16xi32>,
      %swap3A_835 = vector.shape_cast %swap3A_834 : vector<1x16xi32> to vector<16xi32>
      %swap3A_836 = vector.shape_cast %shift_right_logical3A_830 : vector<16xi32> to vector<1x16xi32>
      tpu.vector_store %arg15[%swap3A_832, %swap3A_833], %swap3A_836 {strides = array<i32>} : memref<1x80xi32, #tpu.memory_space<vmem>>, vector<1x16xi32>,
      %get3A_837 = arith.index_cast %select_n3A_792 : i32 to index
      %get3A_838 = arith.constant 32 : index
      %get3A_839 = tpu.vector_load %arg6[%get3A_837, %get3A_838] {strides = array<i32>} : memref<125x80xi32, #tpu.memory_space<vmem>>, vector<1x16xi32>,
      %get3A_840 = vector.shape_cast %get3A_839 : vector<1x16xi32> to vector<16xi32>
      %and3A_841 = arith.constant 16383 : i32
      %and3A_842 = vector.broadcast %and3A_841 : i32 to vector<16xi32>
      %and3A_843 = arith.andi %get3A_840, %and3A_842 : vector<16xi32>
      %swap3A_844 = arith.constant 0 : i32
      %swap3A_845 = arith.index_cast %swap3A_844 : i32 to index
      %swap3A_846 = arith.constant 32 : index
      %swap3A_847 = tpu.vector_load %arg14[%swap3A_845, %swap3A_846] {strides = array<i32>} : memref<1x80xi32, #tpu.memory_space<vmem>>, vector<1x16xi32>,
      %swap3A_848 = vector.shape_cast %swap3A_847 : vector<1x16xi32> to vector<16xi32>
      %swap3A_849 = vector.shape_cast %and3A_843 : vector<16xi32> to vector<1x16xi32>
      tpu.vector_store %arg14[%swap3A_845, %swap3A_846], %swap3A_849 {strides = array<i32>} : memref<1x80xi32, #tpu.memory_space<vmem>>, vector<1x16xi32>,
      %shift_right_logical3A_850 = arith.constant 14 : i32
      %shift_right_logical3A_851 = vector.broadcast %shift_right_logical3A_850 : i32 to vector<16xi32>
      %shift_right_logical3A_852 = arith.shrui %get3A_840, %shift_right_logical3A_851 : vector<16xi32>
      %swap3A_853 = arith.constant 0 : i32
      %swap3A_854 = arith.index_cast %swap3A_853 : i32 to index
      %swap3A_855 = arith.constant 32 : index
      %swap3A_856 = tpu.vector_load %arg15[%swap3A_854, %swap3A_855] {strides = array<i32>} : memref<1x80xi32, #tpu.memory_space<vmem>>, vector<1x16xi32>,
      %swap3A_857 = vector.shape_cast %swap3A_856 : vector<1x16xi32> to vector<16xi32>
      %swap3A_858 = vector.shape_cast %shift_right_logical3A_852 : vector<16xi32> to vector<1x16xi32>
      tpu.vector_store %arg15[%swap3A_854, %swap3A_855], %swap3A_858 {strides = array<i32>} : memref<1x80xi32, #tpu.memory_space<vmem>>, vector<1x16xi32>,
      %get3A_859 = arith.index_cast %select_n3A_792 : i32 to index
      %get3A_860 = arith.constant 48 : index
      %get3A_861 = tpu.vector_load %arg6[%get3A_859, %get3A_860] {strides = array<i32>} : memref<125x80xi32, #tpu.memory_space<vmem>>, vector<1x16xi32>,
      %get3A_862 = vector.shape_cast %get3A_861 : vector<1x16xi32> to vector<16xi32>
      %and3A_863 = arith.constant 16383 : i32
      %and3A_864 = vector.broadcast %and3A_863 : i32 to vector<16xi32>
      %and3A_865 = arith.andi %get3A_862, %and3A_864 : vector<16xi32>
      %swap3A_866 = arith.constant 0 : i32
      %swap3A_867 = arith.index_cast %swap3A_866 : i32 to index
      %swap3A_868 = arith.constant 48 : index
      %swap3A_869 = tpu.vector_load %arg14[%swap3A_867, %swap3A_868] {strides = array<i32>} : memref<1x80xi32, #tpu.memory_space<vmem>>, vector<1x16xi32>,
      %swap3A_870 = vector.shape_cast %swap3A_869 : vector<1x16xi32> to vector<16xi32>
      %swap3A_871 = vector.shape_cast %and3A_865 : vector<16xi32> to vector<1x16xi32>
      tpu.vector_store %arg14[%swap3A_867, %swap3A_868], %swap3A_871 {strides = array<i32>} : memref<1x80xi32, #tpu.memory_space<vmem>>, vector<1x16xi32>,
      %shift_right_logical3A_872 = arith.constant 14 : i32
      %shift_right_logical3A_873 = vector.broadcast %shift_right_logical3A_872 : i32 to vector<16xi32>
      %shift_right_logical3A_874 = arith.shrui %get3A_862, %shift_right_logical3A_873 : vector<16xi32>
      %swap3A_875 = arith.constant 0 : i32
      %swap3A_876 = arith.index_cast %swap3A_875 : i32 to index
      %swap3A_877 = arith.constant 48 : index
      %swap3A_878 = tpu.vector_load %arg15[%swap3A_876, %swap3A_877] {strides = array<i32>} : memref<1x80xi32, #tpu.memory_space<vmem>>, vector<1x16xi32>,
      %swap3A_879 = vector.shape_cast %swap3A_878 : vector<1x16xi32> to vector<16xi32>
      %swap3A_880 = vector.shape_cast %shift_right_logical3A_874 : vector<16xi32> to vector<1x16xi32>
      tpu.vector_store %arg15[%swap3A_876, %swap3A_877], %swap3A_880 {strides = array<i32>} : memref<1x80xi32, #tpu.memory_space<vmem>>, vector<1x16xi32>,
      %get3A_881 = arith.index_cast %select_n3A_792 : i32 to index
      %get3A_882 = arith.constant 64 : index
      %get3A_883 = tpu.vector_load %arg6[%get3A_881, %get3A_882] {strides = array<i32>} : memref<125x80xi32, #tpu.memory_space<vmem>>, vector<1x16xi32>,
      %get3A_884 = vector.shape_cast %get3A_883 : vector<1x16xi32> to vector<16xi32>
      %and3A_885 = arith.constant 16383 : i32
      %and3A_886 = vector.broadcast %and3A_885 : i32 to vector<16xi32>
      %and3A_887 = arith.andi %get3A_884, %and3A_886 : vector<16xi32>
      %swap3A_888 = arith.constant 0 : i32
      %swap3A_889 = arith.index_cast %swap3A_888 : i32 to index
      %swap3A_890 = arith.constant 64 : index
      %swap3A_891 = tpu.vector_load %arg14[%swap3A_889, %swap3A_890] {strides = array<i32>} : memref<1x80xi32, #tpu.memory_space<vmem>>, vector<1x16xi32>,
      %swap3A_892 = vector.shape_cast %swap3A_891 : vector<1x16xi32> to vector<16xi32>
      %swap3A_893 = vector.shape_cast %and3A_887 : vector<16xi32> to vector<1x16xi32>
      tpu.vector_store %arg14[%swap3A_889, %swap3A_890], %swap3A_893 {strides = array<i32>} : memref<1x80xi32, #tpu.memory_space<vmem>>, vector<1x16xi32>,
      %shift_right_logical3A_894 = arith.constant 14 : i32
      %shift_right_logical3A_895 = vector.broadcast %shift_right_logical3A_894 : i32 to vector<16xi32>
      %shift_right_logical3A_896 = arith.shrui %get3A_884, %shift_right_logical3A_895 : vector<16xi32>
      %swap3A_897 = arith.constant 0 : i32
      %swap3A_898 = arith.index_cast %swap3A_897 : i32 to index
      %swap3A_899 = arith.constant 64 : index
      %swap3A_900 = tpu.vector_load %arg15[%swap3A_898, %swap3A_899] {strides = array<i32>} : memref<1x80xi32, #tpu.memory_space<vmem>>, vector<1x16xi32>,
      %swap3A_901 = vector.shape_cast %swap3A_900 : vector<1x16xi32> to vector<16xi32>
      %swap3A_902 = vector.shape_cast %shift_right_logical3A_896 : vector<16xi32> to vector<1x16xi32>
      tpu.vector_store %arg15[%swap3A_898, %swap3A_899], %swap3A_902 {strides = array<i32>} : memref<1x80xi32, #tpu.memory_space<vmem>>, vector<1x16xi32>,
      %dma_start3A_903 = arith.constant 0 : i32
      %dma_start3A_904 = arith.constant 0 : i32
      %dma_start3A_905 = tpu.memref_slice %arg14[%dma_start3A_903, %dma_start3A_904] : memref<1x80xi32, #tpu.memory_space<vmem>> -> memref<1x80xi32, #tpu.memory_space<vmem>>
      %dma_start3A_906 = tpu.memref_squeeze %dma_start3A_905 : memref<1x80xi32, #tpu.memory_space<vmem>> -> memref<80xi32, #tpu.memory_space<vmem>>
      %dma_start3A_907 = arith.constant 0 : i32
      %dma_start3A_908 = arith.constant 0 : i32
      %dma_start3A_909 = tpu.memref_slice %arg2[%dma_start3A_907, %dma_start3A_908] : memref<10000x128xf32, #tpu.memory_space<hbm>> -> memref<10000x128xf32, #tpu.memory_space<hbm>>
      tpu.enqueue_indirect_dma source(%dma_start3A_909 : memref<10000x128xf32, #tpu.memory_space<hbm>>) target(%arg9 : memref<80x128xf32, #tpu.memory_space<vmem>>) offsets(%dma_start3A_906 : memref<80xi32, #tpu.memory_space<vmem>>) semaphore(%arg22 : memref<!tpu.dma_semaphore, #tpu.memory_space<semaphore_mem>>)
      %mul3A_910 = arith.constant 3 : i32
      %mul3A_911 = arith.muli %mul3A_910, %scan3A_751 : i32
      %add3A_912 = arith.constant 1 : i32
      %add3A_913 = arith.addi %mul3A_911, %add3A_912 : i32
      %dma_wait3A_914 = arith.constant 0 : i32
      %dma_wait3A_915 = arith.constant 0 : i32
      %dma_wait3A_916 = tpu.memref_slice %arg12[%dma_wait3A_914, %dma_wait3A_915] : memref<1x80xi32, #tpu.memory_space<vmem>> -> memref<1x80xi32, #tpu.memory_space<vmem>>
      %dma_wait3A_917 = tpu.memref_squeeze %dma_wait3A_916 : memref<1x80xi32, #tpu.memory_space<vmem>> -> memref<80xi32, #tpu.memory_space<vmem>>
      %dma_wait3A_918 = arith.constant 0 : i32
      %dma_wait3A_919 = arith.constant 0 : i32
      %dma_wait3A_920 = tpu.memref_slice %arg2[%dma_wait3A_918, %dma_wait3A_919] : memref<10000x128xf32, #tpu.memory_space<hbm>> -> memref<10000x128xf32, #tpu.memory_space<hbm>>
      tpu.wait_indirect_dma semaphore(%arg21 : memref<!tpu.dma_semaphore, #tpu.memory_space<semaphore_mem>>) src(%dma_wait3A_920 : memref<10000x128xf32, #tpu.memory_space<hbm>>) dst(%arg8 : memref<80x128xf32, #tpu.memory_space<vmem>>)
      %dma_start3A_921 = arith.constant 0 : i32
      %dma_start3A_922 = arith.constant 0 : i32
      %dma_start3A_923 = tpu.memref_slice %arg13[%dma_start3A_921, %dma_start3A_922] : memref<1x80xi32, #tpu.memory_space<vmem>> -> memref<1x80xi32, #tpu.memory_space<vmem>>
      %dma_start3A_924 = tpu.memref_squeeze %dma_start3A_923 : memref<1x80xi32, #tpu.memory_space<vmem>> -> memref<80xi32, #tpu.memory_space<vmem>>
      %dma_start3A_925 = arith.constant 0 : i32
      %dma_start3A_926 = arith.constant 0 : i32
      %dma_start3A_927 = tpu.memref_slice %arg18[%dma_start3A_925, %dma_start3A_926] : memref<10240x128xf32, #tpu.memory_space<vmem_shared>> -> memref<10240x128xf32, #tpu.memory_space<vmem_shared>>
      tpu.enqueue_indirect_dma source(%arg8 : memref<80x128xf32, #tpu.memory_space<vmem>>) target(%dma_start3A_927 : memref<10240x128xf32, #tpu.memory_space<vmem_shared>>) offsets(%dma_start3A_924 : memref<80xi32, #tpu.memory_space<vmem>>) semaphore(%arg24 : memref<!tpu.dma_semaphore, #tpu.memory_space<semaphore_mem>>) {add = true}
      %dma_start3A_928 = arith.constant 0 : i32
      %dma_start3A_929 = arith.constant 0 : i32
      %dma_start3A_930 = arith.constant 0 : i32
      %dma_start3A_931 = tpu.memref_slice %arg16[%dma_start3A_928, %dma_start3A_930] : memref<1x80xf32, #tpu.memory_space<vmem>> -> memref<1x80xf32, #tpu.memory_space<vmem>>
      %dma_start3A_932 = tpu.memref_squeeze %dma_start3A_931 : memref<1x80xf32, #tpu.memory_space<vmem>> -> memref<80xf32, #tpu.memory_space<vmem>>
      %dma_start3A_933 = arith.constant 0 : i32
      %dma_start3A_934 = tpu.memref_slice %arg13[%dma_start3A_929, %dma_start3A_933] : memref<1x80xi32, #tpu.memory_space<vmem>> -> memref<1x80xi32, #tpu.memory_space<vmem>>
      %dma_start3A_935 = tpu.memref_squeeze %dma_start3A_934 : memref<1x80xi32, #tpu.memory_space<vmem>> -> memref<80xi32, #tpu.memory_space<vmem>>
      %dma_start3A_936 = arith.constant 0 : i32
      %dma_start3A_937 = tpu.memref_slice %arg19[%dma_start3A_936] : memref<10240xf32, #tpu.memory_space<vmem_shared>> -> memref<10240xf32, #tpu.memory_space<vmem_shared>>
      tpu.enqueue_indirect_dma source(%dma_start3A_932 : memref<80xf32, #tpu.memory_space<vmem>>) target(%dma_start3A_937 : memref<10240xf32, #tpu.memory_space<vmem_shared>>) offsets(%dma_start3A_935 : memref<80xi32, #tpu.memory_space<vmem>>) semaphore(%arg26 : memref<!tpu.dma_semaphore, #tpu.memory_space<semaphore_mem>>) {add = true}
      %gt3A_938 = arith.constant 0 : i32
      %gt3A_939 = arith.cmpi sgt, %add3A_913, %gt3A_938 : i32
      %convert_element_type3A_940 = arith.extui %gt3A_939 : i1 to i32
      %cond3A_941 = arith.constant 0 : i32
      %cond3A_942 = arith.cmpi ne, %convert_element_type3A_940, %cond3A_941 : i32
      scf.if %cond3A_942 {
        %dma_wait3A_1225 = arith.constant 0 : i32
        %dma_wait3A_1226 = arith.constant 0 : i32
        %dma_wait3A_1227 = tpu.memref_slice %arg11[%dma_wait3A_1225, %dma_wait3A_1226] : memref<1x80xi32, #tpu.memory_space<vmem>> -> memref<1x80xi32, #tpu.memory_space<vmem>>
        %dma_wait3A_1228 = tpu.memref_squeeze %dma_wait3A_1227 : memref<1x80xi32, #tpu.memory_space<vmem>> -> memref<80xi32, #tpu.memory_space<vmem>>
        %dma_wait3A_1229 = arith.constant 0 : i32
        %dma_wait3A_1230 = arith.constant 0 : i32
        %dma_wait3A_1231 = tpu.memref_slice %arg18[%dma_wait3A_1229, %dma_wait3A_1230] : memref<10240x128xf32, #tpu.memory_space<vmem_shared>> -> memref<10240x128xf32, #tpu.memory_space<vmem_shared>>
        tpu.wait_indirect_dma semaphore(%arg23 : memref<!tpu.dma_semaphore, #tpu.memory_space<semaphore_mem>>) src(%arg7 : memref<80x128xf32, #tpu.memory_space<vmem>>) dst(%dma_wait3A_1231 : memref<10240x128xf32, #tpu.memory_space<vmem_shared>>)
        %dma_wait3A_1232 = arith.constant 0 : i32
        %dma_wait3A_1233 = arith.constant 0 : i32
        %dma_wait3A_1234 = arith.constant 0 : i32
        %dma_wait3A_1235 = tpu.memref_slice %arg16[%dma_wait3A_1232, %dma_wait3A_1234] : memref<1x80xf32, #tpu.memory_space<vmem>> -> memref<1x80xf32, #tpu.memory_space<vmem>>
        %dma_wait3A_1236 = tpu.memref_squeeze %dma_wait3A_1235 : memref<1x80xf32, #tpu.memory_space<vmem>> -> memref<80xf32, #tpu.memory_space<vmem>>
        %dma_wait3A_1237 = arith.constant 0 : i32
        %dma_wait3A_1238 = tpu.memref_slice %arg11[%dma_wait3A_1233, %dma_wait3A_1237] : memref<1x80xi32, #tpu.memory_space<vmem>> -> memref<1x80xi32, #tpu.memory_space<vmem>>
        %dma_wait3A_1239 = tpu.memref_squeeze %dma_wait3A_1238 : memref<1x80xi32, #tpu.memory_space<vmem>> -> memref<80xi32, #tpu.memory_space<vmem>>
        %dma_wait3A_1240 = arith.constant 0 : i32
        %dma_wait3A_1241 = tpu.memref_slice %arg19[%dma_wait3A_1240] : memref<10240xf32, #tpu.memory_space<vmem_shared>> -> memref<10240xf32, #tpu.memory_space<vmem_shared>>
        tpu.wait_indirect_dma semaphore(%arg26 : memref<!tpu.dma_semaphore, #tpu.memory_space<semaphore_mem>>) src(%dma_wait3A_1236 : memref<80xf32, #tpu.memory_space<vmem>>) dst(%dma_wait3A_1241 : memref<10240xf32, #tpu.memory_space<vmem_shared>>)
      } else {
      }
      %ge3A_943 = arith.constant 123 : i32
      %ge3A_944 = arith.cmpi sge, %add3A_913, %ge3A_943 : i32
      %sub3A_945 = arith.constant 123 : i32
      %sub3A_946 = arith.subi %add3A_913, %sub3A_945 : i32
      %add3A_947 = arith.constant 2 : i32
      %add3A_948 = arith.addi %add3A_913, %add3A_947 : i32
      %select_n3A_949 = arith.select %ge3A_944, %sub3A_946, %add3A_948 : i32
      %get3A_950 = arith.index_cast %select_n3A_949 : i32 to index
      %get3A_951 = arith.constant 0 : index
      %get3A_952 = tpu.vector_load %arg6[%get3A_950, %get3A_951] {strides = array<i32>} : memref<125x80xi32, #tpu.memory_space<vmem>>, vector<1x16xi32>,
      %get3A_953 = vector.shape_cast %get3A_952 : vector<1x16xi32> to vector<16xi32>
      %and3A_954 = arith.constant 16383 : i32
      %and3A_955 = vector.broadcast %and3A_954 : i32 to vector<16xi32>
      %and3A_956 = arith.andi %get3A_953, %and3A_955 : vector<16xi32>
      %swap3A_957 = arith.constant 0 : i32
      %swap3A_958 = arith.index_cast %swap3A_957 : i32 to index
      %swap3A_959 = arith.constant 0 : index
      %swap3A_960 = tpu.vector_load %arg10[%swap3A_958, %swap3A_959] {strides = array<i32>} : memref<1x80xi32, #tpu.memory_space<vmem>>, vector<1x16xi32>,
      %swap3A_961 = vector.shape_cast %swap3A_960 : vector<1x16xi32> to vector<16xi32>
      %swap3A_962 = vector.shape_cast %and3A_956 : vector<16xi32> to vector<1x16xi32>
      tpu.vector_store %arg10[%swap3A_958, %swap3A_959], %swap3A_962 {strides = array<i32>} : memref<1x80xi32, #tpu.memory_space<vmem>>, vector<1x16xi32>,
      %shift_right_logical3A_963 = arith.constant 14 : i32
      %shift_right_logical3A_964 = vector.broadcast %shift_right_logical3A_963 : i32 to vector<16xi32>
      %shift_right_logical3A_965 = arith.shrui %get3A_953, %shift_right_logical3A_964 : vector<16xi32>
      %swap3A_966 = arith.constant 0 : i32
      %swap3A_967 = arith.index_cast %swap3A_966 : i32 to index
      %swap3A_968 = arith.constant 0 : index
      %swap3A_969 = tpu.vector_load %arg11[%swap3A_967, %swap3A_968] {strides = array<i32>} : memref<1x80xi32, #tpu.memory_space<vmem>>, vector<1x16xi32>,
      %swap3A_970 = vector.shape_cast %swap3A_969 : vector<1x16xi32> to vector<16xi32>
      %swap3A_971 = vector.shape_cast %shift_right_logical3A_965 : vector<16xi32> to vector<1x16xi32>
      tpu.vector_store %arg11[%swap3A_967, %swap3A_968], %swap3A_971 {strides = array<i32>} : memref<1x80xi32, #tpu.memory_space<vmem>>, vector<1x16xi32>,
      %get3A_972 = arith.index_cast %select_n3A_949 : i32 to index
      %get3A_973 = arith.constant 16 : index
      %get3A_974 = tpu.vector_load %arg6[%get3A_972, %get3A_973] {strides = array<i32>} : memref<125x80xi32, #tpu.memory_space<vmem>>, vector<1x16xi32>,
      %get3A_975 = vector.shape_cast %get3A_974 : vector<1x16xi32> to vector<16xi32>
      %and3A_976 = arith.constant 16383 : i32
      %and3A_977 = vector.broadcast %and3A_976 : i32 to vector<16xi32>
      %and3A_978 = arith.andi %get3A_975, %and3A_977 : vector<16xi32>
      %swap3A_979 = arith.constant 0 : i32
      %swap3A_980 = arith.index_cast %swap3A_979 : i32 to index
      %swap3A_981 = arith.constant 16 : index
      %swap3A_982 = tpu.vector_load %arg10[%swap3A_980, %swap3A_981] {strides = array<i32>} : memref<1x80xi32, #tpu.memory_space<vmem>>, vector<1x16xi32>,
      %swap3A_983 = vector.shape_cast %swap3A_982 : vector<1x16xi32> to vector<16xi32>
      %swap3A_984 = vector.shape_cast %and3A_978 : vector<16xi32> to vector<1x16xi32>
      tpu.vector_store %arg10[%swap3A_980, %swap3A_981], %swap3A_984 {strides = array<i32>} : memref<1x80xi32, #tpu.memory_space<vmem>>, vector<1x16xi32>,
      %shift_right_logical3A_985 = arith.constant 14 : i32
      %shift_right_logical3A_986 = vector.broadcast %shift_right_logical3A_985 : i32 to vector<16xi32>
      %shift_right_logical3A_987 = arith.shrui %get3A_975, %shift_right_logical3A_986 : vector<16xi32>
      %swap3A_988 = arith.constant 0 : i32
      %swap3A_989 = arith.index_cast %swap3A_988 : i32 to index
      %swap3A_990 = arith.constant 16 : index
      %swap3A_991 = tpu.vector_load %arg11[%swap3A_989, %swap3A_990] {strides = array<i32>} : memref<1x80xi32, #tpu.memory_space<vmem>>, vector<1x16xi32>,
      %swap3A_992 = vector.shape_cast %swap3A_991 : vector<1x16xi32> to vector<16xi32>
      %swap3A_993 = vector.shape_cast %shift_right_logical3A_987 : vector<16xi32> to vector<1x16xi32>
      tpu.vector_store %arg11[%swap3A_989, %swap3A_990], %swap3A_993 {strides = array<i32>} : memref<1x80xi32, #tpu.memory_space<vmem>>, vector<1x16xi32>,
      %get3A_994 = arith.index_cast %select_n3A_949 : i32 to index
      %get3A_995 = arith.constant 32 : index
      %get3A_996 = tpu.vector_load %arg6[%get3A_994, %get3A_995] {strides = array<i32>} : memref<125x80xi32, #tpu.memory_space<vmem>>, vector<1x16xi32>,
      %get3A_997 = vector.shape_cast %get3A_996 : vector<1x16xi32> to vector<16xi32>
      %and3A_998 = arith.constant 16383 : i32
      %and3A_999 = vector.broadcast %and3A_998 : i32 to vector<16xi32>
      %and3A_1000 = arith.andi %get3A_997, %and3A_999 : vector<16xi32>
      %swap3A_1001 = arith.constant 0 : i32
      %swap3A_1002 = arith.index_cast %swap3A_1001 : i32 to index
      %swap3A_1003 = arith.constant 32 : index
      %swap3A_1004 = tpu.vector_load %arg10[%swap3A_1002, %swap3A_1003] {strides = array<i32>} : memref<1x80xi32, #tpu.memory_space<vmem>>, vector<1x16xi32>,
      %swap3A_1005 = vector.shape_cast %swap3A_1004 : vector<1x16xi32> to vector<16xi32>
      %swap3A_1006 = vector.shape_cast %and3A_1000 : vector<16xi32> to vector<1x16xi32>
      tpu.vector_store %arg10[%swap3A_1002, %swap3A_1003], %swap3A_1006 {strides = array<i32>} : memref<1x80xi32, #tpu.memory_space<vmem>>, vector<1x16xi32>,
      %shift_right_logical3A_1007 = arith.constant 14 : i32
      %shift_right_logical3A_1008 = vector.broadcast %shift_right_logical3A_1007 : i32 to vector<16xi32>
      %shift_right_logical3A_1009 = arith.shrui %get3A_997, %shift_right_logical3A_1008 : vector<16xi32>
      %swap3A_1010 = arith.constant 0 : i32
      %swap3A_1011 = arith.index_cast %swap3A_1010 : i32 to index
      %swap3A_1012 = arith.constant 32 : index
      %swap3A_1013 = tpu.vector_load %arg11[%swap3A_1011, %swap3A_1012] {strides = array<i32>} : memref<1x80xi32, #tpu.memory_space<vmem>>, vector<1x16xi32>,
      %swap3A_1014 = vector.shape_cast %swap3A_1013 : vector<1x16xi32> to vector<16xi32>
      %swap3A_1015 = vector.shape_cast %shift_right_logical3A_1009 : vector<16xi32> to vector<1x16xi32>
      tpu.vector_store %arg11[%swap3A_1011, %swap3A_1012], %swap3A_1015 {strides = array<i32>} : memref<1x80xi32, #tpu.memory_space<vmem>>, vector<1x16xi32>,
      %get3A_1016 = arith.index_cast %select_n3A_949 : i32 to index
      %get3A_1017 = arith.constant 48 : index
      %get3A_1018 = tpu.vector_load %arg6[%get3A_1016, %get3A_1017] {strides = array<i32>} : memref<125x80xi32, #tpu.memory_space<vmem>>, vector<1x16xi32>,
      %get3A_1019 = vector.shape_cast %get3A_1018 : vector<1x16xi32> to vector<16xi32>
      %and3A_1020 = arith.constant 16383 : i32
      %and3A_1021 = vector.broadcast %and3A_1020 : i32 to vector<16xi32>
      %and3A_1022 = arith.andi %get3A_1019, %and3A_1021 : vector<16xi32>
      %swap3A_1023 = arith.constant 0 : i32
      %swap3A_1024 = arith.index_cast %swap3A_1023 : i32 to index
      %swap3A_1025 = arith.constant 48 : index
      %swap3A_1026 = tpu.vector_load %arg10[%swap3A_1024, %swap3A_1025] {strides = array<i32>} : memref<1x80xi32, #tpu.memory_space<vmem>>, vector<1x16xi32>,
      %swap3A_1027 = vector.shape_cast %swap3A_1026 : vector<1x16xi32> to vector<16xi32>
      %swap3A_1028 = vector.shape_cast %and3A_1022 : vector<16xi32> to vector<1x16xi32>
      tpu.vector_store %arg10[%swap3A_1024, %swap3A_1025], %swap3A_1028 {strides = array<i32>} : memref<1x80xi32, #tpu.memory_space<vmem>>, vector<1x16xi32>,
      %shift_right_logical3A_1029 = arith.constant 14 : i32
      %shift_right_logical3A_1030 = vector.broadcast %shift_right_logical3A_1029 : i32 to vector<16xi32>
      %shift_right_logical3A_1031 = arith.shrui %get3A_1019, %shift_right_logical3A_1030 : vector<16xi32>
      %swap3A_1032 = arith.constant 0 : i32
      %swap3A_1033 = arith.index_cast %swap3A_1032 : i32 to index
      %swap3A_1034 = arith.constant 48 : index
      %swap3A_1035 = tpu.vector_load %arg11[%swap3A_1033, %swap3A_1034] {strides = array<i32>} : memref<1x80xi32, #tpu.memory_space<vmem>>, vector<1x16xi32>,
      %swap3A_1036 = vector.shape_cast %swap3A_1035 : vector<1x16xi32> to vector<16xi32>
      %swap3A_1037 = vector.shape_cast %shift_right_logical3A_1031 : vector<16xi32> to vector<1x16xi32>
      tpu.vector_store %arg11[%swap3A_1033, %swap3A_1034], %swap3A_1037 {strides = array<i32>} : memref<1x80xi32, #tpu.memory_space<vmem>>, vector<1x16xi32>,
      %get3A_1038 = arith.index_cast %select_n3A_949 : i32 to index
      %get3A_1039 = arith.constant 64 : index
      %get3A_1040 = tpu.vector_load %arg6[%get3A_1038, %get3A_1039] {strides = array<i32>} : memref<125x80xi32, #tpu.memory_space<vmem>>, vector<1x16xi32>,
      %get3A_1041 = vector.shape_cast %get3A_1040 : vector<1x16xi32> to vector<16xi32>
      %and3A_1042 = arith.constant 16383 : i32
      %and3A_1043 = vector.broadcast %and3A_1042 : i32 to vector<16xi32>
      %and3A_1044 = arith.andi %get3A_1041, %and3A_1043 : vector<16xi32>
      %swap3A_1045 = arith.constant 0 : i32
      %swap3A_1046 = arith.index_cast %swap3A_1045 : i32 to index
      %swap3A_1047 = arith.constant 64 : index
      %swap3A_1048 = tpu.vector_load %arg10[%swap3A_1046, %swap3A_1047] {strides = array<i32>} : memref<1x80xi32, #tpu.memory_space<vmem>>, vector<1x16xi32>,
      %swap3A_1049 = vector.shape_cast %swap3A_1048 : vector<1x16xi32> to vector<16xi32>
      %swap3A_1050 = vector.shape_cast %and3A_1044 : vector<16xi32> to vector<1x16xi32>
      tpu.vector_store %arg10[%swap3A_1046, %swap3A_1047], %swap3A_1050 {strides = array<i32>} : memref<1x80xi32, #tpu.memory_space<vmem>>, vector<1x16xi32>,
      %shift_right_logical3A_1051 = arith.constant 14 : i32
      %shift_right_logical3A_1052 = vector.broadcast %shift_right_logical3A_1051 : i32 to vector<16xi32>
      %shift_right_logical3A_1053 = arith.shrui %get3A_1041, %shift_right_logical3A_1052 : vector<16xi32>
      %swap3A_1054 = arith.constant 0 : i32
      %swap3A_1055 = arith.index_cast %swap3A_1054 : i32 to index
      %swap3A_1056 = arith.constant 64 : index
      %swap3A_1057 = tpu.vector_load %arg11[%swap3A_1055, %swap3A_1056] {strides = array<i32>} : memref<1x80xi32, #tpu.memory_space<vmem>>, vector<1x16xi32>,
      %swap3A_1058 = vector.shape_cast %swap3A_1057 : vector<1x16xi32> to vector<16xi32>
      %swap3A_1059 = vector.shape_cast %shift_right_logical3A_1053 : vector<16xi32> to vector<1x16xi32>
      tpu.vector_store %arg11[%swap3A_1055, %swap3A_1056], %swap3A_1059 {strides = array<i32>} : memref<1x80xi32, #tpu.memory_space<vmem>>, vector<1x16xi32>,
      %dma_start3A_1060 = arith.constant 0 : i32
      %dma_start3A_1061 = arith.constant 0 : i32
      %dma_start3A_1062 = tpu.memref_slice %arg10[%dma_start3A_1060, %dma_start3A_1061] : memref<1x80xi32, #tpu.memory_space<vmem>> -> memref<1x80xi32, #tpu.memory_space<vmem>>
      %dma_start3A_1063 = tpu.memref_squeeze %dma_start3A_1062 : memref<1x80xi32, #tpu.memory_space<vmem>> -> memref<80xi32, #tpu.memory_space<vmem>>
      %dma_start3A_1064 = arith.constant 0 : i32
      %dma_start3A_1065 = arith.constant 0 : i32
      %dma_start3A_1066 = tpu.memref_slice %arg2[%dma_start3A_1064, %dma_start3A_1065] : memref<10000x128xf32, #tpu.memory_space<hbm>> -> memref<10000x128xf32, #tpu.memory_space<hbm>>
      tpu.enqueue_indirect_dma source(%dma_start3A_1066 : memref<10000x128xf32, #tpu.memory_space<hbm>>) target(%arg7 : memref<80x128xf32, #tpu.memory_space<vmem>>) offsets(%dma_start3A_1063 : memref<80xi32, #tpu.memory_space<vmem>>) semaphore(%arg20 : memref<!tpu.dma_semaphore, #tpu.memory_space<semaphore_mem>>)
      %mul3A_1067 = arith.constant 3 : i32
      %mul3A_1068 = arith.muli %mul3A_1067, %scan3A_751 : i32
      %add3A_1069 = arith.constant 2 : i32
      %add3A_1070 = arith.addi %mul3A_1068, %add3A_1069 : i32
      %dma_wait3A_1071 = arith.constant 0 : i32
      %dma_wait3A_1072 = arith.constant 0 : i32
      %dma_wait3A_1073 = tpu.memref_slice %arg14[%dma_wait3A_1071, %dma_wait3A_1072] : memref<1x80xi32, #tpu.memory_space<vmem>> -> memref<1x80xi32, #tpu.memory_space<vmem>>
      %dma_wait3A_1074 = tpu.memref_squeeze %dma_wait3A_1073 : memref<1x80xi32, #tpu.memory_space<vmem>> -> memref<80xi32, #tpu.memory_space<vmem>>
      %dma_wait3A_1075 = arith.constant 0 : i32
      %dma_wait3A_1076 = arith.constant 0 : i32
      %dma_wait3A_1077 = tpu.memref_slice %arg2[%dma_wait3A_1075, %dma_wait3A_1076] : memref<10000x128xf32, #tpu.memory_space<hbm>> -> memref<10000x128xf32, #tpu.memory_space<hbm>>
      tpu.wait_indirect_dma semaphore(%arg22 : memref<!tpu.dma_semaphore, #tpu.memory_space<semaphore_mem>>) src(%dma_wait3A_1077 : memref<10000x128xf32, #tpu.memory_space<hbm>>) dst(%arg9 : memref<80x128xf32, #tpu.memory_space<vmem>>)
      %dma_start3A_1078 = arith.constant 0 : i32
      %dma_start3A_1079 = arith.constant 0 : i32
      %dma_start3A_1080 = tpu.memref_slice %arg15[%dma_start3A_1078, %dma_start3A_1079] : memref<1x80xi32, #tpu.memory_space<vmem>> -> memref<1x80xi32, #tpu.memory_space<vmem>>
      %dma_start3A_1081 = tpu.memref_squeeze %dma_start3A_1080 : memref<1x80xi32, #tpu.memory_space<vmem>> -> memref<80xi32, #tpu.memory_space<vmem>>
      %dma_start3A_1082 = arith.constant 0 : i32
      %dma_start3A_1083 = arith.constant 0 : i32
      %dma_start3A_1084 = tpu.memref_slice %arg18[%dma_start3A_1082, %dma_start3A_1083] : memref<10240x128xf32, #tpu.memory_space<vmem_shared>> -> memref<10240x128xf32, #tpu.memory_space<vmem_shared>>
      tpu.enqueue_indirect_dma source(%arg9 : memref<80x128xf32, #tpu.memory_space<vmem>>) target(%dma_start3A_1084 : memref<10240x128xf32, #tpu.memory_space<vmem_shared>>) offsets(%dma_start3A_1081 : memref<80xi32, #tpu.memory_space<vmem>>) semaphore(%arg25 : memref<!tpu.dma_semaphore, #tpu.memory_space<semaphore_mem>>) {add = true}
      %dma_start3A_1085 = arith.constant 0 : i32
      %dma_start3A_1086 = arith.constant 0 : i32
      %dma_start3A_1087 = arith.constant 0 : i32
      %dma_start3A_1088 = tpu.memref_slice %arg16[%dma_start3A_1085, %dma_start3A_1087] : memref<1x80xf32, #tpu.memory_space<vmem>> -> memref<1x80xf32, #tpu.memory_space<vmem>>
      %dma_start3A_1089 = tpu.memref_squeeze %dma_start3A_1088 : memref<1x80xf32, #tpu.memory_space<vmem>> -> memref<80xf32, #tpu.memory_space<vmem>>
      %dma_start3A_1090 = arith.constant 0 : i32
      %dma_start3A_1091 = tpu.memref_slice %arg15[%dma_start3A_1086, %dma_start3A_1090] : memref<1x80xi32, #tpu.memory_space<vmem>> -> memref<1x80xi32, #tpu.memory_space<vmem>>
      %dma_start3A_1092 = tpu.memref_squeeze %dma_start3A_1091 : memref<1x80xi32, #tpu.memory_space<vmem>> -> memref<80xi32, #tpu.memory_space<vmem>>
      %dma_start3A_1093 = arith.constant 0 : i32
      %dma_start3A_1094 = tpu.memref_slice %arg19[%dma_start3A_1093] : memref<10240xf32, #tpu.memory_space<vmem_shared>> -> memref<10240xf32, #tpu.memory_space<vmem_shared>>
      tpu.enqueue_indirect_dma source(%dma_start3A_1089 : memref<80xf32, #tpu.memory_space<vmem>>) target(%dma_start3A_1094 : memref<10240xf32, #tpu.memory_space<vmem_shared>>) offsets(%dma_start3A_1092 : memref<80xi32, #tpu.memory_space<vmem>>) semaphore(%arg26 : memref<!tpu.dma_semaphore, #tpu.memory_space<semaphore_mem>>) {add = true}
      %gt3A_1095 = arith.constant 0 : i32
      %gt3A_1096 = arith.cmpi sgt, %add3A_1070, %gt3A_1095 : i32
      %convert_element_type3A_1097 = arith.extui %gt3A_1096 : i1 to i32
      %cond3A_1098 = arith.constant 0 : i32
      %cond3A_1099 = arith.cmpi ne, %convert_element_type3A_1097, %cond3A_1098 : i32
      scf.if %cond3A_1099 {
        %dma_wait3A_1225 = arith.constant 0 : i32
        %dma_wait3A_1226 = arith.constant 0 : i32
        %dma_wait3A_1227 = tpu.memref_slice %arg13[%dma_wait3A_1225, %dma_wait3A_1226] : memref<1x80xi32, #tpu.memory_space<vmem>> -> memref<1x80xi32, #tpu.memory_space<vmem>>
        %dma_wait3A_1228 = tpu.memref_squeeze %dma_wait3A_1227 : memref<1x80xi32, #tpu.memory_space<vmem>> -> memref<80xi32, #tpu.memory_space<vmem>>
        %dma_wait3A_1229 = arith.constant 0 : i32
        %dma_wait3A_1230 = arith.constant 0 : i32
        %dma_wait3A_1231 = tpu.memref_slice %arg18[%dma_wait3A_1229, %dma_wait3A_1230] : memref<10240x128xf32, #tpu.memory_space<vmem_shared>> -> memref<10240x128xf32, #tpu.memory_space<vmem_shared>>
        tpu.wait_indirect_dma semaphore(%arg24 : memref<!tpu.dma_semaphore, #tpu.memory_space<semaphore_mem>>) src(%arg8 : memref<80x128xf32, #tpu.memory_space<vmem>>) dst(%dma_wait3A_1231 : memref<10240x128xf32, #tpu.memory_space<vmem_shared>>)
        %dma_wait3A_1232 = arith.constant 0 : i32
        %dma_wait3A_1233 = arith.constant 0 : i32
        %dma_wait3A_1234 = arith.constant 0 : i32
        %dma_wait3A_1235 = tpu.memref_slice %arg16[%dma_wait3A_1232, %dma_wait3A_1234] : memref<1x80xf32, #tpu.memory_space<vmem>> -> memref<1x80xf32, #tpu.memory_space<vmem>>
        %dma_wait3A_1236 = tpu.memref_squeeze %dma_wait3A_1235 : memref<1x80xf32, #tpu.memory_space<vmem>> -> memref<80xf32, #tpu.memory_space<vmem>>
        %dma_wait3A_1237 = arith.constant 0 : i32
        %dma_wait3A_1238 = tpu.memref_slice %arg13[%dma_wait3A_1233, %dma_wait3A_1237] : memref<1x80xi32, #tpu.memory_space<vmem>> -> memref<1x80xi32, #tpu.memory_space<vmem>>
        %dma_wait3A_1239 = tpu.memref_squeeze %dma_wait3A_1238 : memref<1x80xi32, #tpu.memory_space<vmem>> -> memref<80xi32, #tpu.memory_space<vmem>>
        %dma_wait3A_1240 = arith.constant 0 : i32
        %dma_wait3A_1241 = tpu.memref_slice %arg19[%dma_wait3A_1240] : memref<10240xf32, #tpu.memory_space<vmem_shared>> -> memref<10240xf32, #tpu.memory_space<vmem_shared>>
        tpu.wait_indirect_dma semaphore(%arg26 : memref<!tpu.dma_semaphore, #tpu.memory_space<semaphore_mem>>) src(%dma_wait3A_1236 : memref<80xf32, #tpu.memory_space<vmem>>) dst(%dma_wait3A_1241 : memref<10240xf32, #tpu.memory_space<vmem_shared>>)
      } else {
      }
      %ge3A_1100 = arith.constant 123 : i32
      %ge3A_1101 = arith.cmpi sge, %add3A_1070, %ge3A_1100 : i32
      %sub3A_1102 = arith.constant 123 : i32
      %sub3A_1103 = arith.subi %add3A_1070, %sub3A_1102 : i32
      %add3A_1104 = arith.constant 2 : i32
      %add3A_1105 = arith.addi %add3A_1070, %add3A_1104 : i32
      %select_n3A_1106 = arith.select %ge3A_1101, %sub3A_1103, %add3A_1105 : i32
      %get3A_1107 = arith.index_cast %select_n3A_1106 : i32 to index
      %get3A_1108 = arith.constant 0 : index
      %get3A_1109 = tpu.vector_load %arg6[%get3A_1107, %get3A_1108] {strides = array<i32>} : memref<125x80xi32, #tpu.memory_space<vmem>>, vector<1x16xi32>,
      %get3A_1110 = vector.shape_cast %get3A_1109 : vector<1x16xi32> to vector<16xi32>
      %and3A_1111 = arith.constant 16383 : i32
      %and3A_1112 = vector.broadcast %and3A_1111 : i32 to vector<16xi32>
      %and3A_1113 = arith.andi %get3A_1110, %and3A_1112 : vector<16xi32>
      %swap3A_1114 = arith.constant 0 : i32
      %swap3A_1115 = arith.index_cast %swap3A_1114 : i32 to index
      %swap3A_1116 = arith.constant 0 : index
      %swap3A_1117 = tpu.vector_load %arg12[%swap3A_1115, %swap3A_1116] {strides = array<i32>} : memref<1x80xi32, #tpu.memory_space<vmem>>, vector<1x16xi32>,
      %swap3A_1118 = vector.shape_cast %swap3A_1117 : vector<1x16xi32> to vector<16xi32>
      %swap3A_1119 = vector.shape_cast %and3A_1113 : vector<16xi32> to vector<1x16xi32>
      tpu.vector_store %arg12[%swap3A_1115, %swap3A_1116], %swap3A_1119 {strides = array<i32>} : memref<1x80xi32, #tpu.memory_space<vmem>>, vector<1x16xi32>,
      %shift_right_logical3A_1120 = arith.constant 14 : i32
      %shift_right_logical3A_1121 = vector.broadcast %shift_right_logical3A_1120 : i32 to vector<16xi32>
      %shift_right_logical3A_1122 = arith.shrui %get3A_1110, %shift_right_logical3A_1121 : vector<16xi32>
      %swap3A_1123 = arith.constant 0 : i32
      %swap3A_1124 = arith.index_cast %swap3A_1123 : i32 to index
      %swap3A_1125 = arith.constant 0 : index
      %swap3A_1126 = tpu.vector_load %arg13[%swap3A_1124, %swap3A_1125] {strides = array<i32>} : memref<1x80xi32, #tpu.memory_space<vmem>>, vector<1x16xi32>,
      %swap3A_1127 = vector.shape_cast %swap3A_1126 : vector<1x16xi32> to vector<16xi32>
      %swap3A_1128 = vector.shape_cast %shift_right_logical3A_1122 : vector<16xi32> to vector<1x16xi32>
      tpu.vector_store %arg13[%swap3A_1124, %swap3A_1125], %swap3A_1128 {strides = array<i32>} : memref<1x80xi32, #tpu.memory_space<vmem>>, vector<1x16xi32>,
      %get3A_1129 = arith.index_cast %select_n3A_1106 : i32 to index
      %get3A_1130 = arith.constant 16 : index
      %get3A_1131 = tpu.vector_load %arg6[%get3A_1129, %get3A_1130] {strides = array<i32>} : memref<125x80xi32, #tpu.memory_space<vmem>>, vector<1x16xi32>,
      %get3A_1132 = vector.shape_cast %get3A_1131 : vector<1x16xi32> to vector<16xi32>
      %and3A_1133 = arith.constant 16383 : i32
      %and3A_1134 = vector.broadcast %and3A_1133 : i32 to vector<16xi32>
      %and3A_1135 = arith.andi %get3A_1132, %and3A_1134 : vector<16xi32>
      %swap3A_1136 = arith.constant 0 : i32
      %swap3A_1137 = arith.index_cast %swap3A_1136 : i32 to index
      %swap3A_1138 = arith.constant 16 : index
      %swap3A_1139 = tpu.vector_load %arg12[%swap3A_1137, %swap3A_1138] {strides = array<i32>} : memref<1x80xi32, #tpu.memory_space<vmem>>, vector<1x16xi32>,
      %swap3A_1140 = vector.shape_cast %swap3A_1139 : vector<1x16xi32> to vector<16xi32>
      %swap3A_1141 = vector.shape_cast %and3A_1135 : vector<16xi32> to vector<1x16xi32>
      tpu.vector_store %arg12[%swap3A_1137, %swap3A_1138], %swap3A_1141 {strides = array<i32>} : memref<1x80xi32, #tpu.memory_space<vmem>>, vector<1x16xi32>,
      %shift_right_logical3A_1142 = arith.constant 14 : i32
      %shift_right_logical3A_1143 = vector.broadcast %shift_right_logical3A_1142 : i32 to vector<16xi32>
      %shift_right_logical3A_1144 = arith.shrui %get3A_1132, %shift_right_logical3A_1143 : vector<16xi32>
      %swap3A_1145 = arith.constant 0 : i32
      %swap3A_1146 = arith.index_cast %swap3A_1145 : i32 to index
      %swap3A_1147 = arith.constant 16 : index
      %swap3A_1148 = tpu.vector_load %arg13[%swap3A_1146, %swap3A_1147] {strides = array<i32>} : memref<1x80xi32, #tpu.memory_space<vmem>>, vector<1x16xi32>,
      %swap3A_1149 = vector.shape_cast %swap3A_1148 : vector<1x16xi32> to vector<16xi32>
      %swap3A_1150 = vector.shape_cast %shift_right_logical3A_1144 : vector<16xi32> to vector<1x16xi32>
      tpu.vector_store %arg13[%swap3A_1146, %swap3A_1147], %swap3A_1150 {strides = array<i32>} : memref<1x80xi32, #tpu.memory_space<vmem>>, vector<1x16xi32>,
      %get3A_1151 = arith.index_cast %select_n3A_1106 : i32 to index
      %get3A_1152 = arith.constant 32 : index
      %get3A_1153 = tpu.vector_load %arg6[%get3A_1151, %get3A_1152] {strides = array<i32>} : memref<125x80xi32, #tpu.memory_space<vmem>>, vector<1x16xi32>,
      %get3A_1154 = vector.shape_cast %get3A_1153 : vector<1x16xi32> to vector<16xi32>
      %and3A_1155 = arith.constant 16383 : i32
      %and3A_1156 = vector.broadcast %and3A_1155 : i32 to vector<16xi32>
      %and3A_1157 = arith.andi %get3A_1154, %and3A_1156 : vector<16xi32>
      %swap3A_1158 = arith.constant 0 : i32
      %swap3A_1159 = arith.index_cast %swap3A_1158 : i32 to index
      %swap3A_1160 = arith.constant 32 : index
      %swap3A_1161 = tpu.vector_load %arg12[%swap3A_1159, %swap3A_1160] {strides = array<i32>} : memref<1x80xi32, #tpu.memory_space<vmem>>, vector<1x16xi32>,
      %swap3A_1162 = vector.shape_cast %swap3A_1161 : vector<1x16xi32> to vector<16xi32>
      %swap3A_1163 = vector.shape_cast %and3A_1157 : vector<16xi32> to vector<1x16xi32>
      tpu.vector_store %arg12[%swap3A_1159, %swap3A_1160], %swap3A_1163 {strides = array<i32>} : memref<1x80xi32, #tpu.memory_space<vmem>>, vector<1x16xi32>,
      %shift_right_logical3A_1164 = arith.constant 14 : i32
      %shift_right_logical3A_1165 = vector.broadcast %shift_right_logical3A_1164 : i32 to vector<16xi32>
      %shift_right_logical3A_1166 = arith.shrui %get3A_1154, %shift_right_logical3A_1165 : vector<16xi32>
      %swap3A_1167 = arith.constant 0 : i32
      %swap3A_1168 = arith.index_cast %swap3A_1167 : i32 to index
      %swap3A_1169 = arith.constant 32 : index
      %swap3A_1170 = tpu.vector_load %arg13[%swap3A_1168, %swap3A_1169] {strides = array<i32>} : memref<1x80xi32, #tpu.memory_space<vmem>>, vector<1x16xi32>,
      %swap3A_1171 = vector.shape_cast %swap3A_1170 : vector<1x16xi32> to vector<16xi32>
      %swap3A_1172 = vector.shape_cast %shift_right_logical3A_1166 : vector<16xi32> to vector<1x16xi32>
      tpu.vector_store %arg13[%swap3A_1168, %swap3A_1169], %swap3A_1172 {strides = array<i32>} : memref<1x80xi32, #tpu.memory_space<vmem>>, vector<1x16xi32>,
      %get3A_1173 = arith.index_cast %select_n3A_1106 : i32 to index
      %get3A_1174 = arith.constant 48 : index
      %get3A_1175 = tpu.vector_load %arg6[%get3A_1173, %get3A_1174] {strides = array<i32>} : memref<125x80xi32, #tpu.memory_space<vmem>>, vector<1x16xi32>,
      %get3A_1176 = vector.shape_cast %get3A_1175 : vector<1x16xi32> to vector<16xi32>
      %and3A_1177 = arith.constant 16383 : i32
      %and3A_1178 = vector.broadcast %and3A_1177 : i32 to vector<16xi32>
      %and3A_1179 = arith.andi %get3A_1176, %and3A_1178 : vector<16xi32>
      %swap3A_1180 = arith.constant 0 : i32
      %swap3A_1181 = arith.index_cast %swap3A_1180 : i32 to index
      %swap3A_1182 = arith.constant 48 : index
      %swap3A_1183 = tpu.vector_load %arg12[%swap3A_1181, %swap3A_1182] {strides = array<i32>} : memref<1x80xi32, #tpu.memory_space<vmem>>, vector<1x16xi32>,
      %swap3A_1184 = vector.shape_cast %swap3A_1183 : vector<1x16xi32> to vector<16xi32>
      %swap3A_1185 = vector.shape_cast %and3A_1179 : vector<16xi32> to vector<1x16xi32>
      tpu.vector_store %arg12[%swap3A_1181, %swap3A_1182], %swap3A_1185 {strides = array<i32>} : memref<1x80xi32, #tpu.memory_space<vmem>>, vector<1x16xi32>,
      %shift_right_logical3A_1186 = arith.constant 14 : i32
      %shift_right_logical3A_1187 = vector.broadcast %shift_right_logical3A_1186 : i32 to vector<16xi32>
      %shift_right_logical3A_1188 = arith.shrui %get3A_1176, %shift_right_logical3A_1187 : vector<16xi32>
      %swap3A_1189 = arith.constant 0 : i32
      %swap3A_1190 = arith.index_cast %swap3A_1189 : i32 to index
      %swap3A_1191 = arith.constant 48 : index
      %swap3A_1192 = tpu.vector_load %arg13[%swap3A_1190, %swap3A_1191] {strides = array<i32>} : memref<1x80xi32, #tpu.memory_space<vmem>>, vector<1x16xi32>,
      %swap3A_1193 = vector.shape_cast %swap3A_1192 : vector<1x16xi32> to vector<16xi32>
      %swap3A_1194 = vector.shape_cast %shift_right_logical3A_1188 : vector<16xi32> to vector<1x16xi32>
      tpu.vector_store %arg13[%swap3A_1190, %swap3A_1191], %swap3A_1194 {strides = array<i32>} : memref<1x80xi32, #tpu.memory_space<vmem>>, vector<1x16xi32>,
      %get3A_1195 = arith.index_cast %select_n3A_1106 : i32 to index
      %get3A_1196 = arith.constant 64 : index
      %get3A_1197 = tpu.vector_load %arg6[%get3A_1195, %get3A_1196] {strides = array<i32>} : memref<125x80xi32, #tpu.memory_space<vmem>>, vector<1x16xi32>,
      %get3A_1198 = vector.shape_cast %get3A_1197 : vector<1x16xi32> to vector<16xi32>
      %and3A_1199 = arith.constant 16383 : i32
      %and3A_1200 = vector.broadcast %and3A_1199 : i32 to vector<16xi32>
      %and3A_1201 = arith.andi %get3A_1198, %and3A_1200 : vector<16xi32>
      %swap3A_1202 = arith.constant 0 : i32
      %swap3A_1203 = arith.index_cast %swap3A_1202 : i32 to index
      %swap3A_1204 = arith.constant 64 : index
      %swap3A_1205 = tpu.vector_load %arg12[%swap3A_1203, %swap3A_1204] {strides = array<i32>} : memref<1x80xi32, #tpu.memory_space<vmem>>, vector<1x16xi32>,
      %swap3A_1206 = vector.shape_cast %swap3A_1205 : vector<1x16xi32> to vector<16xi32>
      %swap3A_1207 = vector.shape_cast %and3A_1201 : vector<16xi32> to vector<1x16xi32>
      tpu.vector_store %arg12[%swap3A_1203, %swap3A_1204], %swap3A_1207 {strides = array<i32>} : memref<1x80xi32, #tpu.memory_space<vmem>>, vector<1x16xi32>,
      %shift_right_logical3A_1208 = arith.constant 14 : i32
      %shift_right_logical3A_1209 = vector.broadcast %shift_right_logical3A_1208 : i32 to vector<16xi32>
      %shift_right_logical3A_1210 = arith.shrui %get3A_1198, %shift_right_logical3A_1209 : vector<16xi32>
      %swap3A_1211 = arith.constant 0 : i32
      %swap3A_1212 = arith.index_cast %swap3A_1211 : i32 to index
      %swap3A_1213 = arith.constant 64 : index
      %swap3A_1214 = tpu.vector_load %arg13[%swap3A_1212, %swap3A_1213] {strides = array<i32>} : memref<1x80xi32, #tpu.memory_space<vmem>>, vector<1x16xi32>,
      %swap3A_1215 = vector.shape_cast %swap3A_1214 : vector<1x16xi32> to vector<16xi32>
      %swap3A_1216 = vector.shape_cast %shift_right_logical3A_1210 : vector<16xi32> to vector<1x16xi32>
      tpu.vector_store %arg13[%swap3A_1212, %swap3A_1213], %swap3A_1216 {strides = array<i32>} : memref<1x80xi32, #tpu.memory_space<vmem>>, vector<1x16xi32>,
      %dma_start3A_1217 = arith.constant 0 : i32
      %dma_start3A_1218 = arith.constant 0 : i32
      %dma_start3A_1219 = tpu.memref_slice %arg12[%dma_start3A_1217, %dma_start3A_1218] : memref<1x80xi32, #tpu.memory_space<vmem>> -> memref<1x80xi32, #tpu.memory_space<vmem>>
      %dma_start3A_1220 = tpu.memref_squeeze %dma_start3A_1219 : memref<1x80xi32, #tpu.memory_space<vmem>> -> memref<80xi32, #tpu.memory_space<vmem>>
      %dma_start3A_1221 = arith.constant 0 : i32
      %dma_start3A_1222 = arith.constant 0 : i32
      %dma_start3A_1223 = tpu.memref_slice %arg2[%dma_start3A_1221, %dma_start3A_1222] : memref<10000x128xf32, #tpu.memory_space<hbm>> -> memref<10000x128xf32, #tpu.memory_space<hbm>>
      tpu.enqueue_indirect_dma source(%dma_start3A_1223 : memref<10000x128xf32, #tpu.memory_space<hbm>>) target(%arg8 : memref<80x128xf32, #tpu.memory_space<vmem>>) offsets(%dma_start3A_1220 : memref<80xi32, #tpu.memory_space<vmem>>) semaphore(%arg21 : memref<!tpu.dma_semaphore, #tpu.memory_space<semaphore_mem>>)
      %scan3A_1224 = arith.constant 0 : i32
      scf.yield %scan3A_1224 : i32
    }
    %scan3A_411 = arith.constant 41 : i32
    %dma_wait3A = arith.constant 0 : i32
    %dma_wait3A_412 = arith.constant 0 : i32
    %dma_wait3A_413 = tpu.memref_slice %arg10[%dma_wait3A, %dma_wait3A_412] : memref<1x80xi32, #tpu.memory_space<vmem>> -> memref<1x80xi32, #tpu.memory_space<vmem>>
    %dma_wait3A_414 = tpu.memref_squeeze %dma_wait3A_413 : memref<1x80xi32, #tpu.memory_space<vmem>> -> memref<80xi32, #tpu.memory_space<vmem>>
    %dma_wait3A_415 = arith.constant 0 : i32
    %dma_wait3A_416 = arith.constant 0 : i32
    %dma_wait3A_417 = tpu.memref_slice %arg2[%dma_wait3A_415, %dma_wait3A_416] : memref<10000x128xf32, #tpu.memory_space<hbm>> -> memref<10000x128xf32, #tpu.memory_space<hbm>>
    tpu.wait_indirect_dma semaphore(%arg20 : memref<!tpu.dma_semaphore, #tpu.memory_space<semaphore_mem>>) src(%dma_wait3A_417 : memref<10000x128xf32, #tpu.memory_space<hbm>>) dst(%arg7 : memref<80x128xf32, #tpu.memory_space<vmem>>)
    %dma_start3A_418 = arith.constant 0 : i32
    %dma_start3A_419 = arith.constant 0 : i32
    %dma_start3A_420 = tpu.memref_slice %arg11[%dma_start3A_418, %dma_start3A_419] : memref<1x80xi32, #tpu.memory_space<vmem>> -> memref<1x80xi32, #tpu.memory_space<vmem>>
    %dma_start3A_421 = tpu.memref_squeeze %dma_start3A_420 : memref<1x80xi32, #tpu.memory_space<vmem>> -> memref<80xi32, #tpu.memory_space<vmem>>
    %dma_start3A_422 = arith.constant 0 : i32
    %dma_start3A_423 = arith.constant 0 : i32
    %dma_start3A_424 = tpu.memref_slice %arg18[%dma_start3A_422, %dma_start3A_423] : memref<10240x128xf32, #tpu.memory_space<vmem_shared>> -> memref<10240x128xf32, #tpu.memory_space<vmem_shared>>
    tpu.enqueue_indirect_dma source(%arg7 : memref<80x128xf32, #tpu.memory_space<vmem>>) target(%dma_start3A_424 : memref<10240x128xf32, #tpu.memory_space<vmem_shared>>) offsets(%dma_start3A_421 : memref<80xi32, #tpu.memory_space<vmem>>) semaphore(%arg23 : memref<!tpu.dma_semaphore, #tpu.memory_space<semaphore_mem>>) {add = true}
    %dma_start3A_425 = arith.constant 0 : i32
    %dma_start3A_426 = arith.constant 0 : i32
    %dma_start3A_427 = arith.constant 0 : i32
    %dma_start3A_428 = tpu.memref_slice %arg16[%dma_start3A_425, %dma_start3A_427] : memref<1x80xf32, #tpu.memory_space<vmem>> -> memref<1x80xf32, #tpu.memory_space<vmem>>
    %dma_start3A_429 = tpu.memref_squeeze %dma_start3A_428 : memref<1x80xf32, #tpu.memory_space<vmem>> -> memref<80xf32, #tpu.memory_space<vmem>>
    %dma_start3A_430 = arith.constant 0 : i32
    %dma_start3A_431 = tpu.memref_slice %arg11[%dma_start3A_426, %dma_start3A_430] : memref<1x80xi32, #tpu.memory_space<vmem>> -> memref<1x80xi32, #tpu.memory_space<vmem>>
    %dma_start3A_432 = tpu.memref_squeeze %dma_start3A_431 : memref<1x80xi32, #tpu.memory_space<vmem>> -> memref<80xi32, #tpu.memory_space<vmem>>
    %dma_start3A_433 = arith.constant 0 : i32
    %dma_start3A_434 = tpu.memref_slice %arg19[%dma_start3A_433] : memref<10240xf32, #tpu.memory_space<vmem_shared>> -> memref<10240xf32, #tpu.memory_space<vmem_shared>>
    tpu.enqueue_indirect_dma source(%dma_start3A_429 : memref<80xf32, #tpu.memory_space<vmem>>) target(%dma_start3A_434 : memref<10240xf32, #tpu.memory_space<vmem_shared>>) offsets(%dma_start3A_432 : memref<80xi32, #tpu.memory_space<vmem>>) semaphore(%arg26 : memref<!tpu.dma_semaphore, #tpu.memory_space<semaphore_mem>>) {add = true}
    %gt3A = arith.constant 123 : i32
    %gt3A_435 = arith.constant 0 : i32
    %gt3A_436 = arith.cmpi sgt, %gt3A, %gt3A_435 : i32
    %convert_element_type3A = arith.extui %gt3A_436 : i1 to i32
    %cond3A = arith.constant 0 : i32
    %cond3A_437 = arith.cmpi ne, %convert_element_type3A, %cond3A : i32
    scf.if %cond3A_437 {
      %dma_wait3A_751 = arith.constant 0 : i32
      %dma_wait3A_752 = arith.constant 0 : i32
      %dma_wait3A_753 = tpu.memref_slice %arg15[%dma_wait3A_751, %dma_wait3A_752] : memref<1x80xi32, #tpu.memory_space<vmem>> -> memref<1x80xi32, #tpu.memory_space<vmem>>
      %dma_wait3A_754 = tpu.memref_squeeze %dma_wait3A_753 : memref<1x80xi32, #tpu.memory_space<vmem>> -> memref<80xi32, #tpu.memory_space<vmem>>
      %dma_wait3A_755 = arith.constant 0 : i32
      %dma_wait3A_756 = arith.constant 0 : i32
      %dma_wait3A_757 = tpu.memref_slice %arg18[%dma_wait3A_755, %dma_wait3A_756] : memref<10240x128xf32, #tpu.memory_space<vmem_shared>> -> memref<10240x128xf32, #tpu.memory_space<vmem_shared>>
      tpu.wait_indirect_dma semaphore(%arg25 : memref<!tpu.dma_semaphore, #tpu.memory_space<semaphore_mem>>) src(%arg9 : memref<80x128xf32, #tpu.memory_space<vmem>>) dst(%dma_wait3A_757 : memref<10240x128xf32, #tpu.memory_space<vmem_shared>>)
      %dma_wait3A_758 = arith.constant 0 : i32
      %dma_wait3A_759 = arith.constant 0 : i32
      %dma_wait3A_760 = arith.constant 0 : i32
      %dma_wait3A_761 = tpu.memref_slice %arg16[%dma_wait3A_758, %dma_wait3A_760] : memref<1x80xf32, #tpu.memory_space<vmem>> -> memref<1x80xf32, #tpu.memory_space<vmem>>
      %dma_wait3A_762 = tpu.memref_squeeze %dma_wait3A_761 : memref<1x80xf32, #tpu.memory_space<vmem>> -> memref<80xf32, #tpu.memory_space<vmem>>
      %dma_wait3A_763 = arith.constant 0 : i32
      %dma_wait3A_764 = tpu.memref_slice %arg15[%dma_wait3A_759, %dma_wait3A_763] : memref<1x80xi32, #tpu.memory_space<vmem>> -> memref<1x80xi32, #tpu.memory_space<vmem>>
      %dma_wait3A_765 = tpu.memref_squeeze %dma_wait3A_764 : memref<1x80xi32, #tpu.memory_space<vmem>> -> memref<80xi32, #tpu.memory_space<vmem>>
      %dma_wait3A_766 = arith.constant 0 : i32
      %dma_wait3A_767 = tpu.memref_slice %arg19[%dma_wait3A_766] : memref<10240xf32, #tpu.memory_space<vmem_shared>> -> memref<10240xf32, #tpu.memory_space<vmem_shared>>
      tpu.wait_indirect_dma semaphore(%arg26 : memref<!tpu.dma_semaphore, #tpu.memory_space<semaphore_mem>>) src(%dma_wait3A_762 : memref<80xf32, #tpu.memory_space<vmem>>) dst(%dma_wait3A_767 : memref<10240xf32, #tpu.memory_space<vmem_shared>>)
    } else {
    }
    %ge3A = arith.constant 123 : i32
    %ge3A_438 = arith.constant 123 : i32
    %ge3A_439 = arith.cmpi sge, %ge3A, %ge3A_438 : i32
    %sub3A = arith.constant 123 : i32
    %sub3A_440 = arith.constant 123 : i32
    %sub3A_441 = arith.subi %sub3A, %sub3A_440 : i32
    %add3A_442 = arith.constant 123 : i32
    %add3A_443 = arith.constant 2 : i32
    %add3A_444 = arith.addi %add3A_442, %add3A_443 : i32
    %select_n3A = arith.select %ge3A_439, %sub3A_441, %add3A_444 : i32
    %get3A_445 = arith.index_cast %select_n3A : i32 to index
    %get3A_446 = arith.constant 0 : index
    %get3A_447 = tpu.vector_load %arg6[%get3A_445, %get3A_446] {strides = array<i32>} : memref<125x80xi32, #tpu.memory_space<vmem>>, vector<1x16xi32>,
    %get3A_448 = vector.shape_cast %get3A_447 : vector<1x16xi32> to vector<16xi32>
    %and3A_449 = arith.constant 16383 : i32
    %and3A_450 = vector.broadcast %and3A_449 : i32 to vector<16xi32>
    %and3A_451 = arith.andi %get3A_448, %and3A_450 : vector<16xi32>
    %swap3A_452 = arith.constant 0 : i32
    %swap3A_453 = arith.index_cast %swap3A_452 : i32 to index
    %swap3A_454 = arith.constant 0 : index
    %swap3A_455 = tpu.vector_load %arg14[%swap3A_453, %swap3A_454] {strides = array<i32>} : memref<1x80xi32, #tpu.memory_space<vmem>>, vector<1x16xi32>,
    %swap3A_456 = vector.shape_cast %swap3A_455 : vector<1x16xi32> to vector<16xi32>
    %swap3A_457 = vector.shape_cast %and3A_451 : vector<16xi32> to vector<1x16xi32>
    tpu.vector_store %arg14[%swap3A_453, %swap3A_454], %swap3A_457 {strides = array<i32>} : memref<1x80xi32, #tpu.memory_space<vmem>>, vector<1x16xi32>,
    %shift_right_logical3A_458 = arith.constant 14 : i32
    %shift_right_logical3A_459 = vector.broadcast %shift_right_logical3A_458 : i32 to vector<16xi32>
    %shift_right_logical3A_460 = arith.shrui %get3A_448, %shift_right_logical3A_459 : vector<16xi32>
    %swap3A_461 = arith.constant 0 : i32
    %swap3A_462 = arith.index_cast %swap3A_461 : i32 to index
    %swap3A_463 = arith.constant 0 : index
    %swap3A_464 = tpu.vector_load %arg15[%swap3A_462, %swap3A_463] {strides = array<i32>} : memref<1x80xi32, #tpu.memory_space<vmem>>, vector<1x16xi32>,
    %swap3A_465 = vector.shape_cast %swap3A_464 : vector<1x16xi32> to vector<16xi32>
    %swap3A_466 = vector.shape_cast %shift_right_logical3A_460 : vector<16xi32> to vector<1x16xi32>
    tpu.vector_store %arg15[%swap3A_462, %swap3A_463], %swap3A_466 {strides = array<i32>} : memref<1x80xi32, #tpu.memory_space<vmem>>, vector<1x16xi32>,
    %get3A_467 = arith.index_cast %select_n3A : i32 to index
    %get3A_468 = arith.constant 16 : index
    %get3A_469 = tpu.vector_load %arg6[%get3A_467, %get3A_468] {strides = array<i32>} : memref<125x80xi32, #tpu.memory_space<vmem>>, vector<1x16xi32>,
    %get3A_470 = vector.shape_cast %get3A_469 : vector<1x16xi32> to vector<16xi32>
    %and3A_471 = arith.constant 16383 : i32
    %and3A_472 = vector.broadcast %and3A_471 : i32 to vector<16xi32>
    %and3A_473 = arith.andi %get3A_470, %and3A_472 : vector<16xi32>
    %swap3A_474 = arith.constant 0 : i32
    %swap3A_475 = arith.index_cast %swap3A_474 : i32 to index
    %swap3A_476 = arith.constant 16 : index
    %swap3A_477 = tpu.vector_load %arg14[%swap3A_475, %swap3A_476] {strides = array<i32>} : memref<1x80xi32, #tpu.memory_space<vmem>>, vector<1x16xi32>,
    %swap3A_478 = vector.shape_cast %swap3A_477 : vector<1x16xi32> to vector<16xi32>
    %swap3A_479 = vector.shape_cast %and3A_473 : vector<16xi32> to vector<1x16xi32>
    tpu.vector_store %arg14[%swap3A_475, %swap3A_476], %swap3A_479 {strides = array<i32>} : memref<1x80xi32, #tpu.memory_space<vmem>>, vector<1x16xi32>,
    %shift_right_logical3A_480 = arith.constant 14 : i32
    %shift_right_logical3A_481 = vector.broadcast %shift_right_logical3A_480 : i32 to vector<16xi32>
    %shift_right_logical3A_482 = arith.shrui %get3A_470, %shift_right_logical3A_481 : vector<16xi32>
    %swap3A_483 = arith.constant 0 : i32
    %swap3A_484 = arith.index_cast %swap3A_483 : i32 to index
    %swap3A_485 = arith.constant 16 : index
    %swap3A_486 = tpu.vector_load %arg15[%swap3A_484, %swap3A_485] {strides = array<i32>} : memref<1x80xi32, #tpu.memory_space<vmem>>, vector<1x16xi32>,
    %swap3A_487 = vector.shape_cast %swap3A_486 : vector<1x16xi32> to vector<16xi32>
    %swap3A_488 = vector.shape_cast %shift_right_logical3A_482 : vector<16xi32> to vector<1x16xi32>
    tpu.vector_store %arg15[%swap3A_484, %swap3A_485], %swap3A_488 {strides = array<i32>} : memref<1x80xi32, #tpu.memory_space<vmem>>, vector<1x16xi32>,
    %get3A_489 = arith.index_cast %select_n3A : i32 to index
    %get3A_490 = arith.constant 32 : index
    %get3A_491 = tpu.vector_load %arg6[%get3A_489, %get3A_490] {strides = array<i32>} : memref<125x80xi32, #tpu.memory_space<vmem>>, vector<1x16xi32>,
    %get3A_492 = vector.shape_cast %get3A_491 : vector<1x16xi32> to vector<16xi32>
    %and3A_493 = arith.constant 16383 : i32
    %and3A_494 = vector.broadcast %and3A_493 : i32 to vector<16xi32>
    %and3A_495 = arith.andi %get3A_492, %and3A_494 : vector<16xi32>
    %swap3A_496 = arith.constant 0 : i32
    %swap3A_497 = arith.index_cast %swap3A_496 : i32 to index
    %swap3A_498 = arith.constant 32 : index
    %swap3A_499 = tpu.vector_load %arg14[%swap3A_497, %swap3A_498] {strides = array<i32>} : memref<1x80xi32, #tpu.memory_space<vmem>>, vector<1x16xi32>,
    %swap3A_500 = vector.shape_cast %swap3A_499 : vector<1x16xi32> to vector<16xi32>
    %swap3A_501 = vector.shape_cast %and3A_495 : vector<16xi32> to vector<1x16xi32>
    tpu.vector_store %arg14[%swap3A_497, %swap3A_498], %swap3A_501 {strides = array<i32>} : memref<1x80xi32, #tpu.memory_space<vmem>>, vector<1x16xi32>,
    %shift_right_logical3A_502 = arith.constant 14 : i32
    %shift_right_logical3A_503 = vector.broadcast %shift_right_logical3A_502 : i32 to vector<16xi32>
    %shift_right_logical3A_504 = arith.shrui %get3A_492, %shift_right_logical3A_503 : vector<16xi32>
    %swap3A_505 = arith.constant 0 : i32
    %swap3A_506 = arith.index_cast %swap3A_505 : i32 to index
    %swap3A_507 = arith.constant 32 : index
    %swap3A_508 = tpu.vector_load %arg15[%swap3A_506, %swap3A_507] {strides = array<i32>} : memref<1x80xi32, #tpu.memory_space<vmem>>, vector<1x16xi32>,
    %swap3A_509 = vector.shape_cast %swap3A_508 : vector<1x16xi32> to vector<16xi32>
    %swap3A_510 = vector.shape_cast %shift_right_logical3A_504 : vector<16xi32> to vector<1x16xi32>
    tpu.vector_store %arg15[%swap3A_506, %swap3A_507], %swap3A_510 {strides = array<i32>} : memref<1x80xi32, #tpu.memory_space<vmem>>, vector<1x16xi32>,
    %get3A_511 = arith.index_cast %select_n3A : i32 to index
    %get3A_512 = arith.constant 48 : index
    %get3A_513 = tpu.vector_load %arg6[%get3A_511, %get3A_512] {strides = array<i32>} : memref<125x80xi32, #tpu.memory_space<vmem>>, vector<1x16xi32>,
    %get3A_514 = vector.shape_cast %get3A_513 : vector<1x16xi32> to vector<16xi32>
    %and3A_515 = arith.constant 16383 : i32
    %and3A_516 = vector.broadcast %and3A_515 : i32 to vector<16xi32>
    %and3A_517 = arith.andi %get3A_514, %and3A_516 : vector<16xi32>
    %swap3A_518 = arith.constant 0 : i32
    %swap3A_519 = arith.index_cast %swap3A_518 : i32 to index
    %swap3A_520 = arith.constant 48 : index
    %swap3A_521 = tpu.vector_load %arg14[%swap3A_519, %swap3A_520] {strides = array<i32>} : memref<1x80xi32, #tpu.memory_space<vmem>>, vector<1x16xi32>,
    %swap3A_522 = vector.shape_cast %swap3A_521 : vector<1x16xi32> to vector<16xi32>
    %swap3A_523 = vector.shape_cast %and3A_517 : vector<16xi32> to vector<1x16xi32>
    tpu.vector_store %arg14[%swap3A_519, %swap3A_520], %swap3A_523 {strides = array<i32>} : memref<1x80xi32, #tpu.memory_space<vmem>>, vector<1x16xi32>,
    %shift_right_logical3A_524 = arith.constant 14 : i32
    %shift_right_logical3A_525 = vector.broadcast %shift_right_logical3A_524 : i32 to vector<16xi32>
    %shift_right_logical3A_526 = arith.shrui %get3A_514, %shift_right_logical3A_525 : vector<16xi32>
    %swap3A_527 = arith.constant 0 : i32
    %swap3A_528 = arith.index_cast %swap3A_527 : i32 to index
    %swap3A_529 = arith.constant 48 : index
    %swap3A_530 = tpu.vector_load %arg15[%swap3A_528, %swap3A_529] {strides = array<i32>} : memref<1x80xi32, #tpu.memory_space<vmem>>, vector<1x16xi32>,
    %swap3A_531 = vector.shape_cast %swap3A_530 : vector<1x16xi32> to vector<16xi32>
    %swap3A_532 = vector.shape_cast %shift_right_logical3A_526 : vector<16xi32> to vector<1x16xi32>
    tpu.vector_store %arg15[%swap3A_528, %swap3A_529], %swap3A_532 {strides = array<i32>} : memref<1x80xi32, #tpu.memory_space<vmem>>, vector<1x16xi32>,
    %get3A_533 = arith.index_cast %select_n3A : i32 to index
    %get3A_534 = arith.constant 64 : index
    %get3A_535 = tpu.vector_load %arg6[%get3A_533, %get3A_534] {strides = array<i32>} : memref<125x80xi32, #tpu.memory_space<vmem>>, vector<1x16xi32>,
    %get3A_536 = vector.shape_cast %get3A_535 : vector<1x16xi32> to vector<16xi32>
    %and3A_537 = arith.constant 16383 : i32
    %and3A_538 = vector.broadcast %and3A_537 : i32 to vector<16xi32>
    %and3A_539 = arith.andi %get3A_536, %and3A_538 : vector<16xi32>
    %swap3A_540 = arith.constant 0 : i32
    %swap3A_541 = arith.index_cast %swap3A_540 : i32 to index
    %swap3A_542 = arith.constant 64 : index
    %swap3A_543 = tpu.vector_load %arg14[%swap3A_541, %swap3A_542] {strides = array<i32>} : memref<1x80xi32, #tpu.memory_space<vmem>>, vector<1x16xi32>,
    %swap3A_544 = vector.shape_cast %swap3A_543 : vector<1x16xi32> to vector<16xi32>
    %swap3A_545 = vector.shape_cast %and3A_539 : vector<16xi32> to vector<1x16xi32>
    tpu.vector_store %arg14[%swap3A_541, %swap3A_542], %swap3A_545 {strides = array<i32>} : memref<1x80xi32, #tpu.memory_space<vmem>>, vector<1x16xi32>,
    %shift_right_logical3A_546 = arith.constant 14 : i32
    %shift_right_logical3A_547 = vector.broadcast %shift_right_logical3A_546 : i32 to vector<16xi32>
    %shift_right_logical3A_548 = arith.shrui %get3A_536, %shift_right_logical3A_547 : vector<16xi32>
    %swap3A_549 = arith.constant 0 : i32
    %swap3A_550 = arith.index_cast %swap3A_549 : i32 to index
    %swap3A_551 = arith.constant 64 : index
    %swap3A_552 = tpu.vector_load %arg15[%swap3A_550, %swap3A_551] {strides = array<i32>} : memref<1x80xi32, #tpu.memory_space<vmem>>, vector<1x16xi32>,
    %swap3A_553 = vector.shape_cast %swap3A_552 : vector<1x16xi32> to vector<16xi32>
    %swap3A_554 = vector.shape_cast %shift_right_logical3A_548 : vector<16xi32> to vector<1x16xi32>
    tpu.vector_store %arg15[%swap3A_550, %swap3A_551], %swap3A_554 {strides = array<i32>} : memref<1x80xi32, #tpu.memory_space<vmem>>, vector<1x16xi32>,
    %dma_start3A_555 = arith.constant 0 : i32
    %dma_start3A_556 = arith.constant 0 : i32
    %dma_start3A_557 = tpu.memref_slice %arg14[%dma_start3A_555, %dma_start3A_556] : memref<1x80xi32, #tpu.memory_space<vmem>> -> memref<1x80xi32, #tpu.memory_space<vmem>>
    %dma_start3A_558 = tpu.memref_squeeze %dma_start3A_557 : memref<1x80xi32, #tpu.memory_space<vmem>> -> memref<80xi32, #tpu.memory_space<vmem>>
    %dma_start3A_559 = arith.constant 0 : i32
    %dma_start3A_560 = arith.constant 0 : i32
    %dma_start3A_561 = tpu.memref_slice %arg2[%dma_start3A_559, %dma_start3A_560] : memref<10000x128xf32, #tpu.memory_space<hbm>> -> memref<10000x128xf32, #tpu.memory_space<hbm>>
    tpu.enqueue_indirect_dma source(%dma_start3A_561 : memref<10000x128xf32, #tpu.memory_space<hbm>>) target(%arg9 : memref<80x128xf32, #tpu.memory_space<vmem>>) offsets(%dma_start3A_558 : memref<80xi32, #tpu.memory_space<vmem>>) semaphore(%arg22 : memref<!tpu.dma_semaphore, #tpu.memory_space<semaphore_mem>>)
    %dma_wait3A_562 = arith.constant 0 : i32
    %dma_wait3A_563 = arith.constant 0 : i32
    %dma_wait3A_564 = tpu.memref_slice %arg12[%dma_wait3A_562, %dma_wait3A_563] : memref<1x80xi32, #tpu.memory_space<vmem>> -> memref<1x80xi32, #tpu.memory_space<vmem>>
    %dma_wait3A_565 = tpu.memref_squeeze %dma_wait3A_564 : memref<1x80xi32, #tpu.memory_space<vmem>> -> memref<80xi32, #tpu.memory_space<vmem>>
    %dma_wait3A_566 = arith.constant 0 : i32
    %dma_wait3A_567 = arith.constant 0 : i32
    %dma_wait3A_568 = tpu.memref_slice %arg2[%dma_wait3A_566, %dma_wait3A_567] : memref<10000x128xf32, #tpu.memory_space<hbm>> -> memref<10000x128xf32, #tpu.memory_space<hbm>>
    tpu.wait_indirect_dma semaphore(%arg21 : memref<!tpu.dma_semaphore, #tpu.memory_space<semaphore_mem>>) src(%dma_wait3A_568 : memref<10000x128xf32, #tpu.memory_space<hbm>>) dst(%arg8 : memref<80x128xf32, #tpu.memory_space<vmem>>)
    %dma_start3A_569 = arith.constant 0 : i32
    %dma_start3A_570 = arith.constant 0 : i32
    %dma_start3A_571 = tpu.memref_slice %arg13[%dma_start3A_569, %dma_start3A_570] : memref<1x80xi32, #tpu.memory_space<vmem>> -> memref<1x80xi32, #tpu.memory_space<vmem>>
    %dma_start3A_572 = tpu.memref_squeeze %dma_start3A_571 : memref<1x80xi32, #tpu.memory_space<vmem>> -> memref<80xi32, #tpu.memory_space<vmem>>
    %dma_start3A_573 = arith.constant 0 : i32
    %dma_start3A_574 = arith.constant 0 : i32
    %dma_start3A_575 = tpu.memref_slice %arg18[%dma_start3A_573, %dma_start3A_574] : memref<10240x128xf32, #tpu.memory_space<vmem_shared>> -> memref<10240x128xf32, #tpu.memory_space<vmem_shared>>
    tpu.enqueue_indirect_dma source(%arg8 : memref<80x128xf32, #tpu.memory_space<vmem>>) target(%dma_start3A_575 : memref<10240x128xf32, #tpu.memory_space<vmem_shared>>) offsets(%dma_start3A_572 : memref<80xi32, #tpu.memory_space<vmem>>) semaphore(%arg24 : memref<!tpu.dma_semaphore, #tpu.memory_space<semaphore_mem>>) {add = true}
    %dma_start3A_576 = arith.constant 0 : i32
    %dma_start3A_577 = arith.constant 0 : i32
    %dma_start3A_578 = arith.constant 0 : i32
    %dma_start3A_579 = tpu.memref_slice %arg16[%dma_start3A_576, %dma_start3A_578] : memref<1x80xf32, #tpu.memory_space<vmem>> -> memref<1x80xf32, #tpu.memory_space<vmem>>
    %dma_start3A_580 = tpu.memref_squeeze %dma_start3A_579 : memref<1x80xf32, #tpu.memory_space<vmem>> -> memref<80xf32, #tpu.memory_space<vmem>>
    %dma_start3A_581 = arith.constant 0 : i32
    %dma_start3A_582 = tpu.memref_slice %arg13[%dma_start3A_577, %dma_start3A_581] : memref<1x80xi32, #tpu.memory_space<vmem>> -> memref<1x80xi32, #tpu.memory_space<vmem>>
    %dma_start3A_583 = tpu.memref_squeeze %dma_start3A_582 : memref<1x80xi32, #tpu.memory_space<vmem>> -> memref<80xi32, #tpu.memory_space<vmem>>
    %dma_start3A_584 = arith.constant 0 : i32
    %dma_start3A_585 = tpu.memref_slice %arg19[%dma_start3A_584] : memref<10240xf32, #tpu.memory_space<vmem_shared>> -> memref<10240xf32, #tpu.memory_space<vmem_shared>>
    tpu.enqueue_indirect_dma source(%dma_start3A_580 : memref<80xf32, #tpu.memory_space<vmem>>) target(%dma_start3A_585 : memref<10240xf32, #tpu.memory_space<vmem_shared>>) offsets(%dma_start3A_583 : memref<80xi32, #tpu.memory_space<vmem>>) semaphore(%arg26 : memref<!tpu.dma_semaphore, #tpu.memory_space<semaphore_mem>>) {add = true}
    %gt3A_586 = arith.constant 124 : i32
    %gt3A_587 = arith.constant 0 : i32
    %gt3A_588 = arith.cmpi sgt, %gt3A_586, %gt3A_587 : i32
    %convert_element_type3A_589 = arith.extui %gt3A_588 : i1 to i32
    %cond3A_590 = arith.constant 0 : i32
    %cond3A_591 = arith.cmpi ne, %convert_element_type3A_589, %cond3A_590 : i32
    scf.if %cond3A_591 {
      %dma_wait3A_751 = arith.constant 0 : i32
      %dma_wait3A_752 = arith.constant 0 : i32
      %dma_wait3A_753 = tpu.memref_slice %arg11[%dma_wait3A_751, %dma_wait3A_752] : memref<1x80xi32, #tpu.memory_space<vmem>> -> memref<1x80xi32, #tpu.memory_space<vmem>>
      %dma_wait3A_754 = tpu.memref_squeeze %dma_wait3A_753 : memref<1x80xi32, #tpu.memory_space<vmem>> -> memref<80xi32, #tpu.memory_space<vmem>>
      %dma_wait3A_755 = arith.constant 0 : i32
      %dma_wait3A_756 = arith.constant 0 : i32
      %dma_wait3A_757 = tpu.memref_slice %arg18[%dma_wait3A_755, %dma_wait3A_756] : memref<10240x128xf32, #tpu.memory_space<vmem_shared>> -> memref<10240x128xf32, #tpu.memory_space<vmem_shared>>
      tpu.wait_indirect_dma semaphore(%arg23 : memref<!tpu.dma_semaphore, #tpu.memory_space<semaphore_mem>>) src(%arg7 : memref<80x128xf32, #tpu.memory_space<vmem>>) dst(%dma_wait3A_757 : memref<10240x128xf32, #tpu.memory_space<vmem_shared>>)
      %dma_wait3A_758 = arith.constant 0 : i32
      %dma_wait3A_759 = arith.constant 0 : i32
      %dma_wait3A_760 = arith.constant 0 : i32
      %dma_wait3A_761 = tpu.memref_slice %arg16[%dma_wait3A_758, %dma_wait3A_760] : memref<1x80xf32, #tpu.memory_space<vmem>> -> memref<1x80xf32, #tpu.memory_space<vmem>>
      %dma_wait3A_762 = tpu.memref_squeeze %dma_wait3A_761 : memref<1x80xf32, #tpu.memory_space<vmem>> -> memref<80xf32, #tpu.memory_space<vmem>>
      %dma_wait3A_763 = arith.constant 0 : i32
      %dma_wait3A_764 = tpu.memref_slice %arg11[%dma_wait3A_759, %dma_wait3A_763] : memref<1x80xi32, #tpu.memory_space<vmem>> -> memref<1x80xi32, #tpu.memory_space<vmem>>
      %dma_wait3A_765 = tpu.memref_squeeze %dma_wait3A_764 : memref<1x80xi32, #tpu.memory_space<vmem>> -> memref<80xi32, #tpu.memory_space<vmem>>
      %dma_wait3A_766 = arith.constant 0 : i32
      %dma_wait3A_767 = tpu.memref_slice %arg19[%dma_wait3A_766] : memref<10240xf32, #tpu.memory_space<vmem_shared>> -> memref<10240xf32, #tpu.memory_space<vmem_shared>>
      tpu.wait_indirect_dma semaphore(%arg26 : memref<!tpu.dma_semaphore, #tpu.memory_space<semaphore_mem>>) src(%dma_wait3A_762 : memref<80xf32, #tpu.memory_space<vmem>>) dst(%dma_wait3A_767 : memref<10240xf32, #tpu.memory_space<vmem_shared>>)
    } else {
    }
    %ge3A_592 = arith.constant 124 : i32
    %ge3A_593 = arith.constant 123 : i32
    %ge3A_594 = arith.cmpi sge, %ge3A_592, %ge3A_593 : i32
    %sub3A_595 = arith.constant 124 : i32
    %sub3A_596 = arith.constant 123 : i32
    %sub3A_597 = arith.subi %sub3A_595, %sub3A_596 : i32
    %add3A_598 = arith.constant 124 : i32
    %add3A_599 = arith.constant 2 : i32
    %add3A_600 = arith.addi %add3A_598, %add3A_599 : i32
    %select_n3A_601 = arith.select %ge3A_594, %sub3A_597, %add3A_600 : i32
    %get3A_602 = arith.index_cast %select_n3A_601 : i32 to index
    %get3A_603 = arith.constant 0 : index
    %get3A_604 = tpu.vector_load %arg6[%get3A_602, %get3A_603] {strides = array<i32>} : memref<125x80xi32, #tpu.memory_space<vmem>>, vector<1x16xi32>,
    %get3A_605 = vector.shape_cast %get3A_604 : vector<1x16xi32> to vector<16xi32>
    %and3A_606 = arith.constant 16383 : i32
    %and3A_607 = vector.broadcast %and3A_606 : i32 to vector<16xi32>
    %and3A_608 = arith.andi %get3A_605, %and3A_607 : vector<16xi32>
    %swap3A_609 = arith.constant 0 : i32
    %swap3A_610 = arith.index_cast %swap3A_609 : i32 to index
    %swap3A_611 = arith.constant 0 : index
    %swap3A_612 = tpu.vector_load %arg10[%swap3A_610, %swap3A_611] {strides = array<i32>} : memref<1x80xi32, #tpu.memory_space<vmem>>, vector<1x16xi32>,
    %swap3A_613 = vector.shape_cast %swap3A_612 : vector<1x16xi32> to vector<16xi32>
    %swap3A_614 = vector.shape_cast %and3A_608 : vector<16xi32> to vector<1x16xi32>
    tpu.vector_store %arg10[%swap3A_610, %swap3A_611], %swap3A_614 {strides = array<i32>} : memref<1x80xi32, #tpu.memory_space<vmem>>, vector<1x16xi32>,
    %shift_right_logical3A_615 = arith.constant 14 : i32
    %shift_right_logical3A_616 = vector.broadcast %shift_right_logical3A_615 : i32 to vector<16xi32>
    %shift_right_logical3A_617 = arith.shrui %get3A_605, %shift_right_logical3A_616 : vector<16xi32>
    %swap3A_618 = arith.constant 0 : i32
    %swap3A_619 = arith.index_cast %swap3A_618 : i32 to index
    %swap3A_620 = arith.constant 0 : index
    %swap3A_621 = tpu.vector_load %arg11[%swap3A_619, %swap3A_620] {strides = array<i32>} : memref<1x80xi32, #tpu.memory_space<vmem>>, vector<1x16xi32>,
    %swap3A_622 = vector.shape_cast %swap3A_621 : vector<1x16xi32> to vector<16xi32>
    %swap3A_623 = vector.shape_cast %shift_right_logical3A_617 : vector<16xi32> to vector<1x16xi32>
    tpu.vector_store %arg11[%swap3A_619, %swap3A_620], %swap3A_623 {strides = array<i32>} : memref<1x80xi32, #tpu.memory_space<vmem>>, vector<1x16xi32>,
    %get3A_624 = arith.index_cast %select_n3A_601 : i32 to index
    %get3A_625 = arith.constant 16 : index
    %get3A_626 = tpu.vector_load %arg6[%get3A_624, %get3A_625] {strides = array<i32>} : memref<125x80xi32, #tpu.memory_space<vmem>>, vector<1x16xi32>,
    %get3A_627 = vector.shape_cast %get3A_626 : vector<1x16xi32> to vector<16xi32>
    %and3A_628 = arith.constant 16383 : i32
    %and3A_629 = vector.broadcast %and3A_628 : i32 to vector<16xi32>
    %and3A_630 = arith.andi %get3A_627, %and3A_629 : vector<16xi32>
    %swap3A_631 = arith.constant 0 : i32
    %swap3A_632 = arith.index_cast %swap3A_631 : i32 to index
    %swap3A_633 = arith.constant 16 : index
    %swap3A_634 = tpu.vector_load %arg10[%swap3A_632, %swap3A_633] {strides = array<i32>} : memref<1x80xi32, #tpu.memory_space<vmem>>, vector<1x16xi32>,
    %swap3A_635 = vector.shape_cast %swap3A_634 : vector<1x16xi32> to vector<16xi32>
    %swap3A_636 = vector.shape_cast %and3A_630 : vector<16xi32> to vector<1x16xi32>
    tpu.vector_store %arg10[%swap3A_632, %swap3A_633], %swap3A_636 {strides = array<i32>} : memref<1x80xi32, #tpu.memory_space<vmem>>, vector<1x16xi32>,
    %shift_right_logical3A_637 = arith.constant 14 : i32
    %shift_right_logical3A_638 = vector.broadcast %shift_right_logical3A_637 : i32 to vector<16xi32>
    %shift_right_logical3A_639 = arith.shrui %get3A_627, %shift_right_logical3A_638 : vector<16xi32>
    %swap3A_640 = arith.constant 0 : i32
    %swap3A_641 = arith.index_cast %swap3A_640 : i32 to index
    %swap3A_642 = arith.constant 16 : index
    %swap3A_643 = tpu.vector_load %arg11[%swap3A_641, %swap3A_642] {strides = array<i32>} : memref<1x80xi32, #tpu.memory_space<vmem>>, vector<1x16xi32>,
    %swap3A_644 = vector.shape_cast %swap3A_643 : vector<1x16xi32> to vector<16xi32>
    %swap3A_645 = vector.shape_cast %shift_right_logical3A_639 : vector<16xi32> to vector<1x16xi32>
    tpu.vector_store %arg11[%swap3A_641, %swap3A_642], %swap3A_645 {strides = array<i32>} : memref<1x80xi32, #tpu.memory_space<vmem>>, vector<1x16xi32>,
    %get3A_646 = arith.index_cast %select_n3A_601 : i32 to index
    %get3A_647 = arith.constant 32 : index
    %get3A_648 = tpu.vector_load %arg6[%get3A_646, %get3A_647] {strides = array<i32>} : memref<125x80xi32, #tpu.memory_space<vmem>>, vector<1x16xi32>,
    %get3A_649 = vector.shape_cast %get3A_648 : vector<1x16xi32> to vector<16xi32>
    %and3A_650 = arith.constant 16383 : i32
    %and3A_651 = vector.broadcast %and3A_650 : i32 to vector<16xi32>
    %and3A_652 = arith.andi %get3A_649, %and3A_651 : vector<16xi32>
    %swap3A_653 = arith.constant 0 : i32
    %swap3A_654 = arith.index_cast %swap3A_653 : i32 to index
    %swap3A_655 = arith.constant 32 : index
    %swap3A_656 = tpu.vector_load %arg10[%swap3A_654, %swap3A_655] {strides = array<i32>} : memref<1x80xi32, #tpu.memory_space<vmem>>, vector<1x16xi32>,
    %swap3A_657 = vector.shape_cast %swap3A_656 : vector<1x16xi32> to vector<16xi32>
    %swap3A_658 = vector.shape_cast %and3A_652 : vector<16xi32> to vector<1x16xi32>
    tpu.vector_store %arg10[%swap3A_654, %swap3A_655], %swap3A_658 {strides = array<i32>} : memref<1x80xi32, #tpu.memory_space<vmem>>, vector<1x16xi32>,
    %shift_right_logical3A_659 = arith.constant 14 : i32
    %shift_right_logical3A_660 = vector.broadcast %shift_right_logical3A_659 : i32 to vector<16xi32>
    %shift_right_logical3A_661 = arith.shrui %get3A_649, %shift_right_logical3A_660 : vector<16xi32>
    %swap3A_662 = arith.constant 0 : i32
    %swap3A_663 = arith.index_cast %swap3A_662 : i32 to index
    %swap3A_664 = arith.constant 32 : index
    %swap3A_665 = tpu.vector_load %arg11[%swap3A_663, %swap3A_664] {strides = array<i32>} : memref<1x80xi32, #tpu.memory_space<vmem>>, vector<1x16xi32>,
    %swap3A_666 = vector.shape_cast %swap3A_665 : vector<1x16xi32> to vector<16xi32>
    %swap3A_667 = vector.shape_cast %shift_right_logical3A_661 : vector<16xi32> to vector<1x16xi32>
    tpu.vector_store %arg11[%swap3A_663, %swap3A_664], %swap3A_667 {strides = array<i32>} : memref<1x80xi32, #tpu.memory_space<vmem>>, vector<1x16xi32>,
    %get3A_668 = arith.index_cast %select_n3A_601 : i32 to index
    %get3A_669 = arith.constant 48 : index
    %get3A_670 = tpu.vector_load %arg6[%get3A_668, %get3A_669] {strides = array<i32>} : memref<125x80xi32, #tpu.memory_space<vmem>>, vector<1x16xi32>,
    %get3A_671 = vector.shape_cast %get3A_670 : vector<1x16xi32> to vector<16xi32>
    %and3A_672 = arith.constant 16383 : i32
    %and3A_673 = vector.broadcast %and3A_672 : i32 to vector<16xi32>
    %and3A_674 = arith.andi %get3A_671, %and3A_673 : vector<16xi32>
    %swap3A_675 = arith.constant 0 : i32
    %swap3A_676 = arith.index_cast %swap3A_675 : i32 to index
    %swap3A_677 = arith.constant 48 : index
    %swap3A_678 = tpu.vector_load %arg10[%swap3A_676, %swap3A_677] {strides = array<i32>} : memref<1x80xi32, #tpu.memory_space<vmem>>, vector<1x16xi32>,
    %swap3A_679 = vector.shape_cast %swap3A_678 : vector<1x16xi32> to vector<16xi32>
    %swap3A_680 = vector.shape_cast %and3A_674 : vector<16xi32> to vector<1x16xi32>
    tpu.vector_store %arg10[%swap3A_676, %swap3A_677], %swap3A_680 {strides = array<i32>} : memref<1x80xi32, #tpu.memory_space<vmem>>, vector<1x16xi32>,
    %shift_right_logical3A_681 = arith.constant 14 : i32
    %shift_right_logical3A_682 = vector.broadcast %shift_right_logical3A_681 : i32 to vector<16xi32>
    %shift_right_logical3A_683 = arith.shrui %get3A_671, %shift_right_logical3A_682 : vector<16xi32>
    %swap3A_684 = arith.constant 0 : i32
    %swap3A_685 = arith.index_cast %swap3A_684 : i32 to index
    %swap3A_686 = arith.constant 48 : index
    %swap3A_687 = tpu.vector_load %arg11[%swap3A_685, %swap3A_686] {strides = array<i32>} : memref<1x80xi32, #tpu.memory_space<vmem>>, vector<1x16xi32>,
    %swap3A_688 = vector.shape_cast %swap3A_687 : vector<1x16xi32> to vector<16xi32>
    %swap3A_689 = vector.shape_cast %shift_right_logical3A_683 : vector<16xi32> to vector<1x16xi32>
    tpu.vector_store %arg11[%swap3A_685, %swap3A_686], %swap3A_689 {strides = array<i32>} : memref<1x80xi32, #tpu.memory_space<vmem>>, vector<1x16xi32>,
    %get3A_690 = arith.index_cast %select_n3A_601 : i32 to index
    %get3A_691 = arith.constant 64 : index
    %get3A_692 = tpu.vector_load %arg6[%get3A_690, %get3A_691] {strides = array<i32>} : memref<125x80xi32, #tpu.memory_space<vmem>>, vector<1x16xi32>,
    %get3A_693 = vector.shape_cast %get3A_692 : vector<1x16xi32> to vector<16xi32>
    %and3A_694 = arith.constant 16383 : i32
    %and3A_695 = vector.broadcast %and3A_694 : i32 to vector<16xi32>
    %and3A_696 = arith.andi %get3A_693, %and3A_695 : vector<16xi32>
    %swap3A_697 = arith.constant 0 : i32
    %swap3A_698 = arith.index_cast %swap3A_697 : i32 to index
    %swap3A_699 = arith.constant 64 : index
    %swap3A_700 = tpu.vector_load %arg10[%swap3A_698, %swap3A_699] {strides = array<i32>} : memref<1x80xi32, #tpu.memory_space<vmem>>, vector<1x16xi32>,
    %swap3A_701 = vector.shape_cast %swap3A_700 : vector<1x16xi32> to vector<16xi32>
    %swap3A_702 = vector.shape_cast %and3A_696 : vector<16xi32> to vector<1x16xi32>
    tpu.vector_store %arg10[%swap3A_698, %swap3A_699], %swap3A_702 {strides = array<i32>} : memref<1x80xi32, #tpu.memory_space<vmem>>, vector<1x16xi32>,
    %shift_right_logical3A_703 = arith.constant 14 : i32
    %shift_right_logical3A_704 = vector.broadcast %shift_right_logical3A_703 : i32 to vector<16xi32>
    %shift_right_logical3A_705 = arith.shrui %get3A_693, %shift_right_logical3A_704 : vector<16xi32>
    %swap3A_706 = arith.constant 0 : i32
    %swap3A_707 = arith.index_cast %swap3A_706 : i32 to index
    %swap3A_708 = arith.constant 64 : index
    %swap3A_709 = tpu.vector_load %arg11[%swap3A_707, %swap3A_708] {strides = array<i32>} : memref<1x80xi32, #tpu.memory_space<vmem>>, vector<1x16xi32>,
    %swap3A_710 = vector.shape_cast %swap3A_709 : vector<1x16xi32> to vector<16xi32>
    %swap3A_711 = vector.shape_cast %shift_right_logical3A_705 : vector<16xi32> to vector<1x16xi32>
    tpu.vector_store %arg11[%swap3A_707, %swap3A_708], %swap3A_711 {strides = array<i32>} : memref<1x80xi32, #tpu.memory_space<vmem>>, vector<1x16xi32>,
    %dma_start3A_712 = arith.constant 0 : i32
    %dma_start3A_713 = arith.constant 0 : i32
    %dma_start3A_714 = tpu.memref_slice %arg10[%dma_start3A_712, %dma_start3A_713] : memref<1x80xi32, #tpu.memory_space<vmem>> -> memref<1x80xi32, #tpu.memory_space<vmem>>
    %dma_start3A_715 = tpu.memref_squeeze %dma_start3A_714 : memref<1x80xi32, #tpu.memory_space<vmem>> -> memref<80xi32, #tpu.memory_space<vmem>>
    %dma_start3A_716 = arith.constant 0 : i32
    %dma_start3A_717 = arith.constant 0 : i32
    %dma_start3A_718 = tpu.memref_slice %arg2[%dma_start3A_716, %dma_start3A_717] : memref<10000x128xf32, #tpu.memory_space<hbm>> -> memref<10000x128xf32, #tpu.memory_space<hbm>>
    tpu.enqueue_indirect_dma source(%dma_start3A_718 : memref<10000x128xf32, #tpu.memory_space<hbm>>) target(%arg7 : memref<80x128xf32, #tpu.memory_space<vmem>>) offsets(%dma_start3A_715 : memref<80xi32, #tpu.memory_space<vmem>>) semaphore(%arg20 : memref<!tpu.dma_semaphore, #tpu.memory_space<semaphore_mem>>)
    %dma_wait3A_719 = arith.constant 0 : i32
    %dma_wait3A_720 = arith.constant 0 : i32
    %dma_wait3A_721 = tpu.memref_slice %arg13[%dma_wait3A_719, %dma_wait3A_720] : memref<1x80xi32, #tpu.memory_space<vmem>> -> memref<1x80xi32, #tpu.memory_space<vmem>>
    %dma_wait3A_722 = tpu.memref_squeeze %dma_wait3A_721 : memref<1x80xi32, #tpu.memory_space<vmem>> -> memref<80xi32, #tpu.memory_space<vmem>>
    %dma_wait3A_723 = arith.constant 0 : i32
    %dma_wait3A_724 = arith.constant 0 : i32
    %dma_wait3A_725 = tpu.memref_slice %arg18[%dma_wait3A_723, %dma_wait3A_724] : memref<10240x128xf32, #tpu.memory_space<vmem_shared>> -> memref<10240x128xf32, #tpu.memory_space<vmem_shared>>
    tpu.wait_indirect_dma semaphore(%arg24 : memref<!tpu.dma_semaphore, #tpu.memory_space<semaphore_mem>>) src(%arg8 : memref<80x128xf32, #tpu.memory_space<vmem>>) dst(%dma_wait3A_725 : memref<10240x128xf32, #tpu.memory_space<vmem_shared>>)
    %dma_wait3A_726 = arith.constant 0 : i32
    %dma_wait3A_727 = arith.constant 0 : i32
    %dma_wait3A_728 = arith.constant 0 : i32
    %dma_wait3A_729 = tpu.memref_slice %arg16[%dma_wait3A_726, %dma_wait3A_728] : memref<1x80xf32, #tpu.memory_space<vmem>> -> memref<1x80xf32, #tpu.memory_space<vmem>>
    %dma_wait3A_730 = tpu.memref_squeeze %dma_wait3A_729 : memref<1x80xf32, #tpu.memory_space<vmem>> -> memref<80xf32, #tpu.memory_space<vmem>>
    %dma_wait3A_731 = arith.constant 0 : i32
    %dma_wait3A_732 = tpu.memref_slice %arg13[%dma_wait3A_727, %dma_wait3A_731] : memref<1x80xi32, #tpu.memory_space<vmem>> -> memref<1x80xi32, #tpu.memory_space<vmem>>
    %dma_wait3A_733 = tpu.memref_squeeze %dma_wait3A_732 : memref<1x80xi32, #tpu.memory_space<vmem>> -> memref<80xi32, #tpu.memory_space<vmem>>
    %dma_wait3A_734 = arith.constant 0 : i32
    %dma_wait3A_735 = tpu.memref_slice %arg19[%dma_wait3A_734] : memref<10240xf32, #tpu.memory_space<vmem_shared>> -> memref<10240xf32, #tpu.memory_space<vmem_shared>>
    tpu.wait_indirect_dma semaphore(%arg26 : memref<!tpu.dma_semaphore, #tpu.memory_space<semaphore_mem>>) src(%dma_wait3A_730 : memref<80xf32, #tpu.memory_space<vmem>>) dst(%dma_wait3A_735 : memref<10240xf32, #tpu.memory_space<vmem_shared>>)
    %dma_wait3A_736 = arith.constant 0 : i32
    %dma_wait3A_737 = arith.constant 0 : i32
    %dma_wait3A_738 = tpu.memref_slice %arg14[%dma_wait3A_736, %dma_wait3A_737] : memref<1x80xi32, #tpu.memory_space<vmem>> -> memref<1x80xi32, #tpu.memory_space<vmem>>
    %dma_wait3A_739 = tpu.memref_squeeze %dma_wait3A_738 : memref<1x80xi32, #tpu.memory_space<vmem>> -> memref<80xi32, #tpu.memory_space<vmem>>
    %dma_wait3A_740 = arith.constant 0 : i32
    %dma_wait3A_741 = arith.constant 0 : i32
    %dma_wait3A_742 = tpu.memref_slice %arg2[%dma_wait3A_740, %dma_wait3A_741] : memref<10000x128xf32, #tpu.memory_space<hbm>> -> memref<10000x128xf32, #tpu.memory_space<hbm>>
    tpu.wait_indirect_dma semaphore(%arg22 : memref<!tpu.dma_semaphore, #tpu.memory_space<semaphore_mem>>) src(%dma_wait3A_742 : memref<10000x128xf32, #tpu.memory_space<hbm>>) dst(%arg9 : memref<80x128xf32, #tpu.memory_space<vmem>>)
    %dma_wait3A_743 = arith.constant 0 : i32
    %dma_wait3A_744 = arith.constant 0 : i32
    %dma_wait3A_745 = tpu.memref_slice %arg10[%dma_wait3A_743, %dma_wait3A_744] : memref<1x80xi32, #tpu.memory_space<vmem>> -> memref<1x80xi32, #tpu.memory_space<vmem>>
    %dma_wait3A_746 = tpu.memref_squeeze %dma_wait3A_745 : memref<1x80xi32, #tpu.memory_space<vmem>> -> memref<80xi32, #tpu.memory_space<vmem>>
    %dma_wait3A_747 = arith.constant 0 : i32
    %dma_wait3A_748 = arith.constant 0 : i32
    %dma_wait3A_749 = tpu.memref_slice %arg2[%dma_wait3A_747, %dma_wait3A_748] : memref<10000x128xf32, #tpu.memory_space<hbm>> -> memref<10000x128xf32, #tpu.memory_space<hbm>>
    tpu.wait_indirect_dma semaphore(%arg20 : memref<!tpu.dma_semaphore, #tpu.memory_space<semaphore_mem>>) src(%dma_wait3A_749 : memref<10000x128xf32, #tpu.memory_space<hbm>>) dst(%arg7 : memref<80x128xf32, #tpu.memory_space<vmem>>)
    %barrier3A_750 = arith.constant 0 : index
    tpu.barrier barrier_id(%barrier3A_750)
    "tpu.region"() ({
      %run_scoped3A = tpu.sem_alloc : memref<!tpu.dma_semaphore, #tpu.memory_space<semaphore_mem>>
      %dma_start3A_751 = arith.constant 0 : i32
      %dma_start3A_752 = tpu.memref_slice %arg4[%arg0, %mul3A_0, %dma_start3A_751] : memref<2x10240x128xf32, #tpu.memory_space<hbm>> -> memref<1x640x128xf32, #tpu.memory_space<hbm>>
      %dma_start3A_753 = tpu.memref_squeeze %dma_start3A_752 : memref<1x640x128xf32, #tpu.memory_space<hbm>> -> memref<640x128xf32, #tpu.memory_space<hbm>>
      %dma_start3A_754 = arith.constant 0 : i32
      %dma_start3A_755 = tpu.memref_slice %arg18[%mul3A_0, %dma_start3A_754] : memref<10240x128xf32, #tpu.memory_space<vmem_shared>> -> memref<640x128xf32, #tpu.memory_space<vmem_shared>>
      tpu.enqueue_dma source(%dma_start3A_755 : memref<640x128xf32, #tpu.memory_space<vmem_shared>>) target(%dma_start3A_753 : memref<640x128xf32, #tpu.memory_space<hbm>>) target_semaphore(%run_scoped3A : memref<!tpu.dma_semaphore, #tpu.memory_space<semaphore_mem>>)
      %dma_wait3A_756 = arith.constant 0 : i32
      %dma_wait3A_757 = tpu.memref_slice %arg4[%arg0, %mul3A_0, %dma_wait3A_756] : memref<2x10240x128xf32, #tpu.memory_space<hbm>> -> memref<1x640x128xf32, #tpu.memory_space<hbm>>
      %dma_wait3A_758 = tpu.memref_squeeze %dma_wait3A_757 : memref<1x640x128xf32, #tpu.memory_space<hbm>> -> memref<640x128xf32, #tpu.memory_space<hbm>>
      %dma_wait3A_759 = arith.constant 0 : i32
      %dma_wait3A_760 = tpu.memref_slice %arg18[%mul3A_0, %dma_wait3A_759] : memref<10240x128xf32, #tpu.memory_space<vmem_shared>> -> memref<640x128xf32, #tpu.memory_space<vmem_shared>>
      tpu.wait_dma2 semaphore(%run_scoped3A : memref<!tpu.dma_semaphore, #tpu.memory_space<semaphore_mem>>) src(%dma_wait3A_760 : memref<640x128xf32, #tpu.memory_space<vmem_shared>>) dst(%dma_wait3A_758 : memref<640x128xf32, #tpu.memory_space<hbm>>)
      tpu.yield
    }) : () -> ()
    "tpu.region"() ({
      %run_scoped3A = tpu.sem_alloc : memref<!tpu.dma_semaphore, #tpu.memory_space<semaphore_mem>>
      %dma_start3A_751 = tpu.memref_slice %arg5[%arg0, %mul3A_0] : memref<2x10240xf32, #tpu.memory_space<hbm>> -> memref<1x640xf32, #tpu.memory_space<hbm>>
      %dma_start3A_752 = tpu.memref_squeeze %dma_start3A_751 : memref<1x640xf32, #tpu.memory_space<hbm>> -> memref<640xf32, #tpu.memory_space<hbm>>
      %dma_start3A_753 = tpu.memref_slice %arg19[%mul3A_0] : memref<10240xf32, #tpu.memory_space<vmem_shared>> -> memref<640xf32, #tpu.memory_space<vmem_shared>>
      tpu.enqueue_dma source(%dma_start3A_753 : memref<640xf32, #tpu.memory_space<vmem_shared>>) target(%dma_start3A_752 : memref<640xf32, #tpu.memory_space<hbm>>) target_semaphore(%run_scoped3A : memref<!tpu.dma_semaphore, #tpu.memory_space<semaphore_mem>>)
      %dma_wait3A_754 = tpu.memref_slice %arg5[%arg0, %mul3A_0] : memref<2x10240xf32, #tpu.memory_space<hbm>> -> memref<1x640xf32, #tpu.memory_space<hbm>>
      %dma_wait3A_755 = tpu.memref_squeeze %dma_wait3A_754 : memref<1x640xf32, #tpu.memory_space<hbm>> -> memref<640xf32, #tpu.memory_space<hbm>>
      %dma_wait3A_756 = tpu.memref_slice %arg19[%mul3A_0] : memref<10240xf32, #tpu.memory_space<vmem_shared>> -> memref<640xf32, #tpu.memory_space<vmem_shared>>
      tpu.wait_dma2 semaphore(%run_scoped3A : memref<!tpu.dma_semaphore, #tpu.memory_space<semaphore_mem>>) src(%dma_wait3A_756 : memref<640xf32, #tpu.memory_space<vmem_shared>>) dst(%dma_wait3A_755 : memref<640xf32, #tpu.memory_space<hbm>>)
      tpu.yield
    }) : () -> ()
    return
  }
}

module attributes {stable_mosaic.version = 14 : i64} {
  func.func @_mma_body(%arg0: i32, %arg1: memref<1000x128xf32, #tpu.memory_space<vmem>>, %arg2: memref<128x128xf32, #tpu.memory_space<vmem>>, %arg3: memref<2x320000xi32, #tpu.memory_space<vmem>>, %arg4: memref<1000x128xf32, #tpu.memory_space<vmem>>, %arg5: memref<320000xi32, #tpu.memory_space<vmem>>) attributes {dimension_semantics = [#tpu.dimension_semantics<arbitrary>], iteration_bounds = array<i64: 10>, scalar_prefetch = 0 : i64, scratch_operands = 0 : i64, tpu.core_type = #tpu.core_type<tc>, window_params = [{transform_indices = @transform_0, window_bounds = array<i64: 1000, 128>}, {pipeline_mode = #tpu.pipeline_mode<synchronous>, transform_indices = @transform_1, window_bounds = array<i64: 128, 128>}, {pipeline_mode = #tpu.pipeline_mode<synchronous>, transform_indices = @transform_2, window_bounds = array<i64: 2, 320000>}, {transform_indices = @transform_3, window_bounds = array<i64: 1000, 128>}, {pipeline_mode = #tpu.pipeline_mode<synchronous>, transform_indices = @transform_4, window_bounds = array<i64: 320000>}]} {
    %get3A = arith.constant 0 : index
    %get3A_0 = arith.constant 0 : index
    %get3A_1 = vector.load %arg1[%get3A, %get3A_0] : memref<1000x128xf32, #tpu.memory_space<vmem>>, vector<1000x128xf32>
    %get3A_2 = arith.constant 0 : index
    %get3A_3 = arith.constant 0 : index
    %get3A_4 = vector.load %arg2[%get3A_2, %get3A_3] : memref<128x128xf32, #tpu.memory_space<vmem>>, vector<128x128xf32>
    %dot_general3A = arith.constant dense<0.000000e+00> : vector<1000x128xf32>
    %dot_general3A_5 = tpu.matmul %get3A_1, %get3A_4, %dot_general3A {dimension_numbers = #tpu.dot_dimension_numbers<[1], [0], [0], [1], [0, 0, 1, 1], [], []>, transpose_lhs_hint = false} : vector<1000x128xf32>, vector<128x128xf32>, vector<1000x128xf32> -> vector<1000x128xf32>
    %swap3A = arith.constant 0 : index
    %swap3A_6 = arith.constant 0 : index
    %swap3A_7 = vector.load %arg4[%swap3A, %swap3A_6] : memref<1000x128xf32, #tpu.memory_space<vmem>>, vector<1000x128xf32>
    tpu.vector_store %arg4[%swap3A, %swap3A_6], %dot_general3A_5 {strides = array<i32>} : memref<1000x128xf32, #tpu.memory_space<vmem>>, vector<1000x128xf32>,
    %eq3A = arith.constant 0 : i32
    %eq3A_8 = arith.cmpi eq, %arg0, %eq3A : i32
    %convert_element_type3A = arith.extui %eq3A_8 : i1 to i32
    %cond3A = arith.constant 0 : i32
    %cond3A_9 = arith.cmpi ne, %convert_element_type3A, %cond3A : i32
    scf.if %cond3A_9 {
      %get3A_10 = arith.constant 0 : index
      %get3A_11 = arith.constant 0 : index
      %get3A_12 = vector.load %arg3[%get3A_10, %get3A_11] : memref<2x320000xi32, #tpu.memory_space<vmem>>, vector<1x320000xi32>
      %get3A_13 = vector.shape_cast %get3A_12 : vector<1x320000xi32> to vector<320000xi32>
      %get3A_14 = arith.constant 1 : index
      %get3A_15 = arith.constant 0 : index
      %get3A_16 = vector.load %arg3[%get3A_14, %get3A_15] : memref<2x320000xi32, #tpu.memory_space<vmem>>, vector<1x320000xi32>
      %get3A_17 = vector.shape_cast %get3A_16 : vector<1x320000xi32> to vector<320000xi32>
      %shift_left3A = arith.constant 14 : i32
      %shift_left3A_18 = vector.broadcast %shift_left3A : i32 to vector<320000xi32>
      %shift_left3A_19 = arith.shli %get3A_17, %shift_left3A_18 : vector<320000xi32>
      %or3A = arith.ori %get3A_13, %shift_left3A_19 : vector<320000xi32>
      %swap3A_20 = arith.constant 0 : index
      %swap3A_21 = vector.load %arg5[%swap3A_20] : memref<320000xi32, #tpu.memory_space<vmem>>, vector<320000xi32>
      tpu.vector_store %arg5[%swap3A_20], %or3A {strides = array<i32>} : memref<320000xi32, #tpu.memory_space<vmem>>, vector<320000xi32>,
    } else {
    }
    return
  }
  func.func @transform_0(%arg0: i32) -> (i32, i32) {
    %c0_i32 = arith.constant 0 : i32
    %c0_i32_0 = arith.constant 0 : i32
    return %arg0, %c0_i32 : i32, i32
  }
  func.func @transform_1(%arg0: i32) -> (i32, i32) {
    %c0_i32 = arith.constant 0 : i32
    %c0_i32_0 = arith.constant 0 : i32
    %c0_i32_1 = arith.constant 0 : i32
    return %c0_i32, %c0_i32_0 : i32, i32
  }
  func.func @transform_2(%arg0: i32) -> (i32, i32) {
    %c0_i32 = arith.constant 0 : i32
    %c0_i32_0 = arith.constant 0 : i32
    %c0_i32_1 = arith.constant 0 : i32
    return %c0_i32, %c0_i32_0 : i32, i32
  }
  func.func @transform_3(%arg0: i32) -> (i32, i32) {
    %c0_i32 = arith.constant 0 : i32
    %c0_i32_0 = arith.constant 0 : i32
    return %arg0, %c0_i32 : i32, i32
  }
  func.func @transform_4(%arg0: i32) -> i32 {
    %c0_i32 = arith.constant 0 : i32
    %c0_i32_0 = arith.constant 0 : i32
    return %c0_i32 : i32
  }
}

module attributes {stable_mosaic.version = 14 : i64} {
  func.func @_mmb_body(%arg0: i32, %arg1: memref<1000x128xf32, #tpu.memory_space<vmem>>, %arg2: memref<128x128xf32, #tpu.memory_space<vmem>>, %arg3: memref<1x128xf32, #tpu.memory_space<vmem>>, %arg4: memref<1000x128xbf16, #tpu.memory_space<vmem>>) attributes {dimension_semantics = [#tpu.dimension_semantics<arbitrary>], iteration_bounds = array<i64: 10>, scalar_prefetch = 0 : i64, scratch_operands = 0 : i64, tpu.core_type = #tpu.core_type<tc>, window_params = [{transform_indices = @transform_0, window_bounds = array<i64: 1000, 128>}, {pipeline_mode = #tpu.pipeline_mode<synchronous>, transform_indices = @transform_1, window_bounds = array<i64: 128, 128>}, {pipeline_mode = #tpu.pipeline_mode<synchronous>, transform_indices = @transform_2, window_bounds = array<i64: 1, 128>}, {transform_indices = @transform_3, window_bounds = array<i64: 1000, 128>}]} {
    %get3A = arith.constant 0 : index
    %get3A_0 = arith.constant 0 : index
    %get3A_1 = vector.load %arg1[%get3A, %get3A_0] : memref<1000x128xf32, #tpu.memory_space<vmem>>, vector<1000x128xf32>
    %get3A_2 = arith.constant 0 : index
    %get3A_3 = arith.constant 0 : index
    %get3A_4 = vector.load %arg2[%get3A_2, %get3A_3] : memref<128x128xf32, #tpu.memory_space<vmem>>, vector<128x128xf32>
    %dot_general3A = arith.constant dense<0.000000e+00> : vector<1000x128xf32>
    %dot_general3A_5 = tpu.matmul %get3A_1, %get3A_4, %dot_general3A {dimension_numbers = #tpu.dot_dimension_numbers<[1], [0], [0], [1], [0, 0, 1, 1], [], []>, transpose_lhs_hint = false} : vector<1000x128xf32>, vector<128x128xf32>, vector<1000x128xf32> -> vector<1000x128xf32>
    %get3A_6 = arith.constant 0 : index
    %get3A_7 = arith.constant 0 : index
    %get3A_8 = vector.load %arg3[%get3A_6, %get3A_7] : memref<1x128xf32, #tpu.memory_space<vmem>>, vector<1x128xf32>
    %add3A = vector.broadcast %get3A_8 : vector<1x128xf32> to vector<1000x128xf32>
    %add3A_9 = arith.addf %dot_general3A_5, %add3A : vector<1000x128xf32>
    %convert_element_type3A = arith.truncf %add3A_9 : vector<1000x128xf32> to vector<1000x128xbf16>
    %swap3A = arith.constant 0 : index
    %swap3A_10 = arith.constant 0 : index
    %swap3A_11 = vector.load %arg4[%swap3A, %swap3A_10] : memref<1000x128xbf16, #tpu.memory_space<vmem>>, vector<1000x128xbf16>
    tpu.vector_store %arg4[%swap3A, %swap3A_10], %convert_element_type3A {strides = array<i32>} : memref<1000x128xbf16, #tpu.memory_space<vmem>>, vector<1000x128xbf16>,
    return
  }
  func.func @transform_0(%arg0: i32) -> (i32, i32) {
    %c0_i32 = arith.constant 0 : i32
    %c0_i32_0 = arith.constant 0 : i32
    return %arg0, %c0_i32 : i32, i32
  }
  func.func @transform_1(%arg0: i32) -> (i32, i32) {
    %c0_i32 = arith.constant 0 : i32
    %c0_i32_0 = arith.constant 0 : i32
    %c0_i32_1 = arith.constant 0 : i32
    return %c0_i32, %c0_i32_0 : i32, i32
  }
  func.func @transform_2(%arg0: i32) -> (i32, i32) {
    %c0_i32 = arith.constant 0 : i32
    %c0_i32_0 = arith.constant 0 : i32
    %c0_i32_1 = arith.constant 0 : i32
    return %c0_i32, %c0_i32_0 : i32, i32
  }
  func.func @transform_3(%arg0: i32) -> (i32, i32) {
    %c0_i32 = arith.constant 0 : i32
    %c0_i32_0 = arith.constant 0 : i32
    return %arg0, %c0_i32 : i32, i32
  }
}

module attributes {stable_mosaic.version = 14 : i64} {
  func.func @_midp_body(%arg0: i32, %arg1: memref<1000x128xbf16, #tpu.memory_space<vmem>>, %arg2: memref<1x1000x128xf32, #tpu.memory_space<vmem>>, %arg3: memref<1x1000x128xf32, #tpu.memory_space<vmem>>, %arg4: memref<1x1000x1xbf16, #tpu.memory_space<vmem>>, %arg5: memref<1x1000x1xbf16, #tpu.memory_space<vmem>>, %arg6: memref<128x128xf32, #tpu.memory_space<vmem>>, %arg7: memref<1000x128xbf16, #tpu.memory_space<vmem>>, %arg8: memref<1000x128xf32, #tpu.memory_space<vmem>>) attributes {dimension_semantics = [#tpu.dimension_semantics<arbitrary>], iteration_bounds = array<i64: 10>, scalar_prefetch = 0 : i64, scratch_operands = 0 : i64, tpu.core_type = #tpu.core_type<tc>, window_params = [{transform_indices = @transform_0, window_bounds = array<i64: 1000, 128>}, {transform_indices = @transform_1, window_bounds = array<i64: 1, 1000, 128>}, {transform_indices = @transform_2, window_bounds = array<i64: 1, 1000, 128>}, {transform_indices = @transform_3, window_bounds = array<i64: 1, 1000, 1>}, {transform_indices = @transform_4, window_bounds = array<i64: 1, 1000, 1>}, {pipeline_mode = #tpu.pipeline_mode<synchronous>, transform_indices = @transform_5, window_bounds = array<i64: 128, 128>}, {transform_indices = @transform_6, window_bounds = array<i64: 1000, 128>}, {transform_indices = @transform_7, window_bounds = array<i64: 1000, 128>}]} {
    %get3A = arith.constant 0 : index
    %get3A_0 = arith.constant 0 : index
    %get3A_1 = vector.load %arg1[%get3A, %get3A_0] : memref<1000x128xbf16, #tpu.memory_space<vmem>>, vector<1000x128xbf16>
    %convert_element_type3A = arith.extf %get3A_1 : vector<1000x128xbf16> to vector<1000x128xf32>
    %get3A_2 = arith.constant 0 : index
    %get3A_3 = arith.constant 0 : index
    %get3A_4 = arith.constant 0 : index
    %get3A_5 = vector.load %arg2[%get3A_2, %get3A_3, %get3A_4] : memref<1x1000x128xf32, #tpu.memory_space<vmem>>, vector<1x1000x128xf32>
    %get3A_6 = vector.shape_cast %get3A_5 : vector<1x1000x128xf32> to vector<1000x128xf32>
    %get3A_7 = arith.constant 0 : index
    %get3A_8 = arith.constant 0 : index
    %get3A_9 = arith.constant 0 : index
    %get3A_10 = vector.load %arg3[%get3A_7, %get3A_8, %get3A_9] : memref<1x1000x128xf32, #tpu.memory_space<vmem>>, vector<1x1000x128xf32>
    %get3A_11 = vector.shape_cast %get3A_10 : vector<1x1000x128xf32> to vector<1000x128xf32>
    %add3A = arith.addf %get3A_6, %get3A_11 : vector<1000x128xf32>
    %get3A_12 = arith.constant 0 : index
    %get3A_13 = arith.constant 0 : index
    %get3A_14 = arith.constant 0 : index
    %get3A_15 = vector.load %arg4[%get3A_12, %get3A_13, %get3A_14] : memref<1x1000x1xbf16, #tpu.memory_space<vmem>>, vector<1x1000x1xbf16>
    %get3A_16 = vector.shape_cast %get3A_15 : vector<1x1000x1xbf16> to vector<1000x1xbf16>
    %convert_element_type3A_17 = arith.extf %get3A_16 : vector<1000x1xbf16> to vector<1000x1xf32>
    %get3A_18 = arith.constant 0 : index
    %get3A_19 = arith.constant 0 : index
    %get3A_20 = arith.constant 0 : index
    %get3A_21 = vector.load %arg5[%get3A_18, %get3A_19, %get3A_20] : memref<1x1000x1xbf16, #tpu.memory_space<vmem>>, vector<1x1000x1xbf16>
    %get3A_22 = vector.shape_cast %get3A_21 : vector<1x1000x1xbf16> to vector<1000x1xbf16>
    %convert_element_type3A_23 = arith.extf %get3A_22 : vector<1000x1xbf16> to vector<1000x1xf32>
    %add3A_24 = arith.addf %convert_element_type3A_17, %convert_element_type3A_23 : vector<1000x1xf32>
    %max3A = arith.constant 1.000000e+00 : f32
    %max3A_25 = vector.broadcast %max3A : f32 to vector<1000x1xf32>
    %max3A_26 = arith.maximumf %add3A_24, %max3A_25 : vector<1000x1xf32>
    %div3A = arith.constant 1.000000e+00 : f32
    %div3A_27 = vector.broadcast %div3A : f32 to vector<1000x1xf32>
    %div3A_28 = arith.divf %div3A_27, %max3A_26 : vector<1000x1xf32>
    %mul3A = vector.broadcast %div3A_28 : vector<1000x1xf32> to vector<1000x128xf32>
    %mul3A_29 = arith.mulf %add3A, %mul3A : vector<1000x128xf32>
    %add3A_30 = arith.addf %convert_element_type3A, %mul3A_29 : vector<1000x128xf32>
    %max3A_31 = arith.constant 0.000000e+00 : f32
    %max3A_32 = vector.broadcast %max3A_31 : f32 to vector<1000x128xf32>
    %max3A_33 = arith.maximumf %add3A_30, %max3A_32 : vector<1000x128xf32>
    %convert_element_type3A_34 = arith.truncf %max3A_33 : vector<1000x128xf32> to vector<1000x128xbf16>
    %swap3A = arith.constant 0 : index
    %swap3A_35 = arith.constant 0 : index
    %swap3A_36 = vector.load %arg7[%swap3A, %swap3A_35] : memref<1000x128xbf16, #tpu.memory_space<vmem>>, vector<1000x128xbf16>
    tpu.vector_store %arg7[%swap3A, %swap3A_35], %convert_element_type3A_34 {strides = array<i32>} : memref<1000x128xbf16, #tpu.memory_space<vmem>>, vector<1000x128xbf16>,
    %get3A_37 = arith.constant 0 : index
    %get3A_38 = arith.constant 0 : index
    %get3A_39 = vector.load %arg6[%get3A_37, %get3A_38] : memref<128x128xf32, #tpu.memory_space<vmem>>, vector<128x128xf32>
    %dot_general3A = arith.constant dense<0.000000e+00> : vector<1000x128xf32>
    %dot_general3A_40 = tpu.matmul %max3A_33, %get3A_39, %dot_general3A {dimension_numbers = #tpu.dot_dimension_numbers<[1], [0], [0], [1], [0, 0, 1, 1], [], []>, transpose_lhs_hint = false} : vector<1000x128xf32>, vector<128x128xf32>, vector<1000x128xf32> -> vector<1000x128xf32>
    %swap3A_41 = arith.constant 0 : index
    %swap3A_42 = arith.constant 0 : index
    %swap3A_43 = vector.load %arg8[%swap3A_41, %swap3A_42] : memref<1000x128xf32, #tpu.memory_space<vmem>>, vector<1000x128xf32>
    tpu.vector_store %arg8[%swap3A_41, %swap3A_42], %dot_general3A_40 {strides = array<i32>} : memref<1000x128xf32, #tpu.memory_space<vmem>>, vector<1000x128xf32>,
    return
  }
  func.func @transform_0(%arg0: i32) -> (i32, i32) {
    %c0_i32 = arith.constant 0 : i32
    %c0_i32_0 = arith.constant 0 : i32
    return %arg0, %c0_i32 : i32, i32
  }
  func.func @transform_1(%arg0: i32) -> (i32, i32, i32) {
    %c0_i32 = arith.constant 0 : i32
    %c0_i32_0 = arith.constant 0 : i32
    %c0_i32_1 = arith.constant 0 : i32
    return %c0_i32, %arg0, %c0_i32_0 : i32, i32, i32
  }
  func.func @transform_2(%arg0: i32) -> (i32, i32, i32) {
    %c1_i32 = arith.constant 1 : i32
    %c0_i32 = arith.constant 0 : i32
    %c0_i32_0 = arith.constant 0 : i32
    return %c1_i32, %arg0, %c0_i32 : i32, i32, i32
  }
  func.func @transform_3(%arg0: i32) -> (i32, i32, i32) {
    %c0_i32 = arith.constant 0 : i32
    %c0_i32_0 = arith.constant 0 : i32
    %c0_i32_1 = arith.constant 0 : i32
    return %c0_i32, %arg0, %c0_i32_0 : i32, i32, i32
  }
  func.func @transform_4(%arg0: i32) -> (i32, i32, i32) {
    %c1_i32 = arith.constant 1 : i32
    %c0_i32 = arith.constant 0 : i32
    %c0_i32_0 = arith.constant 0 : i32
    return %c1_i32, %arg0, %c0_i32 : i32, i32, i32
  }
  func.func @transform_5(%arg0: i32) -> (i32, i32) {
    %c0_i32 = arith.constant 0 : i32
    %c0_i32_0 = arith.constant 0 : i32
    %c0_i32_1 = arith.constant 0 : i32
    return %c0_i32, %c0_i32_0 : i32, i32
  }
  func.func @transform_6(%arg0: i32) -> (i32, i32) {
    %c0_i32 = arith.constant 0 : i32
    %c0_i32_0 = arith.constant 0 : i32
    return %arg0, %c0_i32 : i32, i32
  }
  func.func @transform_7(%arg0: i32) -> (i32, i32) {
    %c0_i32 = arith.constant 0 : i32
    %c0_i32_0 = arith.constant 0 : i32
    return %arg0, %c0_i32 : i32, i32
  }
}

module attributes {stable_mosaic.version = 14 : i64} {
  func.func @_mmb_body(%arg0: i32, %arg1: memref<1000x128xbf16, #tpu.memory_space<vmem>>, %arg2: memref<128x128xf32, #tpu.memory_space<vmem>>, %arg3: memref<1x128xf32, #tpu.memory_space<vmem>>, %arg4: memref<1000x128xbf16, #tpu.memory_space<vmem>>) attributes {dimension_semantics = [#tpu.dimension_semantics<arbitrary>], iteration_bounds = array<i64: 10>, scalar_prefetch = 0 : i64, scratch_operands = 0 : i64, tpu.core_type = #tpu.core_type<tc>, window_params = [{transform_indices = @transform_0, window_bounds = array<i64: 1000, 128>}, {pipeline_mode = #tpu.pipeline_mode<synchronous>, transform_indices = @transform_1, window_bounds = array<i64: 128, 128>}, {pipeline_mode = #tpu.pipeline_mode<synchronous>, transform_indices = @transform_2, window_bounds = array<i64: 1, 128>}, {transform_indices = @transform_3, window_bounds = array<i64: 1000, 128>}]} {
    %get3A = arith.constant 0 : index
    %get3A_0 = arith.constant 0 : index
    %get3A_1 = vector.load %arg1[%get3A, %get3A_0] : memref<1000x128xbf16, #tpu.memory_space<vmem>>, vector<1000x128xbf16>
    %get3A_2 = arith.constant 0 : index
    %get3A_3 = arith.constant 0 : index
    %get3A_4 = vector.load %arg2[%get3A_2, %get3A_3] : memref<128x128xf32, #tpu.memory_space<vmem>>, vector<128x128xf32>
    %dot_general3A = arith.constant dense<0.000000e+00> : vector<1000x128xf32>
    %dot_general3A_5 = tpu.matmul %get3A_1, %get3A_4, %dot_general3A {dimension_numbers = #tpu.dot_dimension_numbers<[1], [0], [0], [1], [0, 0, 1, 1], [], []>, transpose_lhs_hint = false} : vector<1000x128xbf16>, vector<128x128xf32>, vector<1000x128xf32> -> vector<1000x128xf32>
    %get3A_6 = arith.constant 0 : index
    %get3A_7 = arith.constant 0 : index
    %get3A_8 = vector.load %arg3[%get3A_6, %get3A_7] : memref<1x128xf32, #tpu.memory_space<vmem>>, vector<1x128xf32>
    %add3A = vector.broadcast %get3A_8 : vector<1x128xf32> to vector<1000x128xf32>
    %add3A_9 = arith.addf %dot_general3A_5, %add3A : vector<1000x128xf32>
    %convert_element_type3A = arith.truncf %add3A_9 : vector<1000x128xf32> to vector<1000x128xbf16>
    %swap3A = arith.constant 0 : index
    %swap3A_10 = arith.constant 0 : index
    %swap3A_11 = vector.load %arg4[%swap3A, %swap3A_10] : memref<1000x128xbf16, #tpu.memory_space<vmem>>, vector<1000x128xbf16>
    tpu.vector_store %arg4[%swap3A, %swap3A_10], %convert_element_type3A {strides = array<i32>} : memref<1000x128xbf16, #tpu.memory_space<vmem>>, vector<1000x128xbf16>,
    return
  }
  func.func @transform_0(%arg0: i32) -> (i32, i32) {
    %c0_i32 = arith.constant 0 : i32
    %c0_i32_0 = arith.constant 0 : i32
    return %arg0, %c0_i32 : i32, i32
  }
  func.func @transform_1(%arg0: i32) -> (i32, i32) {
    %c0_i32 = arith.constant 0 : i32
    %c0_i32_0 = arith.constant 0 : i32
    %c0_i32_1 = arith.constant 0 : i32
    return %c0_i32, %c0_i32_0 : i32, i32
  }
  func.func @transform_2(%arg0: i32) -> (i32, i32) {
    %c0_i32 = arith.constant 0 : i32
    %c0_i32_0 = arith.constant 0 : i32
    %c0_i32_1 = arith.constant 0 : i32
    return %c0_i32, %c0_i32_0 : i32, i32
  }
  func.func @transform_3(%arg0: i32) -> (i32, i32) {
    %c0_i32 = arith.constant 0 : i32
    %c0_i32_0 = arith.constant 0 : i32
    return %arg0, %c0_i32 : i32, i32
  }
}

module attributes {stable_mosaic.version = 14 : i64} {
  func.func @_fin_body(%arg0: i32, %arg1: memref<1000x128xbf16, #tpu.memory_space<vmem>>, %arg2: memref<1x1000x128xf32, #tpu.memory_space<vmem>>, %arg3: memref<1x1000x128xf32, #tpu.memory_space<vmem>>, %arg4: memref<1x1000x1xbf16, #tpu.memory_space<vmem>>, %arg5: memref<1x1000x1xbf16, #tpu.memory_space<vmem>>, %arg6: memref<1000x128xf32, #tpu.memory_space<vmem>>) attributes {dimension_semantics = [#tpu.dimension_semantics<arbitrary>], iteration_bounds = array<i64: 10>, scalar_prefetch = 0 : i64, scratch_operands = 0 : i64, tpu.core_type = #tpu.core_type<tc>, window_params = [{transform_indices = @transform_0, window_bounds = array<i64: 1000, 128>}, {transform_indices = @transform_1, window_bounds = array<i64: 1, 1000, 128>}, {transform_indices = @transform_2, window_bounds = array<i64: 1, 1000, 128>}, {transform_indices = @transform_3, window_bounds = array<i64: 1, 1000, 1>}, {transform_indices = @transform_4, window_bounds = array<i64: 1, 1000, 1>}, {transform_indices = @transform_5, window_bounds = array<i64: 1000, 128>}]} {
    %get3A = arith.constant 0 : index
    %get3A_0 = arith.constant 0 : index
    %get3A_1 = vector.load %arg1[%get3A, %get3A_0] : memref<1000x128xbf16, #tpu.memory_space<vmem>>, vector<1000x128xbf16>
    %convert_element_type3A = arith.extf %get3A_1 : vector<1000x128xbf16> to vector<1000x128xf32>
    %get3A_2 = arith.constant 0 : index
    %get3A_3 = arith.constant 0 : index
    %get3A_4 = arith.constant 0 : index
    %get3A_5 = vector.load %arg2[%get3A_2, %get3A_3, %get3A_4] : memref<1x1000x128xf32, #tpu.memory_space<vmem>>, vector<1x1000x128xf32>
    %get3A_6 = vector.shape_cast %get3A_5 : vector<1x1000x128xf32> to vector<1000x128xf32>
    %get3A_7 = arith.constant 0 : index
    %get3A_8 = arith.constant 0 : index
    %get3A_9 = arith.constant 0 : index
    %get3A_10 = vector.load %arg3[%get3A_7, %get3A_8, %get3A_9] : memref<1x1000x128xf32, #tpu.memory_space<vmem>>, vector<1x1000x128xf32>
    %get3A_11 = vector.shape_cast %get3A_10 : vector<1x1000x128xf32> to vector<1000x128xf32>
    %add3A = arith.addf %get3A_6, %get3A_11 : vector<1000x128xf32>
    %get3A_12 = arith.constant 0 : index
    %get3A_13 = arith.constant 0 : index
    %get3A_14 = arith.constant 0 : index
    %get3A_15 = vector.load %arg4[%get3A_12, %get3A_13, %get3A_14] : memref<1x1000x1xbf16, #tpu.memory_space<vmem>>, vector<1x1000x1xbf16>
    %get3A_16 = vector.shape_cast %get3A_15 : vector<1x1000x1xbf16> to vector<1000x1xbf16>
    %convert_element_type3A_17 = arith.extf %get3A_16 : vector<1000x1xbf16> to vector<1000x1xf32>
    %get3A_18 = arith.constant 0 : index
    %get3A_19 = arith.constant 0 : index
    %get3A_20 = arith.constant 0 : index
    %get3A_21 = vector.load %arg5[%get3A_18, %get3A_19, %get3A_20] : memref<1x1000x1xbf16, #tpu.memory_space<vmem>>, vector<1x1000x1xbf16>
    %get3A_22 = vector.shape_cast %get3A_21 : vector<1x1000x1xbf16> to vector<1000x1xbf16>
    %convert_element_type3A_23 = arith.extf %get3A_22 : vector<1000x1xbf16> to vector<1000x1xf32>
    %add3A_24 = arith.addf %convert_element_type3A_17, %convert_element_type3A_23 : vector<1000x1xf32>
    %max3A = arith.constant 1.000000e+00 : f32
    %max3A_25 = vector.broadcast %max3A : f32 to vector<1000x1xf32>
    %max3A_26 = arith.maximumf %add3A_24, %max3A_25 : vector<1000x1xf32>
    %div3A = arith.constant 1.000000e+00 : f32
    %div3A_27 = vector.broadcast %div3A : f32 to vector<1000x1xf32>
    %div3A_28 = arith.divf %div3A_27, %max3A_26 : vector<1000x1xf32>
    %mul3A = vector.broadcast %div3A_28 : vector<1000x1xf32> to vector<1000x128xf32>
    %mul3A_29 = arith.mulf %add3A, %mul3A : vector<1000x128xf32>
    %add3A_30 = arith.addf %convert_element_type3A, %mul3A_29 : vector<1000x128xf32>
    %swap3A = arith.constant 0 : index
    %swap3A_31 = arith.constant 0 : index
    %swap3A_32 = vector.load %arg6[%swap3A, %swap3A_31] : memref<1000x128xf32, #tpu.memory_space<vmem>>, vector<1000x128xf32>
    tpu.vector_store %arg6[%swap3A, %swap3A_31], %add3A_30 {strides = array<i32>} : memref<1000x128xf32, #tpu.memory_space<vmem>>, vector<1000x128xf32>,
    return
  }
  func.func @transform_0(%arg0: i32) -> (i32, i32) {
    %c0_i32 = arith.constant 0 : i32
    %c0_i32_0 = arith.constant 0 : i32
    return %arg0, %c0_i32 : i32, i32
  }
  func.func @transform_1(%arg0: i32) -> (i32, i32, i32) {
    %c0_i32 = arith.constant 0 : i32
    %c0_i32_0 = arith.constant 0 : i32
    %c0_i32_1 = arith.constant 0 : i32
    return %c0_i32, %arg0, %c0_i32_0 : i32, i32, i32
  }
  func.func @transform_2(%arg0: i32) -> (i32, i32, i32) {
    %c1_i32 = arith.constant 1 : i32
    %c0_i32 = arith.constant 0 : i32
    %c0_i32_0 = arith.constant 0 : i32
    return %c1_i32, %arg0, %c0_i32 : i32, i32, i32
  }
  func.func @transform_3(%arg0: i32) -> (i32, i32, i32) {
    %c0_i32 = arith.constant 0 : i32
    %c0_i32_0 = arith.constant 0 : i32
    %c0_i32_1 = arith.constant 0 : i32
    return %c0_i32, %arg0, %c0_i32_0 : i32, i32, i32
  }
  func.func @transform_4(%arg0: i32) -> (i32, i32, i32) {
    %c1_i32 = arith.constant 1 : i32
    %c0_i32 = arith.constant 0 : i32
    %c0_i32_0 = arith.constant 0 : i32
    return %c1_i32, %arg0, %c0_i32 : i32, i32, i32
  }
  func.func @transform_5(%arg0: i32) -> (i32, i32) {
    %c0_i32 = arith.constant 0 : i32
    %c0_i32_0 = arith.constant 0 : i32
    return %arg0, %c0_i32 : i32, i32
  }
}

</mosaic_0001>

<sc_bundles>
// kernel: kernel.12.cloned.1.call-start
scs
__scs_entry_jumppad:
0x0: {  	(pc) =	sbr.rel $0x88, $3  }
0x1: {  	(tag) =	ssettag $0x0;
	lr =	simm.s32 $0x1  }
0x2: {  	[smem:$0x3F99] =	sst lr;
	_ =	strace $0xD0000000  }
0x3: {  	_ = 	snop  }
0x4: {  	_ = 	snop  }
0x5: {  	_ = 	snop  }
0x6: {  	_ = 	snop  }
0x7: {  	_ = 	snop  }
__scs_overlays_trampoline_lowered:
0x8: {  	[smem:$0x3FA8] =	sst s0  }
0x9: {  	[smem:$0x3FA9] =	sst s1  }
0xa: {  	[smem:$0x3FAA] =	sst s2  }
0xb: {  	[smem:$0x3FAB] =	sst s3  }
0xc: {  	[smem:$0x3FAC] =	sst s4  }
0xd: {  	[smem:$0x3FAD] =	sst s5  }
0xe: {  	[smem:$0x3FAE] =	sst s6  }
0xf: {  	[smem:$0x3FAF] =	sst s7  }
0x10: {  	[smem:$0x3FB0] =	sst s8  }
0x11: {  	[smem:$0x3FB1] =	sst s9;
	s0 =	simm.s32 @!p0 $0x0  }
0x12: {  	s1 =	sld [smem:$0x3F97];
	s0 =	simm.s32 @p0 $0x1  }
0x13: {  	[smem:$0x3FB2] =	sst s0;
	s0 =	simm.s32 @!p1 $0x0  }
0x14: {  	s2 =	sld [smem:$0x3F96];
	s0 =	simm.s32 @p1 $0x1  }
0x15: {  	[smem:$0x3FB3] =	sst s0;
	s0 =	simm.s32 @!p2 $0x0  }
0x16: {  	s3 =	sld [smem:$0x3FDB];
	s0 =	simm.s32 @p2 $0x1  }
0x17: {  	s4 =	simm.s32 $0x1BF5;
	[smem:$0x3FB5] =	sst s0  }
0x18: {  	s0 =	sld [smem:$0x3F98];
	_ =	swait.ge [sflag:s4], $0x0  }
0x19: {  	s7 =	sld [smem:$0x3F99]  }
0x1a: {  	s8 =	sadd.s32 $0xFFFFE003, lr  }
0x1b: {  	s9 =	sadd.s32 $0xFFFFFEF7, lr;
	s5 =	simm.s32 $0xFFFFFFFF;
	p2 =	slt.u32 s8, $0xFFFFF086  }
0x1c: {  	p1 =	slt.u32 s9, $0xF7A;
	s5 =	simm.s32 @!p2 $0x0  }
0x1d: {  	s5 =	simm.s32 @p1 $0x1;
	p0 =	seq.s32 s7, s2  }
0x1e: {  	s7 =	smul.u32 @!p0 $0xF7A, s2;
	p2 =	seq.s32 @!p0 s5, $0x0  }
0x1f: {  	s9 =	smul.u32 $0xF7A, s1;
	s8 =	simm.s32 @!p0 $0x1BF5;
	p2 =	por !p2, p0  }
0x20: {  	[sflag:s8] =	ssyncset.s32 @!p0 $0xFFFFF086;
	s6 =	sadd.s32 @!p0 s3, s7;
	s7 =	simm.s32 @!p0 $0x108  }
0x21: {  	s3 =	sadd.s32 s3, s9;
	s6 =	sadd.s32 @!p0 $0x88, s6;
	s7 =	simm.s32 @p2 $0x1082  }
0x22: {  	[simem:s7], [sflag:s8] =	dma.local @!p0 [hbm:s6], $0xF7A  }
0x23: {  	s9 =	sor.u32 $0xD0000000, s2;
	s6 =	simm.s32 $0x108;
	_ =	swait.ge @!p0 [sflag:s8], $0x0  }
0x24: {  	s3 =	sadd.s32 $0x88, s3;
	s6 =	simm.s32 @!p1 $0x1082;
	[sflag:s4] =	ssyncset.s32 $0xFFFFF086  }
0x25: {  	[simem:s6], [sflag:s4] =	dma.local [hbm:s3], $0xF7A  }
0x26: {  	[smem:$0x3F99] =	sst s1;
	(tag) =	ssettag s2;
	_ =	strace s9  }
0x27: {  	s1 =	sld [smem:$0x3FA9]  }
0x28: {  	s2 =	sld [smem:$0x3FAA]  }
0x29: {  	s4 =	sld [smem:$0x3FAC]  }
0x2a: {  	p0 =	seq.s32 s5, $0x0;
	s5 =	sld [smem:$0x3FAD]  }
0x2b: {  	s6 =	sld [smem:$0x3FAE]  }
0x2c: {  	s7 =	sld [smem:$0x3FAF]  }
0x2d: {  	s3 =	simm.s32 $0x108;
	s8 =	sld [smem:$0x3FB0]  }
0x2e: {  	s3 =	simm.s32 @!p0 $0x1082;
	s9 =	sld [smem:$0x3FB1]  }
0x2f: {  	lr =	sadd.s32 s0, s3;
	s0 =	sld [smem:$0x3FA8]  }
0x30: {  	s3 =	sld [smem:$0x3FAB]  }
0x31: {  	[smem:$0x3FB4] =	sst s10  }
0x32: {  	s10 =	sld [smem:$0x3FB2];
	_ =	sdelay $0x3  }
0x33: {  	p0 =	seq.s32 s10, $0x1;
	s10 =	sld [smem:$0x3FB4];
	_ =	sdelay $0x3  }
0x34: {  	[smem:$0x3FB4] =	sst s10  }
0x35: {  	s10 =	sld [smem:$0x3FB3];
	_ =	sdelay $0x3  }
0x36: {  	p1 =	seq.s32 s10, $0x1;
	s10 =	sld [smem:$0x3FB4];
	_ =	sdelay $0x3  }
0x37: {  	[smem:$0x3FB4] =	sst s10  }
0x38: {  	s10 =	sld [smem:$0x3FB5]  }
0x39: {  	_ = 	snop;
	(pc) =	sbr.ind lr, $3  }
0x3a: {  	_ = 	snop  }
0x3b: {  	_ = 	snop  }
0x3c: {  	p2 =	seq.s32 s10, $0x1;
	s10 =	sld [smem:$0x3FB4]  }
0x3d: {  	_ =	shalt  }
0x3e: {  	_ =	shalt  }
0x3f: {  	_ =	shalt  }
0x40: {  	_ =	shalt  }
0x41: {  	_ =	shalt  }
0x42: {  	_ =	shalt  }
0x43: {  	_ =	shalt  }
0x44: {  	_ =	shalt  }
0x45: {  	_ =	shalt  }
0x46: {  	_ =	shalt  }
0x47: {  	_ =	shalt  }
0x48: {  	_ =	shalt  }
0x49: {  	_ =	shalt  }
0x4a: {  	_ =	shalt  }
0x4b: {  	_ =	shalt  }
0x4c: {  	_ =	shalt  }
0x4d: {  	_ =	shalt  }
0x4e: {  	_ =	shalt  }
0x4f: {  	_ =	shalt  }
0x50: {  	_ =	shalt  }
0x51: {  	_ =	shalt  }
0x52: {  	_ =	shalt  }
0x53: {  	_ =	shalt  }
0x54: {  	_ =	shalt  }
0x55: {  	_ =	shalt  }
0x56: {  	_ =	shalt  }
0x57: {  	_ =	shalt  }
0x58: {  	_ =	shalt  }
0x59: {  	_ =	shalt  }
0x5a: {  	_ =	shalt  }
0x5b: {  	_ =	shalt  }
0x5c: {  	_ =	shalt  }
0x5d: {  	_ =	shalt  }
0x5e: {  	_ =	shalt  }
0x5f: {  	_ =	shalt  }
0x60: {  	_ =	shalt  }
0x61: {  	_ =	shalt  }
0x62: {  	_ =	shalt  }
0x63: {  	_ =	shalt  }
0x64: {  	_ =	shalt  }
0x65: {  	_ =	shalt  }
0x66: {  	_ =	shalt  }
0x67: {  	_ =	shalt  }
0x68: {  	_ =	shalt  }
0x69: {  	_ =	shalt  }
0x6a: {  	_ =	shalt  }
0x6b: {  	_ =	shalt  }
0x6c: {  	_ =	shalt  }
0x6d: {  	_ =	shalt  }
0x6e: {  	_ =	shalt  }
0x6f: {  	_ =	shalt  }
0x70: {  	_ =	shalt  }
0x71: {  	_ =	shalt  }
0x72: {  	_ =	shalt  }
0x73: {  	_ =	shalt  }
0x74: {  	_ =	shalt  }
0x75: {  	_ =	shalt  }
0x76: {  	_ =	shalt  }
0x77: {  	_ =	shalt  }
0x78: {  	_ =	shalt  }
0x79: {  	_ =	shalt  }
0x7a: {  	_ =	shalt  }
0x7b: {  	_ =	shalt  }
0x7c: {  	_ =	shalt  }
0x7d: {  	_ =	shalt  }
0x7e: {  	_ =	shalt  }
0x7f: {  	_ =	shalt  }
0x80: {  	_ =	shalt  }
0x81: {  	_ =	shalt  }
0x82: {  	_ =	shalt  }
0x83: {  	_ =	shalt  }
0x84: {  	_ =	shalt  }
0x85: {  	_ =	shalt  }
0x86: {  	_ =	shalt  }
0x87: {  	_ =	shalt  }
.Lfunc_end0:
.L_simem_size_0:
called_computation.1_lowered:
.L_overlay_start_0:
0x88: {  	s2 =	sld [smem:$0x3FD9]  }
0x89: {  	s3 =	sld [smem:$0x3FFE];
	_ =	sdelay $0x1  }
0x8a: {  	s1 =	srdreg.scid  }
0x8b: {  	s0 =	sand.u32 $0x1, s1  }
0x8c: {  	s17 =	sshll.u32 s0, $0xA;
	s2 =	sadd.s32 s3, s2  }
0x8d: {  	s2 =	sadd.s32 s2, s17  }
0x8e: {  	[smem:$0x3FC0] =	sst s2  }
0x8f: {  	_ = 	snop  }
0x90: {  	s2 =	sld [smem:$0x3FD0];
	(tm) =	ssettm $0x1  }
0x91: {  	s18 =	sld [smem:$0x3FFB];
	_ =	sdelay $0x3  }
0x92: {  	_ =	strace s18  }
0x93: {  	s3 =	sld [smem:$0x3FFC];
	_ =	sdelay $0x3  }
0x94: {  	_ =	strace s3  }
0x95: {  	s3 =	sld [smem:$0x3FFD];
	_ =	sdelay $0x3  }
0x96: {  	_ =	strace s3  }
0x97: {  	_ =	strace $0x8FFFFFFF  }
0x98: {  	s19 =	sld [smem:$0x3FDB];
	_ =	sdelay $0x1  }
0x99: {  	s4 =	simm.s32 $_scs_section_size  }
0x9a: {  	s5 =	simm.s32 $_size__tile_overlayer_lowered;
	s6 =	simm.s32 $_tile_overlayer_lowered  }
0x9b: {  	s22 =	simm.s32 $0x1BFF;
	s21 =	sshll.u32 s6, $0x1;
	s3 =	sadd.s32 s4, s19  }
0x9c: {  	s7 =	simm.s32 $0x0;
	s20 =	sshll.u32 s5, $0x1;
	s5 =	sadd.s32 s21, s3  }
0x9d: {  	[timem:s7], [sflag:s22] =	dma.local [hbm:s5], s20  }
0x9e: {  	_ =	swait.ge [sflag:s22], s20  }
0x9f: {  	s4 =	ssub.s32 $0x0, s20;
	[sflag:s22] =	ssyncset.done $0x0  }
0xa0: {  	[sflag:s22] =	ssyncadd.s32 s4;
	_ =	sdelay $0x1  }
0xa1: {  	s23 =	simm.s32 $0x1B8B  }
0xa2: {  	_ =	swait.ge [sflag:s23], $0x1  }
0xa3: {  	[sflag:s23] =	ssyncset.done $0x0  }
0xa4: {  	s25 =	simm.s32 $0x1B8E;
	s24 =	sld [smem:$0x3FFE];
	[sflag:s23] =	ssyncadd.s32 $0xFFFFFFFF  }
0xa5: {  	s26 =	simm.s32 $execute0_lowered;
	[smem:$0x3FD2] =	sst s25  }
0xa6: {  	s5 =	sshll.u32 s26, $0x1;
	_ =	strace $0x80000049;
	[dreg:$0x1] =	wrdreg $0xFFFFFFFF  }
0xa7: {  	s28 =	simm.s32 $_size_execute0_lowered;
	s3 =	sadd.s32 s3, s5;
	[dreg:$0x0] =	wrdreg $0x0  }
0xa8: {  	s5 =	sshll.u32 s28, $0x1;
	[dreg:$0x2] =	wrdreg s3  }
0xa9: {  	[dreg:$0x3] =	wrdreg s5  }
0xaa: {  	[dreg:$0x4] =	wrdreg $0xC0  }
0xab: {  	_ =	task [dreg:s7], $0x5FFFF  }
0xac: {  	[dreg:$0x1] =	wrdreg $0xFFFFFFFF  }
0xad: {  	[dreg:$0x0] =	wrdreg $0x60  }
0xae: {  	[dreg:$0x2] =	wrdreg s2  }
0xaf: {  	[dreg:$0x3] =	wrdreg s24  }
0xb0: {  	[dreg:$0x4] =	wrdreg $0xA0F00  }
0xb1: {  	[dreg:$0x5] =	wrdreg $0x9  }
0xb2: {  	_ =	task.clear_ibuf [dreg:s7], $0x6FFFF;
	_ =	strace $0x90000049  }
0xb3: {  	s29 =	simm.s32 $0x9;
	_ =	strace $0x8000004B  }
0xb4: {  	_ =	swait.ge [sflag:s29], $0x1  }
0xb5: {  	[sflag:s29] =	ssyncadd.s32 $0xFFFFFFFF  }
0xb6: {  	_ =	strace $0x9000004B  }
0xb7: {  	_ =	sfence  }
0xb8: {  	s30 =	sld [smem:$0x0];
	_ =	sdelay $0x2  }
0xb9: {  	s31 =	sshll.u32 s1, $0xD;
	s1 =	sshrl.u32 s1, $0x2  }
0xba: {  	s3 =	sand.u32 $0x4000, s31;
	s1 =	sadd.s32 s1, s30  }
0xbb: {  	s0 =	sor.u32 s3, s0;
	s1 =	sshll.u32 s1, $0x11  }
0xbc: {  	s0 =	sor.u32 s1, s0  }
0xbd: {  	s0 =	sadd.s32 $0x8F2B, s0  }
0xbe: {  	[sflag:s0] =	ssyncadd.remote.s32 $0x1  }
0xbf: {  	_ =	sfence.sel $0xFFFF  }
0xc0: {  	[dreg:$0x0] =	wrdreg $0xFFFFFFFF;
	(pc) =	sbr.abs _section_cstart, $3  }
0xc1: {  	[dreg:$0x1] =	wrdreg $0xFFFFFFFF  }
0xc2: {  	_ =	task.clear_ibuf [dreg:s7], $0x2FFFF;
	_ =	strace $0x9FFFFFFF  }
0xc3: {  	(tm) =	ssettm $0x7FFFFFFF  }
tec
execute0_lowered:
.L_overlay_start_1:
0x0: {  	(tag) =	ssettag $0x1  }
0x1: {  	s2 =	rddreg [dreg:$0x0]  }
0x2: {  	s0 =	srdreg.scid;
	s4 =	rddreg [dreg:$0x1]  }
0x3: {  	s7 =	stileid.u32;
	s3 =	rddreg [dreg:$0x2];
	s8 =	simm.s32 $0x0  }
0x4: {  	s16 =	simm.s32 $0x2710;
	s17 =	simm.s32 $0x7;
	s18 =	simm.s32 $0x50  }
0x5: {  	s19 =	simm.s32 $0x9F10;
	s20 =	simm.s32 $0x9FB0;
	s21 =	simm.s32 $0x4F10  }
0x6: {  	s28 =	simm.s32 $0xA000;
	s29 =	simm.s32 $0x4;
	s30 =	simm.s32 $0x3  }
0x7: {  	s31 =	simm.s32 $0xA0A0;
	s0 =	sand.u32 $0x1, s0;
	s5 =	smul.u32 $0x14000, s7  }
0x8: {  	s1 =	sshll.u32 s7, $0x1;
	[smem:$0x7FF] =	sst s8;
	s7 =	smul.u32 $0x50000, s7  }
0x9: {  	s1 =	sor.u32 s0, s1;
	s6 =	smul.u32 $0x140000, s0;
	_ =	strace $0x8000004A  }
0xa: {  	s0 =	ssub.s32 $0x2, s0;
	s1 =	smul.u32 $0x4E2, s1;
	s7 =	sshrl.u32 s7, $0x2  }
0xb: {  	s22 =	sshrl.u32 s0, $0x1;
	s6 =	sadd.s32 s5, s6;
	s7 =	sadd.s32 s7, s3  }
0xc: {  	s0 =	ssub.s32 s0, s22;
	s5 =	sadd.s32 s5, s3;
	s22 =	simm.s32 $0x1  }
0xd: {  	s1 =	sadd.s32 s1, s4;
	s6 =	sshrl.u32 s6, $0x3;
	s23 =	sadd.s32 $0x2800, s7  }
0xe: {  	s24 =	sadd.s32 $0x5000, s7;
	s25 =	sadd.s32 $0x7800, s7;
	s26 =	sadd.s32 $0xA000, s7  }
0xf: {  	s10 =	sadd.s32 $0xC800, s7;
	s11 =	sadd.s32 $0xF000, s7;
	[dreg:$0x4] =	wrdreg s23  }
0x10: {  	s12 =	sadd.s32 $0x11800, s7;
	s15 =	smax.u32 s0, $0x1;
	[dreg:$0x5] =	wrdreg s24  }
0x11: {  	s0 =	simm.s32 $0x6;
	s4 =	sadd.s32 s6, s4;
	[dreg:$0x6] =	wrdreg s25  }
0x12: {  	[dreg:$0x7] =	wrdreg s26;
	s13 =	sadd.s32 $0x2E00, s1;
	s23 =	simm.s32 $0x9F60  }
0x13: {  	s24 =	simm.s32 $0xA050;
	s25 =	simm.s32 $0x7710;
	s26 =	simm.s32 $0x2  }
0x14: {  	v0 =	vimm.f32 $0.0e+00;
	s1 =	simm.s32 $0x5;
	s14 =	sadd.s32 $0xCC00, s4;
	s4 =	simm.s32 $0x0  }
.LBB2_1:
0x15: {  	s7 =	simm.s32 $0x0  }
0x16: {  	s6 =	sand.u32 $0xFE00, s7  }
0x17: {  	s7 =	sand.u32 $0x70, s7;
	s8 =	sshrl.u32 s6, $0x2  }
0x18: {  	s6 =	simm.s32 $0x40;
	s8 =	sor.u32 s7, s8;
	s7 =	simm.s32 $0x0  }
.LBB2_2:
0x19: {  	p0 =	sne.s32 s6, $0x9FC0  }
0x1a: {  	[tilespmem:s8+$0x2710] =	vst v0;
	s7 =	sadd.s32 $0x10, s7;
	s8 =	smov.u32 s6;
	s6 =	sadd.s32 $0x40, s6  }
.Ltmp0:
0x1b: {  	(pc) =	sbr.rel @p0 .LBB2_2-.Ltmp0, $4  }
0x1c: {  	_ = 	snop  }
0x1d: {  	s8 =	sand.u32 $0xFE00, s8  }
0x1e: {  	s9 =	sand.u32 $0x70, s7;
	s8 =	sshrl.u32 s8, $0x2  }
0x1f: {  	s8 =	sor.u32 s9, s8  }
0x20: {  	[tilespmem:s8+$0x2710] =	vst v0  }
0x21: {  	[spmem:s5] =	stream.linear.scatter [tilespmem:s16], [sflag:$0x7], $0x2800, $0x38;
	[tilespmem:$0x1E0F0] =	vst v63  }
0x22: {  	_ =	swait.ge [sflag:s17], $0x2800  }
0x23: {  	[sflag:s17] =	ssyncset.done $0x0  }
0x24: {  	s6 =	rddreg [dreg:$0x4];
	[sflag:s17] =	ssyncadd.s32 $0xFFFFD800  }
0x25: {  	[spmem:s6] =	stream.linear.scatter [tilespmem:s16], [sflag:$0x7], $0x2800, $0x38;
	[tilespmem:$0x1E0F0] =	vst v63  }
0x26: {  	_ =	swait.ge [sflag:s17], $0x2800  }
0x27: {  	[sflag:s17] =	ssyncset.done $0x0  }
0x28: {  	s9 =	rddreg [dreg:$0x5];
	[sflag:s17] =	ssyncadd.s32 $0xFFFFD800  }
0x29: {  	[spmem:s9] =	stream.linear.scatter [tilespmem:s16], [sflag:$0x7], $0x2800, $0x38;
	[tilespmem:$0x1E0F0] =	vst v63  }
0x2a: {  	_ =	swait.ge [sflag:s17], $0x2800  }
0x2b: {  	[sflag:s17] =	ssyncset.done $0x0  }
0x2c: {  	s7 =	rddreg [dreg:$0x6];
	[sflag:s17] =	ssyncadd.s32 $0xFFFFD800  }
0x2d: {  	[spmem:s7] =	stream.linear.scatter [tilespmem:s16], [sflag:$0x7], $0x2800, $0x38;
	[tilespmem:$0x1E0F0] =	vst v63  }
0x2e: {  	_ =	swait.ge [sflag:s17], $0x2800  }
0x2f: {  	[sflag:s17] =	ssyncset.done $0x0  }
0x30: {  	s8 =	rddreg [dreg:$0x7];
	[sflag:s17] =	ssyncadd.s32 $0xFFFFD800  }
0x31: {  	[spmem:s8] =	stream.linear.scatter [tilespmem:s16], [sflag:$0x7], $0x2800, $0x38;
	[tilespmem:$0x1E0F0] =	vst v63  }
0x32: {  	_ =	swait.ge [sflag:s17], $0x2800  }
0x33: {  	[sflag:s17] =	ssyncset.done $0x0  }
0x34: {  	[sflag:s17] =	ssyncadd.s32 $0xFFFFD800  }
0x35: {  	[spmem:s10] =	stream.linear.scatter [tilespmem:s16], [sflag:$0x7], $0x2800, $0x38;
	[tilespmem:$0x1E0F0] =	vst v63  }
0x36: {  	_ =	swait.ge [sflag:s17], $0x2800  }
0x37: {  	[sflag:s17] =	ssyncset.done $0x0  }
0x38: {  	[sflag:s17] =	ssyncadd.s32 $0xFFFFD800  }
0x39: {  	[spmem:s11] =	stream.linear.scatter [tilespmem:s16], [sflag:$0x7], $0x2800, $0x38;
	[tilespmem:$0x1E0F0] =	vst v63  }
0x3a: {  	_ =	swait.ge [sflag:s17], $0x2800  }
0x3b: {  	[sflag:s17] =	ssyncset.done $0x0  }
0x3c: {  	[sflag:s17] =	ssyncadd.s32 $0xFFFFD800  }
0x3d: {  	[spmem:s12] =	stream.linear.scatter [tilespmem:s16], [sflag:$0x7], $0x2800, $0x38;
	[tilespmem:$0x1E0F0] =	vst v63  }
0x3e: {  	_ =	swait.ge [sflag:s17], $0x2800  }
0x3f: {  	[sflag:s17] =	ssyncset.done $0x0  }
0x40: {  	s9 =	simm.s32 $0x0;
	[sflag:s17] =	ssyncadd.s32 $0xFFFFD800  }
0x41: {  	[tilespmem:s9], [sflag:$0x7] =	stream.linear.gather [hbm4b:s13+s9], $0x2710, $0x38;
	[tilespmem:$0x1E0F0] =	vst v63  }
0x42: {  	_ =	swait.ge [sflag:s17], $0x2710  }
0x43: {  	[sflag:s17] =	ssyncset.done $0x0  }
0x44: {  	[sflag:s17] =	ssyncadd.s32 $0xFFFFD8F0  }
0x45: {  	v1 =	vld [tilespmem:$0x0];
	_ =	sdelay $0x1  }
0x46: {  	v2 =	vld [tilespmem:$0x10];
	_ =	sdelay $0x1  }
0x47: {  	v3 =	vld [tilespmem:$0x20]  }
0x48: {  	v4 =	vand.u32 $0x3FFF, v1  }
0x49: {  	v60 =	vld [tilespmem:$0x30];
	v1 =	vshrl.u32 v1, $0xE;
	[tilespmem:$0x9F10] =	vst v4  }
0x4a: {  	[tilespmem:$0x9F60] =	vst v1;
	v1 =	vand.u32 $0x3FFF, v2  }
0x4b: {  	[tilespmem:$0x9F20] =	vst v1;
	v1 =	vshrl.u32 v2, $0xE;
	v2 =	vld [tilespmem:$0x40]  }
0x4c: {  	[tilespmem:$0x9F70] =	vst v1;
	v1 =	vand.u32 $0x3FFF, v3  }
0x4d: {  	[tilespmem:$0x9F30] =	vst v1;
	v1 =	vshrl.u32 v3, $0xE;
	v3 =	vld [tilespmem:$0x50]  }
0x4e: {  	[tilespmem:$0x9F80] =	vst v1;
	v1 =	vand.u32 $0x3FFF, v60  }
0x4f: {  	v61 =	vld [tilespmem:$0x60];
	[tilespmem:$0x9F40] =	vst v1;
	v1 =	vshrl.u32 v60, $0xE  }
0x50: {  	[tilespmem:$0x9F90] =	vst v1;
	v1 =	vand.u32 $0x3FFF, v2  }
0x51: {  	[tilespmem:$0x9F50] =	vst v1;
	v1 =	vshrl.u32 v2, $0xE;
	v2 =	vld [tilespmem:$0x70]  }
0x52: {  	[tilespmem:$0x9FA0] =	vst v1;
	v1 =	vand.u32 $0x3FFF, v3  }
0x53: {  	[tilespmem:$0x9FB0] =	vst v1;
	v1 =	vshrl.u32 v3, $0xE;
	v3 =	vld [tilespmem:$0x80]  }
0x54: {  	[tilespmem:$0xA000] =	vst v1;
	v1 =	vand.u32 $0x3FFF, v61  }
0x55: {  	v62 =	vld [tilespmem:$0x90];
	[tilespmem:$0x9FC0] =	vst v1;
	v1 =	vshrl.u32 v61, $0xE  }
0x56: {  	[tilespmem:$0xA010] =	vst v1;
	v1 =	vand.u32 $0x3FFF, v2  }
0x57: {  	[tilespmem:$0x9FD0] =	vst v1;
	v1 =	vshrl.u32 v2, $0xE;
	v2 =	vld [tilespmem:$0xA0]  }
0x58: {  	[tilespmem:$0xA020] =	vst v1;
	v1 =	vand.u32 $0x3FFF, v3  }
0x59: {  	[tilespmem:$0x9FE0] =	vst v1;
	v1 =	vshrl.u32 v3, $0xE;
	v3 =	vld [tilespmem:$0xB0]  }
0x5a: {  	[tilespmem:$0xA030] =	vst v1;
	v1 =	vand.u32 $0x3FFF, v62  }
0x5b: {  	v63 =	vld [tilespmem:$0xC0];
	[tilespmem:$0x9FF0] =	vst v1;
	v1 =	vshrl.u32 v62, $0xE  }
0x5c: {  	[tilespmem:$0xA040] =	vst v1;
	v1 =	vand.u32 $0x3FFF, v2  }
0x5d: {  	[tilespmem:$0xA050] =	vst v1;
	v1 =	vshrl.u32 v2, $0xE;
	v2 =	vld [tilespmem:$0xD0]  }
0x5e: {  	[tilespmem:$0xA0A0] =	vst v1;
	v1 =	vand.u32 $0x3FFF, v3  }
0x5f: {  	[tilespmem:$0xA060] =	vst v1;
	v1 =	vshrl.u32 v3, $0xE;
	v3 =	vld [tilespmem:$0xE0]  }
0x60: {  	[tilespmem:$0xA0B0] =	vst v1;
	v1 =	vand.u32 $0x3FFF, v63  }
0x61: {  	[tilespmem:$0xA070] =	vst v1;
	v1 =	vshrl.u32 v63, $0xE  }
0x62: {  	[tilespmem:$0xA0C0] =	vst v1;
	v1 =	vand.u32 $0x3FFF, v2  }
0x63: {  	[tilespmem:$0xA080] =	vst v1;
	v1 =	vshrl.u32 v2, $0xE  }
0x64: {  	[tilespmem:$0xA0D0] =	vst v1;
	v1 =	vand.u32 $0x3FFF, v3  }
0x65: {  	[tilespmem:$0xA090] =	vst v1;
	v1 =	vshrl.u32 v3, $0xE  }
0x66: {  	[tilespmem:$0xA0E0] =	vst v1  }
0x67: {  	[bflag:$0x0] =	sbarrier.arrive $0xFFFF  }
0x68: {  	[tilespmem:s16], [sflag:$0x1] =	stream.indirect.gather [hbm4b:s2+s18], $0x80, s19, s18, $0xb8;
	[tilespmem:$0x1E0F0] =	vst v63  }
0x69: {  	_ = 	snop  }
0x6a: {  	[tilespmem:s21], [sflag:$0x2] =	stream.indirect.gather [hbm4b:s2+s18], $0x80, s20, s18, $0xb8;
	[tilespmem:$0x1E0F0] =	vst v63  }
0x6b: {  	_ =	swait.ge [sflag:s22], $0x2800  }
0x6c: {  	p0 =	por $0x1, $0x1;
	[sflag:s22] =	ssyncset.done $0x0  }
0x6d: {  	s6 =	simm.s32 @!p0 $0x6;
	[sflag:s22] =	ssyncadd.s32 $0xFFFFD800  }
0x6e: {  	[spmem:s3] =	stream.indirect.scatter.add.f32 [tilespmem:s16], [sflag:$0x4], $0x80, s23, s18, $0xb8;
	[tilespmem:$0x1E0F0] =	vst v63  }
0x6f: {  	_ =	swait.ge @!p0 [sflag:s6], $0x2800  }
0x70: {  	[sflag:s6] =	ssyncset.done @!p0 $0x0  }
0x71: {  	[sflag:s6] =	ssyncadd.s32 @!p0 $0xFFFFD800;
	s6 =	simm.s32 $0x0  }
0x72: {  	v1 =	vld [tilespmem:s6+$0xA0];
	_ =	sdelay $0x4  }
0x73: {  	v2 =	vshrl.u32 v1, $0xE  }
0x74: {  	v1 =	vand.u32 $0x3FFF, v1;
	[tilespmem:$0xA0A0] =	vst v2  }
0x75: {  	[tilespmem:$0xA050] =	vst v1  }
0x76: {  	v1 =	vld [tilespmem:s6+$0xB0];
	_ =	sdelay $0x4  }
0x77: {  	v2 =	vand.u32 $0x3FFF, v1  }
0x78: {  	v1 =	vshrl.u32 v1, $0xE;
	[tilespmem:$0xA060] =	vst v2  }
0x79: {  	[tilespmem:$0xA0B0] =	vst v1  }
0x7a: {  	v1 =	vld [tilespmem:s6+$0xC0];
	_ =	sdelay $0x4  }
0x7b: {  	v2 =	vand.u32 $0x3FFF, v1  }
0x7c: {  	v1 =	vshrl.u32 v1, $0xE;
	[tilespmem:$0xA070] =	vst v2  }
0x7d: {  	[tilespmem:$0xA0C0] =	vst v1  }
0x7e: {  	v1 =	vld [tilespmem:s6+$0xD0];
	_ =	sdelay $0x4  }
0x7f: {  	v2 =	vand.u32 $0x3FFF, v1  }
0x80: {  	v1 =	vshrl.u32 v1, $0xE;
	[tilespmem:$0xA080] =	vst v2  }
0x81: {  	[tilespmem:$0xA0D0] =	vst v1  }
0x82: {  	v1 =	vld [tilespmem:s6+$0xE0];
	_ =	sdelay $0x4  }
0x83: {  	v2 =	vand.u32 $0x3FFF, v1  }
0x84: {  	v1 =	vshrl.u32 v1, $0xE;
	[tilespmem:$0xA090] =	vst v2  }
0x85: {  	[tilespmem:$0xA0E0] =	vst v1  }
0x86: {  	[tilespmem:s25], [sflag:$0x3] =	stream.indirect.gather [hbm4b:s2+s18], $0x80, s24, s18, $0xb8;
	[tilespmem:$0x1E0F0] =	vst v63  }
0x87: {  	_ =	swait.ge [sflag:s26], $0x2800  }
0x88: {  	[sflag:s26] =	ssyncset.done $0x0  }
0x89: {  	[sflag:s26] =	ssyncadd.s32 $0xFFFFD800  }
0x8a: {  	[spmem:s3] =	stream.indirect.scatter.add.f32 [tilespmem:s21], [sflag:$0x5], $0x80, s28, s18, $0xb8;
	[tilespmem:$0x1E0F0] =	vst v63  }
0x8b: {  	_ =	swait.ge [sflag:s29], $0x2800  }
0x8c: {  	[sflag:s29] =	ssyncset.done $0x0  }
0x8d: {  	[sflag:s29] =	ssyncadd.s32 $0xFFFFD800  }
0x8e: {  	v1 =	vld [tilespmem:s6+$0xF0];
	_ =	sdelay $0x4  }
0x8f: {  	v2 =	vand.u32 $0x3FFF, v1  }
0x90: {  	v1 =	vshrl.u32 v1, $0xE;
	[tilespmem:$0x9F10] =	vst v2  }
0x91: {  	[tilespmem:$0x9F60] =	vst v1  }
0x92: {  	v1 =	vld [tilespmem:s6+$0x100];
	_ =	sdelay $0x4  }
0x93: {  	v2 =	vand.u32 $0x3FFF, v1  }
0x94: {  	v1 =	vshrl.u32 v1, $0xE;
	[tilespmem:$0x9F20] =	vst v2  }
0x95: {  	[tilespmem:$0x9F70] =	vst v1  }
0x96: {  	v1 =	vld [tilespmem:s6+$0x110];
	_ =	sdelay $0x4  }
0x97: {  	v2 =	vand.u32 $0x3FFF, v1  }
0x98: {  	v1 =	vshrl.u32 v1, $0xE;
	[tilespmem:$0x9F30] =	vst v2  }
0x99: {  	[tilespmem:$0x9F80] =	vst v1  }
0x9a: {  	v1 =	vld [tilespmem:s6+$0x120];
	_ =	sdelay $0x4  }
0x9b: {  	v2 =	vand.u32 $0x3FFF, v1  }
0x9c: {  	v1 =	vshrl.u32 v1, $0xE;
	[tilespmem:$0x9F40] =	vst v2  }
0x9d: {  	[tilespmem:$0x9F90] =	vst v1  }
0x9e: {  	v1 =	vld [tilespmem:s6+$0x130];
	_ =	sdelay $0x4  }
0x9f: {  	v2 =	vand.u32 $0x3FFF, v1  }
0xa0: {  	v1 =	vshrl.u32 v1, $0xE;
	[tilespmem:$0x9F50] =	vst v2  }
0xa1: {  	[tilespmem:$0x9FA0] =	vst v1  }
0xa2: {  	[tilespmem:s16], [sflag:$0x1] =	stream.indirect.gather [hbm4b:s2+s18], $0x80, s19, s18, $0xb8;
	[tilespmem:$0x1E0F0] =	vst v63  }
0xa3: {  	_ =	swait.ge [sflag:s30], $0x2800  }
0xa4: {  	[sflag:s30] =	ssyncset.done $0x0  }
0xa5: {  	[sflag:s30] =	ssyncadd.s32 $0xFFFFD800  }
0xa6: {  	[spmem:s3] =	stream.indirect.scatter.add.f32 [tilespmem:s25], [sflag:$0x6], $0x80, s31, s18, $0xb8;
	[tilespmem:$0x1E0F0] =	vst v63  }
0xa7: {  	_ =	swait.ge [sflag:s1], $0x2800  }
0xa8: {  	[sflag:s1] =	ssyncset.done $0x0  }
0xa9: {  	[sflag:s1] =	ssyncadd.s32 $0xFFFFD800  }
0xaa: {  	v1 =	vld [tilespmem:s6+$0x140];
	_ =	sdelay $0x4  }
0xab: {  	v2 =	vand.u32 $0x3FFF, v1  }
0xac: {  	v1 =	vshrl.u32 v1, $0xE;
	[tilespmem:$0x9FB0] =	vst v2  }
0xad: {  	[tilespmem:$0xA000] =	vst v1  }
0xae: {  	v1 =	vld [tilespmem:s6+$0x150];
	_ =	sdelay $0x4  }
0xaf: {  	v2 =	vand.u32 $0x3FFF, v1  }
0xb0: {  	v1 =	vshrl.u32 v1, $0xE;
	[tilespmem:$0x9FC0] =	vst v2  }
0xb1: {  	[tilespmem:$0xA010] =	vst v1  }
0xb2: {  	v1 =	vld [tilespmem:s6+$0x160];
	_ =	sdelay $0x4  }
0xb3: {  	v2 =	vand.u32 $0x3FFF, v1  }
0xb4: {  	s7 =	simm.s32 $0x3C0;
	v1 =	vshrl.u32 v1, $0xE;
	[tilespmem:$0x9FD0] =	vst v2  }
.LBB2_4:
0xb5: {  	[tilespmem:$0xA020] =	vst v1;
	s8 =	smov.u32 s7;
	s7 =	sadd.s32 $0x3C0, s7  }
0xb6: {  	p0 =	sne.s32 s7, $0x99C0;
	v1 =	vld [tilespmem:s6+$0x170];
	_ =	sdelay $0x4  }
0xb7: {  	v2 =	vand.u32 $0x3FFF, v1;
	v1 =	vshrl.u32 v1, $0xE  }
0xb8: {  	[tilespmem:$0x9FE0] =	vst v2  }
0xb9: {  	[tilespmem:$0xA030] =	vst v1  }
0xba: {  	v1 =	vld [tilespmem:s6+$0x180];
	_ =	sdelay $0x4  }
0xbb: {  	v2 =	vand.u32 $0x3FFF, v1;
	v1 =	vshrl.u32 v1, $0xE  }
0xbc: {  	[tilespmem:$0x9FF0] =	vst v2  }
0xbd: {  	[tilespmem:$0xA040] =	vst v1  }
0xbe: {  	[tilespmem:s21], [sflag:$0x2] =	stream.indirect.gather [hbm4b:s2+s18], $0x80, s20, s18, $0xb8;
	[tilespmem:$0x1E0F0] =	vst v63  }
0xbf: {  	p1 =	seq.s32 s8, $0x0;
	_ =	swait.ge [sflag:s22], $0x2800  }
0xc0: {  	[sflag:s22] =	ssyncset.done $0x0  }
0xc1: {  	s6 =	simm.s32 @!p1 $0x6;
	[sflag:s22] =	ssyncadd.s32 $0xFFFFD800  }
0xc2: {  	[spmem:s3] =	stream.indirect.scatter.add.f32 [tilespmem:s16], [sflag:$0x4], $0x80, s23, s18, $0xb8;
	[tilespmem:$0x1E0F0] =	vst v63  }
0xc3: {  	_ =	swait.ge @!p1 [sflag:s6], $0x2800  }
0xc4: {  	[sflag:s6] =	ssyncset.done @!p1 $0x0  }
0xc5: {  	[sflag:s6] =	ssyncadd.s32 @!p1 $0xFFFFD800;
	s6 =	sshra.s32 s8, $0x2  }
0xc6: {  	v1 =	vld [tilespmem:s6+$0xA0];
	_ =	sdelay $0x4  }
0xc7: {  	v2 =	vand.u32 $0x3FFF, v1;
	v1 =	vshrl.u32 v1, $0xE  }
0xc8: {  	[tilespmem:$0xA0A0] =	vst v1  }
0xc9: {  	[tilespmem:$0xA050] =	vst v2  }
0xca: {  	v1 =	vld [tilespmem:s6+$0xB0];
	_ =	sdelay $0x4  }
0xcb: {  	v2 =	vand.u32 $0x3FFF, v1;
	v1 =	vshrl.u32 v1, $0xE  }
0xcc: {  	[tilespmem:$0xA060] =	vst v2  }
0xcd: {  	[tilespmem:$0xA0B0] =	vst v1  }
0xce: {  	v1 =	vld [tilespmem:s6+$0xC0];
	_ =	sdelay $0x4  }
0xcf: {  	v2 =	vand.u32 $0x3FFF, v1;
	v1 =	vshrl.u32 v1, $0xE  }
0xd0: {  	[tilespmem:$0xA070] =	vst v2  }
0xd1: {  	[tilespmem:$0xA0C0] =	vst v1  }
0xd2: {  	v1 =	vld [tilespmem:s6+$0xD0];
	_ =	sdelay $0x4  }
0xd3: {  	v2 =	vand.u32 $0x3FFF, v1;
	v1 =	vshrl.u32 v1, $0xE  }
0xd4: {  	[tilespmem:$0xA080] =	vst v2  }
0xd5: {  	[tilespmem:$0xA0D0] =	vst v1  }
0xd6: {  	v1 =	vld [tilespmem:s6+$0xE0];
	_ =	sdelay $0x4  }
0xd7: {  	v2 =	vand.u32 $0x3FFF, v1;
	v1 =	vshrl.u32 v1, $0xE  }
0xd8: {  	[tilespmem:$0xA090] =	vst v2  }
0xd9: {  	[tilespmem:$0xA0E0] =	vst v1  }
0xda: {  	[tilespmem:s25], [sflag:$0x3] =	stream.indirect.gather [hbm4b:s2+s18], $0x80, s24, s18, $0xb8;
	[tilespmem:$0x1E0F0] =	vst v63  }
0xdb: {  	_ =	swait.ge [sflag:s26], $0x2800  }
0xdc: {  	[sflag:s26] =	ssyncset.done $0x0  }
0xdd: {  	[sflag:s26] =	ssyncadd.s32 $0xFFFFD800  }
0xde: {  	[spmem:s3] =	stream.indirect.scatter.add.f32 [tilespmem:s21], [sflag:$0x5], $0x80, s28, s18, $0xb8;
	[tilespmem:$0x1E0F0] =	vst v63  }
0xdf: {  	_ =	swait.ge [sflag:s29], $0x2800  }
0xe0: {  	[sflag:s29] =	ssyncset.done $0x0  }
0xe1: {  	[sflag:s29] =	ssyncadd.s32 $0xFFFFD800  }
0xe2: {  	v1 =	vld [tilespmem:s6+$0xF0];
	_ =	sdelay $0x4  }
0xe3: {  	v2 =	vand.u32 $0x3FFF, v1;
	v1 =	vshrl.u32 v1, $0xE  }
0xe4: {  	[tilespmem:$0x9F10] =	vst v2  }
0xe5: {  	[tilespmem:$0x9F60] =	vst v1  }
0xe6: {  	v1 =	vld [tilespmem:s6+$0x100];
	_ =	sdelay $0x4  }
0xe7: {  	v2 =	vand.u32 $0x3FFF, v1;
	v1 =	vshrl.u32 v1, $0xE  }
0xe8: {  	[tilespmem:$0x9F20] =	vst v2  }
0xe9: {  	[tilespmem:$0x9F70] =	vst v1  }
0xea: {  	v1 =	vld [tilespmem:s6+$0x110];
	_ =	sdelay $0x4  }
0xeb: {  	v2 =	vand.u32 $0x3FFF, v1;
	v1 =	vshrl.u32 v1, $0xE  }
0xec: {  	[tilespmem:$0x9F30] =	vst v2  }
0xed: {  	[tilespmem:$0x9F80] =	vst v1  }
0xee: {  	v1 =	vld [tilespmem:s6+$0x120];
	_ =	sdelay $0x4  }
0xef: {  	v2 =	vand.u32 $0x3FFF, v1;
	v1 =	vshrl.u32 v1, $0xE  }
0xf0: {  	[tilespmem:$0x9F40] =	vst v2  }
0xf1: {  	[tilespmem:$0x9F90] =	vst v1  }
0xf2: {  	v1 =	vld [tilespmem:s6+$0x130];
	_ =	sdelay $0x4  }
0xf3: {  	v2 =	vand.u32 $0x3FFF, v1;
	v1 =	vshrl.u32 v1, $0xE  }
0xf4: {  	[tilespmem:$0x9F50] =	vst v2  }
0xf5: {  	[tilespmem:$0x9FA0] =	vst v1  }
0xf6: {  	[tilespmem:s16], [sflag:$0x1] =	stream.indirect.gather [hbm4b:s2+s18], $0x80, s19, s18, $0xb8;
	[tilespmem:$0x1E0F0] =	vst v63  }
0xf7: {  	_ =	swait.ge [sflag:s30], $0x2800  }
0xf8: {  	[sflag:s30] =	ssyncset.done $0x0  }
0xf9: {  	[sflag:s30] =	ssyncadd.s32 $0xFFFFD800  }
0xfa: {  	[spmem:s3] =	stream.indirect.scatter.add.f32 [tilespmem:s25], [sflag:$0x6], $0x80, s31, s18, $0xb8;
	[tilespmem:$0x1E0F0] =	vst v63  }
0xfb: {  	_ =	swait.ge [sflag:s1], $0x2800  }
0xfc: {  	[sflag:s1] =	ssyncset.done $0x0  }
0xfd: {  	[sflag:s1] =	ssyncadd.s32 $0xFFFFD800  }
0xfe: {  	v1 =	vld [tilespmem:s6+$0x140];
	_ =	sdelay $0x4  }
0xff: {  	v2 =	vand.u32 $0x3FFF, v1;
	v1 =	vshrl.u32 v1, $0xE  }
0x100: {  	[tilespmem:$0x9FB0] =	vst v2  }
0x101: {  	[tilespmem:$0xA000] =	vst v1  }
0x102: {  	v1 =	vld [tilespmem:s6+$0x150];
	_ =	sdelay $0x4  }
0x103: {  	v2 =	vand.u32 $0x3FFF, v1;
	v1 =	vshrl.u32 v1, $0xE  }
0x104: {  	[tilespmem:$0x9FC0] =	vst v2  }
0x105: {  	[tilespmem:$0xA010] =	vst v1  }
0x106: {  	v1 =	vld [tilespmem:s6+$0x160];
	_ =	sdelay $0x1  }
.Ltmp1:
0x107: {  	(pc) =	sbr.rel @p0 .LBB2_4-.Ltmp1, $3  }
0x108: {  	_ =	sdelay $0x1  }
0x109: {  	v2 =	vand.u32 $0x3FFF, v1;
	v1 =	vshrl.u32 v1, $0xE  }
0x10a: {  	[tilespmem:$0x9FD0] =	vst v2  }
0x10b: {  	[tilespmem:$0xA020] =	vst v1  }
0x10c: {  	v1 =	vld [tilespmem:s6+$0x170];
	_ =	sdelay $0x4  }
0x10d: {  	v2 =	vand.u32 $0x3FFF, v1  }
0x10e: {  	v1 =	vshrl.u32 v1, $0xE;
	[tilespmem:$0x9FE0] =	vst v2  }
0x10f: {  	[tilespmem:$0xA030] =	vst v1  }
0x110: {  	v1 =	vld [tilespmem:s6+$0x180];
	_ =	sdelay $0x4  }
0x111: {  	v2 =	vand.u32 $0x3FFF, v1  }
0x112: {  	v1 =	vshrl.u32 v1, $0xE;
	[tilespmem:$0x9FF0] =	vst v2  }
0x113: {  	[tilespmem:$0xA040] =	vst v1  }
0x114: {  	[tilespmem:s21], [sflag:$0x2] =	stream.indirect.gather [hbm4b:s2+s18], $0x80, s20, s18, $0xb8;
	[tilespmem:$0x1E0F0] =	vst v63  }
0x115: {  	_ =	swait.ge [sflag:s22], $0x2800  }
0x116: {  	[sflag:s22] =	ssyncset.done $0x0  }
0x117: {  	[sflag:s22] =	ssyncadd.s32 $0xFFFFD800  }
0x118: {  	[spmem:s3] =	stream.indirect.scatter.add.f32 [tilespmem:s16], [sflag:$0x4], $0x80, s23, s18, $0xb8;
	[tilespmem:$0x1E0F0] =	vst v63  }
0x119: {  	_ =	swait.ge [sflag:s0], $0x2800  }
0x11a: {  	[sflag:s0] =	ssyncset.done $0x0  }
0x11b: {  	[sflag:s0] =	ssyncadd.s32 $0xFFFFD800  }
0x11c: {  	v1 =	vld [tilespmem:$0x0];
	_ =	sdelay $0x1  }
0x11d: {  	v2 =	vld [tilespmem:$0x10];
	_ =	sdelay $0x1  }
0x11e: {  	v3 =	vld [tilespmem:$0x20]  }
0x11f: {  	v4 =	vand.u32 $0x3FFF, v1  }
0x120: {  	v61 =	vld [tilespmem:$0x30];
	v1 =	vshrl.u32 v1, $0xE;
	[tilespmem:$0xA050] =	vst v4  }
0x121: {  	[tilespmem:$0xA0A0] =	vst v1;
	v1 =	vand.u32 $0x3FFF, v2  }
0x122: {  	[tilespmem:$0xA060] =	vst v1;
	v1 =	vshrl.u32 v2, $0xE;
	v2 =	vld [tilespmem:$0x40]  }
0x123: {  	[tilespmem:$0xA0B0] =	vst v1;
	v1 =	vand.u32 $0x3FFF, v3  }
0x124: {  	[tilespmem:$0xA070] =	vst v1;
	v1 =	vshrl.u32 v3, $0xE  }
0x125: {  	[tilespmem:$0xA0C0] =	vst v1;
	v1 =	vand.u32 $0x3FFF, v61  }
0x126: {  	[tilespmem:$0xA080] =	vst v1;
	v1 =	vshrl.u32 v61, $0xE  }
0x127: {  	[tilespmem:$0xA0D0] =	vst v1;
	v1 =	vand.u32 $0x3FFF, v2  }
0x128: {  	[tilespmem:$0xA090] =	vst v1;
	v1 =	vshrl.u32 v2, $0xE  }
0x129: {  	[tilespmem:$0xA0E0] =	vst v1  }
0x12a: {  	[tilespmem:s25], [sflag:$0x3] =	stream.indirect.gather [hbm4b:s2+s18], $0x80, s24, s18, $0xb8;
	[tilespmem:$0x1E0F0] =	vst v63  }
0x12b: {  	_ =	swait.ge [sflag:s26], $0x2800  }
0x12c: {  	[sflag:s26] =	ssyncset.done $0x0  }
0x12d: {  	[sflag:s26] =	ssyncadd.s32 $0xFFFFD800  }
0x12e: {  	[spmem:s3] =	stream.indirect.scatter.add.f32 [tilespmem:s21], [sflag:$0x5], $0x80, s28, s18, $0xb8;
	[tilespmem:$0x1E0F0] =	vst v63  }
0x12f: {  	_ =	swait.ge [sflag:s29], $0x2800  }
0x130: {  	[sflag:s29] =	ssyncset.done $0x0  }
0x131: {  	[sflag:s29] =	ssyncadd.s32 $0xFFFFD800  }
0x132: {  	v1 =	vld [tilespmem:$0x50];
	_ =	sdelay $0x1  }
0x133: {  	v2 =	vld [tilespmem:$0x60];
	_ =	sdelay $0x1  }
0x134: {  	v3 =	vld [tilespmem:$0x70]  }
0x135: {  	v62 =	vand.u32 $0x3FFF, v1  }
0x136: {  	v63 =	vld [tilespmem:$0x80];
	v1 =	vshrl.u32 v1, $0xE;
	[tilespmem:$0x9F10] =	vst v62  }
0x137: {  	[tilespmem:$0x9F60] =	vst v1;
	v1 =	vand.u32 $0x3FFF, v2  }
0x138: {  	[tilespmem:$0x9F20] =	vst v1;
	v1 =	vshrl.u32 v2, $0xE;
	v2 =	vld [tilespmem:$0x90]  }
0x139: {  	[tilespmem:$0x9F70] =	vst v1;
	v1 =	vand.u32 $0x3FFF, v3  }
0x13a: {  	[tilespmem:$0x9F30] =	vst v1;
	v1 =	vshrl.u32 v3, $0xE  }
0x13b: {  	[tilespmem:$0x9F80] =	vst v1;
	v1 =	vand.u32 $0x3FFF, v63  }
0x13c: {  	[tilespmem:$0x9F40] =	vst v1;
	v1 =	vshrl.u32 v63, $0xE  }
0x13d: {  	[tilespmem:$0x9F90] =	vst v1;
	v1 =	vand.u32 $0x3FFF, v2  }
0x13e: {  	[tilespmem:$0x9F50] =	vst v1;
	v1 =	vshrl.u32 v2, $0xE  }
0x13f: {  	[tilespmem:$0x9FA0] =	vst v1  }
0x140: {  	[tilespmem:s16], [sflag:$0x1] =	stream.indirect.gather [hbm4b:s2+s18], $0x80, s19, s18, $0xb8;
	[tilespmem:$0x1E0F0] =	vst v63  }
0x141: {  	_ =	swait.ge [sflag:s1], $0x2800  }
0x142: {  	[sflag:s1] =	ssyncset.done $0x0  }
0x143: {  	[sflag:s1] =	ssyncadd.s32 $0xFFFFD800  }
0x144: {  	_ =	swait.ge [sflag:s30], $0x2800  }
0x145: {  	[sflag:s30] =	ssyncset.done $0x0  }
0x146: {  	[sflag:s30] =	ssyncadd.s32 $0xFFFFD800  }
0x147: {  	s9 =	stileid.u32;
	_ =	swait.ge [sflag:s22], $0x2800  }
0x148: {  	s7 =	sshrl.u32 s5, $0x3;
	s4 =	sadd.s32 $0x1, s4;
	[sflag:s22] =	ssyncset.done $0x0  }
0x149: {  	p0 =	sne.s32 s4, s15;
	s6 =	sshll.u32 s9, $0x6;
	[sflag:s22] =	ssyncadd.s32 $0xFFFFD800  }
.Ltmp2:
0x14a: {  	s6 =	sor.u32 $0x1C07, s6;
	[bflag:$0x0] =	sbarrier.arrive $0xFFFF;
	(pc) =	sbr.rel @p0 .LBB2_1-.Ltmp2, $4  }
0x14b: {  	[hbm:s14], [sflag:s6] =	dma.local [spmem:s7], $0x2800  }
0x14c: {  	_ =	swait.ge [sflag:s17], $0x2800  }
0x14d: {  	[sflag:s17] =	ssyncset.done $0x0  }
0x14e: {  	[sflag:s17] =	ssyncadd.s32 $0xFFFFD800  }
0x14f: {  	_ =	sfence.sel $0x180000  }
0x150: {  	[bflag:$0x0] =	sbarrier.arrive $0xFFFF  }
0x151: {  	_ =	strace $0x9000004A  }
0x152: {  	s0 =	stileid.u32;
	[bflag:$0x2] =	sbarrier.arrive $0xFFFF  }
0x153: {  	p0 =	sne.s32 s0, $0x0;
	s0 =	rddreg [dreg:$0x3]  }
0x154: {  	s0 =	sadd.s32 @!p0 $0x100000, s0  }
0x155: {  	[sflag:s0] =	ssyncadd.tile.s32 @!p0 $0x1;
	_ =	shalt  }
.Lfunc_end2:
_tile_overlayer_lowered:
.L_overlay_start_2:
0x156: {  	(tag) =	ssettag $0x2  }
0x157: {  	s0 =	rddreg [dreg:$0x0];
	s2 =	stileid.u32  }
0x158: {  	s1 =	rddreg [dreg:$0x1];
	p0 =	sne.s32 s2, $0x0  }
0x159: {  	s3 =	rddreg [dreg:$0x2];
	[bflag:$0x3] =	sbarrier.arrive $0xFFFF;
	s2 =	simm.s32 @!p0 $0x1C07  }
0x15a: {  	[timem:s3], [sflag:s2] =	dma.local @!p0 [hbm:s0], s1  }
0x15b: {  	s0 =	simm.s32 @!p0 $0x7  }
0x15c: {  	_ =	swait.ge @!p0 [sflag:s0], s1  }
0x15d: {  	s1 =	ssub.s32 @!p0 $0x0, s1;
	[sflag:s0] =	ssyncset.done @!p0 $0x0  }
0x15e: {  	[sflag:s0] =	ssyncadd.s32 @!p0 s1  }
0x15f: {  	[bflag:$0x3] =	sbarrier.arrive $0xFFFF  }
0x160: {  	_ =	shalt  }

// kernel: kernel.9.cloned.1.call-start
scs
__scs_entry_jumppad:
0x0: {  	(pc) =	sbr.rel $0x88, $3  }
0x1: {  	(tag) =	ssettag $0x0;
	lr =	simm.s32 $0x1  }
0x2: {  	[smem:$0x3F99] =	sst lr;
	_ =	strace $0xD0000000  }
0x3: {  	_ = 	snop  }
0x4: {  	_ = 	snop  }
0x5: {  	_ = 	snop  }
0x6: {  	_ = 	snop  }
0x7: {  	_ = 	snop  }
__scs_overlays_trampoline_lowered:
0x8: {  	[smem:$0x3FA8] =	sst s0  }
0x9: {  	[smem:$0x3FA9] =	sst s1  }
0xa: {  	[smem:$0x3FAA] =	sst s2  }
0xb: {  	[smem:$0x3FAB] =	sst s3  }
0xc: {  	[smem:$0x3FAC] =	sst s4  }
0xd: {  	[smem:$0x3FAD] =	sst s5  }
0xe: {  	[smem:$0x3FAE] =	sst s6  }
0xf: {  	[smem:$0x3FAF] =	sst s7  }
0x10: {  	[smem:$0x3FB0] =	sst s8  }
0x11: {  	[smem:$0x3FB1] =	sst s9;
	s0 =	simm.s32 @!p0 $0x0  }
0x12: {  	s1 =	sld [smem:$0x3F97];
	s0 =	simm.s32 @p0 $0x1  }
0x13: {  	[smem:$0x3FB2] =	sst s0;
	s0 =	simm.s32 @!p1 $0x0  }
0x14: {  	s2 =	sld [smem:$0x3F96];
	s0 =	simm.s32 @p1 $0x1  }
0x15: {  	[smem:$0x3FB3] =	sst s0;
	s0 =	simm.s32 @!p2 $0x0  }
0x16: {  	s3 =	sld [smem:$0x3FDB];
	s0 =	simm.s32 @p2 $0x1  }
0x17: {  	s4 =	simm.s32 $0x1BF5;
	[smem:$0x3FB5] =	sst s0  }
0x18: {  	s0 =	sld [smem:$0x3F98];
	_ =	swait.ge [sflag:s4], $0x0  }
0x19: {  	s7 =	sld [smem:$0x3F99]  }
0x1a: {  	s8 =	sadd.s32 $0xFFFFE003, lr  }
0x1b: {  	s9 =	sadd.s32 $0xFFFFFEF7, lr;
	s5 =	simm.s32 $0xFFFFFFFF;
	p2 =	slt.u32 s8, $0xFFFFF086  }
0x1c: {  	p1 =	slt.u32 s9, $0xF7A;
	s5 =	simm.s32 @!p2 $0x0  }
0x1d: {  	s5 =	simm.s32 @p1 $0x1;
	p0 =	seq.s32 s7, s2  }
0x1e: {  	s7 =	smul.u32 @!p0 $0xF7A, s2;
	p2 =	seq.s32 @!p0 s5, $0x0  }
0x1f: {  	s9 =	smul.u32 $0xF7A, s1;
	s8 =	simm.s32 @!p0 $0x1BF5;
	p2 =	por !p2, p0  }
0x20: {  	[sflag:s8] =	ssyncset.s32 @!p0 $0xFFFFF086;
	s6 =	sadd.s32 @!p0 s3, s7;
	s7 =	simm.s32 @!p0 $0x108  }
0x21: {  	s3 =	sadd.s32 s3, s9;
	s6 =	sadd.s32 @!p0 $0x88, s6;
	s7 =	simm.s32 @p2 $0x1082  }
0x22: {  	[simem:s7], [sflag:s8] =	dma.local @!p0 [hbm:s6], $0xF7A  }
0x23: {  	s9 =	sor.u32 $0xD0000000, s2;
	s6 =	simm.s32 $0x108;
	_ =	swait.ge @!p0 [sflag:s8], $0x0  }
0x24: {  	s3 =	sadd.s32 $0x88, s3;
	s6 =	simm.s32 @!p1 $0x1082;
	[sflag:s4] =	ssyncset.s32 $0xFFFFF086  }
0x25: {  	[simem:s6], [sflag:s4] =	dma.local [hbm:s3], $0xF7A  }
0x26: {  	[smem:$0x3F99] =	sst s1;
	(tag) =	ssettag s2;
	_ =	strace s9  }
0x27: {  	s1 =	sld [smem:$0x3FA9]  }
0x28: {  	s2 =	sld [smem:$0x3FAA]  }
0x29: {  	s4 =	sld [smem:$0x3FAC]  }
0x2a: {  	p0 =	seq.s32 s5, $0x0;
	s5 =	sld [smem:$0x3FAD]  }
0x2b: {  	s6 =	sld [smem:$0x3FAE]  }
0x2c: {  	s7 =	sld [smem:$0x3FAF]  }
0x2d: {  	s3 =	simm.s32 $0x108;
	s8 =	sld [smem:$0x3FB0]  }
0x2e: {  	s3 =	simm.s32 @!p0 $0x1082;
	s9 =	sld [smem:$0x3FB1]  }
0x2f: {  	lr =	sadd.s32 s0, s3;
	s0 =	sld [smem:$0x3FA8]  }
0x30: {  	s3 =	sld [smem:$0x3FAB]  }
0x31: {  	[smem:$0x3FB4] =	sst s10  }
0x32: {  	s10 =	sld [smem:$0x3FB2];
	_ =	sdelay $0x3  }
0x33: {  	p0 =	seq.s32 s10, $0x1;
	s10 =	sld [smem:$0x3FB4];
	_ =	sdelay $0x3  }
0x34: {  	[smem:$0x3FB4] =	sst s10  }
0x35: {  	s10 =	sld [smem:$0x3FB3];
	_ =	sdelay $0x3  }
0x36: {  	p1 =	seq.s32 s10, $0x1;
	s10 =	sld [smem:$0x3FB4];
	_ =	sdelay $0x3  }
0x37: {  	[smem:$0x3FB4] =	sst s10  }
0x38: {  	s10 =	sld [smem:$0x3FB5]  }
0x39: {  	_ = 	snop;
	(pc) =	sbr.ind lr, $3  }
0x3a: {  	_ = 	snop  }
0x3b: {  	_ = 	snop  }
0x3c: {  	p2 =	seq.s32 s10, $0x1;
	s10 =	sld [smem:$0x3FB4]  }
0x3d: {  	_ =	shalt  }
0x3e: {  	_ =	shalt  }
0x3f: {  	_ =	shalt  }
0x40: {  	_ =	shalt  }
0x41: {  	_ =	shalt  }
0x42: {  	_ =	shalt  }
0x43: {  	_ =	shalt  }
0x44: {  	_ =	shalt  }
0x45: {  	_ =	shalt  }
0x46: {  	_ =	shalt  }
0x47: {  	_ =	shalt  }
0x48: {  	_ =	shalt  }
0x49: {  	_ =	shalt  }
0x4a: {  	_ =	shalt  }
0x4b: {  	_ =	shalt  }
0x4c: {  	_ =	shalt  }
0x4d: {  	_ =	shalt  }
0x4e: {  	_ =	shalt  }
0x4f: {  	_ =	shalt  }
0x50: {  	_ =	shalt  }
0x51: {  	_ =	shalt  }
0x52: {  	_ =	shalt  }
0x53: {  	_ =	shalt  }
0x54: {  	_ =	shalt  }
0x55: {  	_ =	shalt  }
0x56: {  	_ =	shalt  }
0x57: {  	_ =	shalt  }
0x58: {  	_ =	shalt  }
0x59: {  	_ =	shalt  }
0x5a: {  	_ =	shalt  }
0x5b: {  	_ =	shalt  }
0x5c: {  	_ =	shalt  }
0x5d: {  	_ =	shalt  }
0x5e: {  	_ =	shalt  }
0x5f: {  	_ =	shalt  }
0x60: {  	_ =	shalt  }
0x61: {  	_ =	shalt  }
0x62: {  	_ =	shalt  }
0x63: {  	_ =	shalt  }
0x64: {  	_ =	shalt  }
0x65: {  	_ =	shalt  }
0x66: {  	_ =	shalt  }
0x67: {  	_ =	shalt  }
0x68: {  	_ =	shalt  }
0x69: {  	_ =	shalt  }
0x6a: {  	_ =	shalt  }
0x6b: {  	_ =	shalt  }
0x6c: {  	_ =	shalt  }
0x6d: {  	_ =	shalt  }
0x6e: {  	_ =	shalt  }
0x6f: {  	_ =	shalt  }
0x70: {  	_ =	shalt  }
0x71: {  	_ =	shalt  }
0x72: {  	_ =	shalt  }
0x73: {  	_ =	shalt  }
0x74: {  	_ =	shalt  }
0x75: {  	_ =	shalt  }
0x76: {  	_ =	shalt  }
0x77: {  	_ =	shalt  }
0x78: {  	_ =	shalt  }
0x79: {  	_ =	shalt  }
0x7a: {  	_ =	shalt  }
0x7b: {  	_ =	shalt  }
0x7c: {  	_ =	shalt  }
0x7d: {  	_ =	shalt  }
0x7e: {  	_ =	shalt  }
0x7f: {  	_ =	shalt  }
0x80: {  	_ =	shalt  }
0x81: {  	_ =	shalt  }
0x82: {  	_ =	shalt  }
0x83: {  	_ =	shalt  }
0x84: {  	_ =	shalt  }
0x85: {  	_ =	shalt  }
0x86: {  	_ =	shalt  }
0x87: {  	_ =	shalt  }
.Lfunc_end0:
.L_simem_size_0:
called_computation_lowered:
.L_overlay_start_0:
0x88: {  	s2 =	sld [smem:$0x3FD9]  }
0x89: {  	s3 =	sld [smem:$0x3FFE];
	_ =	sdelay $0x1  }
0x8a: {  	s1 =	srdreg.scid  }
0x8b: {  	s0 =	sand.u32 $0x1, s1  }
0x8c: {  	s17 =	sshll.u32 s0, $0xA;
	s2 =	sadd.s32 s3, s2  }
0x8d: {  	s2 =	sadd.s32 s2, s17  }
0x8e: {  	[smem:$0x3FC0] =	sst s2  }
0x8f: {  	_ = 	snop  }
0x90: {  	s2 =	sld [smem:$0x3FD0];
	(tm) =	ssettm $0x1  }
0x91: {  	s18 =	sld [smem:$0x3FFB];
	_ =	sdelay $0x3  }
0x92: {  	_ =	strace s18  }
0x93: {  	s3 =	sld [smem:$0x3FFC];
	_ =	sdelay $0x3  }
0x94: {  	_ =	strace s3  }
0x95: {  	s3 =	sld [smem:$0x3FFD];
	_ =	sdelay $0x3  }
0x96: {  	_ =	strace s3  }
0x97: {  	_ =	strace $0x8FFFFFFF  }
0x98: {  	s19 =	sld [smem:$0x3FDB];
	_ =	sdelay $0x1  }
0x99: {  	s4 =	simm.s32 $_scs_section_size  }
0x9a: {  	s5 =	simm.s32 $_size__tile_overlayer_lowered;
	s6 =	simm.s32 $_tile_overlayer_lowered  }
0x9b: {  	s22 =	simm.s32 $0x1BFF;
	s21 =	sshll.u32 s6, $0x1;
	s3 =	sadd.s32 s4, s19  }
0x9c: {  	s7 =	simm.s32 $0x0;
	s20 =	sshll.u32 s5, $0x1;
	s5 =	sadd.s32 s21, s3  }
0x9d: {  	[timem:s7], [sflag:s22] =	dma.local [hbm:s5], s20  }
0x9e: {  	_ =	swait.ge [sflag:s22], s20  }
0x9f: {  	s4 =	ssub.s32 $0x0, s20;
	[sflag:s22] =	ssyncset.done $0x0  }
0xa0: {  	[sflag:s22] =	ssyncadd.s32 s4;
	_ =	sdelay $0x1  }
0xa1: {  	s23 =	simm.s32 $0x1B8B  }
0xa2: {  	_ =	swait.ge [sflag:s23], $0x1  }
0xa3: {  	[sflag:s23] =	ssyncset.done $0x0  }
0xa4: {  	s25 =	simm.s32 $0x1B8E;
	s24 =	sld [smem:$0x3FFE];
	[sflag:s23] =	ssyncadd.s32 $0xFFFFFFFF  }
0xa5: {  	s26 =	simm.s32 $execute0_lowered;
	[smem:$0x3FD2] =	sst s25  }
0xa6: {  	s5 =	sshll.u32 s26, $0x1;
	_ =	strace $0x80000046;
	[dreg:$0x1] =	wrdreg $0xFFFFFFFF  }
0xa7: {  	s28 =	simm.s32 $_size_execute0_lowered;
	s3 =	sadd.s32 s3, s5;
	[dreg:$0x0] =	wrdreg $0x0  }
0xa8: {  	s5 =	sshll.u32 s28, $0x1;
	[dreg:$0x2] =	wrdreg s3  }
0xa9: {  	[dreg:$0x3] =	wrdreg s5  }
0xaa: {  	[dreg:$0x4] =	wrdreg $0xC0  }
0xab: {  	_ =	task [dreg:s7], $0x5FFFF  }
0xac: {  	[dreg:$0x1] =	wrdreg $0xFFFFFFFF  }
0xad: {  	[dreg:$0x0] =	wrdreg $0x60  }
0xae: {  	[dreg:$0x2] =	wrdreg s2  }
0xaf: {  	[dreg:$0x3] =	wrdreg s24  }
0xb0: {  	[dreg:$0x4] =	wrdreg $0xA1900  }
0xb1: {  	[dreg:$0x5] =	wrdreg $0x1E1900  }
0xb2: {  	[dreg:$0x6] =	wrdreg $0x9  }
0xb3: {  	_ =	task.clear_ibuf [dreg:s7], $0x7FFFF;
	_ =	strace $0x90000046  }
0xb4: {  	s29 =	simm.s32 $0x9;
	_ =	strace $0x80000048  }
0xb5: {  	_ =	swait.ge [sflag:s29], $0x1  }
0xb6: {  	[sflag:s29] =	ssyncadd.s32 $0xFFFFFFFF  }
0xb7: {  	_ =	strace $0x90000048  }
0xb8: {  	_ =	sfence  }
0xb9: {  	s30 =	sld [smem:$0x0];
	_ =	sdelay $0x2  }
0xba: {  	s31 =	sshll.u32 s1, $0xD;
	s1 =	sshrl.u32 s1, $0x2  }
0xbb: {  	s3 =	sand.u32 $0x4000, s31;
	s1 =	sadd.s32 s1, s30  }
0xbc: {  	s0 =	sor.u32 s3, s0;
	s1 =	sshll.u32 s1, $0x11  }
0xbd: {  	s0 =	sor.u32 s1, s0  }
0xbe: {  	s0 =	sadd.s32 $0x8F2B, s0  }
0xbf: {  	[sflag:s0] =	ssyncadd.remote.s32 $0x1  }
0xc0: {  	_ =	sfence.sel $0xFFFF  }
0xc1: {  	[dreg:$0x0] =	wrdreg $0xFFFFFFFF;
	(pc) =	sbr.abs _section_cstart, $3  }
0xc2: {  	[dreg:$0x1] =	wrdreg $0xFFFFFFFF  }
0xc3: {  	_ =	task.clear_ibuf [dreg:s7], $0x2FFFF;
	_ =	strace $0x9FFFFFFF  }
0xc4: {  	(tm) =	ssettm $0x7FFFFFFF  }
0xc5: {  	_ =	shalt  }
tec
execute0_lowered:
.L_overlay_start_1:
0x0: {  	(tag) =	ssettag $0x1  }
0x1: {  	s1 =	rddreg [dreg:$0x0]  }
0x2: {  	s5 =	rddreg [dreg:$0x1]  }
0x3: {  	s0 =	srdreg.scid;
	s3 =	rddreg [dreg:$0x2]  }
0x4: {  	s8 =	stileid.u32;
	s4 =	rddreg [dreg:$0x3];
	s9 =	simm.s32 $0x0  }
0x5: {  	s28 =	simm.s32 $0x8;
	s29 =	simm.s32 $0xA140;
	s6 =	smul.u32 $0x14000, s8  }
0x6: {  	s0 =	sand.u32 $0x1, s0;
	s2 =	sshll.u32 s8, $0x1;
	s8 =	smul.u32 $0x280, s8  }
0x7: {  	s30 =	simm.s32 $0x50;
	s31 =	simm.s32 $0x9F10;
	s7 =	smul.u32 $0x140000, s0  }
0x8: {  	[smem:$0x7FF] =	sst s9;
	s2 =	sor.u32 s0, s2;
	s16 =	smul.u32 $0x2800, s0  }
0x9: {  	_ =	strace $0x80000047;
	s0 =	ssub.s32 $0x2, s0;
	s2 =	smul.u32 $0x4E2, s2  }
0xa: {  	s10 =	sor.u32 $0x50, s8;
	s17 =	sshrl.u32 s0, $0x1;
	s19 =	sadd.s32 $0xA0, s8  }
0xb: {  	s20 =	sadd.s32 $0xF0, s8;
	s12 =	sadd.s32 $0x140, s8;
	s23 =	sadd.s32 $0x190, s8  }
0xc: {  	s24 =	sadd.s32 $0x1E0, s8;
	s7 =	sadd.s32 s6, s7;
	s9 =	sadd.s32 s8, s16  }
0xd: {  	s11 =	sshll.u32 s10, $0x7;
	s0 =	ssub.s32 s0, s17;
	s6 =	sadd.s32 s6, s3  }
0xe: {  	s13 =	sshll.u32 s19, $0x7;
	s14 =	sshll.u32 s20, $0x7;
	s15 =	sshll.u32 s12, $0x7  }
0xf: {  	s16 =	sadd.s32 $0x230, s8;
	s25 =	sshll.u32 s23, $0x7;
	s17 =	sshll.u32 s24, $0x7  }
0x10: {  	s19 =	sadd.s32 s19, s4;
	s20 =	sadd.s32 s20, s4;
	s7 =	sshrl.u32 s7, $0x3  }
0x11: {  	s2 =	sadd.s32 s2, s5;
	s9 =	sshrl.u32 s9, $0x3;
	[dreg:$0xd] =	wrdreg s19  }
0x12: {  	s18 =	sadd.s32 s11, s3;
	s13 =	sadd.s32 s13, s3;
	[dreg:$0xe] =	wrdreg s20  }
0x13: {  	s21 =	sadd.s32 s14, s3;
	s22 =	sadd.s32 s15, s3;
	[dreg:$0x5] =	wrdreg s18  }
0x14: {  	s14 =	sadd.s32 s25, s3;
	s26 =	sadd.s32 s17, s3;
	[dreg:$0x6] =	wrdreg s13  }
0x15: {  	s0 =	smax.u32 s0, $0x1;
	s11 =	simm.s32 $0x2;
	[dreg:$0x7] =	wrdreg s21  }
0x16: {  	s15 =	simm.s32 $0x7;
	s19 =	simm.s32 $0x6;
	[dreg:$0x8] =	wrdreg s22  }
0x17: {  	s20 =	simm.s32 $0x0;
	s7 =	sadd.s32 s7, s5;
	[dreg:$0x9] =	wrdreg s14  }
0x18: {  	s5 =	sadd.s32 s9, s5;
	s18 =	sshll.u32 s16, $0x7;
	[dreg:$0xa] =	wrdreg s26  }
0x19: {  	s14 =	sadd.s32 s8, s4;
	s21 =	sadd.s32 s12, s4;
	[dreg:$0x16] =	wrdreg s0  }
0x1a: {  	s22 =	sadd.s32 s23, s4;
	s23 =	sadd.s32 s24, s4;
	[dreg:$0xf] =	wrdreg s21  }
0x1b: {  	s24 =	sadd.s32 s16, s4;
	s2 =	sadd.s32 $0x2E00, s2;
	[dreg:$0x10] =	wrdreg s22  }
0x1c: {  	s0 =	simm.s32 $0x4F10;
	s8 =	simm.s32 $0xA0F0;
	[dreg:$0x11] =	wrdreg s23  }
0x1d: {  	s9 =	simm.s32 $0xA050;
	s12 =	simm.s32 $0xA000;
	[dreg:$0x12] =	wrdreg s24  }
0x1e: {  	s13 =	simm.s32 $0x4;
	s17 =	sadd.s32 s18, s3;
	[dreg:$0x13] =	wrdreg s2  }
0x1f: {  	s16 =	simm.s32 $0x3;
	s18 =	sadd.s32 s10, s4;
	[dreg:$0xb] =	wrdreg s17  }
0x20: {  	s25 =	sadd.s32 $0xD600, s7;
	s26 =	sadd.s32 $0xCC00, s5;
	[dreg:$0xc] =	wrdreg s18  }
0x21: {  	s2 =	simm.s32 $0x9FB0;
	s5 =	simm.s32 $0x1;
	[dreg:$0x14] =	wrdreg s25  }
0x22: {  	s7 =	simm.s32 $0x9F60;
	s10 =	simm.s32 $0x7710;
	[dreg:$0x15] =	wrdreg s26  }
0x23: {  	v0 =	vimm.f32 $0.0e+00;
	v1 =	vimm.f32 $1.000000000e+00;
	s26 =	simm.s32 $0x2710;
	s17 =	simm.s32 $0xA0A0;
	s18 =	simm.s32 $0x5  }
.LBB2_1:
0x24: {  	s22 =	simm.s32 $0x0  }
0x25: {  	s21 =	sand.u32 $0xFE00, s22  }
0x26: {  	s22 =	sand.u32 $0x70, s22;
	s23 =	sshrl.u32 s21, $0x2  }
0x27: {  	s21 =	simm.s32 $0x40;
	s23 =	sor.u32 s22, s23;
	s22 =	simm.s32 $0x0  }
.LBB2_2:
0x28: {  	p0 =	sne.s32 s21, $0x9FC0  }
0x29: {  	[tilespmem:s23+$0x2710] =	vst v0;
	s22 =	sadd.s32 $0x10, s22;
	s23 =	smov.u32 s21;
	s21 =	sadd.s32 $0x40, s21  }
.Ltmp0:
0x2a: {  	(pc) =	sbr.rel @p0 .LBB2_2-.Ltmp0, $4  }
0x2b: {  	_ = 	snop  }
0x2c: {  	s23 =	sand.u32 $0xFE00, s23  }
0x2d: {  	s24 =	sand.u32 $0x70, s22;
	s23 =	sshrl.u32 s23, $0x2  }
0x2e: {  	s23 =	sor.u32 s24, s23  }
0x2f: {  	[tilespmem:s23+$0x2710] =	vst v0  }
0x30: {  	[spmem:s6] =	stream.linear.scatter [tilespmem:s26], [sflag:$0x8], $0x2800, $0x38;
	[tilespmem:$0x1E410] =	vst v63  }
0x31: {  	_ =	swait.ge [sflag:s28], $0x2800  }
0x32: {  	[sflag:s28] =	ssyncset.done $0x0  }
0x33: {  	s21 =	rddreg [dreg:$0x5];
	[sflag:s28] =	ssyncadd.s32 $0xFFFFD800  }
0x34: {  	[spmem:s21] =	stream.linear.scatter [tilespmem:s26], [sflag:$0x8], $0x2800, $0x38;
	[tilespmem:$0x1E410] =	vst v63  }
0x35: {  	_ =	swait.ge [sflag:s28], $0x2800  }
0x36: {  	[sflag:s28] =	ssyncset.done $0x0  }
0x37: {  	s25 =	rddreg [dreg:$0x6];
	[sflag:s28] =	ssyncadd.s32 $0xFFFFD800  }
0x38: {  	[spmem:s25] =	stream.linear.scatter [tilespmem:s26], [sflag:$0x8], $0x2800, $0x38;
	[tilespmem:$0x1E410] =	vst v63  }
0x39: {  	_ =	swait.ge [sflag:s28], $0x2800  }
0x3a: {  	[sflag:s28] =	ssyncset.done $0x0  }
0x3b: {  	s22 =	rddreg [dreg:$0x7];
	[sflag:s28] =	ssyncadd.s32 $0xFFFFD800  }
0x3c: {  	[spmem:s22] =	stream.linear.scatter [tilespmem:s26], [sflag:$0x8], $0x2800, $0x38;
	[tilespmem:$0x1E410] =	vst v63  }
0x3d: {  	_ =	swait.ge [sflag:s28], $0x2800  }
0x3e: {  	[sflag:s28] =	ssyncset.done $0x0  }
0x3f: {  	s23 =	rddreg [dreg:$0x8];
	[sflag:s28] =	ssyncadd.s32 $0xFFFFD800  }
0x40: {  	[spmem:s23] =	stream.linear.scatter [tilespmem:s26], [sflag:$0x8], $0x2800, $0x38;
	[tilespmem:$0x1E410] =	vst v63  }
0x41: {  	_ =	swait.ge [sflag:s28], $0x2800  }
0x42: {  	[sflag:s28] =	ssyncset.done $0x0  }
0x43: {  	s24 =	rddreg [dreg:$0x9];
	[sflag:s28] =	ssyncadd.s32 $0xFFFFD800  }
0x44: {  	[spmem:s24] =	stream.linear.scatter [tilespmem:s26], [sflag:$0x8], $0x2800, $0x38;
	[tilespmem:$0x1E410] =	vst v63  }
0x45: {  	_ =	swait.ge [sflag:s28], $0x2800  }
0x46: {  	[sflag:s28] =	ssyncset.done $0x0  }
0x47: {  	s25 =	rddreg [dreg:$0xa];
	[sflag:s28] =	ssyncadd.s32 $0xFFFFD800  }
0x48: {  	[spmem:s25] =	stream.linear.scatter [tilespmem:s26], [sflag:$0x8], $0x2800, $0x38;
	[tilespmem:$0x1E410] =	vst v63  }
0x49: {  	_ =	swait.ge [sflag:s28], $0x2800  }
0x4a: {  	[sflag:s28] =	ssyncset.done $0x0  }
0x4b: {  	s22 =	rddreg [dreg:$0xb];
	[sflag:s28] =	ssyncadd.s32 $0xFFFFD800  }
0x4c: {  	[spmem:s22] =	stream.linear.scatter [tilespmem:s26], [sflag:$0x8], $0x2800, $0x38;
	[tilespmem:$0x1E410] =	vst v63  }
0x4d: {  	_ =	swait.ge [sflag:s28], $0x2800  }
0x4e: {  	[sflag:s28] =	ssyncset.done $0x0  }
0x4f: {  	[sflag:s28] =	ssyncadd.s32 $0xFFFFD800  }
0x50: {  	[tilespmem:$0xA140] =	vst v0  }
0x51: {  	[tilespmem:$0xA0F0] =	vst v1  }
0x52: {  	[tilespmem:$0xA150] =	vst v0  }
0x53: {  	[tilespmem:$0xA100] =	vst v1  }
0x54: {  	[tilespmem:$0xA160] =	vst v0  }
0x55: {  	[tilespmem:$0xA110] =	vst v1  }
0x56: {  	[tilespmem:$0xA170] =	vst v0  }
0x57: {  	[tilespmem:$0xA120] =	vst v1  }
0x58: {  	[tilespmem:$0xA180] =	vst v0  }
0x59: {  	[tilespmem:$0xA130] =	vst v1  }
0x5a: {  	[spmem:s14] =	stream.linear.scatter [tilespmem:s29], [sflag:$0x8], $0x50, $0x38;
	[tilespmem:$0x1E410] =	vst v63  }
0x5b: {  	_ =	swait.ge [sflag:s28], $0x50  }
0x5c: {  	[sflag:s28] =	ssyncset.done $0x0  }
0x5d: {  	s23 =	rddreg [dreg:$0xc];
	[sflag:s28] =	ssyncadd.s32 $0xFFFFFFB0  }
0x5e: {  	[spmem:s23] =	stream.linear.scatter [tilespmem:s29], [sflag:$0x8], $0x50, $0x38;
	[tilespmem:$0x1E410] =	vst v63  }
0x5f: {  	_ =	swait.ge [sflag:s28], $0x50  }
0x60: {  	[sflag:s28] =	ssyncset.done $0x0  }
0x61: {  	s24 =	rddreg [dreg:$0xd];
	[sflag:s28] =	ssyncadd.s32 $0xFFFFFFB0  }
0x62: {  	[spmem:s24] =	stream.linear.scatter [tilespmem:s29], [sflag:$0x8], $0x50, $0x38;
	[tilespmem:$0x1E410] =	vst v63  }
0x63: {  	_ =	swait.ge [sflag:s28], $0x50  }
0x64: {  	[sflag:s28] =	ssyncset.done $0x0  }
0x65: {  	s25 =	rddreg [dreg:$0xe];
	[sflag:s28] =	ssyncadd.s32 $0xFFFFFFB0  }
0x66: {  	[spmem:s25] =	stream.linear.scatter [tilespmem:s29], [sflag:$0x8], $0x50, $0x38;
	[tilespmem:$0x1E410] =	vst v63  }
0x67: {  	_ =	swait.ge [sflag:s28], $0x50  }
0x68: {  	[sflag:s28] =	ssyncset.done $0x0  }
0x69: {  	s22 =	rddreg [dreg:$0xf];
	[sflag:s28] =	ssyncadd.s32 $0xFFFFFFB0  }
0x6a: {  	[spmem:s22] =	stream.linear.scatter [tilespmem:s29], [sflag:$0x8], $0x50, $0x38;
	[tilespmem:$0x1E410] =	vst v63  }
0x6b: {  	_ =	swait.ge [sflag:s28], $0x50  }
0x6c: {  	[sflag:s28] =	ssyncset.done $0x0  }
0x6d: {  	s23 =	rddreg [dreg:$0x10];
	[sflag:s28] =	ssyncadd.s32 $0xFFFFFFB0  }
0x6e: {  	[spmem:s23] =	stream.linear.scatter [tilespmem:s29], [sflag:$0x8], $0x50, $0x38;
	[tilespmem:$0x1E410] =	vst v63  }
0x6f: {  	_ =	swait.ge [sflag:s28], $0x50  }
0x70: {  	[sflag:s28] =	ssyncset.done $0x0  }
0x71: {  	s24 =	rddreg [dreg:$0x11];
	[sflag:s28] =	ssyncadd.s32 $0xFFFFFFB0  }
0x72: {  	[spmem:s24] =	stream.linear.scatter [tilespmem:s29], [sflag:$0x8], $0x50, $0x38;
	[tilespmem:$0x1E410] =	vst v63  }
0x73: {  	_ =	swait.ge [sflag:s28], $0x50  }
0x74: {  	[sflag:s28] =	ssyncset.done $0x0  }
0x75: {  	s25 =	rddreg [dreg:$0x12];
	[sflag:s28] =	ssyncadd.s32 $0xFFFFFFB0  }
0x76: {  	[spmem:s25] =	stream.linear.scatter [tilespmem:s29], [sflag:$0x8], $0x50, $0x38;
	[tilespmem:$0x1E410] =	vst v63  }
0x77: {  	_ =	swait.ge [sflag:s28], $0x50  }
0x78: {  	[sflag:s28] =	ssyncset.done $0x0  }
0x79: {  	s21 =	simm.s32 $0x0;
	s22 =	rddreg [dreg:$0x13];
	[sflag:s28] =	ssyncadd.s32 $0xFFFFFFB0  }
0x7a: {  	[tilespmem:s21], [sflag:$0x8] =	stream.linear.gather [hbm4b:s22+s21], $0x2710, $0x38;
	[tilespmem:$0x1E410] =	vst v63  }
0x7b: {  	_ =	swait.ge [sflag:s28], $0x2710  }
0x7c: {  	[sflag:s28] =	ssyncset.done $0x0  }
0x7d: {  	[sflag:s28] =	ssyncadd.s32 $0xFFFFD8F0  }
0x7e: {  	v2 =	vld [tilespmem:$0x0];
	_ =	sdelay $0x1  }
0x7f: {  	v3 =	vld [tilespmem:$0x10];
	_ =	sdelay $0x1  }
0x80: {  	v4 =	vld [tilespmem:$0x20]  }
0x81: {  	v5 =	vand.u32 $0x3FFF, v2  }
0x82: {  	v56 =	vld [tilespmem:$0x30];
	v2 =	vshrl.u32 v2, $0xE;
	[tilespmem:$0x9F10] =	vst v5  }
0x83: {  	[tilespmem:$0x9F60] =	vst v2;
	v2 =	vand.u32 $0x3FFF, v3  }
0x84: {  	[tilespmem:$0x9F20] =	vst v2;
	v2 =	vshrl.u32 v3, $0xE;
	v3 =	vld [tilespmem:$0x40]  }
0x85: {  	[tilespmem:$0x9F70] =	vst v2;
	v2 =	vand.u32 $0x3FFF, v4  }
0x86: {  	v57 =	vld [tilespmem:$0x50];
	[tilespmem:$0x9F30] =	vst v2;
	v2 =	vshrl.u32 v4, $0xE  }
0x87: {  	[tilespmem:$0x9F80] =	vst v2;
	v2 =	vand.u32 $0x3FFF, v56  }
0x88: {  	v58 =	vld [tilespmem:$0x60];
	[tilespmem:$0x9F40] =	vst v2;
	v2 =	vshrl.u32 v56, $0xE  }
0x89: {  	[tilespmem:$0x9F90] =	vst v2;
	v2 =	vand.u32 $0x3FFF, v3  }
0x8a: {  	[tilespmem:$0x9F50] =	vst v2;
	v2 =	vshrl.u32 v3, $0xE;
	v3 =	vld [tilespmem:$0x70]  }
0x8b: {  	[tilespmem:$0x9FA0] =	vst v2;
	v2 =	vand.u32 $0x3FFF, v57  }
0x8c: {  	v59 =	vld [tilespmem:$0x80];
	[tilespmem:$0x9FB0] =	vst v2;
	v2 =	vshrl.u32 v57, $0xE  }
0x8d: {  	[tilespmem:$0xA000] =	vst v2;
	v2 =	vand.u32 $0x3FFF, v58  }
0x8e: {  	v60 =	vld [tilespmem:$0x90];
	[tilespmem:$0x9FC0] =	vst v2;
	v2 =	vshrl.u32 v58, $0xE  }
0x8f: {  	[tilespmem:$0xA010] =	vst v2;
	v2 =	vand.u32 $0x3FFF, v3  }
0x90: {  	[tilespmem:$0x9FD0] =	vst v2;
	v2 =	vshrl.u32 v3, $0xE;
	v3 =	vld [tilespmem:$0xA0]  }
0x91: {  	[tilespmem:$0xA020] =	vst v2;
	v2 =	vand.u32 $0x3FFF, v59  }
0x92: {  	v61 =	vld [tilespmem:$0xB0];
	[tilespmem:$0x9FE0] =	vst v2;
	v2 =	vshrl.u32 v59, $0xE  }
0x93: {  	[tilespmem:$0xA030] =	vst v2;
	v2 =	vand.u32 $0x3FFF, v60  }
0x94: {  	v62 =	vld [tilespmem:$0xC0];
	[tilespmem:$0x9FF0] =	vst v2;
	v2 =	vshrl.u32 v60, $0xE  }
0x95: {  	[tilespmem:$0xA040] =	vst v2;
	v2 =	vand.u32 $0x3FFF, v3  }
0x96: {  	[tilespmem:$0xA050] =	vst v2;
	v2 =	vshrl.u32 v3, $0xE;
	v3 =	vld [tilespmem:$0xD0]  }
0x97: {  	[tilespmem:$0xA0A0] =	vst v2;
	v2 =	vand.u32 $0x3FFF, v61  }
0x98: {  	v63 =	vld [tilespmem:$0xE0];
	[tilespmem:$0xA060] =	vst v2;
	v2 =	vshrl.u32 v61, $0xE  }
0x99: {  	[tilespmem:$0xA0B0] =	vst v2;
	v2 =	vand.u32 $0x3FFF, v62  }
0x9a: {  	[tilespmem:$0xA070] =	vst v2;
	v2 =	vshrl.u32 v62, $0xE  }
0x9b: {  	[tilespmem:$0xA0C0] =	vst v2;
	v2 =	vand.u32 $0x3FFF, v3  }
0x9c: {  	[tilespmem:$0xA080] =	vst v2;
	v2 =	vshrl.u32 v3, $0xE  }
0x9d: {  	[tilespmem:$0xA0D0] =	vst v2;
	v2 =	vand.u32 $0x3FFF, v63  }
0x9e: {  	[tilespmem:$0xA090] =	vst v2;
	v2 =	vshrl.u32 v63, $0xE  }
0x9f: {  	[tilespmem:$0xA0E0] =	vst v2  }
0xa0: {  	[bflag:$0x0] =	sbarrier.arrive $0xFFFF  }
0xa1: {  	[tilespmem:s26], [sflag:$0x1] =	stream.indirect.gather [hbm4b:s1+s30], $0x80, s31, s30, $0xb8;
	[tilespmem:$0x1E410] =	vst v63  }
0xa2: {  	_ = 	snop  }
0xa3: {  	[tilespmem:s0], [sflag:$0x2] =	stream.indirect.gather [hbm4b:s1+s30], $0x80, s2, s30, $0xb8;
	[tilespmem:$0x1E410] =	vst v63  }
0xa4: {  	_ =	swait.ge [sflag:s5], $0x2800  }
0xa5: {  	p0 =	por $0x1, $0x1;
	[sflag:s5] =	ssyncset.done $0x0  }
0xa6: {  	p0 =	por p0, p0;
	s22 =	simm.s32 $0x3C0;
	[sflag:s5] =	ssyncadd.s32 $0xFFFFD800  }
0xa7: {  	[spmem:s3] =	stream.indirect.scatter.add.f32 [tilespmem:s26], [sflag:$0x4], $0x80, s7, s30, $0xb8;
	[tilespmem:$0x1E410] =	vst v63  }
.LBB2_4:
0xa8: {  	p2 =	seq.s32 s22, $0x0  }
0xa9: {  	s23 =	simm.s32 @!p0 $0x6;
	s24 =	smov.u32 s22;
	s22 =	sadd.s32 $0x3C0, s22  }
0xaa: {  	[spmem:s4] =	stream.indirect.scatter.add.f32 [tilespmem:s8], [sflag:$0x7], $0x1, s7, s30, $0xb8;
	[tilespmem:$0x1E410] =	vst v63  }
0xab: {  	p1 =	sne.s32 s22, $0x99C0;
	_ =	swait.ge @!p0 [sflag:s23], $0x2800  }
0xac: {  	s25 =	simm.s32 @!p0 $0x7;
	[sflag:s23] =	ssyncset.done @!p0 $0x0  }
0xad: {  	[sflag:s23] =	ssyncadd.s32 @!p0 $0xFFFFD800  }
0xae: {  	_ =	swait.ge @!p0 [sflag:s25], $0x50  }
0xaf: {  	[sflag:s25] =	ssyncset.done @!p0 $0x0  }
0xb0: {  	s23 =	sshra.s32 s21, $0x2;
	s21 =	smov.u32 s24;
	[sflag:s25] =	ssyncadd.s32 @!p0 $0xFFFFFFB0  }
0xb1: {  	p0 =	por p2, p2;
	v2 =	vld [tilespmem:s23+$0xA0];
	_ =	sdelay $0x4  }
0xb2: {  	v3 =	vand.u32 $0x3FFF, v2;
	v2 =	vshrl.u32 v2, $0xE  }
0xb3: {  	[tilespmem:$0xA050] =	vst v3  }
0xb4: {  	[tilespmem:$0xA0A0] =	vst v2  }
0xb5: {  	v2 =	vld [tilespmem:s23+$0xB0];
	_ =	sdelay $0x4  }
0xb6: {  	v3 =	vand.u32 $0x3FFF, v2;
	v2 =	vshrl.u32 v2, $0xE  }
0xb7: {  	[tilespmem:$0xA060] =	vst v3  }
0xb8: {  	[tilespmem:$0xA0B0] =	vst v2  }
0xb9: {  	v2 =	vld [tilespmem:s23+$0xC0];
	_ =	sdelay $0x4  }
0xba: {  	v3 =	vand.u32 $0x3FFF, v2;
	v2 =	vshrl.u32 v2, $0xE  }
0xbb: {  	[tilespmem:$0xA070] =	vst v3  }
0xbc: {  	[tilespmem:$0xA0C0] =	vst v2  }
0xbd: {  	v2 =	vld [tilespmem:s23+$0xD0];
	_ =	sdelay $0x4  }
0xbe: {  	v3 =	vand.u32 $0x3FFF, v2;
	v2 =	vshrl.u32 v2, $0xE  }
0xbf: {  	[tilespmem:$0xA080] =	vst v3  }
0xc0: {  	[tilespmem:$0xA0D0] =	vst v2  }
0xc1: {  	v2 =	vld [tilespmem:s23+$0xE0];
	_ =	sdelay $0x4  }
0xc2: {  	v3 =	vand.u32 $0x3FFF, v2;
	v2 =	vshrl.u32 v2, $0xE  }
0xc3: {  	[tilespmem:$0xA090] =	vst v3  }
0xc4: {  	[tilespmem:$0xA0E0] =	vst v2  }
0xc5: {  	[tilespmem:s10], [sflag:$0x3] =	stream.indirect.gather [hbm4b:s1+s30], $0x80, s9, s30, $0xb8;
	[tilespmem:$0x1E410] =	vst v63  }
0xc6: {  	_ =	swait.ge [sflag:s11], $0x2800  }
0xc7: {  	[sflag:s11] =	ssyncset.done $0x0  }
0xc8: {  	[sflag:s11] =	ssyncadd.s32 $0xFFFFD800  }
0xc9: {  	[spmem:s3] =	stream.indirect.scatter.add.f32 [tilespmem:s0], [sflag:$0x5], $0x80, s12, s30, $0xb8;
	[tilespmem:$0x1E410] =	vst v63  }
0xca: {  	_ = 	snop  }
0xcb: {  	[spmem:s4] =	stream.indirect.scatter.add.f32 [tilespmem:s8], [sflag:$0x7], $0x1, s12, s30, $0xb8;
	[tilespmem:$0x1E410] =	vst v63  }
0xcc: {  	_ =	swait.ge [sflag:s13], $0x2800  }
0xcd: {  	[sflag:s13] =	ssyncset.done $0x0  }
0xce: {  	[sflag:s13] =	ssyncadd.s32 $0xFFFFD800  }
0xcf: {  	_ =	swait.ge [sflag:s15], $0x50  }
0xd0: {  	[sflag:s15] =	ssyncset.done $0x0  }
0xd1: {  	[sflag:s15] =	ssyncadd.s32 $0xFFFFFFB0  }
0xd2: {  	v2 =	vld [tilespmem:s23+$0xF0];
	_ =	sdelay $0x4  }
0xd3: {  	v3 =	vand.u32 $0x3FFF, v2;
	v2 =	vshrl.u32 v2, $0xE  }
0xd4: {  	[tilespmem:$0x9F10] =	vst v3  }
0xd5: {  	[tilespmem:$0x9F60] =	vst v2  }
0xd6: {  	v2 =	vld [tilespmem:s23+$0x100];
	_ =	sdelay $0x4  }
0xd7: {  	v3 =	vand.u32 $0x3FFF, v2;
	v2 =	vshrl.u32 v2, $0xE  }
0xd8: {  	[tilespmem:$0x9F20] =	vst v3  }
0xd9: {  	[tilespmem:$0x9F70] =	vst v2  }
0xda: {  	v2 =	vld [tilespmem:s23+$0x110];
	_ =	sdelay $0x4  }
0xdb: {  	v3 =	vand.u32 $0x3FFF, v2;
	v2 =	vshrl.u32 v2, $0xE  }
0xdc: {  	[tilespmem:$0x9F30] =	vst v3  }
0xdd: {  	[tilespmem:$0x9F80] =	vst v2  }
0xde: {  	v2 =	vld [tilespmem:s23+$0x120];
	_ =	sdelay $0x4  }
0xdf: {  	v3 =	vand.u32 $0x3FFF, v2;
	v2 =	vshrl.u32 v2, $0xE  }
0xe0: {  	[tilespmem:$0x9F40] =	vst v3  }
0xe1: {  	[tilespmem:$0x9F90] =	vst v2  }
0xe2: {  	v2 =	vld [tilespmem:s23+$0x130];
	_ =	sdelay $0x4  }
0xe3: {  	v3 =	vand.u32 $0x3FFF, v2;
	v2 =	vshrl.u32 v2, $0xE  }
0xe4: {  	[tilespmem:$0x9F50] =	vst v3  }
0xe5: {  	[tilespmem:$0x9FA0] =	vst v2  }
0xe6: {  	[tilespmem:s26], [sflag:$0x1] =	stream.indirect.gather [hbm4b:s1+s30], $0x80, s31, s30, $0xb8;
	[tilespmem:$0x1E410] =	vst v63  }
0xe7: {  	_ =	swait.ge [sflag:s16], $0x2800  }
0xe8: {  	[sflag:s16] =	ssyncset.done $0x0  }
0xe9: {  	[sflag:s16] =	ssyncadd.s32 $0xFFFFD800  }
0xea: {  	[spmem:s3] =	stream.indirect.scatter.add.f32 [tilespmem:s10], [sflag:$0x6], $0x80, s17, s30, $0xb8;
	[tilespmem:$0x1E410] =	vst v63  }
0xeb: {  	_ = 	snop  }
0xec: {  	[spmem:s4] =	stream.indirect.scatter.add.f32 [tilespmem:s8], [sflag:$0x7], $0x1, s17, s30, $0xb8;
	[tilespmem:$0x1E410] =	vst v63  }
0xed: {  	_ =	swait.ge [sflag:s18], $0x2800  }
0xee: {  	[sflag:s18] =	ssyncset.done $0x0  }
0xef: {  	[sflag:s18] =	ssyncadd.s32 $0xFFFFD800  }
0xf0: {  	_ =	swait.ge [sflag:s15], $0x50  }
0xf1: {  	[sflag:s15] =	ssyncset.done $0x0  }
0xf2: {  	[sflag:s15] =	ssyncadd.s32 $0xFFFFFFB0  }
0xf3: {  	v2 =	vld [tilespmem:s23+$0x140];
	_ =	sdelay $0x4  }
0xf4: {  	v3 =	vand.u32 $0x3FFF, v2;
	v2 =	vshrl.u32 v2, $0xE  }
0xf5: {  	[tilespmem:$0x9FB0] =	vst v3  }
0xf6: {  	[tilespmem:$0xA000] =	vst v2  }
0xf7: {  	v2 =	vld [tilespmem:s23+$0x150];
	_ =	sdelay $0x4  }
0xf8: {  	v3 =	vand.u32 $0x3FFF, v2;
	v2 =	vshrl.u32 v2, $0xE  }
0xf9: {  	[tilespmem:$0x9FC0] =	vst v3  }
0xfa: {  	[tilespmem:$0xA010] =	vst v2  }
0xfb: {  	v2 =	vld [tilespmem:s23+$0x160];
	_ =	sdelay $0x4  }
0xfc: {  	v3 =	vand.u32 $0x3FFF, v2;
	v2 =	vshrl.u32 v2, $0xE  }
0xfd: {  	[tilespmem:$0x9FD0] =	vst v3  }
0xfe: {  	[tilespmem:$0xA020] =	vst v2  }
0xff: {  	v2 =	vld [tilespmem:s23+$0x170];
	_ =	sdelay $0x4  }
0x100: {  	v3 =	vand.u32 $0x3FFF, v2;
	v2 =	vshrl.u32 v2, $0xE  }
0x101: {  	[tilespmem:$0x9FE0] =	vst v3  }
0x102: {  	[tilespmem:$0xA030] =	vst v2  }
0x103: {  	v2 =	vld [tilespmem:s23+$0x180];
	_ =	sdelay $0x4  }
0x104: {  	v3 =	vand.u32 $0x3FFF, v2;
	v2 =	vshrl.u32 v2, $0xE  }
0x105: {  	[tilespmem:$0x9FF0] =	vst v3  }
0x106: {  	[tilespmem:$0xA040] =	vst v2  }
0x107: {  	[tilespmem:s0], [sflag:$0x2] =	stream.indirect.gather [hbm4b:s1+s30], $0x80, s2, s30, $0xb8;
	[tilespmem:$0x1E410] =	vst v63  }
.Ltmp1:
0x108: {  	_ = 	snop;
	(pc) =	sbr.rel @p1 .LBB2_4-.Ltmp1, $4  }
0x109: {  	_ =	swait.ge [sflag:s5], $0x2800  }
0x10a: {  	[sflag:s5] =	ssyncset.done $0x0  }
0x10b: {  	[sflag:s5] =	ssyncadd.s32 $0xFFFFD800  }
0x10c: {  	[spmem:s3] =	stream.indirect.scatter.add.f32 [tilespmem:s26], [sflag:$0x4], $0x80, s7, s30, $0xb8;
	[tilespmem:$0x1E410] =	vst v63  }
0x10d: {  	s22 =	simm.s32 @!p0 $0x6  }
0x10e: {  	[spmem:s4] =	stream.indirect.scatter.add.f32 [tilespmem:s8], [sflag:$0x7], $0x1, s7, s30, $0xb8;
	[tilespmem:$0x1E410] =	vst v63  }
0x10f: {  	_ =	swait.ge @!p0 [sflag:s22], $0x2800  }
0x110: {  	[sflag:s22] =	ssyncset.done @!p0 $0x0  }
0x111: {  	[sflag:s22] =	ssyncadd.s32 @!p0 $0xFFFFD800;
	s22 =	simm.s32 @!p0 $0x7  }
0x112: {  	_ =	swait.ge @!p0 [sflag:s22], $0x50  }
0x113: {  	[sflag:s22] =	ssyncset.done @!p0 $0x0  }
0x114: {  	s21 =	sshra.s32 s21, $0x2;
	[sflag:s22] =	ssyncadd.s32 @!p0 $0xFFFFFFB0  }
0x115: {  	v2 =	vld [tilespmem:s21+$0xA0];
	_ =	sdelay $0x4  }
0x116: {  	v3 =	vand.u32 $0x3FFF, v2  }
0x117: {  	v2 =	vshrl.u32 v2, $0xE;
	[tilespmem:$0xA050] =	vst v3  }
0x118: {  	[tilespmem:$0xA0A0] =	vst v2  }
0x119: {  	v2 =	vld [tilespmem:s21+$0xB0];
	_ =	sdelay $0x4  }
0x11a: {  	v3 =	vand.u32 $0x3FFF, v2  }
0x11b: {  	v2 =	vshrl.u32 v2, $0xE;
	[tilespmem:$0xA060] =	vst v3  }
0x11c: {  	[tilespmem:$0xA0B0] =	vst v2  }
0x11d: {  	v2 =	vld [tilespmem:s21+$0xC0];
	_ =	sdelay $0x4  }
0x11e: {  	v3 =	vand.u32 $0x3FFF, v2  }
0x11f: {  	v2 =	vshrl.u32 v2, $0xE;
	[tilespmem:$0xA070] =	vst v3  }
0x120: {  	[tilespmem:$0xA0C0] =	vst v2  }
0x121: {  	v2 =	vld [tilespmem:s21+$0xD0];
	_ =	sdelay $0x4  }
0x122: {  	v3 =	vand.u32 $0x3FFF, v2  }
0x123: {  	v2 =	vshrl.u32 v2, $0xE;
	[tilespmem:$0xA080] =	vst v3  }
0x124: {  	[tilespmem:$0xA0D0] =	vst v2  }
0x125: {  	v2 =	vld [tilespmem:s21+$0xE0];
	_ =	sdelay $0x4  }
0x126: {  	v3 =	vand.u32 $0x3FFF, v2  }
0x127: {  	v2 =	vshrl.u32 v2, $0xE;
	[tilespmem:$0xA090] =	vst v3  }
0x128: {  	[tilespmem:$0xA0E0] =	vst v2  }
0x129: {  	[tilespmem:s10], [sflag:$0x3] =	stream.indirect.gather [hbm4b:s1+s30], $0x80, s9, s30, $0xb8;
	[tilespmem:$0x1E410] =	vst v63  }
0x12a: {  	_ =	swait.ge [sflag:s11], $0x2800  }
0x12b: {  	[sflag:s11] =	ssyncset.done $0x0  }
0x12c: {  	[sflag:s11] =	ssyncadd.s32 $0xFFFFD800  }
0x12d: {  	[spmem:s3] =	stream.indirect.scatter.add.f32 [tilespmem:s0], [sflag:$0x5], $0x80, s12, s30, $0xb8;
	[tilespmem:$0x1E410] =	vst v63  }
0x12e: {  	_ = 	snop  }
0x12f: {  	[spmem:s4] =	stream.indirect.scatter.add.f32 [tilespmem:s8], [sflag:$0x7], $0x1, s12, s30, $0xb8;
	[tilespmem:$0x1E410] =	vst v63  }
0x130: {  	_ =	swait.ge [sflag:s13], $0x2800  }
0x131: {  	[sflag:s13] =	ssyncset.done $0x0  }
0x132: {  	[sflag:s13] =	ssyncadd.s32 $0xFFFFD800  }
0x133: {  	_ =	swait.ge [sflag:s15], $0x50  }
0x134: {  	[sflag:s15] =	ssyncset.done $0x0  }
0x135: {  	[sflag:s15] =	ssyncadd.s32 $0xFFFFFFB0  }
0x136: {  	v2 =	vld [tilespmem:s21+$0xF0];
	_ =	sdelay $0x4  }
0x137: {  	v3 =	vand.u32 $0x3FFF, v2  }
0x138: {  	v2 =	vshrl.u32 v2, $0xE;
	[tilespmem:$0x9F10] =	vst v3  }
0x139: {  	[tilespmem:$0x9F60] =	vst v2  }
0x13a: {  	v2 =	vld [tilespmem:s21+$0x100];
	_ =	sdelay $0x4  }
0x13b: {  	v3 =	vand.u32 $0x3FFF, v2  }
0x13c: {  	v2 =	vshrl.u32 v2, $0xE;
	[tilespmem:$0x9F20] =	vst v3  }
0x13d: {  	[tilespmem:$0x9F70] =	vst v2  }
0x13e: {  	v2 =	vld [tilespmem:s21+$0x110];
	_ =	sdelay $0x4  }
0x13f: {  	v3 =	vand.u32 $0x3FFF, v2  }
0x140: {  	v2 =	vshrl.u32 v2, $0xE;
	[tilespmem:$0x9F30] =	vst v3  }
0x141: {  	[tilespmem:$0x9F80] =	vst v2  }
0x142: {  	v2 =	vld [tilespmem:s21+$0x120];
	_ =	sdelay $0x4  }
0x143: {  	v3 =	vand.u32 $0x3FFF, v2  }
0x144: {  	v2 =	vshrl.u32 v2, $0xE;
	[tilespmem:$0x9F40] =	vst v3  }
0x145: {  	[tilespmem:$0x9F90] =	vst v2  }
0x146: {  	v2 =	vld [tilespmem:s21+$0x130];
	_ =	sdelay $0x4  }
0x147: {  	v3 =	vand.u32 $0x3FFF, v2  }
0x148: {  	v2 =	vshrl.u32 v2, $0xE;
	[tilespmem:$0x9F50] =	vst v3  }
0x149: {  	[tilespmem:$0x9FA0] =	vst v2  }
0x14a: {  	[tilespmem:s26], [sflag:$0x1] =	stream.indirect.gather [hbm4b:s1+s30], $0x80, s31, s30, $0xb8;
	[tilespmem:$0x1E410] =	vst v63  }
0x14b: {  	_ =	swait.ge [sflag:s16], $0x2800  }
0x14c: {  	[sflag:s16] =	ssyncset.done $0x0  }
0x14d: {  	[sflag:s16] =	ssyncadd.s32 $0xFFFFD800  }
0x14e: {  	[spmem:s3] =	stream.indirect.scatter.add.f32 [tilespmem:s10], [sflag:$0x6], $0x80, s17, s30, $0xb8;
	[tilespmem:$0x1E410] =	vst v63  }
0x14f: {  	_ = 	snop  }
0x150: {  	[spmem:s4] =	stream.indirect.scatter.add.f32 [tilespmem:s8], [sflag:$0x7], $0x1, s17, s30, $0xb8;
	[tilespmem:$0x1E410] =	vst v63  }
0x151: {  	_ =	swait.ge [sflag:s18], $0x2800  }
0x152: {  	[sflag:s18] =	ssyncset.done $0x0  }
0x153: {  	[sflag:s18] =	ssyncadd.s32 $0xFFFFD800  }
0x154: {  	_ =	swait.ge [sflag:s15], $0x50  }
0x155: {  	[sflag:s15] =	ssyncset.done $0x0  }
0x156: {  	[sflag:s15] =	ssyncadd.s32 $0xFFFFFFB0  }
0x157: {  	v2 =	vld [tilespmem:s21+$0x140];
	_ =	sdelay $0x4  }
0x158: {  	v3 =	vand.u32 $0x3FFF, v2  }
0x159: {  	v2 =	vshrl.u32 v2, $0xE;
	[tilespmem:$0x9FB0] =	vst v3  }
0x15a: {  	[tilespmem:$0xA000] =	vst v2  }
0x15b: {  	v2 =	vld [tilespmem:s21+$0x150];
	_ =	sdelay $0x4  }
0x15c: {  	v3 =	vand.u32 $0x3FFF, v2  }
0x15d: {  	v2 =	vshrl.u32 v2, $0xE;
	[tilespmem:$0x9FC0] =	vst v3  }
0x15e: {  	[tilespmem:$0xA010] =	vst v2  }
0x15f: {  	v2 =	vld [tilespmem:s21+$0x160];
	_ =	sdelay $0x4  }
0x160: {  	v3 =	vand.u32 $0x3FFF, v2  }
0x161: {  	v2 =	vshrl.u32 v2, $0xE;
	[tilespmem:$0x9FD0] =	vst v3  }
0x162: {  	[tilespmem:$0xA020] =	vst v2  }
0x163: {  	v2 =	vld [tilespmem:s21+$0x170];
	_ =	sdelay $0x4  }
0x164: {  	v3 =	vand.u32 $0x3FFF, v2  }
0x165: {  	v2 =	vshrl.u32 v2, $0xE;
	[tilespmem:$0x9FE0] =	vst v3  }
0x166: {  	[tilespmem:$0xA030] =	vst v2  }
0x167: {  	v2 =	vld [tilespmem:s21+$0x180];
	_ =	sdelay $0x4  }
0x168: {  	v3 =	vand.u32 $0x3FFF, v2  }
0x169: {  	v2 =	vshrl.u32 v2, $0xE;
	[tilespmem:$0x9FF0] =	vst v3  }
0x16a: {  	[tilespmem:$0xA040] =	vst v2  }
0x16b: {  	[tilespmem:s0], [sflag:$0x2] =	stream.indirect.gather [hbm4b:s1+s30], $0x80, s2, s30, $0xb8;
	[tilespmem:$0x1E410] =	vst v63  }
0x16c: {  	_ =	swait.ge [sflag:s5], $0x2800  }
0x16d: {  	[sflag:s5] =	ssyncset.done $0x0  }
0x16e: {  	[sflag:s5] =	ssyncadd.s32 $0xFFFFD800  }
0x16f: {  	[spmem:s3] =	stream.indirect.scatter.add.f32 [tilespmem:s26], [sflag:$0x4], $0x80, s7, s30, $0xb8;
	[tilespmem:$0x1E410] =	vst v63  }
0x170: {  	_ = 	snop  }
0x171: {  	[spmem:s4] =	stream.indirect.scatter.add.f32 [tilespmem:s8], [sflag:$0x7], $0x1, s7, s30, $0xb8;
	[tilespmem:$0x1E410] =	vst v63  }
0x172: {  	_ =	swait.ge [sflag:s19], $0x2800  }
0x173: {  	[sflag:s19] =	ssyncset.done $0x0  }
0x174: {  	[sflag:s19] =	ssyncadd.s32 $0xFFFFD800  }
0x175: {  	_ =	swait.ge [sflag:s15], $0x50  }
0x176: {  	[sflag:s15] =	ssyncset.done $0x0  }
0x177: {  	[sflag:s15] =	ssyncadd.s32 $0xFFFFFFB0  }
0x178: {  	v2 =	vld [tilespmem:$0x0];
	_ =	sdelay $0x1  }
0x179: {  	v3 =	vld [tilespmem:$0x10];
	_ =	sdelay $0x1  }
0x17a: {  	v4 =	vld [tilespmem:$0x20]  }
0x17b: {  	v5 =	vand.u32 $0x3FFF, v2  }
0x17c: {  	v60 =	vld [tilespmem:$0x30];
	v2 =	vshrl.u32 v2, $0xE;
	[tilespmem:$0xA050] =	vst v5  }
0x17d: {  	[tilespmem:$0xA0A0] =	vst v2;
	v2 =	vand.u32 $0x3FFF, v3  }
0x17e: {  	[tilespmem:$0xA060] =	vst v2;
	v2 =	vshrl.u32 v3, $0xE;
	v3 =	vld [tilespmem:$0x40]  }
0x17f: {  	[tilespmem:$0xA0B0] =	vst v2;
	v2 =	vand.u32 $0x3FFF, v4  }
0x180: {  	[tilespmem:$0xA070] =	vst v2;
	v2 =	vshrl.u32 v4, $0xE  }
0x181: {  	[tilespmem:$0xA0C0] =	vst v2;
	v2 =	vand.u32 $0x3FFF, v60  }
0x182: {  	[tilespmem:$0xA080] =	vst v2;
	v2 =	vshrl.u32 v60, $0xE  }
0x183: {  	[tilespmem:$0xA0D0] =	vst v2;
	v2 =	vand.u32 $0x3FFF, v3  }
0x184: {  	[tilespmem:$0xA090] =	vst v2;
	v2 =	vshrl.u32 v3, $0xE  }
0x185: {  	[tilespmem:$0xA0E0] =	vst v2  }
0x186: {  	[tilespmem:s10], [sflag:$0x3] =	stream.indirect.gather [hbm4b:s1+s30], $0x80, s9, s30, $0xb8;
	[tilespmem:$0x1E410] =	vst v63  }
0x187: {  	_ =	swait.ge [sflag:s11], $0x2800  }
0x188: {  	[sflag:s11] =	ssyncset.done $0x0  }
0x189: {  	[sflag:s11] =	ssyncadd.s32 $0xFFFFD800  }
0x18a: {  	[spmem:s3] =	stream.indirect.scatter.add.f32 [tilespmem:s0], [sflag:$0x5], $0x80, s12, s30, $0xb8;
	[tilespmem:$0x1E410] =	vst v63  }
0x18b: {  	_ = 	snop  }
0x18c: {  	[spmem:s4] =	stream.indirect.scatter.add.f32 [tilespmem:s8], [sflag:$0x7], $0x1, s12, s30, $0xb8;
	[tilespmem:$0x1E410] =	vst v63  }
0x18d: {  	_ =	swait.ge [sflag:s13], $0x2800  }
0x18e: {  	[sflag:s13] =	ssyncset.done $0x0  }
0x18f: {  	[sflag:s13] =	ssyncadd.s32 $0xFFFFD800  }
0x190: {  	_ =	swait.ge [sflag:s15], $0x50  }
0x191: {  	[sflag:s15] =	ssyncset.done $0x0  }
0x192: {  	[sflag:s15] =	ssyncadd.s32 $0xFFFFFFB0  }
0x193: {  	v2 =	vld [tilespmem:$0x50];
	_ =	sdelay $0x1  }
0x194: {  	v3 =	vld [tilespmem:$0x60];
	_ =	sdelay $0x1  }
0x195: {  	v61 =	vld [tilespmem:$0x70]  }
0x196: {  	v62 =	vand.u32 $0x3FFF, v2  }
0x197: {  	v63 =	vld [tilespmem:$0x80];
	v2 =	vshrl.u32 v2, $0xE;
	[tilespmem:$0x9F10] =	vst v62  }
0x198: {  	[tilespmem:$0x9F60] =	vst v2;
	v2 =	vand.u32 $0x3FFF, v3  }
0x199: {  	[tilespmem:$0x9F20] =	vst v2;
	v2 =	vshrl.u32 v3, $0xE;
	v3 =	vld [tilespmem:$0x90]  }
0x19a: {  	[tilespmem:$0x9F70] =	vst v2;
	v2 =	vand.u32 $0x3FFF, v61  }
0x19b: {  	[tilespmem:$0x9F30] =	vst v2;
	v2 =	vshrl.u32 v61, $0xE  }
0x19c: {  	[tilespmem:$0x9F80] =	vst v2;
	v2 =	vand.u32 $0x3FFF, v63  }
0x19d: {  	[tilespmem:$0x9F40] =	vst v2;
	v2 =	vshrl.u32 v63, $0xE  }
0x19e: {  	[tilespmem:$0x9F90] =	vst v2;
	v2 =	vand.u32 $0x3FFF, v3  }
0x19f: {  	[tilespmem:$0x9F50] =	vst v2;
	v2 =	vshrl.u32 v3, $0xE  }
0x1a0: {  	[tilespmem:$0x9FA0] =	vst v2  }
0x1a1: {  	[tilespmem:s26], [sflag:$0x1] =	stream.indirect.gather [hbm4b:s1+s30], $0x80, s31, s30, $0xb8;
	[tilespmem:$0x1E410] =	vst v63  }
0x1a2: {  	_ =	swait.ge [sflag:s18], $0x2800  }
0x1a3: {  	[sflag:s18] =	ssyncset.done $0x0  }
0x1a4: {  	[sflag:s18] =	ssyncadd.s32 $0xFFFFD800  }
0x1a5: {  	_ =	swait.ge [sflag:s15], $0x50  }
0x1a6: {  	[sflag:s15] =	ssyncset.done $0x0  }
0x1a7: {  	[sflag:s15] =	ssyncadd.s32 $0xFFFFFFB0  }
0x1a8: {  	_ =	swait.ge [sflag:s16], $0x2800  }
0x1a9: {  	[sflag:s16] =	ssyncset.done $0x0  }
0x1aa: {  	[sflag:s16] =	ssyncadd.s32 $0xFFFFD800  }
0x1ab: {  	_ =	swait.ge [sflag:s5], $0x2800  }
0x1ac: {  	[sflag:s5] =	ssyncset.done $0x0  }
0x1ad: {  	s24 =	stileid.u32;
	[sflag:s5] =	ssyncadd.s32 $0xFFFFD800  }
0x1ae: {  	s21 =	sshll.u32 s24, $0x6;
	[bflag:$0x0] =	sbarrier.arrive $0xFFFF  }
0x1af: {  	s25 =	sshrl.u32 s6, $0x3;
	s21 =	sor.u32 $0x1C08, s21;
	s23 =	rddreg [dreg:$0x14]  }
0x1b0: {  	[hbm:s23], [sflag:s21] =	dma.local [spmem:s25], $0x2800  }
0x1b1: {  	_ =	swait.ge [sflag:s28], $0x2800  }
0x1b2: {  	[sflag:s28] =	ssyncset.done $0x0  }
0x1b3: {  	s23 =	sshrl.u32 s14, $0x3;
	s24 =	rddreg [dreg:$0x15];
	[sflag:s28] =	ssyncadd.s32 $0xFFFFD800  }
0x1b4: {  	[hbm:s24], [sflag:s21] =	dma.local [spmem:s23], $0x50  }
0x1b5: {  	_ =	swait.ge [sflag:s28], $0x50  }
0x1b6: {  	s20 =	sadd.s32 $0x1, s20;
	s25 =	rddreg [dreg:$0x16]  }
0x1b7: {  	p0 =	sne.s32 s20, s25  }
.Ltmp2:
0x1b8: {  	_ = 	snop;
	(pc) =	sbr.rel @p0 .LBB2_1-.Ltmp2, $3  }
0x1b9: {  	_ =	sdelay $0x1  }
0x1ba: {  	[sflag:s28] =	ssyncset.done $0x0  }
0x1bb: {  	[sflag:s28] =	ssyncadd.s32 $0xFFFFFFB0  }
0x1bc: {  	_ =	sfence.sel $0x180000  }
0x1bd: {  	[bflag:$0x0] =	sbarrier.arrive $0xFFFF  }
0x1be: {  	_ =	strace $0x90000047  }
0x1bf: {  	s0 =	stileid.u32;
	[bflag:$0x2] =	sbarrier.arrive $0xFFFF  }
0x1c0: {  	p0 =	sne.s32 s0, $0x0;
	s0 =	rddreg [dreg:$0x4]  }
0x1c1: {  	s0 =	sadd.s32 @!p0 $0x100000, s0  }
0x1c2: {  	[sflag:s0] =	ssyncadd.tile.s32 @!p0 $0x1;
	_ =	shalt  }
.Lfunc_end2:
_tile_overlayer_lowered:
.L_overlay_start_2:
0x1c3: {  	(tag) =	ssettag $0x2  }
0x1c4: {  	s0 =	rddreg [dreg:$0x0];
	s2 =	stileid.u32  }
0x1c5: {  	s1 =	rddreg [dreg:$0x1];
	p0 =	sne.s32 s2, $0x0  }
0x1c6: {  	s3 =	rddreg [dreg:$0x2];
	[bflag:$0x3] =	sbarrier.arrive $0xFFFF;
	s2 =	simm.s32 @!p0 $0x1C08  }
0x1c7: {  	[timem:s3], [sflag:s2] =	dma.local @!p0 [hbm:s0], s1  }
0x1c8: {  	s0 =	simm.s32 @!p0 $0x8  }
0x1c9: {  	_ =	swait.ge @!p0 [sflag:s0], s1  }
0x1ca: {  	s1 =	ssub.s32 @!p0 $0x0, s1;
	[sflag:s0] =	ssyncset.done @!p0 $0x0  }
0x1cb: {  	[sflag:s0] =	ssyncadd.s32 @!p0 s1  }
0x1cc: {  	[bflag:$0x3] =	sbarrier.arrive $0xFFFF  }
0x1cd: {  	_ =	shalt  }

</sc_bundles>
